<compile_context>
chip_gen: v7x
topology: tpu7x:2x2x1
jax: 0.10.2.dev20260603
libtpu: 0.0.44.dev20260713+nightly
codegen_flags: <defaults>
</compile_context>

<pallas_src>
import functools

import jax
import jax.numpy as jnp
from jax import lax
from jax.experimental import pallas as pl
from jax.experimental.pallas import tpu as pltpu
from jax.experimental.pallas import tpu_sc as plsc

N = 10000
E = 160000
D = 128
G = 4 * D

PER_W = E // 32
CHUNK = 128
NFULL = PER_W // CHUNK
TAIL = PER_W - NFULL * CHUNK
ACC_ROWS = 10240
EXP_H = 320


def _gather_call(table, src, dst, e0, ecnt):
    info = plsc.get_sparse_core_info()
    nc, ns = info.num_cores, info.num_subcores
    per_w = ecnt // 32
    nfull = per_w // CHUNK
    tail = per_w - nfull * CHUNK
    assert per_w % 8 == 0 and nfull % 2 == 1 and tail % 8 == 0 and 0 < tail
    mesh = plsc.VectorSubcoreMesh(core_axis_name="c", subcore_axis_name="s")

    @functools.partial(
        pl.kernel,
        mesh=mesh,
        out_type=(
            jax.ShapeDtypeStruct((ecnt, D), jnp.float32),
            jax.ShapeDtypeStruct((ecnt, D), jnp.float32),
        ),
        scratch_types=[
            pltpu.VMEM((per_w,), jnp.int32),
            pltpu.VMEM((per_w,), jnp.int32),
            pltpu.VMEM((2, CHUNK, D), jnp.float32),
            pltpu.VMEM((2, CHUNK, D), jnp.float32),
            pltpu.SemaphoreType.DMA,
            pltpu.SemaphoreType.DMA,
            pltpu.SemaphoreType.DMA,
            pltpu.SemaphoreType.DMA,
        ],
    )
    def gather_k(table, src_h, dst_h, out_s, out_d, idx_s, idx_d, buf_s,
                 buf_d, ss0, ss1, sd0, sd1):
        wid = lax.axis_index("s") * nc + lax.axis_index("c")
        base = wid * per_w
        pltpu.sync_copy(src_h.at[pl.ds(e0 + base, per_w)], idx_s)
        pltpu.sync_copy(dst_h.at[pl.ds(e0 + base, per_w)], idx_d)
        sems = ((ss0, sd0), (ss1, sd1))

        def descs(c, p, n):
            isl = pl.ds(c * CHUNK, n)
            bsl = pl.ds(0, n)
            ss, sd = sems[p]
            return ((table.at[idx_s.at[isl]], buf_s.at[p, bsl], ss),
                    (table.at[idx_d.at[isl]], buf_d.at[p, bsl], sd))

        def fire(c, p, n):
            for sref, dref, sem in descs(c, p, n):
                pltpu.async_copy(sref, dref, sem)

        def wait(c, p, n):
            for sref, dref, sem in descs(c, p, n):
                pltpu.make_async_copy(sref, dref, sem).wait()

        def store(c, p, n):
            off = base + c * CHUNK
            bsl = pl.ds(0, n)
            pltpu.sync_copy(buf_s.at[p, bsl], out_s.at[pl.ds(off, n)])
            pltpu.sync_copy(buf_d.at[p, bsl], out_d.at[pl.ds(off, n)])

        fire(0, 0, CHUNK)

        def body(gg, _):
            c0 = 2 * gg
            fire(c0 + 1, 1, CHUNK)
            wait(c0, 0, CHUNK)
            store(c0, 0, CHUNK)
            fire(c0 + 2, 0, CHUNK)
            wait(c0 + 1, 1, CHUNK)
            store(c0 + 1, 1, CHUNK)
            return _

        lax.fori_loop(0, (nfull - 1) // 2, body, None)
        fire(nfull, 1, tail)
        wait(nfull - 1, 0, CHUNK)
        store(nfull - 1, 0, CHUNK)
        wait(nfull, 1, tail)
        store(nfull, 1, tail)

    return gather_k(table, src, dst)


def _scatter_call(e_feat, dst_pad, zrows):
    info = plsc.get_sparse_core_info()
    nc, ns = info.num_cores, info.num_subcores
    rows_per_tile = ACC_ROWS // ns
    mesh = plsc.VectorSubcoreMesh(core_axis_name="c", subcore_axis_name="s")

    @functools.partial(
        pl.kernel,
        mesh=mesh,
        out_type=jax.ShapeDtypeStruct((2, ACC_ROWS, D), jnp.float32),
        scratch_types=[
            pltpu.VMEM_SHARED((ACC_ROWS, D), jnp.float32),
            pltpu.VMEM((8, CHUNK), jnp.int32),
            pltpu.VMEM((2, CHUNK, D), jnp.float32),
            pltpu.SemaphoreType.DMA,
            pltpu.SemaphoreType.DMA,
        ],
    )
    def scatter_k(ef, idx3, zsrc, out, acc, idx2, buf, se0, se1):
        sid = lax.axis_index("s")
        cid = lax.axis_index("c")
        wid = sid * nc + cid
        base = wid * PER_W
        tile0 = sid * rows_per_tile
        sems = (se0, se1)
        pltpu.sync_copy(zsrc, buf.at[0])

        def zloop(k, _):
            pltpu.sync_copy(buf.at[0],
                            acc.at[pl.ds(tile0 + k * CHUNK, CHUNK)])
            return _

        lax.fori_loop(0, rows_per_tile // CHUNK, zloop, None)
        plsc.subcore_barrier()

        def desc(c, p, n):
            return (ef.at[pl.ds(base + c * CHUNK, n)],
                    buf.at[p, pl.ds(0, n)], sems[p])

        def fire(c, p, n):
            sref, dref, sem = desc(c, p, n)
            pltpu.async_copy(sref, dref, sem)

        def wait(c, p, n):
            sref, dref, sem = desc(c, p, n)
            pltpu.make_async_copy(sref, dref, sem).wait()

        def scat(c, p):
            pltpu.sync_copy(buf.at[p], acc.at[idx2.at[lax.rem(c, 8)]],
                            add=True)

        fire(0, 0, CHUNK)

        def body(gg, _):
            c0 = 2 * gg
            fire(c0 + 1, 1, CHUNK)

            @pl.when(lax.rem(c0, 8) == 0)
            def _stage():
                pltpu.sync_copy(idx3.at[wid, pl.ds((c0 // 8) * 8, 8)], idx2)

            wait(c0, 0, CHUNK)
            scat(c0, 0)
            fire(c0 + 2, 0, CHUNK)
            wait(c0 + 1, 1, CHUNK)
            scat(c0 + 1, 1)
            return _

        lax.fori_loop(0, (NFULL - 1) // 2, body, None)
        fire(NFULL, 1, TAIL)
        wait(NFULL - 1, 0, CHUNK)
        scat(NFULL - 1, 0)
        wait(NFULL, 1, TAIL)
        scat(NFULL, 1)
        plsc.subcore_barrier()

        def xloop(k, _):
            pltpu.sync_copy(acc.at[pl.ds(tile0 + k * CHUNK, CHUNK)],
                            buf.at[0])
            pltpu.sync_copy(buf.at[0],
                            out.at[cid, pl.ds(tile0 + k * CHUNK, CHUNK)])
            return _

        lax.fori_loop(0, rows_per_tile // CHUNK, xloop, None)

    return scatter_k(e_feat, dst_pad, zrows)


BE = 1280
E1 = 48640
E2 = 55040
E3 = 56320


def _make_edge_body(n_alias):
    def _edge_body(*refs):
        ef, sg, dg, eh, ec, gr, wx, ws, wd, wu, whh, bias = refs[:12]
        he_o, ce_o, eo_o, brow = refs[12 + n_alias:]
        bf = jnp.bfloat16

        @pl.when(pl.program_id(0) == 0)
        def _():
            brow[...] = jnp.dot(gr[...].astype(bf), wu[...],
                                preferred_element_type=jnp.float32) \
                + bias[...]

        gates = jnp.dot(ef[...].astype(bf), wx[...],
                        preferred_element_type=jnp.float32)
        gates += jnp.dot(sg[...].astype(bf), ws[...],
                         preferred_element_type=jnp.float32)
        gates += jnp.dot(dg[...].astype(bf), wd[...],
                         preferred_element_type=jnp.float32)
        gates += jnp.dot(eh[...].astype(bf), whh[...],
                         preferred_element_type=jnp.float32)
        gates += brow[...]
        i = jax.nn.sigmoid(gates[:, :D])
        f = jax.nn.sigmoid(gates[:, D:2 * D])
        g = jnp.tanh(gates[:, 2 * D:3 * D])
        o = jax.nn.sigmoid(gates[:, 3 * D:])
        c_new = f * ec[...] + i * g
        h_new = o * jnp.tanh(c_new)
        he_o[...] = h_new
        ce_o[...] = c_new
        eo_o[...] = jnp.maximum(h_new, 0.0)

    return _edge_body


def _edge_call(ef, sg, dg, eh2, ec2, g_repr, wx, ws, wd, wu, whh, bias,
               blk0, nblk, aliased=None):
    off = lambda i: (i + blk0, 0)
    loc = lambda i: (i, 0)
    zero = lambda i: (0, 0)
    in_specs = [
        pl.BlockSpec((BE, D), off),
        pl.BlockSpec((BE, D), loc),
        pl.BlockSpec((BE, D), loc),
        pl.BlockSpec((BE, D), off),
        pl.BlockSpec((BE, D), off),
        pl.BlockSpec((1, D), zero),
        pl.BlockSpec((D, G), zero),
        pl.BlockSpec((D, G), zero),
        pl.BlockSpec((D, G), zero),
        pl.BlockSpec((D, G), zero),
        pl.BlockSpec((D, G), zero),
        pl.BlockSpec((1, G), zero),
    ]
    args = [ef, sg, dg, eh2, ec2, g_repr, wx, ws, wd, wu, whh, bias]
    io_aliases = {}
    n_alias = 0
    if aliased is not None:
        for a in aliased:
            in_specs.append(pl.BlockSpec(memory_space=pltpu.MemorySpace.HBM))
            args.append(a)
        io_aliases = {12: 0, 13: 1, 14: 2}
        n_alias = 3
    return pl.pallas_call(
        _make_edge_body(n_alias),
        grid=(nblk,),
        in_specs=in_specs,
        out_specs=[pl.BlockSpec((BE, D), off)] * 3,
        out_shape=[jax.ShapeDtypeStruct((E, D), jnp.float32)] * 3,
        scratch_shapes=[pltpu.VMEM((1, G), jnp.float32)],
        input_output_aliases=io_aliases,
    )(*args)


BN = 1000


def _node_body(nf, p, nh, nc_, gr, wnx, wnm, wnu, wnhh, bn,
               gh, gc, wun, wue, wug, wuhh, bu,
               nf_o, hn_o, cn_o, uo_o, hu_o, cu_o, accn, acce):
    i_blk = pl.program_id(0)
    bf = jnp.bfloat16
    hm = p[0] + p[1]
    gates = jnp.dot(nf[...].astype(bf), wnx[...],
                    preferred_element_type=jnp.float32)
    gates += jnp.dot(hm.astype(bf), wnm[...],
                     preferred_element_type=jnp.float32)
    gates += jnp.dot(nh[...].astype(bf), wnhh[...],
                     preferred_element_type=jnp.float32)
    gates += jnp.dot(gr[...].astype(bf), wnu[...],
                     preferred_element_type=jnp.float32) + bn[...]
    ig = jax.nn.sigmoid(gates[:, :D])
    fg = jax.nn.sigmoid(gates[:, D:2 * D])
    gg = jnp.tanh(gates[:, 2 * D:3 * D])
    og = jax.nn.sigmoid(gates[:, 3 * D:])
    c_new = fg * nc_[...] + ig * gg
    h_new = og * jnp.tanh(c_new)
    n_out = jnp.maximum(h_new, 0.0)
    nf_o[...] = n_out
    hn_o[...] = h_new
    cn_o[...] = c_new

    ns = jnp.sum(n_out, axis=0, keepdims=True)
    es = jnp.sum(hm, axis=0, keepdims=True)

    @pl.when(i_blk == 0)
    def _():
        accn[...] = ns
        acce[...] = es

    @pl.when(i_blk > 0)
    def _():
        accn[...] += ns
        acce[...] += es

    @pl.when(i_blk == pl.num_programs(0) - 1)
    def _():
        ug = jnp.dot(accn[...], wun[...],
                     preferred_element_type=jnp.float32)
        ug += jnp.dot(acce[...], wue[...],
                      preferred_element_type=jnp.float32)
        ug += jnp.dot(gr[...], wug[...], preferred_element_type=jnp.float32)
        ug += jnp.dot(gh[...], wuhh[...],
                      preferred_element_type=jnp.float32)
        ug += bu[...]
        iu = jax.nn.sigmoid(ug[:, :D])
        fu = jax.nn.sigmoid(ug[:, D:2 * D])
        gu = jnp.tanh(ug[:, 2 * D:3 * D])
        ou = jax.nn.sigmoid(ug[:, 3 * D:])
        cu = fu * gc[...] + iu * gu
        hu = ou * jnp.tanh(cu)
        cu_o[...] = cu
        hu_o[...] = hu
        uo_o[...] = jnp.maximum(hu, 0.0)


def _node_call(nf, partials, nh2, nc2, g_repr, wnx, wnm, wnu, wnhh, bn,
               gh2, gc2, wun, wue, wug, wuhh, bu):
    row = lambda i: (i, 0)
    zero = lambda i: (0, 0)
    zrow = lambda i: (0, 0)
    return pl.pallas_call(
        _node_body,
        grid=(N // BN,),
        in_specs=[
            pl.BlockSpec((BN, D), row),
            pl.BlockSpec((2, BN, D), lambda i: (0, i, 0)),
            pl.BlockSpec((BN, D), row),
            pl.BlockSpec((BN, D), row),
            pl.BlockSpec((1, D), zero),
            pl.BlockSpec((D, G), zero),
            pl.BlockSpec((D, G), zero),
            pl.BlockSpec((D, G), zero),
            pl.BlockSpec((D, G), zero),
            pl.BlockSpec((1, G), zero),
            pl.BlockSpec((1, D), zero),
            pl.BlockSpec((1, D), zero),
            pl.BlockSpec((D, G), zero),
            pl.BlockSpec((D, G), zero),
            pl.BlockSpec((D, G), zero),
            pl.BlockSpec((D, G), zero),
            pl.BlockSpec((1, G), zero),
        ],
        out_specs=[
            pl.BlockSpec((BN, D), row),
            pl.BlockSpec((BN, D), row),
            pl.BlockSpec((BN, D), row),
            pl.BlockSpec((1, D), zrow),
            pl.BlockSpec((1, D), zrow),
            pl.BlockSpec((1, D), zrow),
        ],
        out_shape=[
            jax.ShapeDtypeStruct((N, D), jnp.float32),
            jax.ShapeDtypeStruct((N, D), jnp.float32),
            jax.ShapeDtypeStruct((N, D), jnp.float32),
            jax.ShapeDtypeStruct((1, D), jnp.float32),
            jax.ShapeDtypeStruct((1, D), jnp.float32),
            jax.ShapeDtypeStruct((1, D), jnp.float32),
        ],
        scratch_shapes=[
            pltpu.VMEM((1, D), jnp.float32),
            pltpu.VMEM((1, D), jnp.float32),
        ],
    )(nf, partials, nh2, nc2, g_repr, wnx, wnm, wnu, wnhh, bn,
      gh2, gc2, wun, wue, wug, wuhh, bu)


def kernel(edge_index, edge_feat, node_feat, g_repr, edge_h, edge_c,
           node_h, node_c, graph_h, graph_c, W_ih_e, W_hh_e, b_ih_e, b_hh_e,
           W_ih_n, W_hh_n, b_ih_n, b_hh_n, W_ih_u, W_hh_u, b_ih_u, b_hh_u):
    src = edge_index[0].astype(jnp.int32)
    dst = edge_index[1].astype(jnp.int32)

    wte = W_ih_e.T.astype(jnp.bfloat16)
    we_x, we_s, we_d, we_u = (wte[:D], wte[D:2 * D], wte[2 * D:3 * D],
                              wte[3 * D:])
    whh_e = W_hh_e.T.astype(jnp.bfloat16)
    bias_e = (b_ih_e + b_hh_e).reshape(1, G).astype(jnp.float32)
    wtn = W_ih_n.T.astype(jnp.bfloat16)
    wn_x, wn_m, wn_u = wtn[:D], wtn[D:2 * D], wtn[2 * D:]
    whh_n = W_hh_n.T.astype(jnp.bfloat16)
    bias_n = (b_ih_n + b_hh_n).reshape(1, G).astype(jnp.float32)
    wtu = W_ih_u.T.astype(jnp.float32)
    wu_n, wu_e, wu_g = wtu[:D], wtu[D:2 * D], wtu[2 * D:]
    whh_u = W_hh_u.T.astype(jnp.float32)
    bias_u = (b_ih_u + b_hh_u).reshape(1, G).astype(jnp.float32)

    sg_a, dg_a = _gather_call(node_feat, src, dst, 0, E1)
    sg_b, dg_b = _gather_call(node_feat, src, dst, E1, E2)
    sg_c, dg_c = _gather_call(node_feat, src, dst, E1 + E2, E3)

    he, ce, e_feat = _edge_call(edge_feat, sg_a, dg_a, edge_h[0],
                                edge_c[0], g_repr, we_x, we_s, we_d, we_u,
                                whh_e, bias_e, 0, E1 // BE)
    he, ce, e_feat = _edge_call(edge_feat, sg_b, dg_b, edge_h[0],
                                edge_c[0], g_repr, we_x, we_s, we_d, we_u,
                                whh_e, bias_e, E1 // BE, E2 // BE,
                                aliased=(he, ce, e_feat))
    he, ce, e_feat = _edge_call(edge_feat, sg_c, dg_c, edge_h[0],
                                edge_c[0], g_repr, we_x, we_s, we_d, we_u,
                                whh_e, bias_e, (E1 + E2) // BE, E3 // BE,
                                aliased=(he, ce, e_feat))

    dst_r = dst.reshape(32, PER_W)
    pad = jnp.full((32, CHUNK - TAIL), N, jnp.int32)
    dst_pad = jnp.concatenate([dst_r, pad], axis=1).reshape(32, NFULL + 1,
                                                            CHUNK)
    zrows = jnp.zeros((CHUNK, D), jnp.float32)
    partials = _scatter_call(e_feat, dst_pad, zrows)

    nf, hn, cn, u_out, hu, cu = _node_call(
        node_feat, partials, node_h[0], node_c[0], g_repr, wn_x, wn_m, wn_u,
        whh_n, bias_n, graph_h[0], graph_c[0], wu_n, wu_e, wu_g, whh_u,
        bias_u)

    return (e_feat, he[None], ce[None], nf, hn[None], cn[None],
            u_out, hu[None], cu[None])

# --- scband reference (transcript-rebuilt; emitter-appended) ---
"""Pipeline reference for scband-graph-lstm-61607010894254 (READ-ONLY COPY).

The authoritative reference and input builder live on the scoring server;
editing this copy changes nothing except your own understanding.
"""

import jax, jax.numpy as jnp
import numpy as np

N = 10000
E = 160000
D = 128
DIN_E = 4 * D
DIN_N = 3 * D
DIN_U = 3 * D

def _lstm_params(key, din, H):
    k1, k2, k3, k4 = jax.random.split(key, 4)
    W_ih = jax.random.normal(k1, (4 * H, din), dtype=jnp.float32) * 0.05
    W_hh = jax.random.normal(k2, (4 * H, H), dtype=jnp.float32) * 0.05
    b_ih = jax.random.normal(k3, (4 * H,), dtype=jnp.float32) * 0.05
    b_hh = jax.random.normal(k4, (4 * H,), dtype=jnp.float32) * 0.05
    return W_ih, W_hh, b_ih, b_hh

def setup_inputs(seed: int = 0):
    key = jax.random.key(seed)
    ks = jax.random.split(key, 16)
    inp = {}
    inp["edge_index"] = jax.random.randint(ks[0], (2, E), 0, N)
    inp["edge_feat"] = jax.random.normal(ks[1], (E, D), dtype=jnp.float32)
    inp["node_feat"] = jax.random.normal(ks[2], (N, D), dtype=jnp.float32)
    inp["g_repr"] = jax.random.normal(ks[3], (1, D), dtype=jnp.float32)
    inp["edge_h"] = jax.random.normal(ks[4], (1, E, D), dtype=jnp.float32)
    inp["edge_c"] = jax.random.normal(ks[5], (1, E, D), dtype=jnp.float32)
    inp["node_h"] = jax.random.normal(ks[6], (1, N, D), dtype=jnp.float32)
    inp["node_c"] = jax.random.normal(ks[7], (1, N, D), dtype=jnp.float32)
    inp["graph_h"] = jax.random.normal(ks[8], (1, 1, D), dtype=jnp.float32)
    inp["graph_c"] = jax.random.normal(ks[9], (1, 1, D), dtype=jnp.float32)
    inp["W_ih_e"], inp["W_hh_e"], inp["b_ih_e"], inp["b_hh_e"] = _lstm_params(ks[10], DIN_E, D)
    inp["W_ih_n"], inp["W_hh_n"], inp["b_ih_n"], inp["b_hh_n"] = _lstm_params(ks[11], DIN_N, D)
    inp["W_ih_u"], inp["W_hh_u"], inp["b_ih_u"], inp["b_hh_u"] = _lstm_params(ks[12], DIN_U, D)
    return inp

def _lstm_cell(x, h, c, W_ih, W_hh, b_ih, b_hh):
    gates = x @ W_ih.T + b_ih + h @ W_hh.T + b_hh
    i, f, g, o = jnp.split(gates, 4, axis=-1)
    i = jax.nn.sigmoid(i)
    f = jax.nn.sigmoid(f)
    g = jnp.tanh(g)
    o = jax.nn.sigmoid(o)
    c_new = f * c + i * g
    h_new = o * jnp.tanh(c_new)
    return h_new, c_new

def reference(edge_index, edge_feat, node_feat, g_repr, edge_h, edge_c, node_h, node_c, graph_h, graph_c, W_ih_e, W_hh_e, b_ih_e, b_hh_e, W_ih_n, W_hh_n, b_ih_n, b_hh_n, W_ih_u, W_hh_u, b_ih_u, b_hh_u):
    src, dst = edge_index[0], edge_index[1]
    Ne, Nn = edge_feat.shape[0], node_feat.shape[0]
    # edge update: cat([edge_feat, src_node, dst_node, u]) -> LSTM cell -> relu
    u_e = jnp.broadcast_to(g_repr[0], (Ne, g_repr.shape[1]))
    inp_e = jnp.concatenate([edge_feat, node_feat[src], node_feat[dst], u_e], axis=-1)
    he, ce = _lstm_cell(inp_e, edge_h[0], edge_c[0], W_ih_e, W_hh_e, b_ih_e, b_hh_e)
    e_feat = jax.nn.relu(he)
    # message passing: copy_edge + sum reduce at dst
    h_msg = jax.ops.segment_sum(e_feat, dst, num_segments=Nn)
    # node update: cat([node_feat, h, u]) -> LSTM cell -> relu
    u_n = jnp.broadcast_to(g_repr[0], (Nn, g_repr.shape[1]))
    inp_n = jnp.concatenate([node_feat, h_msg, u_n], axis=-1)
    hn, cn = _lstm_cell(inp_n, node_h[0], node_c[0], W_ih_n, W_hh_n, b_ih_n, b_hh_n)
    n_feat = jax.nn.relu(hn)
    # global update: cat([sum_nodes, sum_edges, g_repr]) -> LSTM cell -> relu
    e_comb = jnp.sum(e_feat, axis=0, keepdims=True)
    n_comb = jnp.sum(n_feat, axis=0, keepdims=True)
    inp_u = jnp.concatenate([n_comb, e_comb, g_repr], axis=-1)
    hu, cu = _lstm_cell(inp_u, graph_h[0], graph_c[0], W_ih_u, W_hh_u, b_ih_u, b_hh_u)
    u_out = jax.nn.relu(hu)
    return (e_feat, he[None], ce[None], n_feat, hn[None], cn[None], u_out, hu[None], cu[None])

if __name__ == "__main__":
    import jax
    _d = setup_inputs()
    print(jax.jit(kernel)(*tuple(_d.values())))

</pallas_src>

<mosaic_0001>
#map = affine_map<(d0, d1) -> (0, 0)>
#map1 = affine_map<(d0, d1) -> (0)>
module attributes {stable_mosaic.version = 14 : i64} {
  func.func @gather_k(%arg0: i32, %arg1: i32, %arg2: memref<10000x128xf32, #tpu.memory_space<hbm>>, %arg3: memref<160000xi32, #tpu.memory_space<hbm>>, %arg4: memref<160000xi32, #tpu.memory_space<hbm>>, %arg5: memref<48640x128xf32, #tpu.memory_space<hbm>>, %arg6: memref<48640x128xf32, #tpu.memory_space<hbm>>, %arg7: memref<1520xi32, #tpu.memory_space<vmem>>, %arg8: memref<1520xi32, #tpu.memory_space<vmem>>, %arg9: memref<2x128x128xf32, #tpu.memory_space<vmem>>, %arg10: memref<2x128x128xf32, #tpu.memory_space<vmem>>, %arg11: memref<!tpu.dma_semaphore, #tpu.memory_space<semaphore_mem>>, %arg12: memref<!tpu.dma_semaphore, #tpu.memory_space<semaphore_mem>>, %arg13: memref<!tpu.dma_semaphore, #tpu.memory_space<semaphore_mem>>, %arg14: memref<!tpu.dma_semaphore, #tpu.memory_space<semaphore_mem>>) attributes {dimension_semantics = [#tpu.dimension_semantics<core_parallel>, #tpu.dimension_semantics<subcore_parallel>], iteration_bounds = array<i64: 2, 16>, scalar_prefetch = 0 : i64, scratch_operands = 8 : i64, tpu.core_type = #tpu.core_type<sc_vector_subcore>, window_params = [{transform_indices = #map}, {transform_indices = #map1}, {transform_indices = #map1}, {transform_indices = #map}, {transform_indices = #map}]} {
    %mul3A = arith.constant 2 : i32
    %mul3A_0 = arith.muli %arg1, %mul3A : i32
    %add3A = arith.addi %mul3A_0, %arg0 : i32
    %mul3A_1 = arith.constant 1520 : i32
    %mul3A_2 = arith.muli %add3A, %mul3A_1 : i32
    %add3A_3 = arith.constant 0 : i32
    %add3A_4 = arith.addi %add3A_3, %mul3A_2 : i32
    "tpu.region"() ({
      %run_scoped3A_96 = tpu.sem_alloc : memref<!tpu.dma_semaphore, #tpu.memory_space<semaphore_mem>>
      %dma_start3A_97 = tpu.memref_slice %arg3[%add3A_4] : memref<160000xi32, #tpu.memory_space<hbm>> -> memref<1520xi32, #tpu.memory_space<hbm>>
      %dma_start3A_98 = tpu.memref_slice %arg3[%add3A_4] : memref<160000xi32, #tpu.memory_space<hbm>> -> memref<1520xi32, #tpu.memory_space<hbm>>
      tpu.enqueue_dma source(%dma_start3A_98 : memref<1520xi32, #tpu.memory_space<hbm>>) target(%arg7 : memref<1520xi32, #tpu.memory_space<vmem>>) target_semaphore(%run_scoped3A_96 : memref<!tpu.dma_semaphore, #tpu.memory_space<semaphore_mem>>)
      %dma_wait3A_99 = tpu.memref_slice %arg3[%add3A_4] : memref<160000xi32, #tpu.memory_space<hbm>> -> memref<1520xi32, #tpu.memory_space<hbm>>
      %dma_wait3A_100 = tpu.memref_slice %arg3[%add3A_4] : memref<160000xi32, #tpu.memory_space<hbm>> -> memref<1520xi32, #tpu.memory_space<hbm>>
      tpu.wait_dma2 semaphore(%run_scoped3A_96 : memref<!tpu.dma_semaphore, #tpu.memory_space<semaphore_mem>>) src(%dma_wait3A_100 : memref<1520xi32, #tpu.memory_space<hbm>>) dst(%arg7 : memref<1520xi32, #tpu.memory_space<vmem>>)
      tpu.yield
    }) : () -> ()
    %add3A_5 = arith.constant 0 : i32
    %add3A_6 = arith.addi %add3A_5, %mul3A_2 : i32
    "tpu.region"() ({
      %run_scoped3A_96 = tpu.sem_alloc : memref<!tpu.dma_semaphore, #tpu.memory_space<semaphore_mem>>
      %dma_start3A_97 = tpu.memref_slice %arg4[%add3A_6] : memref<160000xi32, #tpu.memory_space<hbm>> -> memref<1520xi32, #tpu.memory_space<hbm>>
      %dma_start3A_98 = tpu.memref_slice %arg4[%add3A_6] : memref<160000xi32, #tpu.memory_space<hbm>> -> memref<1520xi32, #tpu.memory_space<hbm>>
      tpu.enqueue_dma source(%dma_start3A_98 : memref<1520xi32, #tpu.memory_space<hbm>>) target(%arg8 : memref<1520xi32, #tpu.memory_space<vmem>>) target_semaphore(%run_scoped3A_96 : memref<!tpu.dma_semaphore, #tpu.memory_space<semaphore_mem>>)
      %dma_wait3A_99 = tpu.memref_slice %arg4[%add3A_6] : memref<160000xi32, #tpu.memory_space<hbm>> -> memref<1520xi32, #tpu.memory_space<hbm>>
      %dma_wait3A_100 = tpu.memref_slice %arg4[%add3A_6] : memref<160000xi32, #tpu.memory_space<hbm>> -> memref<1520xi32, #tpu.memory_space<hbm>>
      tpu.wait_dma2 semaphore(%run_scoped3A_96 : memref<!tpu.dma_semaphore, #tpu.memory_space<semaphore_mem>>) src(%dma_wait3A_100 : memref<1520xi32, #tpu.memory_space<hbm>>) dst(%arg8 : memref<1520xi32, #tpu.memory_space<vmem>>)
      tpu.yield
    }) : () -> ()
    %dma_start3A = arith.constant 0 : i32
    %dma_start3A_7 = arith.constant 0 : i32
    %dma_start3A_8 = arith.constant 0 : i32
    %dma_start3A_9 = tpu.memref_slice %arg9[%dma_start3A, %dma_start3A_7, %dma_start3A_8] : memref<2x128x128xf32, #tpu.memory_space<vmem>> -> memref<1x128x128xf32, #tpu.memory_space<vmem>>
    %dma_start3A_10 = tpu.memref_squeeze %dma_start3A_9 : memref<1x128x128xf32, #tpu.memory_space<vmem>> -> memref<128x128xf32, #tpu.memory_space<vmem>>
    %dma_start3A_11 = arith.constant 0 : i32
    %dma_start3A_12 = tpu.memref_slice %arg7[%dma_start3A_11] : memref<1520xi32, #tpu.memory_space<vmem>> -> memref<128xi32, #tpu.memory_space<vmem>>
    %dma_start3A_13 = arith.constant 0 : i32
    %dma_start3A_14 = arith.constant 0 : i32
    %dma_start3A_15 = tpu.memref_slice %arg2[%dma_start3A_13, %dma_start3A_14] : memref<10000x128xf32, #tpu.memory_space<hbm>> -> memref<10000x128xf32, #tpu.memory_space<hbm>>
    tpu.enqueue_indirect_dma source(%dma_start3A_15 : memref<10000x128xf32, #tpu.memory_space<hbm>>) target(%dma_start3A_10 : memref<128x128xf32, #tpu.memory_space<vmem>>) offsets(%dma_start3A_12 : memref<128xi32, #tpu.memory_space<vmem>>) semaphore(%arg11 : memref<!tpu.dma_semaphore, #tpu.memory_space<semaphore_mem>>)
    %dma_start3A_16 = arith.constant 0 : i32
    %dma_start3A_17 = arith.constant 0 : i32
    %dma_start3A_18 = arith.constant 0 : i32
    %dma_start3A_19 = tpu.memref_slice %arg10[%dma_start3A_16, %dma_start3A_17, %dma_start3A_18] : memref<2x128x128xf32, #tpu.memory_space<vmem>> -> memref<1x128x128xf32, #tpu.memory_space<vmem>>
    %dma_start3A_20 = tpu.memref_squeeze %dma_start3A_19 : memref<1x128x128xf32, #tpu.memory_space<vmem>> -> memref<128x128xf32, #tpu.memory_space<vmem>>
    %dma_start3A_21 = arith.constant 0 : i32
    %dma_start3A_22 = tpu.memref_slice %arg8[%dma_start3A_21] : memref<1520xi32, #tpu.memory_space<vmem>> -> memref<128xi32, #tpu.memory_space<vmem>>
    %dma_start3A_23 = arith.constant 0 : i32
    %dma_start3A_24 = arith.constant 0 : i32
    %dma_start3A_25 = tpu.memref_slice %arg2[%dma_start3A_23, %dma_start3A_24] : memref<10000x128xf32, #tpu.memory_space<hbm>> -> memref<10000x128xf32, #tpu.memory_space<hbm>>
    tpu.enqueue_indirect_dma source(%dma_start3A_25 : memref<10000x128xf32, #tpu.memory_space<hbm>>) target(%dma_start3A_20 : memref<128x128xf32, #tpu.memory_space<vmem>>) offsets(%dma_start3A_22 : memref<128xi32, #tpu.memory_space<vmem>>) semaphore(%arg13 : memref<!tpu.dma_semaphore, #tpu.memory_space<semaphore_mem>>)
    %scan3A = arith.constant 0 : i32
    %scan3A_26 = arith.constant 5 : i32
    %scan3A_27 = arith.addi %scan3A, %scan3A_26 : i32
    %scan3A_28 = arith.constant 1 : i32
    scf.for %scan3A_96 = %scan3A to %scan3A_27 step %scan3A_28  : i32 {
      %mul3A_97 = arith.constant 2 : i32
      %mul3A_98 = arith.muli %mul3A_97, %scan3A_96 : i32
      %add3A_99 = arith.constant 1 : i32
      %add3A_100 = arith.addi %mul3A_98, %add3A_99 : i32
      %mul3A_101 = arith.constant 128 : i32
      %mul3A_102 = arith.muli %add3A_100, %mul3A_101 : i32
      %dma_start3A_103 = arith.constant 1 : i32
      %dma_start3A_104 = arith.constant 0 : i32
      %dma_start3A_105 = arith.constant 0 : i32
      %dma_start3A_106 = tpu.memref_slice %arg9[%dma_start3A_103, %dma_start3A_104, %dma_start3A_105] : memref<2x128x128xf32, #tpu.memory_space<vmem>> -> memref<1x128x128xf32, #tpu.memory_space<vmem>>
      %dma_start3A_107 = tpu.memref_squeeze %dma_start3A_106 : memref<1x128x128xf32, #tpu.memory_space<vmem>> -> memref<128x128xf32, #tpu.memory_space<vmem>>
      %dma_start3A_108 = tpu.memref_slice %arg7[%mul3A_102] : memref<1520xi32, #tpu.memory_space<vmem>> -> memref<128xi32, #tpu.memory_space<vmem>>
      %dma_start3A_109 = arith.constant 0 : i32
      %dma_start3A_110 = arith.constant 0 : i32
      %dma_start3A_111 = tpu.memref_slice %arg2[%dma_start3A_109, %dma_start3A_110] : memref<10000x128xf32, #tpu.memory_space<hbm>> -> memref<10000x128xf32, #tpu.memory_space<hbm>>
      tpu.enqueue_indirect_dma source(%dma_start3A_111 : memref<10000x128xf32, #tpu.memory_space<hbm>>) target(%dma_start3A_107 : memref<128x128xf32, #tpu.memory_space<vmem>>) offsets(%dma_start3A_108 : memref<128xi32, #tpu.memory_space<vmem>>) semaphore(%arg12 : memref<!tpu.dma_semaphore, #tpu.memory_space<semaphore_mem>>)
      %dma_start3A_112 = arith.constant 1 : i32
      %dma_start3A_113 = arith.constant 0 : i32
      %dma_start3A_114 = arith.constant 0 : i32
      %dma_start3A_115 = tpu.memref_slice %arg10[%dma_start3A_112, %dma_start3A_113, %dma_start3A_114] : memref<2x128x128xf32, #tpu.memory_space<vmem>> -> memref<1x128x128xf32, #tpu.memory_space<vmem>>
      %dma_start3A_116 = tpu.memref_squeeze %dma_start3A_115 : memref<1x128x128xf32, #tpu.memory_space<vmem>> -> memref<128x128xf32, #tpu.memory_space<vmem>>
      %dma_start3A_117 = tpu.memref_slice %arg8[%mul3A_102] : memref<1520xi32, #tpu.memory_space<vmem>> -> memref<128xi32, #tpu.memory_space<vmem>>
      %dma_start3A_118 = arith.constant 0 : i32
      %dma_start3A_119 = arith.constant 0 : i32
      %dma_start3A_120 = tpu.memref_slice %arg2[%dma_start3A_118, %dma_start3A_119] : memref<10000x128xf32, #tpu.memory_space<hbm>> -> memref<10000x128xf32, #tpu.memory_space<hbm>>
      tpu.enqueue_indirect_dma source(%dma_start3A_120 : memref<10000x128xf32, #tpu.memory_space<hbm>>) target(%dma_start3A_116 : memref<128x128xf32, #tpu.memory_space<vmem>>) offsets(%dma_start3A_117 : memref<128xi32, #tpu.memory_space<vmem>>) semaphore(%arg14 : memref<!tpu.dma_semaphore, #tpu.memory_space<semaphore_mem>>)
      %mul3A_121 = arith.constant 128 : i32
      %mul3A_122 = arith.muli %mul3A_98, %mul3A_121 : i32
      %dma_wait3A_123 = arith.constant 0 : i32
      %dma_wait3A_124 = arith.constant 0 : i32
      %dma_wait3A_125 = arith.constant 0 : i32
      %dma_wait3A_126 = tpu.memref_slice %arg9[%dma_wait3A_123, %dma_wait3A_124, %dma_wait3A_125] : memref<2x128x128xf32, #tpu.memory_space<vmem>> -> memref<1x128x128xf32, #tpu.memory_space<vmem>>
      %dma_wait3A_127 = tpu.memref_squeeze %dma_wait3A_126 : memref<1x128x128xf32, #tpu.memory_space<vmem>> -> memref<128x128xf32, #tpu.memory_space<vmem>>
      %dma_wait3A_128 = tpu.memref_slice %arg7[%mul3A_122] : memref<1520xi32, #tpu.memory_space<vmem>> -> memref<128xi32, #tpu.memory_space<vmem>>
      %dma_wait3A_129 = arith.constant 0 : i32
      %dma_wait3A_130 = arith.constant 0 : i32
      %dma_wait3A_131 = tpu.memref_slice %arg2[%dma_wait3A_129, %dma_wait3A_130] : memref<10000x128xf32, #tpu.memory_space<hbm>> -> memref<10000x128xf32, #tpu.memory_space<hbm>>
      tpu.wait_indirect_dma semaphore(%arg11 : memref<!tpu.dma_semaphore, #tpu.memory_space<semaphore_mem>>) src(%dma_wait3A_131 : memref<10000x128xf32, #tpu.memory_space<hbm>>) dst(%dma_wait3A_127 : memref<128x128xf32, #tpu.memory_space<vmem>>)
      %dma_wait3A_132 = arith.constant 0 : i32
      %dma_wait3A_133 = arith.constant 0 : i32
      %dma_wait3A_134 = arith.constant 0 : i32
      %dma_wait3A_135 = tpu.memref_slice %arg10[%dma_wait3A_132, %dma_wait3A_133, %dma_wait3A_134] : memref<2x128x128xf32, #tpu.memory_space<vmem>> -> memref<1x128x128xf32, #tpu.memory_space<vmem>>
      %dma_wait3A_136 = tpu.memref_squeeze %dma_wait3A_135 : memref<1x128x128xf32, #tpu.memory_space<vmem>> -> memref<128x128xf32, #tpu.memory_space<vmem>>
      %dma_wait3A_137 = tpu.memref_slice %arg8[%mul3A_122] : memref<1520xi32, #tpu.memory_space<vmem>> -> memref<128xi32, #tpu.memory_space<vmem>>
      %dma_wait3A_138 = arith.constant 0 : i32
      %dma_wait3A_139 = arith.constant 0 : i32
      %dma_wait3A_140 = tpu.memref_slice %arg2[%dma_wait3A_138, %dma_wait3A_139] : memref<10000x128xf32, #tpu.memory_space<hbm>> -> memref<10000x128xf32, #tpu.memory_space<hbm>>
      tpu.wait_indirect_dma semaphore(%arg13 : memref<!tpu.dma_semaphore, #tpu.memory_space<semaphore_mem>>) src(%dma_wait3A_140 : memref<10000x128xf32, #tpu.memory_space<hbm>>) dst(%dma_wait3A_136 : memref<128x128xf32, #tpu.memory_space<vmem>>)
      %mul3A_141 = arith.constant 128 : i32
      %mul3A_142 = arith.muli %mul3A_98, %mul3A_141 : i32
      %add3A_143 = arith.addi %mul3A_2, %mul3A_142 : i32
      %run_scoped3A_144 = arith.constant 0 : i32
      "tpu.region"() ({
        %run_scoped3A_197 = tpu.sem_alloc : memref<!tpu.dma_semaphore, #tpu.memory_space<semaphore_mem>>
        %dma_start3A_198 = arith.constant 0 : i32
        %dma_start3A_199 = arith.constant 0 : i32
        %dma_start3A_200 = tpu.memref_slice %arg9[%run_scoped3A_144, %dma_start3A_198, %dma_start3A_199] : memref<2x128x128xf32, #tpu.memory_space<vmem>> -> memref<1x128x128xf32, #tpu.memory_space<vmem>>
        %dma_start3A_201 = tpu.memref_squeeze %dma_start3A_200 : memref<1x128x128xf32, #tpu.memory_space<vmem>> -> memref<128x128xf32, #tpu.memory_space<vmem>>
        %dma_start3A_202 = arith.constant 0 : i32
        %dma_start3A_203 = tpu.memref_slice %arg5[%add3A_143, %dma_start3A_202] : memref<48640x128xf32, #tpu.memory_space<hbm>> -> memref<128x128xf32, #tpu.memory_space<hbm>>
        %dma_start3A_204 = arith.constant 0 : i32
        %dma_start3A_205 = tpu.memref_slice %arg5[%add3A_143, %dma_start3A_204] : memref<48640x128xf32, #tpu.memory_space<hbm>> -> memref<128x128xf32, #tpu.memory_space<hbm>>
        %dma_start3A_206 = arith.constant 0 : i32
        %dma_start3A_207 = arith.constant 0 : i32
        %dma_start3A_208 = tpu.memref_slice %arg9[%run_scoped3A_144, %dma_start3A_206, %dma_start3A_207] : memref<2x128x128xf32, #tpu.memory_space<vmem>> -> memref<1x128x128xf32, #tpu.memory_space<vmem>>
        %dma_start3A_209 = tpu.memref_squeeze %dma_start3A_208 : memref<1x128x128xf32, #tpu.memory_space<vmem>> -> memref<128x128xf32, #tpu.memory_space<vmem>>
        tpu.enqueue_dma source(%dma_start3A_209 : memref<128x128xf32, #tpu.memory_space<vmem>>) target(%dma_start3A_205 : memref<128x128xf32, #tpu.memory_space<hbm>>) target_semaphore(%run_scoped3A_197 : memref<!tpu.dma_semaphore, #tpu.memory_space<semaphore_mem>>)
        %dma_wait3A_210 = arith.constant 0 : i32
        %dma_wait3A_211 = arith.constant 0 : i32
        %dma_wait3A_212 = tpu.memref_slice %arg9[%run_scoped3A_144, %dma_wait3A_210, %dma_wait3A_211] : memref<2x128x128xf32, #tpu.memory_space<vmem>> -> memref<1x128x128xf32, #tpu.memory_space<vmem>>
        %dma_wait3A_213 = tpu.memref_squeeze %dma_wait3A_212 : memref<1x128x128xf32, #tpu.memory_space<vmem>> -> memref<128x128xf32, #tpu.memory_space<vmem>>
        %dma_wait3A_214 = arith.constant 0 : i32
        %dma_wait3A_215 = tpu.memref_slice %arg5[%add3A_143, %dma_wait3A_214] : memref<48640x128xf32, #tpu.memory_space<hbm>> -> memref<128x128xf32, #tpu.memory_space<hbm>>
        %dma_wait3A_216 = arith.constant 0 : i32
        %dma_wait3A_217 = tpu.memref_slice %arg5[%add3A_143, %dma_wait3A_216] : memref<48640x128xf32, #tpu.memory_space<hbm>> -> memref<128x128xf32, #tpu.memory_space<hbm>>
        %dma_wait3A_218 = arith.constant 0 : i32
        %dma_wait3A_219 = arith.constant 0 : i32
        %dma_wait3A_220 = tpu.memref_slice %arg9[%run_scoped3A_144, %dma_wait3A_218, %dma_wait3A_219] : memref<2x128x128xf32, #tpu.memory_space<vmem>> -> memref<1x128x128xf32, #tpu.memory_space<vmem>>
        %dma_wait3A_221 = tpu.memref_squeeze %dma_wait3A_220 : memref<1x128x128xf32, #tpu.memory_space<vmem>> -> memref<128x128xf32, #tpu.memory_space<vmem>>
        tpu.wait_dma2 semaphore(%run_scoped3A_197 : memref<!tpu.dma_semaphore, #tpu.memory_space<semaphore_mem>>) src(%dma_wait3A_221 : memref<128x128xf32, #tpu.memory_space<vmem>>) dst(%dma_wait3A_217 : memref<128x128xf32, #tpu.memory_space<hbm>>)
        tpu.yield
      }) : () -> ()
      %run_scoped3A_145 = arith.constant 0 : i32
      "tpu.region"() ({
        %run_scoped3A_197 = tpu.sem_alloc : memref<!tpu.dma_semaphore, #tpu.memory_space<semaphore_mem>>
        %dma_start3A_198 = arith.constant 0 : i32
        %dma_start3A_199 = arith.constant 0 : i32
        %dma_start3A_200 = tpu.memref_slice %arg10[%run_scoped3A_145, %dma_start3A_198, %dma_start3A_199] : memref<2x128x128xf32, #tpu.memory_space<vmem>> -> memref<1x128x128xf32, #tpu.memory_space<vmem>>
        %dma_start3A_201 = tpu.memref_squeeze %dma_start3A_200 : memref<1x128x128xf32, #tpu.memory_space<vmem>> -> memref<128x128xf32, #tpu.memory_space<vmem>>
        %dma_start3A_202 = arith.constant 0 : i32
        %dma_start3A_203 = tpu.memref_slice %arg6[%add3A_143, %dma_start3A_202] : memref<48640x128xf32, #tpu.memory_space<hbm>> -> memref<128x128xf32, #tpu.memory_space<hbm>>
        %dma_start3A_204 = arith.constant 0 : i32
        %dma_start3A_205 = tpu.memref_slice %arg6[%add3A_143, %dma_start3A_204] : memref<48640x128xf32, #tpu.memory_space<hbm>> -> memref<128x128xf32, #tpu.memory_space<hbm>>
        %dma_start3A_206 = arith.constant 0 : i32
        %dma_start3A_207 = arith.constant 0 : i32
        %dma_start3A_208 = tpu.memref_slice %arg10[%run_scoped3A_145, %dma_start3A_206, %dma_start3A_207] : memref<2x128x128xf32, #tpu.memory_space<vmem>> -> memref<1x128x128xf32, #tpu.memory_space<vmem>>
        %dma_start3A_209 = tpu.memref_squeeze %dma_start3A_208 : memref<1x128x128xf32, #tpu.memory_space<vmem>> -> memref<128x128xf32, #tpu.memory_space<vmem>>
        tpu.enqueue_dma source(%dma_start3A_209 : memref<128x128xf32, #tpu.memory_space<vmem>>) target(%dma_start3A_205 : memref<128x128xf32, #tpu.memory_space<hbm>>) target_semaphore(%run_scoped3A_197 : memref<!tpu.dma_semaphore, #tpu.memory_space<semaphore_mem>>)
        %dma_wait3A_210 = arith.constant 0 : i32
        %dma_wait3A_211 = arith.constant 0 : i32
        %dma_wait3A_212 = tpu.memref_slice %arg10[%run_scoped3A_145, %dma_wait3A_210, %dma_wait3A_211] : memref<2x128x128xf32, #tpu.memory_space<vmem>> -> memref<1x128x128xf32, #tpu.memory_space<vmem>>
        %dma_wait3A_213 = tpu.memref_squeeze %dma_wait3A_212 : memref<1x128x128xf32, #tpu.memory_space<vmem>> -> memref<128x128xf32, #tpu.memory_space<vmem>>
        %dma_wait3A_214 = arith.constant 0 : i32
        %dma_wait3A_215 = tpu.memref_slice %arg6[%add3A_143, %dma_wait3A_214] : memref<48640x128xf32, #tpu.memory_space<hbm>> -> memref<128x128xf32, #tpu.memory_space<hbm>>
        %dma_wait3A_216 = arith.constant 0 : i32
        %dma_wait3A_217 = tpu.memref_slice %arg6[%add3A_143, %dma_wait3A_216] : memref<48640x128xf32, #tpu.memory_space<hbm>> -> memref<128x128xf32, #tpu.memory_space<hbm>>
        %dma_wait3A_218 = arith.constant 0 : i32
        %dma_wait3A_219 = arith.constant 0 : i32
        %dma_wait3A_220 = tpu.memref_slice %arg10[%run_scoped3A_145, %dma_wait3A_218, %dma_wait3A_219] : memref<2x128x128xf32, #tpu.memory_space<vmem>> -> memref<1x128x128xf32, #tpu.memory_space<vmem>>
        %dma_wait3A_221 = tpu.memref_squeeze %dma_wait3A_220 : memref<1x128x128xf32, #tpu.memory_space<vmem>> -> memref<128x128xf32, #tpu.memory_space<vmem>>
        tpu.wait_dma2 semaphore(%run_scoped3A_197 : memref<!tpu.dma_semaphore, #tpu.memory_space<semaphore_mem>>) src(%dma_wait3A_221 : memref<128x128xf32, #tpu.memory_space<vmem>>) dst(%dma_wait3A_217 : memref<128x128xf32, #tpu.memory_space<hbm>>)
        tpu.yield
      }) : () -> ()
      %add3A_146 = arith.constant 2 : i32
      %add3A_147 = arith.addi %mul3A_98, %add3A_146 : i32
      %mul3A_148 = arith.constant 128 : i32
      %mul3A_149 = arith.muli %add3A_147, %mul3A_148 : i32
      %dma_start3A_150 = arith.constant 0 : i32
      %dma_start3A_151 = arith.constant 0 : i32
      %dma_start3A_152 = arith.constant 0 : i32
      %dma_start3A_153 = tpu.memref_slice %arg9[%dma_start3A_150, %dma_start3A_151, %dma_start3A_152] : memref<2x128x128xf32, #tpu.memory_space<vmem>> -> memref<1x128x128xf32, #tpu.memory_space<vmem>>
      %dma_start3A_154 = tpu.memref_squeeze %dma_start3A_153 : memref<1x128x128xf32, #tpu.memory_space<vmem>> -> memref<128x128xf32, #tpu.memory_space<vmem>>
      %dma_start3A_155 = tpu.memref_slice %arg7[%mul3A_149] : memref<1520xi32, #tpu.memory_space<vmem>> -> memref<128xi32, #tpu.memory_space<vmem>>
      %dma_start3A_156 = arith.constant 0 : i32
      %dma_start3A_157 = arith.constant 0 : i32
      %dma_start3A_158 = tpu.memref_slice %arg2[%dma_start3A_156, %dma_start3A_157] : memref<10000x128xf32, #tpu.memory_space<hbm>> -> memref<10000x128xf32, #tpu.memory_space<hbm>>
      tpu.enqueue_indirect_dma source(%dma_start3A_158 : memref<10000x128xf32, #tpu.memory_space<hbm>>) target(%dma_start3A_154 : memref<128x128xf32, #tpu.memory_space<vmem>>) offsets(%dma_start3A_155 : memref<128xi32, #tpu.memory_space<vmem>>) semaphore(%arg11 : memref<!tpu.dma_semaphore, #tpu.memory_space<semaphore_mem>>)
      %dma_start3A_159 = arith.constant 0 : i32
      %dma_start3A_160 = arith.constant 0 : i32
      %dma_start3A_161 = arith.constant 0 : i32
      %dma_start3A_162 = tpu.memref_slice %arg10[%dma_start3A_159, %dma_start3A_160, %dma_start3A_161] : memref<2x128x128xf32, #tpu.memory_space<vmem>> -> memref<1x128x128xf32, #tpu.memory_space<vmem>>
      %dma_start3A_163 = tpu.memref_squeeze %dma_start3A_162 : memref<1x128x128xf32, #tpu.memory_space<vmem>> -> memref<128x128xf32, #tpu.memory_space<vmem>>
      %dma_start3A_164 = tpu.memref_slice %arg8[%mul3A_149] : memref<1520xi32, #tpu.memory_space<vmem>> -> memref<128xi32, #tpu.memory_space<vmem>>
      %dma_start3A_165 = arith.constant 0 : i32
      %dma_start3A_166 = arith.constant 0 : i32
      %dma_start3A_167 = tpu.memref_slice %arg2[%dma_start3A_165, %dma_start3A_166] : memref<10000x128xf32, #tpu.memory_space<hbm>> -> memref<10000x128xf32, #tpu.memory_space<hbm>>
      tpu.enqueue_indirect_dma source(%dma_start3A_167 : memref<10000x128xf32, #tpu.memory_space<hbm>>) target(%dma_start3A_163 : memref<128x128xf32, #tpu.memory_space<vmem>>) offsets(%dma_start3A_164 : memref<128xi32, #tpu.memory_space<vmem>>) semaphore(%arg13 : memref<!tpu.dma_semaphore, #tpu.memory_space<semaphore_mem>>)
      %add3A_168 = arith.constant 1 : i32
      %add3A_169 = arith.addi %mul3A_98, %add3A_168 : i32
      %mul3A_170 = arith.constant 128 : i32
      %mul3A_171 = arith.muli %add3A_169, %mul3A_170 : i32
      %dma_wait3A_172 = arith.constant 1 : i32
      %dma_wait3A_173 = arith.constant 0 : i32
      %dma_wait3A_174 = arith.constant 0 : i32
      %dma_wait3A_175 = tpu.memref_slice %arg9[%dma_wait3A_172, %dma_wait3A_173, %dma_wait3A_174] : memref<2x128x128xf32, #tpu.memory_space<vmem>> -> memref<1x128x128xf32, #tpu.memory_space<vmem>>
      %dma_wait3A_176 = tpu.memref_squeeze %dma_wait3A_175 : memref<1x128x128xf32, #tpu.memory_space<vmem>> -> memref<128x128xf32, #tpu.memory_space<vmem>>
      %dma_wait3A_177 = tpu.memref_slice %arg7[%mul3A_171] : memref<1520xi32, #tpu.memory_space<vmem>> -> memref<128xi32, #tpu.memory_space<vmem>>
      %dma_wait3A_178 = arith.constant 0 : i32
      %dma_wait3A_179 = arith.constant 0 : i32
      %dma_wait3A_180 = tpu.memref_slice %arg2[%dma_wait3A_178, %dma_wait3A_179] : memref<10000x128xf32, #tpu.memory_space<hbm>> -> memref<10000x128xf32, #tpu.memory_space<hbm>>
      tpu.wait_indirect_dma semaphore(%arg12 : memref<!tpu.dma_semaphore, #tpu.memory_space<semaphore_mem>>) src(%dma_wait3A_180 : memref<10000x128xf32, #tpu.memory_space<hbm>>) dst(%dma_wait3A_176 : memref<128x128xf32, #tpu.memory_space<vmem>>)
      %dma_wait3A_181 = arith.constant 1 : i32
      %dma_wait3A_182 = arith.constant 0 : i32
      %dma_wait3A_183 = arith.constant 0 : i32
      %dma_wait3A_184 = tpu.memref_slice %arg10[%dma_wait3A_181, %dma_wait3A_182, %dma_wait3A_183] : memref<2x128x128xf32, #tpu.memory_space<vmem>> -> memref<1x128x128xf32, #tpu.memory_space<vmem>>
      %dma_wait3A_185 = tpu.memref_squeeze %dma_wait3A_184 : memref<1x128x128xf32, #tpu.memory_space<vmem>> -> memref<128x128xf32, #tpu.memory_space<vmem>>
      %dma_wait3A_186 = tpu.memref_slice %arg8[%mul3A_171] : memref<1520xi32, #tpu.memory_space<vmem>> -> memref<128xi32, #tpu.memory_space<vmem>>
      %dma_wait3A_187 = arith.constant 0 : i32
      %dma_wait3A_188 = arith.constant 0 : i32
      %dma_wait3A_189 = tpu.memref_slice %arg2[%dma_wait3A_187, %dma_wait3A_188] : memref<10000x128xf32, #tpu.memory_space<hbm>> -> memref<10000x128xf32, #tpu.memory_space<hbm>>
      tpu.wait_indirect_dma semaphore(%arg14 : memref<!tpu.dma_semaphore, #tpu.memory_space<semaphore_mem>>) src(%dma_wait3A_189 : memref<10000x128xf32, #tpu.memory_space<hbm>>) dst(%dma_wait3A_185 : memref<128x128xf32, #tpu.memory_space<vmem>>)
      %add3A_190 = arith.constant 1 : i32
      %add3A_191 = arith.addi %mul3A_98, %add3A_190 : i32
      %mul3A_192 = arith.constant 128 : i32
      %mul3A_193 = arith.muli %add3A_191, %mul3A_192 : i32
      %add3A_194 = arith.addi %mul3A_2, %mul3A_193 : i32
      %run_scoped3A_195 = arith.constant 1 : i32
      "tpu.region"() ({
        %run_scoped3A_197 = tpu.sem_alloc : memref<!tpu.dma_semaphore, #tpu.memory_space<semaphore_mem>>
        %dma_start3A_198 = arith.constant 0 : i32
        %dma_start3A_199 = arith.constant 0 : i32
        %dma_start3A_200 = tpu.memref_slice %arg9[%run_scoped3A_195, %dma_start3A_198, %dma_start3A_199] : memref<2x128x128xf32, #tpu.memory_space<vmem>> -> memref<1x128x128xf32, #tpu.memory_space<vmem>>
        %dma_start3A_201 = tpu.memref_squeeze %dma_start3A_200 : memref<1x128x128xf32, #tpu.memory_space<vmem>> -> memref<128x128xf32, #tpu.memory_space<vmem>>
        %dma_start3A_202 = arith.constant 0 : i32
        %dma_start3A_203 = tpu.memref_slice %arg5[%add3A_194, %dma_start3A_202] : memref<48640x128xf32, #tpu.memory_space<hbm>> -> memref<128x128xf32, #tpu.memory_space<hbm>>
        %dma_start3A_204 = arith.constant 0 : i32
        %dma_start3A_205 = tpu.memref_slice %arg5[%add3A_194, %dma_start3A_204] : memref<48640x128xf32, #tpu.memory_space<hbm>> -> memref<128x128xf32, #tpu.memory_space<hbm>>
        %dma_start3A_206 = arith.constant 0 : i32
        %dma_start3A_207 = arith.constant 0 : i32
        %dma_start3A_208 = tpu.memref_slice %arg9[%run_scoped3A_195, %dma_start3A_206, %dma_start3A_207] : memref<2x128x128xf32, #tpu.memory_space<vmem>> -> memref<1x128x128xf32, #tpu.memory_space<vmem>>
        %dma_start3A_209 = tpu.memref_squeeze %dma_start3A_208 : memref<1x128x128xf32, #tpu.memory_space<vmem>> -> memref<128x128xf32, #tpu.memory_space<vmem>>
        tpu.enqueue_dma source(%dma_start3A_209 : memref<128x128xf32, #tpu.memory_space<vmem>>) target(%dma_start3A_205 : memref<128x128xf32, #tpu.memory_space<hbm>>) target_semaphore(%run_scoped3A_197 : memref<!tpu.dma_semaphore, #tpu.memory_space<semaphore_mem>>)
        %dma_wait3A_210 = arith.constant 0 : i32
        %dma_wait3A_211 = arith.constant 0 : i32
        %dma_wait3A_212 = tpu.memref_slice %arg9[%run_scoped3A_195, %dma_wait3A_210, %dma_wait3A_211] : memref<2x128x128xf32, #tpu.memory_space<vmem>> -> memref<1x128x128xf32, #tpu.memory_space<vmem>>
        %dma_wait3A_213 = tpu.memref_squeeze %dma_wait3A_212 : memref<1x128x128xf32, #tpu.memory_space<vmem>> -> memref<128x128xf32, #tpu.memory_space<vmem>>
        %dma_wait3A_214 = arith.constant 0 : i32
        %dma_wait3A_215 = tpu.memref_slice %arg5[%add3A_194, %dma_wait3A_214] : memref<48640x128xf32, #tpu.memory_space<hbm>> -> memref<128x128xf32, #tpu.memory_space<hbm>>
        %dma_wait3A_216 = arith.constant 0 : i32
        %dma_wait3A_217 = tpu.memref_slice %arg5[%add3A_194, %dma_wait3A_216] : memref<48640x128xf32, #tpu.memory_space<hbm>> -> memref<128x128xf32, #tpu.memory_space<hbm>>
        %dma_wait3A_218 = arith.constant 0 : i32
        %dma_wait3A_219 = arith.constant 0 : i32
        %dma_wait3A_220 = tpu.memref_slice %arg9[%run_scoped3A_195, %dma_wait3A_218, %dma_wait3A_219] : memref<2x128x128xf32, #tpu.memory_space<vmem>> -> memref<1x128x128xf32, #tpu.memory_space<vmem>>
        %dma_wait3A_221 = tpu.memref_squeeze %dma_wait3A_220 : memref<1x128x128xf32, #tpu.memory_space<vmem>> -> memref<128x128xf32, #tpu.memory_space<vmem>>
        tpu.wait_dma2 semaphore(%run_scoped3A_197 : memref<!tpu.dma_semaphore, #tpu.memory_space<semaphore_mem>>) src(%dma_wait3A_221 : memref<128x128xf32, #tpu.memory_space<vmem>>) dst(%dma_wait3A_217 : memref<128x128xf32, #tpu.memory_space<hbm>>)
        tpu.yield
      }) : () -> ()
      %run_scoped3A_196 = arith.constant 1 : i32
      "tpu.region"() ({
        %run_scoped3A_197 = tpu.sem_alloc : memref<!tpu.dma_semaphore, #tpu.memory_space<semaphore_mem>>
        %dma_start3A_198 = arith.constant 0 : i32
        %dma_start3A_199 = arith.constant 0 : i32
        %dma_start3A_200 = tpu.memref_slice %arg10[%run_scoped3A_196, %dma_start3A_198, %dma_start3A_199] : memref<2x128x128xf32, #tpu.memory_space<vmem>> -> memref<1x128x128xf32, #tpu.memory_space<vmem>>
        %dma_start3A_201 = tpu.memref_squeeze %dma_start3A_200 : memref<1x128x128xf32, #tpu.memory_space<vmem>> -> memref<128x128xf32, #tpu.memory_space<vmem>>
        %dma_start3A_202 = arith.constant 0 : i32
        %dma_start3A_203 = tpu.memref_slice %arg6[%add3A_194, %dma_start3A_202] : memref<48640x128xf32, #tpu.memory_space<hbm>> -> memref<128x128xf32, #tpu.memory_space<hbm>>
        %dma_start3A_204 = arith.constant 0 : i32
        %dma_start3A_205 = tpu.memref_slice %arg6[%add3A_194, %dma_start3A_204] : memref<48640x128xf32, #tpu.memory_space<hbm>> -> memref<128x128xf32, #tpu.memory_space<hbm>>
        %dma_start3A_206 = arith.constant 0 : i32
        %dma_start3A_207 = arith.constant 0 : i32
        %dma_start3A_208 = tpu.memref_slice %arg10[%run_scoped3A_196, %dma_start3A_206, %dma_start3A_207] : memref<2x128x128xf32, #tpu.memory_space<vmem>> -> memref<1x128x128xf32, #tpu.memory_space<vmem>>
        %dma_start3A_209 = tpu.memref_squeeze %dma_start3A_208 : memref<1x128x128xf32, #tpu.memory_space<vmem>> -> memref<128x128xf32, #tpu.memory_space<vmem>>
        tpu.enqueue_dma source(%dma_start3A_209 : memref<128x128xf32, #tpu.memory_space<vmem>>) target(%dma_start3A_205 : memref<128x128xf32, #tpu.memory_space<hbm>>) target_semaphore(%run_scoped3A_197 : memref<!tpu.dma_semaphore, #tpu.memory_space<semaphore_mem>>)
        %dma_wait3A_210 = arith.constant 0 : i32
        %dma_wait3A_211 = arith.constant 0 : i32
        %dma_wait3A_212 = tpu.memref_slice %arg10[%run_scoped3A_196, %dma_wait3A_210, %dma_wait3A_211] : memref<2x128x128xf32, #tpu.memory_space<vmem>> -> memref<1x128x128xf32, #tpu.memory_space<vmem>>
        %dma_wait3A_213 = tpu.memref_squeeze %dma_wait3A_212 : memref<1x128x128xf32, #tpu.memory_space<vmem>> -> memref<128x128xf32, #tpu.memory_space<vmem>>
        %dma_wait3A_214 = arith.constant 0 : i32
        %dma_wait3A_215 = tpu.memref_slice %arg6[%add3A_194, %dma_wait3A_214] : memref<48640x128xf32, #tpu.memory_space<hbm>> -> memref<128x128xf32, #tpu.memory_space<hbm>>
        %dma_wait3A_216 = arith.constant 0 : i32
        %dma_wait3A_217 = tpu.memref_slice %arg6[%add3A_194, %dma_wait3A_216] : memref<48640x128xf32, #tpu.memory_space<hbm>> -> memref<128x128xf32, #tpu.memory_space<hbm>>
        %dma_wait3A_218 = arith.constant 0 : i32
        %dma_wait3A_219 = arith.constant 0 : i32
        %dma_wait3A_220 = tpu.memref_slice %arg10[%run_scoped3A_196, %dma_wait3A_218, %dma_wait3A_219] : memref<2x128x128xf32, #tpu.memory_space<vmem>> -> memref<1x128x128xf32, #tpu.memory_space<vmem>>
        %dma_wait3A_221 = tpu.memref_squeeze %dma_wait3A_220 : memref<1x128x128xf32, #tpu.memory_space<vmem>> -> memref<128x128xf32, #tpu.memory_space<vmem>>
        tpu.wait_dma2 semaphore(%run_scoped3A_197 : memref<!tpu.dma_semaphore, #tpu.memory_space<semaphore_mem>>) src(%dma_wait3A_221 : memref<128x128xf32, #tpu.memory_space<vmem>>) dst(%dma_wait3A_217 : memref<128x128xf32, #tpu.memory_space<hbm>>)
        tpu.yield
      }) : () -> ()
    }
    %scan3A_29 = arith.constant 5 : i32
    %dma_start3A_30 = arith.constant 1 : i32
    %dma_start3A_31 = arith.constant 0 : i32
    %dma_start3A_32 = arith.constant 0 : i32
    %dma_start3A_33 = tpu.memref_slice %arg9[%dma_start3A_30, %dma_start3A_31, %dma_start3A_32] : memref<2x128x128xf32, #tpu.memory_space<vmem>> -> memref<1x112x128xf32, #tpu.memory_space<vmem>>
    %dma_start3A_34 = tpu.memref_squeeze %dma_start3A_33 : memref<1x112x128xf32, #tpu.memory_space<vmem>> -> memref<112x128xf32, #tpu.memory_space<vmem>>
    %dma_start3A_35 = arith.constant 1408 : i32
    %dma_start3A_36 = tpu.memref_slice %arg7[%dma_start3A_35] : memref<1520xi32, #tpu.memory_space<vmem>> -> memref<112xi32, #tpu.memory_space<vmem>>
    %dma_start3A_37 = arith.constant 0 : i32
    %dma_start3A_38 = arith.constant 0 : i32
    %dma_start3A_39 = tpu.memref_slice %arg2[%dma_start3A_37, %dma_start3A_38] : memref<10000x128xf32, #tpu.memory_space<hbm>> -> memref<10000x128xf32, #tpu.memory_space<hbm>>
    tpu.enqueue_indirect_dma source(%dma_start3A_39 : memref<10000x128xf32, #tpu.memory_space<hbm>>) target(%dma_start3A_34 : memref<112x128xf32, #tpu.memory_space<vmem>>) offsets(%dma_start3A_36 : memref<112xi32, #tpu.memory_space<vmem>>) semaphore(%arg12 : memref<!tpu.dma_semaphore, #tpu.memory_space<semaphore_mem>>)
    %dma_start3A_40 = arith.constant 1 : i32
    %dma_start3A_41 = arith.constant 0 : i32
    %dma_start3A_42 = arith.constant 0 : i32
    %dma_start3A_43 = tpu.memref_slice %arg10[%dma_start3A_40, %dma_start3A_41, %dma_start3A_42] : memref<2x128x128xf32, #tpu.memory_space<vmem>> -> memref<1x112x128xf32, #tpu.memory_space<vmem>>
    %dma_start3A_44 = tpu.memref_squeeze %dma_start3A_43 : memref<1x112x128xf32, #tpu.memory_space<vmem>> -> memref<112x128xf32, #tpu.memory_space<vmem>>
    %dma_start3A_45 = arith.constant 1408 : i32
    %dma_start3A_46 = tpu.memref_slice %arg8[%dma_start3A_45] : memref<1520xi32, #tpu.memory_space<vmem>> -> memref<112xi32, #tpu.memory_space<vmem>>
    %dma_start3A_47 = arith.constant 0 : i32
    %dma_start3A_48 = arith.constant 0 : i32
    %dma_start3A_49 = tpu.memref_slice %arg2[%dma_start3A_47, %dma_start3A_48] : memref<10000x128xf32, #tpu.memory_space<hbm>> -> memref<10000x128xf32, #tpu.memory_space<hbm>>
    tpu.enqueue_indirect_dma source(%dma_start3A_49 : memref<10000x128xf32, #tpu.memory_space<hbm>>) target(%dma_start3A_44 : memref<112x128xf32, #tpu.memory_space<vmem>>) offsets(%dma_start3A_46 : memref<112xi32, #tpu.memory_space<vmem>>) semaphore(%arg14 : memref<!tpu.dma_semaphore, #tpu.memory_space<semaphore_mem>>)
    %dma_wait3A = arith.constant 0 : i32
    %dma_wait3A_50 = arith.constant 0 : i32
    %dma_wait3A_51 = arith.constant 0 : i32
    %dma_wait3A_52 = tpu.memref_slice %arg9[%dma_wait3A, %dma_wait3A_50, %dma_wait3A_51] : memref<2x128x128xf32, #tpu.memory_space<vmem>> -> memref<1x128x128xf32, #tpu.memory_space<vmem>>
    %dma_wait3A_53 = tpu.memref_squeeze %dma_wait3A_52 : memref<1x128x128xf32, #tpu.memory_space<vmem>> -> memref<128x128xf32, #tpu.memory_space<vmem>>
    %dma_wait3A_54 = arith.constant 1280 : i32
    %dma_wait3A_55 = tpu.memref_slice %arg7[%dma_wait3A_54] : memref<1520xi32, #tpu.memory_space<vmem>> -> memref<128xi32, #tpu.memory_space<vmem>>
    %dma_wait3A_56 = arith.constant 0 : i32
    %dma_wait3A_57 = arith.constant 0 : i32
    %dma_wait3A_58 = tpu.memref_slice %arg2[%dma_wait3A_56, %dma_wait3A_57] : memref<10000x128xf32, #tpu.memory_space<hbm>> -> memref<10000x128xf32, #tpu.memory_space<hbm>>
    tpu.wait_indirect_dma semaphore(%arg11 : memref<!tpu.dma_semaphore, #tpu.memory_space<semaphore_mem>>) src(%dma_wait3A_58 : memref<10000x128xf32, #tpu.memory_space<hbm>>) dst(%dma_wait3A_53 : memref<128x128xf32, #tpu.memory_space<vmem>>)
    %dma_wait3A_59 = arith.constant 0 : i32
    %dma_wait3A_60 = arith.constant 0 : i32
    %dma_wait3A_61 = arith.constant 0 : i32
    %dma_wait3A_62 = tpu.memref_slice %arg10[%dma_wait3A_59, %dma_wait3A_60, %dma_wait3A_61] : memref<2x128x128xf32, #tpu.memory_space<vmem>> -> memref<1x128x128xf32, #tpu.memory_space<vmem>>
    %dma_wait3A_63 = tpu.memref_squeeze %dma_wait3A_62 : memref<1x128x128xf32, #tpu.memory_space<vmem>> -> memref<128x128xf32, #tpu.memory_space<vmem>>
    %dma_wait3A_64 = arith.constant 1280 : i32
    %dma_wait3A_65 = tpu.memref_slice %arg8[%dma_wait3A_64] : memref<1520xi32, #tpu.memory_space<vmem>> -> memref<128xi32, #tpu.memory_space<vmem>>
    %dma_wait3A_66 = arith.constant 0 : i32
    %dma_wait3A_67 = arith.constant 0 : i32
    %dma_wait3A_68 = tpu.memref_slice %arg2[%dma_wait3A_66, %dma_wait3A_67] : memref<10000x128xf32, #tpu.memory_space<hbm>> -> memref<10000x128xf32, #tpu.memory_space<hbm>>
    tpu.wait_indirect_dma semaphore(%arg13 : memref<!tpu.dma_semaphore, #tpu.memory_space<semaphore_mem>>) src(%dma_wait3A_68 : memref<10000x128xf32, #tpu.memory_space<hbm>>) dst(%dma_wait3A_63 : memref<128x128xf32, #tpu.memory_space<vmem>>)
    %add3A_69 = arith.constant 1280 : i32
    %add3A_70 = arith.addi %mul3A_2, %add3A_69 : i32
    %run_scoped3A = arith.constant 0 : i32
    "tpu.region"() ({
      %run_scoped3A_96 = tpu.sem_alloc : memref<!tpu.dma_semaphore, #tpu.memory_space<semaphore_mem>>
      %dma_start3A_97 = arith.constant 0 : i32
      %dma_start3A_98 = arith.constant 0 : i32
      %dma_start3A_99 = tpu.memref_slice %arg9[%run_scoped3A, %dma_start3A_97, %dma_start3A_98] : memref<2x128x128xf32, #tpu.memory_space<vmem>> -> memref<1x128x128xf32, #tpu.memory_space<vmem>>
      %dma_start3A_100 = tpu.memref_squeeze %dma_start3A_99 : memref<1x128x128xf32, #tpu.memory_space<vmem>> -> memref<128x128xf32, #tpu.memory_space<vmem>>
      %dma_start3A_101 = arith.constant 0 : i32
      %dma_start3A_102 = tpu.memref_slice %arg5[%add3A_70, %dma_start3A_101] : memref<48640x128xf32, #tpu.memory_space<hbm>> -> memref<128x128xf32, #tpu.memory_space<hbm>>
      %dma_start3A_103 = arith.constant 0 : i32
      %dma_start3A_104 = tpu.memref_slice %arg5[%add3A_70, %dma_start3A_103] : memref<48640x128xf32, #tpu.memory_space<hbm>> -> memref<128x128xf32, #tpu.memory_space<hbm>>
      %dma_start3A_105 = arith.constant 0 : i32
      %dma_start3A_106 = arith.constant 0 : i32
      %dma_start3A_107 = tpu.memref_slice %arg9[%run_scoped3A, %dma_start3A_105, %dma_start3A_106] : memref<2x128x128xf32, #tpu.memory_space<vmem>> -> memref<1x128x128xf32, #tpu.memory_space<vmem>>
      %dma_start3A_108 = tpu.memref_squeeze %dma_start3A_107 : memref<1x128x128xf32, #tpu.memory_space<vmem>> -> memref<128x128xf32, #tpu.memory_space<vmem>>
      tpu.enqueue_dma source(%dma_start3A_108 : memref<128x128xf32, #tpu.memory_space<vmem>>) target(%dma_start3A_104 : memref<128x128xf32, #tpu.memory_space<hbm>>) target_semaphore(%run_scoped3A_96 : memref<!tpu.dma_semaphore, #tpu.memory_space<semaphore_mem>>)
      %dma_wait3A_109 = arith.constant 0 : i32
      %dma_wait3A_110 = arith.constant 0 : i32
      %dma_wait3A_111 = tpu.memref_slice %arg9[%run_scoped3A, %dma_wait3A_109, %dma_wait3A_110] : memref<2x128x128xf32, #tpu.memory_space<vmem>> -> memref<1x128x128xf32, #tpu.memory_space<vmem>>
      %dma_wait3A_112 = tpu.memref_squeeze %dma_wait3A_111 : memref<1x128x128xf32, #tpu.memory_space<vmem>> -> memref<128x128xf32, #tpu.memory_space<vmem>>
      %dma_wait3A_113 = arith.constant 0 : i32
      %dma_wait3A_114 = tpu.memref_slice %arg5[%add3A_70, %dma_wait3A_113] : memref<48640x128xf32, #tpu.memory_space<hbm>> -> memref<128x128xf32, #tpu.memory_space<hbm>>
      %dma_wait3A_115 = arith.constant 0 : i32
      %dma_wait3A_116 = tpu.memref_slice %arg5[%add3A_70, %dma_wait3A_115] : memref<48640x128xf32, #tpu.memory_space<hbm>> -> memref<128x128xf32, #tpu.memory_space<hbm>>
      %dma_wait3A_117 = arith.constant 0 : i32
      %dma_wait3A_118 = arith.constant 0 : i32
      %dma_wait3A_119 = tpu.memref_slice %arg9[%run_scoped3A, %dma_wait3A_117, %dma_wait3A_118] : memref<2x128x128xf32, #tpu.memory_space<vmem>> -> memref<1x128x128xf32, #tpu.memory_space<vmem>>
      %dma_wait3A_120 = tpu.memref_squeeze %dma_wait3A_119 : memref<1x128x128xf32, #tpu.memory_space<vmem>> -> memref<128x128xf32, #tpu.memory_space<vmem>>
      tpu.wait_dma2 semaphore(%run_scoped3A_96 : memref<!tpu.dma_semaphore, #tpu.memory_space<semaphore_mem>>) src(%dma_wait3A_120 : memref<128x128xf32, #tpu.memory_space<vmem>>) dst(%dma_wait3A_116 : memref<128x128xf32, #tpu.memory_space<hbm>>)
      tpu.yield
    }) : () -> ()
    %run_scoped3A_71 = arith.constant 0 : i32
    "tpu.region"() ({
      %run_scoped3A_96 = tpu.sem_alloc : memref<!tpu.dma_semaphore, #tpu.memory_space<semaphore_mem>>
      %dma_start3A_97 = arith.constant 0 : i32
      %dma_start3A_98 = arith.constant 0 : i32
      %dma_start3A_99 = tpu.memref_slice %arg10[%run_scoped3A_71, %dma_start3A_97, %dma_start3A_98] : memref<2x128x128xf32, #tpu.memory_space<vmem>> -> memref<1x128x128xf32, #tpu.memory_space<vmem>>
      %dma_start3A_100 = tpu.memref_squeeze %dma_start3A_99 : memref<1x128x128xf32, #tpu.memory_space<vmem>> -> memref<128x128xf32, #tpu.memory_space<vmem>>
      %dma_start3A_101 = arith.constant 0 : i32
      %dma_start3A_102 = tpu.memref_slice %arg6[%add3A_70, %dma_start3A_101] : memref<48640x128xf32, #tpu.memory_space<hbm>> -> memref<128x128xf32, #tpu.memory_space<hbm>>
      %dma_start3A_103 = arith.constant 0 : i32
      %dma_start3A_104 = tpu.memref_slice %arg6[%add3A_70, %dma_start3A_103] : memref<48640x128xf32, #tpu.memory_space<hbm>> -> memref<128x128xf32, #tpu.memory_space<hbm>>
      %dma_start3A_105 = arith.constant 0 : i32
      %dma_start3A_106 = arith.constant 0 : i32
      %dma_start3A_107 = tpu.memref_slice %arg10[%run_scoped3A_71, %dma_start3A_105, %dma_start3A_106] : memref<2x128x128xf32, #tpu.memory_space<vmem>> -> memref<1x128x128xf32, #tpu.memory_space<vmem>>
      %dma_start3A_108 = tpu.memref_squeeze %dma_start3A_107 : memref<1x128x128xf32, #tpu.memory_space<vmem>> -> memref<128x128xf32, #tpu.memory_space<vmem>>
      tpu.enqueue_dma source(%dma_start3A_108 : memref<128x128xf32, #tpu.memory_space<vmem>>) target(%dma_start3A_104 : memref<128x128xf32, #tpu.memory_space<hbm>>) target_semaphore(%run_scoped3A_96 : memref<!tpu.dma_semaphore, #tpu.memory_space<semaphore_mem>>)
      %dma_wait3A_109 = arith.constant 0 : i32
      %dma_wait3A_110 = arith.constant 0 : i32
      %dma_wait3A_111 = tpu.memref_slice %arg10[%run_scoped3A_71, %dma_wait3A_109, %dma_wait3A_110] : memref<2x128x128xf32, #tpu.memory_space<vmem>> -> memref<1x128x128xf32, #tpu.memory_space<vmem>>
      %dma_wait3A_112 = tpu.memref_squeeze %dma_wait3A_111 : memref<1x128x128xf32, #tpu.memory_space<vmem>> -> memref<128x128xf32, #tpu.memory_space<vmem>>
      %dma_wait3A_113 = arith.constant 0 : i32
      %dma_wait3A_114 = tpu.memref_slice %arg6[%add3A_70, %dma_wait3A_113] : memref<48640x128xf32, #tpu.memory_space<hbm>> -> memref<128x128xf32, #tpu.memory_space<hbm>>
      %dma_wait3A_115 = arith.constant 0 : i32
      %dma_wait3A_116 = tpu.memref_slice %arg6[%add3A_70, %dma_wait3A_115] : memref<48640x128xf32, #tpu.memory_space<hbm>> -> memref<128x128xf32, #tpu.memory_space<hbm>>
      %dma_wait3A_117 = arith.constant 0 : i32
      %dma_wait3A_118 = arith.constant 0 : i32
      %dma_wait3A_119 = tpu.memref_slice %arg10[%run_scoped3A_71, %dma_wait3A_117, %dma_wait3A_118] : memref<2x128x128xf32, #tpu.memory_space<vmem>> -> memref<1x128x128xf32, #tpu.memory_space<vmem>>
      %dma_wait3A_120 = tpu.memref_squeeze %dma_wait3A_119 : memref<1x128x128xf32, #tpu.memory_space<vmem>> -> memref<128x128xf32, #tpu.memory_space<vmem>>
      tpu.wait_dma2 semaphore(%run_scoped3A_96 : memref<!tpu.dma_semaphore, #tpu.memory_space<semaphore_mem>>) src(%dma_wait3A_120 : memref<128x128xf32, #tpu.memory_space<vmem>>) dst(%dma_wait3A_116 : memref<128x128xf32, #tpu.memory_space<hbm>>)
      tpu.yield
    }) : () -> ()
    %dma_wait3A_72 = arith.constant 1 : i32
    %dma_wait3A_73 = arith.constant 0 : i32
    %dma_wait3A_74 = arith.constant 0 : i32
    %dma_wait3A_75 = tpu.memref_slice %arg9[%dma_wait3A_72, %dma_wait3A_73, %dma_wait3A_74] : memref<2x128x128xf32, #tpu.memory_space<vmem>> -> memref<1x112x128xf32, #tpu.memory_space<vmem>>
    %dma_wait3A_76 = tpu.memref_squeeze %dma_wait3A_75 : memref<1x112x128xf32, #tpu.memory_space<vmem>> -> memref<112x128xf32, #tpu.memory_space<vmem>>
    %dma_wait3A_77 = arith.constant 1408 : i32
    %dma_wait3A_78 = tpu.memref_slice %arg7[%dma_wait3A_77] : memref<1520xi32, #tpu.memory_space<vmem>> -> memref<112xi32, #tpu.memory_space<vmem>>
    %dma_wait3A_79 = arith.constant 0 : i32
    %dma_wait3A_80 = arith.constant 0 : i32
    %dma_wait3A_81 = tpu.memref_slice %arg2[%dma_wait3A_79, %dma_wait3A_80] : memref<10000x128xf32, #tpu.memory_space<hbm>> -> memref<10000x128xf32, #tpu.memory_space<hbm>>
    tpu.wait_indirect_dma semaphore(%arg12 : memref<!tpu.dma_semaphore, #tpu.memory_space<semaphore_mem>>) src(%dma_wait3A_81 : memref<10000x128xf32, #tpu.memory_space<hbm>>) dst(%dma_wait3A_76 : memref<112x128xf32, #tpu.memory_space<vmem>>)
    %dma_wait3A_82 = arith.constant 1 : i32
    %dma_wait3A_83 = arith.constant 0 : i32
    %dma_wait3A_84 = arith.constant 0 : i32
    %dma_wait3A_85 = tpu.memref_slice %arg10[%dma_wait3A_82, %dma_wait3A_83, %dma_wait3A_84] : memref<2x128x128xf32, #tpu.memory_space<vmem>> -> memref<1x112x128xf32, #tpu.memory_space<vmem>>
    %dma_wait3A_86 = tpu.memref_squeeze %dma_wait3A_85 : memref<1x112x128xf32, #tpu.memory_space<vmem>> -> memref<112x128xf32, #tpu.memory_space<vmem>>
    %dma_wait3A_87 = arith.constant 1408 : i32
    %dma_wait3A_88 = tpu.memref_slice %arg8[%dma_wait3A_87] : memref<1520xi32, #tpu.memory_space<vmem>> -> memref<112xi32, #tpu.memory_space<vmem>>
    %dma_wait3A_89 = arith.constant 0 : i32
    %dma_wait3A_90 = arith.constant 0 : i32
    %dma_wait3A_91 = tpu.memref_slice %arg2[%dma_wait3A_89, %dma_wait3A_90] : memref<10000x128xf32, #tpu.memory_space<hbm>> -> memref<10000x128xf32, #tpu.memory_space<hbm>>
    tpu.wait_indirect_dma semaphore(%arg14 : memref<!tpu.dma_semaphore, #tpu.memory_space<semaphore_mem>>) src(%dma_wait3A_91 : memref<10000x128xf32, #tpu.memory_space<hbm>>) dst(%dma_wait3A_86 : memref<112x128xf32, #tpu.memory_space<vmem>>)
    %add3A_92 = arith.constant 1408 : i32
    %add3A_93 = arith.addi %mul3A_2, %add3A_92 : i32
    %run_scoped3A_94 = arith.constant 1 : i32
    "tpu.region"() ({
      %run_scoped3A_96 = tpu.sem_alloc : memref<!tpu.dma_semaphore, #tpu.memory_space<semaphore_mem>>
      %dma_start3A_97 = arith.constant 0 : i32
      %dma_start3A_98 = arith.constant 0 : i32
      %dma_start3A_99 = tpu.memref_slice %arg9[%run_scoped3A_94, %dma_start3A_97, %dma_start3A_98] : memref<2x128x128xf32, #tpu.memory_space<vmem>> -> memref<1x112x128xf32, #tpu.memory_space<vmem>>
      %dma_start3A_100 = tpu.memref_squeeze %dma_start3A_99 : memref<1x112x128xf32, #tpu.memory_space<vmem>> -> memref<112x128xf32, #tpu.memory_space<vmem>>
      %dma_start3A_101 = arith.constant 0 : i32
      %dma_start3A_102 = tpu.memref_slice %arg5[%add3A_93, %dma_start3A_101] : memref<48640x128xf32, #tpu.memory_space<hbm>> -> memref<112x128xf32, #tpu.memory_space<hbm>>
      %dma_start3A_103 = arith.constant 0 : i32
      %dma_start3A_104 = tpu.memref_slice %arg5[%add3A_93, %dma_start3A_103] : memref<48640x128xf32, #tpu.memory_space<hbm>> -> memref<112x128xf32, #tpu.memory_space<hbm>>
      %dma_start3A_105 = arith.constant 0 : i32
      %dma_start3A_106 = arith.constant 0 : i32
      %dma_start3A_107 = tpu.memref_slice %arg9[%run_scoped3A_94, %dma_start3A_105, %dma_start3A_106] : memref<2x128x128xf32, #tpu.memory_space<vmem>> -> memref<1x112x128xf32, #tpu.memory_space<vmem>>
      %dma_start3A_108 = tpu.memref_squeeze %dma_start3A_107 : memref<1x112x128xf32, #tpu.memory_space<vmem>> -> memref<112x128xf32, #tpu.memory_space<vmem>>
      tpu.enqueue_dma source(%dma_start3A_108 : memref<112x128xf32, #tpu.memory_space<vmem>>) target(%dma_start3A_104 : memref<112x128xf32, #tpu.memory_space<hbm>>) target_semaphore(%run_scoped3A_96 : memref<!tpu.dma_semaphore, #tpu.memory_space<semaphore_mem>>)
      %dma_wait3A_109 = arith.constant 0 : i32
      %dma_wait3A_110 = arith.constant 0 : i32
      %dma_wait3A_111 = tpu.memref_slice %arg9[%run_scoped3A_94, %dma_wait3A_109, %dma_wait3A_110] : memref<2x128x128xf32, #tpu.memory_space<vmem>> -> memref<1x112x128xf32, #tpu.memory_space<vmem>>
      %dma_wait3A_112 = tpu.memref_squeeze %dma_wait3A_111 : memref<1x112x128xf32, #tpu.memory_space<vmem>> -> memref<112x128xf32, #tpu.memory_space<vmem>>
      %dma_wait3A_113 = arith.constant 0 : i32
      %dma_wait3A_114 = tpu.memref_slice %arg5[%add3A_93, %dma_wait3A_113] : memref<48640x128xf32, #tpu.memory_space<hbm>> -> memref<112x128xf32, #tpu.memory_space<hbm>>
      %dma_wait3A_115 = arith.constant 0 : i32
      %dma_wait3A_116 = tpu.memref_slice %arg5[%add3A_93, %dma_wait3A_115] : memref<48640x128xf32, #tpu.memory_space<hbm>> -> memref<112x128xf32, #tpu.memory_space<hbm>>
      %dma_wait3A_117 = arith.constant 0 : i32
      %dma_wait3A_118 = arith.constant 0 : i32
      %dma_wait3A_119 = tpu.memref_slice %arg9[%run_scoped3A_94, %dma_wait3A_117, %dma_wait3A_118] : memref<2x128x128xf32, #tpu.memory_space<vmem>> -> memref<1x112x128xf32, #tpu.memory_space<vmem>>
      %dma_wait3A_120 = tpu.memref_squeeze %dma_wait3A_119 : memref<1x112x128xf32, #tpu.memory_space<vmem>> -> memref<112x128xf32, #tpu.memory_space<vmem>>
      tpu.wait_dma2 semaphore(%run_scoped3A_96 : memref<!tpu.dma_semaphore, #tpu.memory_space<semaphore_mem>>) src(%dma_wait3A_120 : memref<112x128xf32, #tpu.memory_space<vmem>>) dst(%dma_wait3A_116 : memref<112x128xf32, #tpu.memory_space<hbm>>)
      tpu.yield
    }) : () -> ()
    %run_scoped3A_95 = arith.constant 1 : i32
    "tpu.region"() ({
      %run_scoped3A_96 = tpu.sem_alloc : memref<!tpu.dma_semaphore, #tpu.memory_space<semaphore_mem>>
      %dma_start3A_97 = arith.constant 0 : i32
      %dma_start3A_98 = arith.constant 0 : i32
      %dma_start3A_99 = tpu.memref_slice %arg10[%run_scoped3A_95, %dma_start3A_97, %dma_start3A_98] : memref<2x128x128xf32, #tpu.memory_space<vmem>> -> memref<1x112x128xf32, #tpu.memory_space<vmem>>
      %dma_start3A_100 = tpu.memref_squeeze %dma_start3A_99 : memref<1x112x128xf32, #tpu.memory_space<vmem>> -> memref<112x128xf32, #tpu.memory_space<vmem>>
      %dma_start3A_101 = arith.constant 0 : i32
      %dma_start3A_102 = tpu.memref_slice %arg6[%add3A_93, %dma_start3A_101] : memref<48640x128xf32, #tpu.memory_space<hbm>> -> memref<112x128xf32, #tpu.memory_space<hbm>>
      %dma_start3A_103 = arith.constant 0 : i32
      %dma_start3A_104 = tpu.memref_slice %arg6[%add3A_93, %dma_start3A_103] : memref<48640x128xf32, #tpu.memory_space<hbm>> -> memref<112x128xf32, #tpu.memory_space<hbm>>
      %dma_start3A_105 = arith.constant 0 : i32
      %dma_start3A_106 = arith.constant 0 : i32
      %dma_start3A_107 = tpu.memref_slice %arg10[%run_scoped3A_95, %dma_start3A_105, %dma_start3A_106] : memref<2x128x128xf32, #tpu.memory_space<vmem>> -> memref<1x112x128xf32, #tpu.memory_space<vmem>>
      %dma_start3A_108 = tpu.memref_squeeze %dma_start3A_107 : memref<1x112x128xf32, #tpu.memory_space<vmem>> -> memref<112x128xf32, #tpu.memory_space<vmem>>
      tpu.enqueue_dma source(%dma_start3A_108 : memref<112x128xf32, #tpu.memory_space<vmem>>) target(%dma_start3A_104 : memref<112x128xf32, #tpu.memory_space<hbm>>) target_semaphore(%run_scoped3A_96 : memref<!tpu.dma_semaphore, #tpu.memory_space<semaphore_mem>>)
      %dma_wait3A_109 = arith.constant 0 : i32
      %dma_wait3A_110 = arith.constant 0 : i32
      %dma_wait3A_111 = tpu.memref_slice %arg10[%run_scoped3A_95, %dma_wait3A_109, %dma_wait3A_110] : memref<2x128x128xf32, #tpu.memory_space<vmem>> -> memref<1x112x128xf32, #tpu.memory_space<vmem>>
      %dma_wait3A_112 = tpu.memref_squeeze %dma_wait3A_111 : memref<1x112x128xf32, #tpu.memory_space<vmem>> -> memref<112x128xf32, #tpu.memory_space<vmem>>
      %dma_wait3A_113 = arith.constant 0 : i32
      %dma_wait3A_114 = tpu.memref_slice %arg6[%add3A_93, %dma_wait3A_113] : memref<48640x128xf32, #tpu.memory_space<hbm>> -> memref<112x128xf32, #tpu.memory_space<hbm>>
      %dma_wait3A_115 = arith.constant 0 : i32
      %dma_wait3A_116 = tpu.memref_slice %arg6[%add3A_93, %dma_wait3A_115] : memref<48640x128xf32, #tpu.memory_space<hbm>> -> memref<112x128xf32, #tpu.memory_space<hbm>>
      %dma_wait3A_117 = arith.constant 0 : i32
      %dma_wait3A_118 = arith.constant 0 : i32
      %dma_wait3A_119 = tpu.memref_slice %arg10[%run_scoped3A_95, %dma_wait3A_117, %dma_wait3A_118] : memref<2x128x128xf32, #tpu.memory_space<vmem>> -> memref<1x112x128xf32, #tpu.memory_space<vmem>>
      %dma_wait3A_120 = tpu.memref_squeeze %dma_wait3A_119 : memref<1x112x128xf32, #tpu.memory_space<vmem>> -> memref<112x128xf32, #tpu.memory_space<vmem>>
      tpu.wait_dma2 semaphore(%run_scoped3A_96 : memref<!tpu.dma_semaphore, #tpu.memory_space<semaphore_mem>>) src(%dma_wait3A_120 : memref<112x128xf32, #tpu.memory_space<vmem>>) dst(%dma_wait3A_116 : memref<112x128xf32, #tpu.memory_space<hbm>>)
      tpu.yield
    }) : () -> ()
    return
  }
}

#map = affine_map<(d0, d1) -> (0, 0)>
#map1 = affine_map<(d0, d1) -> (0)>
module attributes {stable_mosaic.version = 14 : i64} {
  func.func @gather_k(%arg0: i32, %arg1: i32, %arg2: memref<10000x128xf32, #tpu.memory_space<hbm>>, %arg3: memref<160000xi32, #tpu.memory_space<hbm>>, %arg4: memref<160000xi32, #tpu.memory_space<hbm>>, %arg5: memref<55040x128xf32, #tpu.memory_space<hbm>>, %arg6: memref<55040x128xf32, #tpu.memory_space<hbm>>, %arg7: memref<1720xi32, #tpu.memory_space<vmem>>, %arg8: memref<1720xi32, #tpu.memory_space<vmem>>, %arg9: memref<2x128x128xf32, #tpu.memory_space<vmem>>, %arg10: memref<2x128x128xf32, #tpu.memory_space<vmem>>, %arg11: memref<!tpu.dma_semaphore, #tpu.memory_space<semaphore_mem>>, %arg12: memref<!tpu.dma_semaphore, #tpu.memory_space<semaphore_mem>>, %arg13: memref<!tpu.dma_semaphore, #tpu.memory_space<semaphore_mem>>, %arg14: memref<!tpu.dma_semaphore, #tpu.memory_space<semaphore_mem>>) attributes {dimension_semantics = [#tpu.dimension_semantics<core_parallel>, #tpu.dimension_semantics<subcore_parallel>], iteration_bounds = array<i64: 2, 16>, scalar_prefetch = 0 : i64, scratch_operands = 8 : i64, tpu.core_type = #tpu.core_type<sc_vector_subcore>, window_params = [{transform_indices = #map}, {transform_indices = #map1}, {transform_indices = #map1}, {transform_indices = #map}, {transform_indices = #map}]} {
    %mul3A = arith.constant 2 : i32
    %mul3A_0 = arith.muli %arg1, %mul3A : i32
    %add3A = arith.addi %mul3A_0, %arg0 : i32
    %mul3A_1 = arith.constant 1720 : i32
    %mul3A_2 = arith.muli %add3A, %mul3A_1 : i32
    %add3A_3 = arith.constant 48640 : i32
    %add3A_4 = arith.addi %add3A_3, %mul3A_2 : i32
    "tpu.region"() ({
      %run_scoped3A_96 = tpu.sem_alloc : memref<!tpu.dma_semaphore, #tpu.memory_space<semaphore_mem>>
      %dma_start3A_97 = tpu.memref_slice %arg3[%add3A_4] : memref<160000xi32, #tpu.memory_space<hbm>> -> memref<1720xi32, #tpu.memory_space<hbm>>
      %dma_start3A_98 = tpu.memref_slice %arg3[%add3A_4] : memref<160000xi32, #tpu.memory_space<hbm>> -> memref<1720xi32, #tpu.memory_space<hbm>>
      tpu.enqueue_dma source(%dma_start3A_98 : memref<1720xi32, #tpu.memory_space<hbm>>) target(%arg7 : memref<1720xi32, #tpu.memory_space<vmem>>) target_semaphore(%run_scoped3A_96 : memref<!tpu.dma_semaphore, #tpu.memory_space<semaphore_mem>>)
      %dma_wait3A_99 = tpu.memref_slice %arg3[%add3A_4] : memref<160000xi32, #tpu.memory_space<hbm>> -> memref<1720xi32, #tpu.memory_space<hbm>>
      %dma_wait3A_100 = tpu.memref_slice %arg3[%add3A_4] : memref<160000xi32, #tpu.memory_space<hbm>> -> memref<1720xi32, #tpu.memory_space<hbm>>
      tpu.wait_dma2 semaphore(%run_scoped3A_96 : memref<!tpu.dma_semaphore, #tpu.memory_space<semaphore_mem>>) src(%dma_wait3A_100 : memref<1720xi32, #tpu.memory_space<hbm>>) dst(%arg7 : memref<1720xi32, #tpu.memory_space<vmem>>)
      tpu.yield
    }) : () -> ()
    %add3A_5 = arith.constant 48640 : i32
    %add3A_6 = arith.addi %add3A_5, %mul3A_2 : i32
    "tpu.region"() ({
      %run_scoped3A_96 = tpu.sem_alloc : memref<!tpu.dma_semaphore, #tpu.memory_space<semaphore_mem>>
      %dma_start3A_97 = tpu.memref_slice %arg4[%add3A_6] : memref<160000xi32, #tpu.memory_space<hbm>> -> memref<1720xi32, #tpu.memory_space<hbm>>
      %dma_start3A_98 = tpu.memref_slice %arg4[%add3A_6] : memref<160000xi32, #tpu.memory_space<hbm>> -> memref<1720xi32, #tpu.memory_space<hbm>>
      tpu.enqueue_dma source(%dma_start3A_98 : memref<1720xi32, #tpu.memory_space<hbm>>) target(%arg8 : memref<1720xi32, #tpu.memory_space<vmem>>) target_semaphore(%run_scoped3A_96 : memref<!tpu.dma_semaphore, #tpu.memory_space<semaphore_mem>>)
      %dma_wait3A_99 = tpu.memref_slice %arg4[%add3A_6] : memref<160000xi32, #tpu.memory_space<hbm>> -> memref<1720xi32, #tpu.memory_space<hbm>>
      %dma_wait3A_100 = tpu.memref_slice %arg4[%add3A_6] : memref<160000xi32, #tpu.memory_space<hbm>> -> memref<1720xi32, #tpu.memory_space<hbm>>
      tpu.wait_dma2 semaphore(%run_scoped3A_96 : memref<!tpu.dma_semaphore, #tpu.memory_space<semaphore_mem>>) src(%dma_wait3A_100 : memref<1720xi32, #tpu.memory_space<hbm>>) dst(%arg8 : memref<1720xi32, #tpu.memory_space<vmem>>)
      tpu.yield
    }) : () -> ()
    %dma_start3A = arith.constant 0 : i32
    %dma_start3A_7 = arith.constant 0 : i32
    %dma_start3A_8 = arith.constant 0 : i32
    %dma_start3A_9 = tpu.memref_slice %arg9[%dma_start3A, %dma_start3A_7, %dma_start3A_8] : memref<2x128x128xf32, #tpu.memory_space<vmem>> -> memref<1x128x128xf32, #tpu.memory_space<vmem>>
    %dma_start3A_10 = tpu.memref_squeeze %dma_start3A_9 : memref<1x128x128xf32, #tpu.memory_space<vmem>> -> memref<128x128xf32, #tpu.memory_space<vmem>>
    %dma_start3A_11 = arith.constant 0 : i32
    %dma_start3A_12 = tpu.memref_slice %arg7[%dma_start3A_11] : memref<1720xi32, #tpu.memory_space<vmem>> -> memref<128xi32, #tpu.memory_space<vmem>>
    %dma_start3A_13 = arith.constant 0 : i32
    %dma_start3A_14 = arith.constant 0 : i32
    %dma_start3A_15 = tpu.memref_slice %arg2[%dma_start3A_13, %dma_start3A_14] : memref<10000x128xf32, #tpu.memory_space<hbm>> -> memref<10000x128xf32, #tpu.memory_space<hbm>>
    tpu.enqueue_indirect_dma source(%dma_start3A_15 : memref<10000x128xf32, #tpu.memory_space<hbm>>) target(%dma_start3A_10 : memref<128x128xf32, #tpu.memory_space<vmem>>) offsets(%dma_start3A_12 : memref<128xi32, #tpu.memory_space<vmem>>) semaphore(%arg11 : memref<!tpu.dma_semaphore, #tpu.memory_space<semaphore_mem>>)
    %dma_start3A_16 = arith.constant 0 : i32
    %dma_start3A_17 = arith.constant 0 : i32
    %dma_start3A_18 = arith.constant 0 : i32
    %dma_start3A_19 = tpu.memref_slice %arg10[%dma_start3A_16, %dma_start3A_17, %dma_start3A_18] : memref<2x128x128xf32, #tpu.memory_space<vmem>> -> memref<1x128x128xf32, #tpu.memory_space<vmem>>
    %dma_start3A_20 = tpu.memref_squeeze %dma_start3A_19 : memref<1x128x128xf32, #tpu.memory_space<vmem>> -> memref<128x128xf32, #tpu.memory_space<vmem>>
    %dma_start3A_21 = arith.constant 0 : i32
    %dma_start3A_22 = tpu.memref_slice %arg8[%dma_start3A_21] : memref<1720xi32, #tpu.memory_space<vmem>> -> memref<128xi32, #tpu.memory_space<vmem>>
    %dma_start3A_23 = arith.constant 0 : i32
    %dma_start3A_24 = arith.constant 0 : i32
    %dma_start3A_25 = tpu.memref_slice %arg2[%dma_start3A_23, %dma_start3A_24] : memref<10000x128xf32, #tpu.memory_space<hbm>> -> memref<10000x128xf32, #tpu.memory_space<hbm>>
    tpu.enqueue_indirect_dma source(%dma_start3A_25 : memref<10000x128xf32, #tpu.memory_space<hbm>>) target(%dma_start3A_20 : memref<128x128xf32, #tpu.memory_space<vmem>>) offsets(%dma_start3A_22 : memref<128xi32, #tpu.memory_space<vmem>>) semaphore(%arg13 : memref<!tpu.dma_semaphore, #tpu.memory_space<semaphore_mem>>)
    %scan3A = arith.constant 0 : i32
    %scan3A_26 = arith.constant 6 : i32
    %scan3A_27 = arith.addi %scan3A, %scan3A_26 : i32
    %scan3A_28 = arith.constant 1 : i32
    scf.for %scan3A_96 = %scan3A to %scan3A_27 step %scan3A_28  : i32 {
      %mul3A_97 = arith.constant 2 : i32
      %mul3A_98 = arith.muli %mul3A_97, %scan3A_96 : i32
      %add3A_99 = arith.constant 1 : i32
      %add3A_100 = arith.addi %mul3A_98, %add3A_99 : i32
      %mul3A_101 = arith.constant 128 : i32
      %mul3A_102 = arith.muli %add3A_100, %mul3A_101 : i32
      %dma_start3A_103 = arith.constant 1 : i32
      %dma_start3A_104 = arith.constant 0 : i32
      %dma_start3A_105 = arith.constant 0 : i32
      %dma_start3A_106 = tpu.memref_slice %arg9[%dma_start3A_103, %dma_start3A_104, %dma_start3A_105] : memref<2x128x128xf32, #tpu.memory_space<vmem>> -> memref<1x128x128xf32, #tpu.memory_space<vmem>>
      %dma_start3A_107 = tpu.memref_squeeze %dma_start3A_106 : memref<1x128x128xf32, #tpu.memory_space<vmem>> -> memref<128x128xf32, #tpu.memory_space<vmem>>
      %dma_start3A_108 = tpu.memref_slice %arg7[%mul3A_102] : memref<1720xi32, #tpu.memory_space<vmem>> -> memref<128xi32, #tpu.memory_space<vmem>>
      %dma_start3A_109 = arith.constant 0 : i32
      %dma_start3A_110 = arith.constant 0 : i32
      %dma_start3A_111 = tpu.memref_slice %arg2[%dma_start3A_109, %dma_start3A_110] : memref<10000x128xf32, #tpu.memory_space<hbm>> -> memref<10000x128xf32, #tpu.memory_space<hbm>>
      tpu.enqueue_indirect_dma source(%dma_start3A_111 : memref<10000x128xf32, #tpu.memory_space<hbm>>) target(%dma_start3A_107 : memref<128x128xf32, #tpu.memory_space<vmem>>) offsets(%dma_start3A_108 : memref<128xi32, #tpu.memory_space<vmem>>) semaphore(%arg12 : memref<!tpu.dma_semaphore, #tpu.memory_space<semaphore_mem>>)
      %dma_start3A_112 = arith.constant 1 : i32
      %dma_start3A_113 = arith.constant 0 : i32
      %dma_start3A_114 = arith.constant 0 : i32
      %dma_start3A_115 = tpu.memref_slice %arg10[%dma_start3A_112, %dma_start3A_113, %dma_start3A_114] : memref<2x128x128xf32, #tpu.memory_space<vmem>> -> memref<1x128x128xf32, #tpu.memory_space<vmem>>
      %dma_start3A_116 = tpu.memref_squeeze %dma_start3A_115 : memref<1x128x128xf32, #tpu.memory_space<vmem>> -> memref<128x128xf32, #tpu.memory_space<vmem>>
      %dma_start3A_117 = tpu.memref_slice %arg8[%mul3A_102] : memref<1720xi32, #tpu.memory_space<vmem>> -> memref<128xi32, #tpu.memory_space<vmem>>
      %dma_start3A_118 = arith.constant 0 : i32
      %dma_start3A_119 = arith.constant 0 : i32
      %dma_start3A_120 = tpu.memref_slice %arg2[%dma_start3A_118, %dma_start3A_119] : memref<10000x128xf32, #tpu.memory_space<hbm>> -> memref<10000x128xf32, #tpu.memory_space<hbm>>
      tpu.enqueue_indirect_dma source(%dma_start3A_120 : memref<10000x128xf32, #tpu.memory_space<hbm>>) target(%dma_start3A_116 : memref<128x128xf32, #tpu.memory_space<vmem>>) offsets(%dma_start3A_117 : memref<128xi32, #tpu.memory_space<vmem>>) semaphore(%arg14 : memref<!tpu.dma_semaphore, #tpu.memory_space<semaphore_mem>>)
      %mul3A_121 = arith.constant 128 : i32
      %mul3A_122 = arith.muli %mul3A_98, %mul3A_121 : i32
      %dma_wait3A_123 = arith.constant 0 : i32
      %dma_wait3A_124 = arith.constant 0 : i32
      %dma_wait3A_125 = arith.constant 0 : i32
      %dma_wait3A_126 = tpu.memref_slice %arg9[%dma_wait3A_123, %dma_wait3A_124, %dma_wait3A_125] : memref<2x128x128xf32, #tpu.memory_space<vmem>> -> memref<1x128x128xf32, #tpu.memory_space<vmem>>
      %dma_wait3A_127 = tpu.memref_squeeze %dma_wait3A_126 : memref<1x128x128xf32, #tpu.memory_space<vmem>> -> memref<128x128xf32, #tpu.memory_space<vmem>>
      %dma_wait3A_128 = tpu.memref_slice %arg7[%mul3A_122] : memref<1720xi32, #tpu.memory_space<vmem>> -> memref<128xi32, #tpu.memory_space<vmem>>
      %dma_wait3A_129 = arith.constant 0 : i32
      %dma_wait3A_130 = arith.constant 0 : i32
      %dma_wait3A_131 = tpu.memref_slice %arg2[%dma_wait3A_129, %dma_wait3A_130] : memref<10000x128xf32, #tpu.memory_space<hbm>> -> memref<10000x128xf32, #tpu.memory_space<hbm>>
      tpu.wait_indirect_dma semaphore(%arg11 : memref<!tpu.dma_semaphore, #tpu.memory_space<semaphore_mem>>) src(%dma_wait3A_131 : memref<10000x128xf32, #tpu.memory_space<hbm>>) dst(%dma_wait3A_127 : memref<128x128xf32, #tpu.memory_space<vmem>>)
      %dma_wait3A_132 = arith.constant 0 : i32
      %dma_wait3A_133 = arith.constant 0 : i32
      %dma_wait3A_134 = arith.constant 0 : i32
      %dma_wait3A_135 = tpu.memref_slice %arg10[%dma_wait3A_132, %dma_wait3A_133, %dma_wait3A_134] : memref<2x128x128xf32, #tpu.memory_space<vmem>> -> memref<1x128x128xf32, #tpu.memory_space<vmem>>
      %dma_wait3A_136 = tpu.memref_squeeze %dma_wait3A_135 : memref<1x128x128xf32, #tpu.memory_space<vmem>> -> memref<128x128xf32, #tpu.memory_space<vmem>>
      %dma_wait3A_137 = tpu.memref_slice %arg8[%mul3A_122] : memref<1720xi32, #tpu.memory_space<vmem>> -> memref<128xi32, #tpu.memory_space<vmem>>
      %dma_wait3A_138 = arith.constant 0 : i32
      %dma_wait3A_139 = arith.constant 0 : i32
      %dma_wait3A_140 = tpu.memref_slice %arg2[%dma_wait3A_138, %dma_wait3A_139] : memref<10000x128xf32, #tpu.memory_space<hbm>> -> memref<10000x128xf32, #tpu.memory_space<hbm>>
      tpu.wait_indirect_dma semaphore(%arg13 : memref<!tpu.dma_semaphore, #tpu.memory_space<semaphore_mem>>) src(%dma_wait3A_140 : memref<10000x128xf32, #tpu.memory_space<hbm>>) dst(%dma_wait3A_136 : memref<128x128xf32, #tpu.memory_space<vmem>>)
      %mul3A_141 = arith.constant 128 : i32
      %mul3A_142 = arith.muli %mul3A_98, %mul3A_141 : i32
      %add3A_143 = arith.addi %mul3A_2, %mul3A_142 : i32
      %run_scoped3A_144 = arith.constant 0 : i32
      "tpu.region"() ({
        %run_scoped3A_197 = tpu.sem_alloc : memref<!tpu.dma_semaphore, #tpu.memory_space<semaphore_mem>>
        %dma_start3A_198 = arith.constant 0 : i32
        %dma_start3A_199 = arith.constant 0 : i32
        %dma_start3A_200 = tpu.memref_slice %arg9[%run_scoped3A_144, %dma_start3A_198, %dma_start3A_199] : memref<2x128x128xf32, #tpu.memory_space<vmem>> -> memref<1x128x128xf32, #tpu.memory_space<vmem>>
        %dma_start3A_201 = tpu.memref_squeeze %dma_start3A_200 : memref<1x128x128xf32, #tpu.memory_space<vmem>> -> memref<128x128xf32, #tpu.memory_space<vmem>>
        %dma_start3A_202 = arith.constant 0 : i32
        %dma_start3A_203 = tpu.memref_slice %arg5[%add3A_143, %dma_start3A_202] : memref<55040x128xf32, #tpu.memory_space<hbm>> -> memref<128x128xf32, #tpu.memory_space<hbm>>
        %dma_start3A_204 = arith.constant 0 : i32
        %dma_start3A_205 = tpu.memref_slice %arg5[%add3A_143, %dma_start3A_204] : memref<55040x128xf32, #tpu.memory_space<hbm>> -> memref<128x128xf32, #tpu.memory_space<hbm>>
        %dma_start3A_206 = arith.constant 0 : i32
        %dma_start3A_207 = arith.constant 0 : i32
        %dma_start3A_208 = tpu.memref_slice %arg9[%run_scoped3A_144, %dma_start3A_206, %dma_start3A_207] : memref<2x128x128xf32, #tpu.memory_space<vmem>> -> memref<1x128x128xf32, #tpu.memory_space<vmem>>
        %dma_start3A_209 = tpu.memref_squeeze %dma_start3A_208 : memref<1x128x128xf32, #tpu.memory_space<vmem>> -> memref<128x128xf32, #tpu.memory_space<vmem>>
        tpu.enqueue_dma source(%dma_start3A_209 : memref<128x128xf32, #tpu.memory_space<vmem>>) target(%dma_start3A_205 : memref<128x128xf32, #tpu.memory_space<hbm>>) target_semaphore(%run_scoped3A_197 : memref<!tpu.dma_semaphore, #tpu.memory_space<semaphore_mem>>)
        %dma_wait3A_210 = arith.constant 0 : i32
        %dma_wait3A_211 = arith.constant 0 : i32
        %dma_wait3A_212 = tpu.memref_slice %arg9[%run_scoped3A_144, %dma_wait3A_210, %dma_wait3A_211] : memref<2x128x128xf32, #tpu.memory_space<vmem>> -> memref<1x128x128xf32, #tpu.memory_space<vmem>>
        %dma_wait3A_213 = tpu.memref_squeeze %dma_wait3A_212 : memref<1x128x128xf32, #tpu.memory_space<vmem>> -> memref<128x128xf32, #tpu.memory_space<vmem>>
        %dma_wait3A_214 = arith.constant 0 : i32
        %dma_wait3A_215 = tpu.memref_slice %arg5[%add3A_143, %dma_wait3A_214] : memref<55040x128xf32, #tpu.memory_space<hbm>> -> memref<128x128xf32, #tpu.memory_space<hbm>>
        %dma_wait3A_216 = arith.constant 0 : i32
        %dma_wait3A_217 = tpu.memref_slice %arg5[%add3A_143, %dma_wait3A_216] : memref<55040x128xf32, #tpu.memory_space<hbm>> -> memref<128x128xf32, #tpu.memory_space<hbm>>
        %dma_wait3A_218 = arith.constant 0 : i32
        %dma_wait3A_219 = arith.constant 0 : i32
        %dma_wait3A_220 = tpu.memref_slice %arg9[%run_scoped3A_144, %dma_wait3A_218, %dma_wait3A_219] : memref<2x128x128xf32, #tpu.memory_space<vmem>> -> memref<1x128x128xf32, #tpu.memory_space<vmem>>
        %dma_wait3A_221 = tpu.memref_squeeze %dma_wait3A_220 : memref<1x128x128xf32, #tpu.memory_space<vmem>> -> memref<128x128xf32, #tpu.memory_space<vmem>>
        tpu.wait_dma2 semaphore(%run_scoped3A_197 : memref<!tpu.dma_semaphore, #tpu.memory_space<semaphore_mem>>) src(%dma_wait3A_221 : memref<128x128xf32, #tpu.memory_space<vmem>>) dst(%dma_wait3A_217 : memref<128x128xf32, #tpu.memory_space<hbm>>)
        tpu.yield
      }) : () -> ()
      %run_scoped3A_145 = arith.constant 0 : i32
      "tpu.region"() ({
        %run_scoped3A_197 = tpu.sem_alloc : memref<!tpu.dma_semaphore, #tpu.memory_space<semaphore_mem>>
        %dma_start3A_198 = arith.constant 0 : i32
        %dma_start3A_199 = arith.constant 0 : i32
        %dma_start3A_200 = tpu.memref_slice %arg10[%run_scoped3A_145, %dma_start3A_198, %dma_start3A_199] : memref<2x128x128xf32, #tpu.memory_space<vmem>> -> memref<1x128x128xf32, #tpu.memory_space<vmem>>
        %dma_start3A_201 = tpu.memref_squeeze %dma_start3A_200 : memref<1x128x128xf32, #tpu.memory_space<vmem>> -> memref<128x128xf32, #tpu.memory_space<vmem>>
        %dma_start3A_202 = arith.constant 0 : i32
        %dma_start3A_203 = tpu.memref_slice %arg6[%add3A_143, %dma_start3A_202] : memref<55040x128xf32, #tpu.memory_space<hbm>> -> memref<128x128xf32, #tpu.memory_space<hbm>>
        %dma_start3A_204 = arith.constant 0 : i32
        %dma_start3A_205 = tpu.memref_slice %arg6[%add3A_143, %dma_start3A_204] : memref<55040x128xf32, #tpu.memory_space<hbm>> -> memref<128x128xf32, #tpu.memory_space<hbm>>
        %dma_start3A_206 = arith.constant 0 : i32
        %dma_start3A_207 = arith.constant 0 : i32
        %dma_start3A_208 = tpu.memref_slice %arg10[%run_scoped3A_145, %dma_start3A_206, %dma_start3A_207] : memref<2x128x128xf32, #tpu.memory_space<vmem>> -> memref<1x128x128xf32, #tpu.memory_space<vmem>>
        %dma_start3A_209 = tpu.memref_squeeze %dma_start3A_208 : memref<1x128x128xf32, #tpu.memory_space<vmem>> -> memref<128x128xf32, #tpu.memory_space<vmem>>
        tpu.enqueue_dma source(%dma_start3A_209 : memref<128x128xf32, #tpu.memory_space<vmem>>) target(%dma_start3A_205 : memref<128x128xf32, #tpu.memory_space<hbm>>) target_semaphore(%run_scoped3A_197 : memref<!tpu.dma_semaphore, #tpu.memory_space<semaphore_mem>>)
        %dma_wait3A_210 = arith.constant 0 : i32
        %dma_wait3A_211 = arith.constant 0 : i32
        %dma_wait3A_212 = tpu.memref_slice %arg10[%run_scoped3A_145, %dma_wait3A_210, %dma_wait3A_211] : memref<2x128x128xf32, #tpu.memory_space<vmem>> -> memref<1x128x128xf32, #tpu.memory_space<vmem>>
        %dma_wait3A_213 = tpu.memref_squeeze %dma_wait3A_212 : memref<1x128x128xf32, #tpu.memory_space<vmem>> -> memref<128x128xf32, #tpu.memory_space<vmem>>
        %dma_wait3A_214 = arith.constant 0 : i32
        %dma_wait3A_215 = tpu.memref_slice %arg6[%add3A_143, %dma_wait3A_214] : memref<55040x128xf32, #tpu.memory_space<hbm>> -> memref<128x128xf32, #tpu.memory_space<hbm>>
        %dma_wait3A_216 = arith.constant 0 : i32
        %dma_wait3A_217 = tpu.memref_slice %arg6[%add3A_143, %dma_wait3A_216] : memref<55040x128xf32, #tpu.memory_space<hbm>> -> memref<128x128xf32, #tpu.memory_space<hbm>>
        %dma_wait3A_218 = arith.constant 0 : i32
        %dma_wait3A_219 = arith.constant 0 : i32
        %dma_wait3A_220 = tpu.memref_slice %arg10[%run_scoped3A_145, %dma_wait3A_218, %dma_wait3A_219] : memref<2x128x128xf32, #tpu.memory_space<vmem>> -> memref<1x128x128xf32, #tpu.memory_space<vmem>>
        %dma_wait3A_221 = tpu.memref_squeeze %dma_wait3A_220 : memref<1x128x128xf32, #tpu.memory_space<vmem>> -> memref<128x128xf32, #tpu.memory_space<vmem>>
        tpu.wait_dma2 semaphore(%run_scoped3A_197 : memref<!tpu.dma_semaphore, #tpu.memory_space<semaphore_mem>>) src(%dma_wait3A_221 : memref<128x128xf32, #tpu.memory_space<vmem>>) dst(%dma_wait3A_217 : memref<128x128xf32, #tpu.memory_space<hbm>>)
        tpu.yield
      }) : () -> ()
      %add3A_146 = arith.constant 2 : i32
      %add3A_147 = arith.addi %mul3A_98, %add3A_146 : i32
      %mul3A_148 = arith.constant 128 : i32
      %mul3A_149 = arith.muli %add3A_147, %mul3A_148 : i32
      %dma_start3A_150 = arith.constant 0 : i32
      %dma_start3A_151 = arith.constant 0 : i32
      %dma_start3A_152 = arith.constant 0 : i32
      %dma_start3A_153 = tpu.memref_slice %arg9[%dma_start3A_150, %dma_start3A_151, %dma_start3A_152] : memref<2x128x128xf32, #tpu.memory_space<vmem>> -> memref<1x128x128xf32, #tpu.memory_space<vmem>>
      %dma_start3A_154 = tpu.memref_squeeze %dma_start3A_153 : memref<1x128x128xf32, #tpu.memory_space<vmem>> -> memref<128x128xf32, #tpu.memory_space<vmem>>
      %dma_start3A_155 = tpu.memref_slice %arg7[%mul3A_149] : memref<1720xi32, #tpu.memory_space<vmem>> -> memref<128xi32, #tpu.memory_space<vmem>>
      %dma_start3A_156 = arith.constant 0 : i32
      %dma_start3A_157 = arith.constant 0 : i32
      %dma_start3A_158 = tpu.memref_slice %arg2[%dma_start3A_156, %dma_start3A_157] : memref<10000x128xf32, #tpu.memory_space<hbm>> -> memref<10000x128xf32, #tpu.memory_space<hbm>>
      tpu.enqueue_indirect_dma source(%dma_start3A_158 : memref<10000x128xf32, #tpu.memory_space<hbm>>) target(%dma_start3A_154 : memref<128x128xf32, #tpu.memory_space<vmem>>) offsets(%dma_start3A_155 : memref<128xi32, #tpu.memory_space<vmem>>) semaphore(%arg11 : memref<!tpu.dma_semaphore, #tpu.memory_space<semaphore_mem>>)
      %dma_start3A_159 = arith.constant 0 : i32
      %dma_start3A_160 = arith.constant 0 : i32
      %dma_start3A_161 = arith.constant 0 : i32
      %dma_start3A_162 = tpu.memref_slice %arg10[%dma_start3A_159, %dma_start3A_160, %dma_start3A_161] : memref<2x128x128xf32, #tpu.memory_space<vmem>> -> memref<1x128x128xf32, #tpu.memory_space<vmem>>
      %dma_start3A_163 = tpu.memref_squeeze %dma_start3A_162 : memref<1x128x128xf32, #tpu.memory_space<vmem>> -> memref<128x128xf32, #tpu.memory_space<vmem>>
      %dma_start3A_164 = tpu.memref_slice %arg8[%mul3A_149] : memref<1720xi32, #tpu.memory_space<vmem>> -> memref<128xi32, #tpu.memory_space<vmem>>
      %dma_start3A_165 = arith.constant 0 : i32
      %dma_start3A_166 = arith.constant 0 : i32
      %dma_start3A_167 = tpu.memref_slice %arg2[%dma_start3A_165, %dma_start3A_166] : memref<10000x128xf32, #tpu.memory_space<hbm>> -> memref<10000x128xf32, #tpu.memory_space<hbm>>
      tpu.enqueue_indirect_dma source(%dma_start3A_167 : memref<10000x128xf32, #tpu.memory_space<hbm>>) target(%dma_start3A_163 : memref<128x128xf32, #tpu.memory_space<vmem>>) offsets(%dma_start3A_164 : memref<128xi32, #tpu.memory_space<vmem>>) semaphore(%arg13 : memref<!tpu.dma_semaphore, #tpu.memory_space<semaphore_mem>>)
      %add3A_168 = arith.constant 1 : i32
      %add3A_169 = arith.addi %mul3A_98, %add3A_168 : i32
      %mul3A_170 = arith.constant 128 : i32
      %mul3A_171 = arith.muli %add3A_169, %mul3A_170 : i32
      %dma_wait3A_172 = arith.constant 1 : i32
      %dma_wait3A_173 = arith.constant 0 : i32
      %dma_wait3A_174 = arith.constant 0 : i32
      %dma_wait3A_175 = tpu.memref_slice %arg9[%dma_wait3A_172, %dma_wait3A_173, %dma_wait3A_174] : memref<2x128x128xf32, #tpu.memory_space<vmem>> -> memref<1x128x128xf32, #tpu.memory_space<vmem>>
      %dma_wait3A_176 = tpu.memref_squeeze %dma_wait3A_175 : memref<1x128x128xf32, #tpu.memory_space<vmem>> -> memref<128x128xf32, #tpu.memory_space<vmem>>
      %dma_wait3A_177 = tpu.memref_slice %arg7[%mul3A_171] : memref<1720xi32, #tpu.memory_space<vmem>> -> memref<128xi32, #tpu.memory_space<vmem>>
      %dma_wait3A_178 = arith.constant 0 : i32
      %dma_wait3A_179 = arith.constant 0 : i32
      %dma_wait3A_180 = tpu.memref_slice %arg2[%dma_wait3A_178, %dma_wait3A_179] : memref<10000x128xf32, #tpu.memory_space<hbm>> -> memref<10000x128xf32, #tpu.memory_space<hbm>>
      tpu.wait_indirect_dma semaphore(%arg12 : memref<!tpu.dma_semaphore, #tpu.memory_space<semaphore_mem>>) src(%dma_wait3A_180 : memref<10000x128xf32, #tpu.memory_space<hbm>>) dst(%dma_wait3A_176 : memref<128x128xf32, #tpu.memory_space<vmem>>)
      %dma_wait3A_181 = arith.constant 1 : i32
      %dma_wait3A_182 = arith.constant 0 : i32
      %dma_wait3A_183 = arith.constant 0 : i32
      %dma_wait3A_184 = tpu.memref_slice %arg10[%dma_wait3A_181, %dma_wait3A_182, %dma_wait3A_183] : memref<2x128x128xf32, #tpu.memory_space<vmem>> -> memref<1x128x128xf32, #tpu.memory_space<vmem>>
      %dma_wait3A_185 = tpu.memref_squeeze %dma_wait3A_184 : memref<1x128x128xf32, #tpu.memory_space<vmem>> -> memref<128x128xf32, #tpu.memory_space<vmem>>
      %dma_wait3A_186 = tpu.memref_slice %arg8[%mul3A_171] : memref<1720xi32, #tpu.memory_space<vmem>> -> memref<128xi32, #tpu.memory_space<vmem>>
      %dma_wait3A_187 = arith.constant 0 : i32
      %dma_wait3A_188 = arith.constant 0 : i32
      %dma_wait3A_189 = tpu.memref_slice %arg2[%dma_wait3A_187, %dma_wait3A_188] : memref<10000x128xf32, #tpu.memory_space<hbm>> -> memref<10000x128xf32, #tpu.memory_space<hbm>>
      tpu.wait_indirect_dma semaphore(%arg14 : memref<!tpu.dma_semaphore, #tpu.memory_space<semaphore_mem>>) src(%dma_wait3A_189 : memref<10000x128xf32, #tpu.memory_space<hbm>>) dst(%dma_wait3A_185 : memref<128x128xf32, #tpu.memory_space<vmem>>)
      %add3A_190 = arith.constant 1 : i32
      %add3A_191 = arith.addi %mul3A_98, %add3A_190 : i32
      %mul3A_192 = arith.constant 128 : i32
      %mul3A_193 = arith.muli %add3A_191, %mul3A_192 : i32
      %add3A_194 = arith.addi %mul3A_2, %mul3A_193 : i32
      %run_scoped3A_195 = arith.constant 1 : i32
      "tpu.region"() ({
        %run_scoped3A_197 = tpu.sem_alloc : memref<!tpu.dma_semaphore, #tpu.memory_space<semaphore_mem>>
        %dma_start3A_198 = arith.constant 0 : i32
        %dma_start3A_199 = arith.constant 0 : i32
        %dma_start3A_200 = tpu.memref_slice %arg9[%run_scoped3A_195, %dma_start3A_198, %dma_start3A_199] : memref<2x128x128xf32, #tpu.memory_space<vmem>> -> memref<1x128x128xf32, #tpu.memory_space<vmem>>
        %dma_start3A_201 = tpu.memref_squeeze %dma_start3A_200 : memref<1x128x128xf32, #tpu.memory_space<vmem>> -> memref<128x128xf32, #tpu.memory_space<vmem>>
        %dma_start3A_202 = arith.constant 0 : i32
        %dma_start3A_203 = tpu.memref_slice %arg5[%add3A_194, %dma_start3A_202] : memref<55040x128xf32, #tpu.memory_space<hbm>> -> memref<128x128xf32, #tpu.memory_space<hbm>>
        %dma_start3A_204 = arith.constant 0 : i32
        %dma_start3A_205 = tpu.memref_slice %arg5[%add3A_194, %dma_start3A_204] : memref<55040x128xf32, #tpu.memory_space<hbm>> -> memref<128x128xf32, #tpu.memory_space<hbm>>
        %dma_start3A_206 = arith.constant 0 : i32
        %dma_start3A_207 = arith.constant 0 : i32
        %dma_start3A_208 = tpu.memref_slice %arg9[%run_scoped3A_195, %dma_start3A_206, %dma_start3A_207] : memref<2x128x128xf32, #tpu.memory_space<vmem>> -> memref<1x128x128xf32, #tpu.memory_space<vmem>>
        %dma_start3A_209 = tpu.memref_squeeze %dma_start3A_208 : memref<1x128x128xf32, #tpu.memory_space<vmem>> -> memref<128x128xf32, #tpu.memory_space<vmem>>
        tpu.enqueue_dma source(%dma_start3A_209 : memref<128x128xf32, #tpu.memory_space<vmem>>) target(%dma_start3A_205 : memref<128x128xf32, #tpu.memory_space<hbm>>) target_semaphore(%run_scoped3A_197 : memref<!tpu.dma_semaphore, #tpu.memory_space<semaphore_mem>>)
        %dma_wait3A_210 = arith.constant 0 : i32
        %dma_wait3A_211 = arith.constant 0 : i32
        %dma_wait3A_212 = tpu.memref_slice %arg9[%run_scoped3A_195, %dma_wait3A_210, %dma_wait3A_211] : memref<2x128x128xf32, #tpu.memory_space<vmem>> -> memref<1x128x128xf32, #tpu.memory_space<vmem>>
        %dma_wait3A_213 = tpu.memref_squeeze %dma_wait3A_212 : memref<1x128x128xf32, #tpu.memory_space<vmem>> -> memref<128x128xf32, #tpu.memory_space<vmem>>
        %dma_wait3A_214 = arith.constant 0 : i32
        %dma_wait3A_215 = tpu.memref_slice %arg5[%add3A_194, %dma_wait3A_214] : memref<55040x128xf32, #tpu.memory_space<hbm>> -> memref<128x128xf32, #tpu.memory_space<hbm>>
        %dma_wait3A_216 = arith.constant 0 : i32
        %dma_wait3A_217 = tpu.memref_slice %arg5[%add3A_194, %dma_wait3A_216] : memref<55040x128xf32, #tpu.memory_space<hbm>> -> memref<128x128xf32, #tpu.memory_space<hbm>>
        %dma_wait3A_218 = arith.constant 0 : i32
        %dma_wait3A_219 = arith.constant 0 : i32
        %dma_wait3A_220 = tpu.memref_slice %arg9[%run_scoped3A_195, %dma_wait3A_218, %dma_wait3A_219] : memref<2x128x128xf32, #tpu.memory_space<vmem>> -> memref<1x128x128xf32, #tpu.memory_space<vmem>>
        %dma_wait3A_221 = tpu.memref_squeeze %dma_wait3A_220 : memref<1x128x128xf32, #tpu.memory_space<vmem>> -> memref<128x128xf32, #tpu.memory_space<vmem>>
        tpu.wait_dma2 semaphore(%run_scoped3A_197 : memref<!tpu.dma_semaphore, #tpu.memory_space<semaphore_mem>>) src(%dma_wait3A_221 : memref<128x128xf32, #tpu.memory_space<vmem>>) dst(%dma_wait3A_217 : memref<128x128xf32, #tpu.memory_space<hbm>>)
        tpu.yield
      }) : () -> ()
      %run_scoped3A_196 = arith.constant 1 : i32
      "tpu.region"() ({
        %run_scoped3A_197 = tpu.sem_alloc : memref<!tpu.dma_semaphore, #tpu.memory_space<semaphore_mem>>
        %dma_start3A_198 = arith.constant 0 : i32
        %dma_start3A_199 = arith.constant 0 : i32
        %dma_start3A_200 = tpu.memref_slice %arg10[%run_scoped3A_196, %dma_start3A_198, %dma_start3A_199] : memref<2x128x128xf32, #tpu.memory_space<vmem>> -> memref<1x128x128xf32, #tpu.memory_space<vmem>>
        %dma_start3A_201 = tpu.memref_squeeze %dma_start3A_200 : memref<1x128x128xf32, #tpu.memory_space<vmem>> -> memref<128x128xf32, #tpu.memory_space<vmem>>
        %dma_start3A_202 = arith.constant 0 : i32
        %dma_start3A_203 = tpu.memref_slice %arg6[%add3A_194, %dma_start3A_202] : memref<55040x128xf32, #tpu.memory_space<hbm>> -> memref<128x128xf32, #tpu.memory_space<hbm>>
        %dma_start3A_204 = arith.constant 0 : i32
        %dma_start3A_205 = tpu.memref_slice %arg6[%add3A_194, %dma_start3A_204] : memref<55040x128xf32, #tpu.memory_space<hbm>> -> memref<128x128xf32, #tpu.memory_space<hbm>>
        %dma_start3A_206 = arith.constant 0 : i32
        %dma_start3A_207 = arith.constant 0 : i32
        %dma_start3A_208 = tpu.memref_slice %arg10[%run_scoped3A_196, %dma_start3A_206, %dma_start3A_207] : memref<2x128x128xf32, #tpu.memory_space<vmem>> -> memref<1x128x128xf32, #tpu.memory_space<vmem>>
        %dma_start3A_209 = tpu.memref_squeeze %dma_start3A_208 : memref<1x128x128xf32, #tpu.memory_space<vmem>> -> memref<128x128xf32, #tpu.memory_space<vmem>>
        tpu.enqueue_dma source(%dma_start3A_209 : memref<128x128xf32, #tpu.memory_space<vmem>>) target(%dma_start3A_205 : memref<128x128xf32, #tpu.memory_space<hbm>>) target_semaphore(%run_scoped3A_197 : memref<!tpu.dma_semaphore, #tpu.memory_space<semaphore_mem>>)
        %dma_wait3A_210 = arith.constant 0 : i32
        %dma_wait3A_211 = arith.constant 0 : i32
        %dma_wait3A_212 = tpu.memref_slice %arg10[%run_scoped3A_196, %dma_wait3A_210, %dma_wait3A_211] : memref<2x128x128xf32, #tpu.memory_space<vmem>> -> memref<1x128x128xf32, #tpu.memory_space<vmem>>
        %dma_wait3A_213 = tpu.memref_squeeze %dma_wait3A_212 : memref<1x128x128xf32, #tpu.memory_space<vmem>> -> memref<128x128xf32, #tpu.memory_space<vmem>>
        %dma_wait3A_214 = arith.constant 0 : i32
        %dma_wait3A_215 = tpu.memref_slice %arg6[%add3A_194, %dma_wait3A_214] : memref<55040x128xf32, #tpu.memory_space<hbm>> -> memref<128x128xf32, #tpu.memory_space<hbm>>
        %dma_wait3A_216 = arith.constant 0 : i32
        %dma_wait3A_217 = tpu.memref_slice %arg6[%add3A_194, %dma_wait3A_216] : memref<55040x128xf32, #tpu.memory_space<hbm>> -> memref<128x128xf32, #tpu.memory_space<hbm>>
        %dma_wait3A_218 = arith.constant 0 : i32
        %dma_wait3A_219 = arith.constant 0 : i32
        %dma_wait3A_220 = tpu.memref_slice %arg10[%run_scoped3A_196, %dma_wait3A_218, %dma_wait3A_219] : memref<2x128x128xf32, #tpu.memory_space<vmem>> -> memref<1x128x128xf32, #tpu.memory_space<vmem>>
        %dma_wait3A_221 = tpu.memref_squeeze %dma_wait3A_220 : memref<1x128x128xf32, #tpu.memory_space<vmem>> -> memref<128x128xf32, #tpu.memory_space<vmem>>
        tpu.wait_dma2 semaphore(%run_scoped3A_197 : memref<!tpu.dma_semaphore, #tpu.memory_space<semaphore_mem>>) src(%dma_wait3A_221 : memref<128x128xf32, #tpu.memory_space<vmem>>) dst(%dma_wait3A_217 : memref<128x128xf32, #tpu.memory_space<hbm>>)
        tpu.yield
      }) : () -> ()
    }
    %scan3A_29 = arith.constant 6 : i32
    %dma_start3A_30 = arith.constant 1 : i32
    %dma_start3A_31 = arith.constant 0 : i32
    %dma_start3A_32 = arith.constant 0 : i32
    %dma_start3A_33 = tpu.memref_slice %arg9[%dma_start3A_30, %dma_start3A_31, %dma_start3A_32] : memref<2x128x128xf32, #tpu.memory_space<vmem>> -> memref<1x56x128xf32, #tpu.memory_space<vmem>>
    %dma_start3A_34 = tpu.memref_squeeze %dma_start3A_33 : memref<1x56x128xf32, #tpu.memory_space<vmem>> -> memref<56x128xf32, #tpu.memory_space<vmem>>
    %dma_start3A_35 = arith.constant 1664 : i32
    %dma_start3A_36 = tpu.memref_slice %arg7[%dma_start3A_35] : memref<1720xi32, #tpu.memory_space<vmem>> -> memref<56xi32, #tpu.memory_space<vmem>>
    %dma_start3A_37 = arith.constant 0 : i32
    %dma_start3A_38 = arith.constant 0 : i32
    %dma_start3A_39 = tpu.memref_slice %arg2[%dma_start3A_37, %dma_start3A_38] : memref<10000x128xf32, #tpu.memory_space<hbm>> -> memref<10000x128xf32, #tpu.memory_space<hbm>>
    tpu.enqueue_indirect_dma source(%dma_start3A_39 : memref<10000x128xf32, #tpu.memory_space<hbm>>) target(%dma_start3A_34 : memref<56x128xf32, #tpu.memory_space<vmem>>) offsets(%dma_start3A_36 : memref<56xi32, #tpu.memory_space<vmem>>) semaphore(%arg12 : memref<!tpu.dma_semaphore, #tpu.memory_space<semaphore_mem>>)
    %dma_start3A_40 = arith.constant 1 : i32
    %dma_start3A_41 = arith.constant 0 : i32
    %dma_start3A_42 = arith.constant 0 : i32
    %dma_start3A_43 = tpu.memref_slice %arg10[%dma_start3A_40, %dma_start3A_41, %dma_start3A_42] : memref<2x128x128xf32, #tpu.memory_space<vmem>> -> memref<1x56x128xf32, #tpu.memory_space<vmem>>
    %dma_start3A_44 = tpu.memref_squeeze %dma_start3A_43 : memref<1x56x128xf32, #tpu.memory_space<vmem>> -> memref<56x128xf32, #tpu.memory_space<vmem>>
    %dma_start3A_45 = arith.constant 1664 : i32
    %dma_start3A_46 = tpu.memref_slice %arg8[%dma_start3A_45] : memref<1720xi32, #tpu.memory_space<vmem>> -> memref<56xi32, #tpu.memory_space<vmem>>
    %dma_start3A_47 = arith.constant 0 : i32
    %dma_start3A_48 = arith.constant 0 : i32
    %dma_start3A_49 = tpu.memref_slice %arg2[%dma_start3A_47, %dma_start3A_48] : memref<10000x128xf32, #tpu.memory_space<hbm>> -> memref<10000x128xf32, #tpu.memory_space<hbm>>
    tpu.enqueue_indirect_dma source(%dma_start3A_49 : memref<10000x128xf32, #tpu.memory_space<hbm>>) target(%dma_start3A_44 : memref<56x128xf32, #tpu.memory_space<vmem>>) offsets(%dma_start3A_46 : memref<56xi32, #tpu.memory_space<vmem>>) semaphore(%arg14 : memref<!tpu.dma_semaphore, #tpu.memory_space<semaphore_mem>>)
    %dma_wait3A = arith.constant 0 : i32
    %dma_wait3A_50 = arith.constant 0 : i32
    %dma_wait3A_51 = arith.constant 0 : i32
    %dma_wait3A_52 = tpu.memref_slice %arg9[%dma_wait3A, %dma_wait3A_50, %dma_wait3A_51] : memref<2x128x128xf32, #tpu.memory_space<vmem>> -> memref<1x128x128xf32, #tpu.memory_space<vmem>>
    %dma_wait3A_53 = tpu.memref_squeeze %dma_wait3A_52 : memref<1x128x128xf32, #tpu.memory_space<vmem>> -> memref<128x128xf32, #tpu.memory_space<vmem>>
    %dma_wait3A_54 = arith.constant 1536 : i32
    %dma_wait3A_55 = tpu.memref_slice %arg7[%dma_wait3A_54] : memref<1720xi32, #tpu.memory_space<vmem>> -> memref<128xi32, #tpu.memory_space<vmem>>
    %dma_wait3A_56 = arith.constant 0 : i32
    %dma_wait3A_57 = arith.constant 0 : i32
    %dma_wait3A_58 = tpu.memref_slice %arg2[%dma_wait3A_56, %dma_wait3A_57] : memref<10000x128xf32, #tpu.memory_space<hbm>> -> memref<10000x128xf32, #tpu.memory_space<hbm>>
    tpu.wait_indirect_dma semaphore(%arg11 : memref<!tpu.dma_semaphore, #tpu.memory_space<semaphore_mem>>) src(%dma_wait3A_58 : memref<10000x128xf32, #tpu.memory_space<hbm>>) dst(%dma_wait3A_53 : memref<128x128xf32, #tpu.memory_space<vmem>>)
    %dma_wait3A_59 = arith.constant 0 : i32
    %dma_wait3A_60 = arith.constant 0 : i32
    %dma_wait3A_61 = arith.constant 0 : i32
    %dma_wait3A_62 = tpu.memref_slice %arg10[%dma_wait3A_59, %dma_wait3A_60, %dma_wait3A_61] : memref<2x128x128xf32, #tpu.memory_space<vmem>> -> memref<1x128x128xf32, #tpu.memory_space<vmem>>
    %dma_wait3A_63 = tpu.memref_squeeze %dma_wait3A_62 : memref<1x128x128xf32, #tpu.memory_space<vmem>> -> memref<128x128xf32, #tpu.memory_space<vmem>>
    %dma_wait3A_64 = arith.constant 1536 : i32
    %dma_wait3A_65 = tpu.memref_slice %arg8[%dma_wait3A_64] : memref<1720xi32, #tpu.memory_space<vmem>> -> memref<128xi32, #tpu.memory_space<vmem>>
    %dma_wait3A_66 = arith.constant 0 : i32
    %dma_wait3A_67 = arith.constant 0 : i32
    %dma_wait3A_68 = tpu.memref_slice %arg2[%dma_wait3A_66, %dma_wait3A_67] : memref<10000x128xf32, #tpu.memory_space<hbm>> -> memref<10000x128xf32, #tpu.memory_space<hbm>>
    tpu.wait_indirect_dma semaphore(%arg13 : memref<!tpu.dma_semaphore, #tpu.memory_space<semaphore_mem>>) src(%dma_wait3A_68 : memref<10000x128xf32, #tpu.memory_space<hbm>>) dst(%dma_wait3A_63 : memref<128x128xf32, #tpu.memory_space<vmem>>)
    %add3A_69 = arith.constant 1536 : i32
    %add3A_70 = arith.addi %mul3A_2, %add3A_69 : i32
    %run_scoped3A = arith.constant 0 : i32
    "tpu.region"() ({
      %run_scoped3A_96 = tpu.sem_alloc : memref<!tpu.dma_semaphore, #tpu.memory_space<semaphore_mem>>
      %dma_start3A_97 = arith.constant 0 : i32
      %dma_start3A_98 = arith.constant 0 : i32
      %dma_start3A_99 = tpu.memref_slice %arg9[%run_scoped3A, %dma_start3A_97, %dma_start3A_98] : memref<2x128x128xf32, #tpu.memory_space<vmem>> -> memref<1x128x128xf32, #tpu.memory_space<vmem>>
      %dma_start3A_100 = tpu.memref_squeeze %dma_start3A_99 : memref<1x128x128xf32, #tpu.memory_space<vmem>> -> memref<128x128xf32, #tpu.memory_space<vmem>>
      %dma_start3A_101 = arith.constant 0 : i32
      %dma_start3A_102 = tpu.memref_slice %arg5[%add3A_70, %dma_start3A_101] : memref<55040x128xf32, #tpu.memory_space<hbm>> -> memref<128x128xf32, #tpu.memory_space<hbm>>
      %dma_start3A_103 = arith.constant 0 : i32
      %dma_start3A_104 = tpu.memref_slice %arg5[%add3A_70, %dma_start3A_103] : memref<55040x128xf32, #tpu.memory_space<hbm>> -> memref<128x128xf32, #tpu.memory_space<hbm>>
      %dma_start3A_105 = arith.constant 0 : i32
      %dma_start3A_106 = arith.constant 0 : i32
      %dma_start3A_107 = tpu.memref_slice %arg9[%run_scoped3A, %dma_start3A_105, %dma_start3A_106] : memref<2x128x128xf32, #tpu.memory_space<vmem>> -> memref<1x128x128xf32, #tpu.memory_space<vmem>>
      %dma_start3A_108 = tpu.memref_squeeze %dma_start3A_107 : memref<1x128x128xf32, #tpu.memory_space<vmem>> -> memref<128x128xf32, #tpu.memory_space<vmem>>
      tpu.enqueue_dma source(%dma_start3A_108 : memref<128x128xf32, #tpu.memory_space<vmem>>) target(%dma_start3A_104 : memref<128x128xf32, #tpu.memory_space<hbm>>) target_semaphore(%run_scoped3A_96 : memref<!tpu.dma_semaphore, #tpu.memory_space<semaphore_mem>>)
      %dma_wait3A_109 = arith.constant 0 : i32
      %dma_wait3A_110 = arith.constant 0 : i32
      %dma_wait3A_111 = tpu.memref_slice %arg9[%run_scoped3A, %dma_wait3A_109, %dma_wait3A_110] : memref<2x128x128xf32, #tpu.memory_space<vmem>> -> memref<1x128x128xf32, #tpu.memory_space<vmem>>
      %dma_wait3A_112 = tpu.memref_squeeze %dma_wait3A_111 : memref<1x128x128xf32, #tpu.memory_space<vmem>> -> memref<128x128xf32, #tpu.memory_space<vmem>>
      %dma_wait3A_113 = arith.constant 0 : i32
      %dma_wait3A_114 = tpu.memref_slice %arg5[%add3A_70, %dma_wait3A_113] : memref<55040x128xf32, #tpu.memory_space<hbm>> -> memref<128x128xf32, #tpu.memory_space<hbm>>
      %dma_wait3A_115 = arith.constant 0 : i32
      %dma_wait3A_116 = tpu.memref_slice %arg5[%add3A_70, %dma_wait3A_115] : memref<55040x128xf32, #tpu.memory_space<hbm>> -> memref<128x128xf32, #tpu.memory_space<hbm>>
      %dma_wait3A_117 = arith.constant 0 : i32
      %dma_wait3A_118 = arith.constant 0 : i32
      %dma_wait3A_119 = tpu.memref_slice %arg9[%run_scoped3A, %dma_wait3A_117, %dma_wait3A_118] : memref<2x128x128xf32, #tpu.memory_space<vmem>> -> memref<1x128x128xf32, #tpu.memory_space<vmem>>
      %dma_wait3A_120 = tpu.memref_squeeze %dma_wait3A_119 : memref<1x128x128xf32, #tpu.memory_space<vmem>> -> memref<128x128xf32, #tpu.memory_space<vmem>>
      tpu.wait_dma2 semaphore(%run_scoped3A_96 : memref<!tpu.dma_semaphore, #tpu.memory_space<semaphore_mem>>) src(%dma_wait3A_120 : memref<128x128xf32, #tpu.memory_space<vmem>>) dst(%dma_wait3A_116 : memref<128x128xf32, #tpu.memory_space<hbm>>)
      tpu.yield
    }) : () -> ()
    %run_scoped3A_71 = arith.constant 0 : i32
    "tpu.region"() ({
      %run_scoped3A_96 = tpu.sem_alloc : memref<!tpu.dma_semaphore, #tpu.memory_space<semaphore_mem>>
      %dma_start3A_97 = arith.constant 0 : i32
      %dma_start3A_98 = arith.constant 0 : i32
      %dma_start3A_99 = tpu.memref_slice %arg10[%run_scoped3A_71, %dma_start3A_97, %dma_start3A_98] : memref<2x128x128xf32, #tpu.memory_space<vmem>> -> memref<1x128x128xf32, #tpu.memory_space<vmem>>
      %dma_start3A_100 = tpu.memref_squeeze %dma_start3A_99 : memref<1x128x128xf32, #tpu.memory_space<vmem>> -> memref<128x128xf32, #tpu.memory_space<vmem>>
      %dma_start3A_101 = arith.constant 0 : i32
      %dma_start3A_102 = tpu.memref_slice %arg6[%add3A_70, %dma_start3A_101] : memref<55040x128xf32, #tpu.memory_space<hbm>> -> memref<128x128xf32, #tpu.memory_space<hbm>>
      %dma_start3A_103 = arith.constant 0 : i32
      %dma_start3A_104 = tpu.memref_slice %arg6[%add3A_70, %dma_start3A_103] : memref<55040x128xf32, #tpu.memory_space<hbm>> -> memref<128x128xf32, #tpu.memory_space<hbm>>
      %dma_start3A_105 = arith.constant 0 : i32
      %dma_start3A_106 = arith.constant 0 : i32
      %dma_start3A_107 = tpu.memref_slice %arg10[%run_scoped3A_71, %dma_start3A_105, %dma_start3A_106] : memref<2x128x128xf32, #tpu.memory_space<vmem>> -> memref<1x128x128xf32, #tpu.memory_space<vmem>>
      %dma_start3A_108 = tpu.memref_squeeze %dma_start3A_107 : memref<1x128x128xf32, #tpu.memory_space<vmem>> -> memref<128x128xf32, #tpu.memory_space<vmem>>
      tpu.enqueue_dma source(%dma_start3A_108 : memref<128x128xf32, #tpu.memory_space<vmem>>) target(%dma_start3A_104 : memref<128x128xf32, #tpu.memory_space<hbm>>) target_semaphore(%run_scoped3A_96 : memref<!tpu.dma_semaphore, #tpu.memory_space<semaphore_mem>>)
      %dma_wait3A_109 = arith.constant 0 : i32
      %dma_wait3A_110 = arith.constant 0 : i32
      %dma_wait3A_111 = tpu.memref_slice %arg10[%run_scoped3A_71, %dma_wait3A_109, %dma_wait3A_110] : memref<2x128x128xf32, #tpu.memory_space<vmem>> -> memref<1x128x128xf32, #tpu.memory_space<vmem>>
      %dma_wait3A_112 = tpu.memref_squeeze %dma_wait3A_111 : memref<1x128x128xf32, #tpu.memory_space<vmem>> -> memref<128x128xf32, #tpu.memory_space<vmem>>
      %dma_wait3A_113 = arith.constant 0 : i32
      %dma_wait3A_114 = tpu.memref_slice %arg6[%add3A_70, %dma_wait3A_113] : memref<55040x128xf32, #tpu.memory_space<hbm>> -> memref<128x128xf32, #tpu.memory_space<hbm>>
      %dma_wait3A_115 = arith.constant 0 : i32
      %dma_wait3A_116 = tpu.memref_slice %arg6[%add3A_70, %dma_wait3A_115] : memref<55040x128xf32, #tpu.memory_space<hbm>> -> memref<128x128xf32, #tpu.memory_space<hbm>>
      %dma_wait3A_117 = arith.constant 0 : i32
      %dma_wait3A_118 = arith.constant 0 : i32
      %dma_wait3A_119 = tpu.memref_slice %arg10[%run_scoped3A_71, %dma_wait3A_117, %dma_wait3A_118] : memref<2x128x128xf32, #tpu.memory_space<vmem>> -> memref<1x128x128xf32, #tpu.memory_space<vmem>>
      %dma_wait3A_120 = tpu.memref_squeeze %dma_wait3A_119 : memref<1x128x128xf32, #tpu.memory_space<vmem>> -> memref<128x128xf32, #tpu.memory_space<vmem>>
      tpu.wait_dma2 semaphore(%run_scoped3A_96 : memref<!tpu.dma_semaphore, #tpu.memory_space<semaphore_mem>>) src(%dma_wait3A_120 : memref<128x128xf32, #tpu.memory_space<vmem>>) dst(%dma_wait3A_116 : memref<128x128xf32, #tpu.memory_space<hbm>>)
      tpu.yield
    }) : () -> ()
    %dma_wait3A_72 = arith.constant 1 : i32
    %dma_wait3A_73 = arith.constant 0 : i32
    %dma_wait3A_74 = arith.constant 0 : i32
    %dma_wait3A_75 = tpu.memref_slice %arg9[%dma_wait3A_72, %dma_wait3A_73, %dma_wait3A_74] : memref<2x128x128xf32, #tpu.memory_space<vmem>> -> memref<1x56x128xf32, #tpu.memory_space<vmem>>
    %dma_wait3A_76 = tpu.memref_squeeze %dma_wait3A_75 : memref<1x56x128xf32, #tpu.memory_space<vmem>> -> memref<56x128xf32, #tpu.memory_space<vmem>>
    %dma_wait3A_77 = arith.constant 1664 : i32
    %dma_wait3A_78 = tpu.memref_slice %arg7[%dma_wait3A_77] : memref<1720xi32, #tpu.memory_space<vmem>> -> memref<56xi32, #tpu.memory_space<vmem>>
    %dma_wait3A_79 = arith.constant 0 : i32
    %dma_wait3A_80 = arith.constant 0 : i32
    %dma_wait3A_81 = tpu.memref_slice %arg2[%dma_wait3A_79, %dma_wait3A_80] : memref<10000x128xf32, #tpu.memory_space<hbm>> -> memref<10000x128xf32, #tpu.memory_space<hbm>>
    tpu.wait_indirect_dma semaphore(%arg12 : memref<!tpu.dma_semaphore, #tpu.memory_space<semaphore_mem>>) src(%dma_wait3A_81 : memref<10000x128xf32, #tpu.memory_space<hbm>>) dst(%dma_wait3A_76 : memref<56x128xf32, #tpu.memory_space<vmem>>)
    %dma_wait3A_82 = arith.constant 1 : i32
    %dma_wait3A_83 = arith.constant 0 : i32
    %dma_wait3A_84 = arith.constant 0 : i32
    %dma_wait3A_85 = tpu.memref_slice %arg10[%dma_wait3A_82, %dma_wait3A_83, %dma_wait3A_84] : memref<2x128x128xf32, #tpu.memory_space<vmem>> -> memref<1x56x128xf32, #tpu.memory_space<vmem>>
    %dma_wait3A_86 = tpu.memref_squeeze %dma_wait3A_85 : memref<1x56x128xf32, #tpu.memory_space<vmem>> -> memref<56x128xf32, #tpu.memory_space<vmem>>
    %dma_wait3A_87 = arith.constant 1664 : i32
    %dma_wait3A_88 = tpu.memref_slice %arg8[%dma_wait3A_87] : memref<1720xi32, #tpu.memory_space<vmem>> -> memref<56xi32, #tpu.memory_space<vmem>>
    %dma_wait3A_89 = arith.constant 0 : i32
    %dma_wait3A_90 = arith.constant 0 : i32
    %dma_wait3A_91 = tpu.memref_slice %arg2[%dma_wait3A_89, %dma_wait3A_90] : memref<10000x128xf32, #tpu.memory_space<hbm>> -> memref<10000x128xf32, #tpu.memory_space<hbm>>
    tpu.wait_indirect_dma semaphore(%arg14 : memref<!tpu.dma_semaphore, #tpu.memory_space<semaphore_mem>>) src(%dma_wait3A_91 : memref<10000x128xf32, #tpu.memory_space<hbm>>) dst(%dma_wait3A_86 : memref<56x128xf32, #tpu.memory_space<vmem>>)
    %add3A_92 = arith.constant 1664 : i32
    %add3A_93 = arith.addi %mul3A_2, %add3A_92 : i32
    %run_scoped3A_94 = arith.constant 1 : i32
    "tpu.region"() ({
      %run_scoped3A_96 = tpu.sem_alloc : memref<!tpu.dma_semaphore, #tpu.memory_space<semaphore_mem>>
      %dma_start3A_97 = arith.constant 0 : i32
      %dma_start3A_98 = arith.constant 0 : i32
      %dma_start3A_99 = tpu.memref_slice %arg9[%run_scoped3A_94, %dma_start3A_97, %dma_start3A_98] : memref<2x128x128xf32, #tpu.memory_space<vmem>> -> memref<1x56x128xf32, #tpu.memory_space<vmem>>
      %dma_start3A_100 = tpu.memref_squeeze %dma_start3A_99 : memref<1x56x128xf32, #tpu.memory_space<vmem>> -> memref<56x128xf32, #tpu.memory_space<vmem>>
      %dma_start3A_101 = arith.constant 0 : i32
      %dma_start3A_102 = tpu.memref_slice %arg5[%add3A_93, %dma_start3A_101] : memref<55040x128xf32, #tpu.memory_space<hbm>> -> memref<56x128xf32, #tpu.memory_space<hbm>>
      %dma_start3A_103 = arith.constant 0 : i32
      %dma_start3A_104 = tpu.memref_slice %arg5[%add3A_93, %dma_start3A_103] : memref<55040x128xf32, #tpu.memory_space<hbm>> -> memref<56x128xf32, #tpu.memory_space<hbm>>
      %dma_start3A_105 = arith.constant 0 : i32
      %dma_start3A_106 = arith.constant 0 : i32
      %dma_start3A_107 = tpu.memref_slice %arg9[%run_scoped3A_94, %dma_start3A_105, %dma_start3A_106] : memref<2x128x128xf32, #tpu.memory_space<vmem>> -> memref<1x56x128xf32, #tpu.memory_space<vmem>>
      %dma_start3A_108 = tpu.memref_squeeze %dma_start3A_107 : memref<1x56x128xf32, #tpu.memory_space<vmem>> -> memref<56x128xf32, #tpu.memory_space<vmem>>
      tpu.enqueue_dma source(%dma_start3A_108 : memref<56x128xf32, #tpu.memory_space<vmem>>) target(%dma_start3A_104 : memref<56x128xf32, #tpu.memory_space<hbm>>) target_semaphore(%run_scoped3A_96 : memref<!tpu.dma_semaphore, #tpu.memory_space<semaphore_mem>>)
      %dma_wait3A_109 = arith.constant 0 : i32
      %dma_wait3A_110 = arith.constant 0 : i32
      %dma_wait3A_111 = tpu.memref_slice %arg9[%run_scoped3A_94, %dma_wait3A_109, %dma_wait3A_110] : memref<2x128x128xf32, #tpu.memory_space<vmem>> -> memref<1x56x128xf32, #tpu.memory_space<vmem>>
      %dma_wait3A_112 = tpu.memref_squeeze %dma_wait3A_111 : memref<1x56x128xf32, #tpu.memory_space<vmem>> -> memref<56x128xf32, #tpu.memory_space<vmem>>
      %dma_wait3A_113 = arith.constant 0 : i32
      %dma_wait3A_114 = tpu.memref_slice %arg5[%add3A_93, %dma_wait3A_113] : memref<55040x128xf32, #tpu.memory_space<hbm>> -> memref<56x128xf32, #tpu.memory_space<hbm>>
      %dma_wait3A_115 = arith.constant 0 : i32
      %dma_wait3A_116 = tpu.memref_slice %arg5[%add3A_93, %dma_wait3A_115] : memref<55040x128xf32, #tpu.memory_space<hbm>> -> memref<56x128xf32, #tpu.memory_space<hbm>>
      %dma_wait3A_117 = arith.constant 0 : i32
      %dma_wait3A_118 = arith.constant 0 : i32
      %dma_wait3A_119 = tpu.memref_slice %arg9[%run_scoped3A_94, %dma_wait3A_117, %dma_wait3A_118] : memref<2x128x128xf32, #tpu.memory_space<vmem>> -> memref<1x56x128xf32, #tpu.memory_space<vmem>>
      %dma_wait3A_120 = tpu.memref_squeeze %dma_wait3A_119 : memref<1x56x128xf32, #tpu.memory_space<vmem>> -> memref<56x128xf32, #tpu.memory_space<vmem>>
      tpu.wait_dma2 semaphore(%run_scoped3A_96 : memref<!tpu.dma_semaphore, #tpu.memory_space<semaphore_mem>>) src(%dma_wait3A_120 : memref<56x128xf32, #tpu.memory_space<vmem>>) dst(%dma_wait3A_116 : memref<56x128xf32, #tpu.memory_space<hbm>>)
      tpu.yield
    }) : () -> ()
    %run_scoped3A_95 = arith.constant 1 : i32
    "tpu.region"() ({
      %run_scoped3A_96 = tpu.sem_alloc : memref<!tpu.dma_semaphore, #tpu.memory_space<semaphore_mem>>
      %dma_start3A_97 = arith.constant 0 : i32
      %dma_start3A_98 = arith.constant 0 : i32
      %dma_start3A_99 = tpu.memref_slice %arg10[%run_scoped3A_95, %dma_start3A_97, %dma_start3A_98] : memref<2x128x128xf32, #tpu.memory_space<vmem>> -> memref<1x56x128xf32, #tpu.memory_space<vmem>>
      %dma_start3A_100 = tpu.memref_squeeze %dma_start3A_99 : memref<1x56x128xf32, #tpu.memory_space<vmem>> -> memref<56x128xf32, #tpu.memory_space<vmem>>
      %dma_start3A_101 = arith.constant 0 : i32
      %dma_start3A_102 = tpu.memref_slice %arg6[%add3A_93, %dma_start3A_101] : memref<55040x128xf32, #tpu.memory_space<hbm>> -> memref<56x128xf32, #tpu.memory_space<hbm>>
      %dma_start3A_103 = arith.constant 0 : i32
      %dma_start3A_104 = tpu.memref_slice %arg6[%add3A_93, %dma_start3A_103] : memref<55040x128xf32, #tpu.memory_space<hbm>> -> memref<56x128xf32, #tpu.memory_space<hbm>>
      %dma_start3A_105 = arith.constant 0 : i32
      %dma_start3A_106 = arith.constant 0 : i32
      %dma_start3A_107 = tpu.memref_slice %arg10[%run_scoped3A_95, %dma_start3A_105, %dma_start3A_106] : memref<2x128x128xf32, #tpu.memory_space<vmem>> -> memref<1x56x128xf32, #tpu.memory_space<vmem>>
      %dma_start3A_108 = tpu.memref_squeeze %dma_start3A_107 : memref<1x56x128xf32, #tpu.memory_space<vmem>> -> memref<56x128xf32, #tpu.memory_space<vmem>>
      tpu.enqueue_dma source(%dma_start3A_108 : memref<56x128xf32, #tpu.memory_space<vmem>>) target(%dma_start3A_104 : memref<56x128xf32, #tpu.memory_space<hbm>>) target_semaphore(%run_scoped3A_96 : memref<!tpu.dma_semaphore, #tpu.memory_space<semaphore_mem>>)
      %dma_wait3A_109 = arith.constant 0 : i32
      %dma_wait3A_110 = arith.constant 0 : i32
      %dma_wait3A_111 = tpu.memref_slice %arg10[%run_scoped3A_95, %dma_wait3A_109, %dma_wait3A_110] : memref<2x128x128xf32, #tpu.memory_space<vmem>> -> memref<1x56x128xf32, #tpu.memory_space<vmem>>
      %dma_wait3A_112 = tpu.memref_squeeze %dma_wait3A_111 : memref<1x56x128xf32, #tpu.memory_space<vmem>> -> memref<56x128xf32, #tpu.memory_space<vmem>>
      %dma_wait3A_113 = arith.constant 0 : i32
      %dma_wait3A_114 = tpu.memref_slice %arg6[%add3A_93, %dma_wait3A_113] : memref<55040x128xf32, #tpu.memory_space<hbm>> -> memref<56x128xf32, #tpu.memory_space<hbm>>
      %dma_wait3A_115 = arith.constant 0 : i32
      %dma_wait3A_116 = tpu.memref_slice %arg6[%add3A_93, %dma_wait3A_115] : memref<55040x128xf32, #tpu.memory_space<hbm>> -> memref<56x128xf32, #tpu.memory_space<hbm>>
      %dma_wait3A_117 = arith.constant 0 : i32
      %dma_wait3A_118 = arith.constant 0 : i32
      %dma_wait3A_119 = tpu.memref_slice %arg10[%run_scoped3A_95, %dma_wait3A_117, %dma_wait3A_118] : memref<2x128x128xf32, #tpu.memory_space<vmem>> -> memref<1x56x128xf32, #tpu.memory_space<vmem>>
      %dma_wait3A_120 = tpu.memref_squeeze %dma_wait3A_119 : memref<1x56x128xf32, #tpu.memory_space<vmem>> -> memref<56x128xf32, #tpu.memory_space<vmem>>
      tpu.wait_dma2 semaphore(%run_scoped3A_96 : memref<!tpu.dma_semaphore, #tpu.memory_space<semaphore_mem>>) src(%dma_wait3A_120 : memref<56x128xf32, #tpu.memory_space<vmem>>) dst(%dma_wait3A_116 : memref<56x128xf32, #tpu.memory_space<hbm>>)
      tpu.yield
    }) : () -> ()
    return
  }
}

#map = affine_map<(d0, d1) -> (0, 0)>
#map1 = affine_map<(d0, d1) -> (0)>
module attributes {stable_mosaic.version = 14 : i64} {
  func.func @gather_k(%arg0: i32, %arg1: i32, %arg2: memref<10000x128xf32, #tpu.memory_space<hbm>>, %arg3: memref<160000xi32, #tpu.memory_space<hbm>>, %arg4: memref<160000xi32, #tpu.memory_space<hbm>>, %arg5: memref<56320x128xf32, #tpu.memory_space<hbm>>, %arg6: memref<56320x128xf32, #tpu.memory_space<hbm>>, %arg7: memref<1760xi32, #tpu.memory_space<vmem>>, %arg8: memref<1760xi32, #tpu.memory_space<vmem>>, %arg9: memref<2x128x128xf32, #tpu.memory_space<vmem>>, %arg10: memref<2x128x128xf32, #tpu.memory_space<vmem>>, %arg11: memref<!tpu.dma_semaphore, #tpu.memory_space<semaphore_mem>>, %arg12: memref<!tpu.dma_semaphore, #tpu.memory_space<semaphore_mem>>, %arg13: memref<!tpu.dma_semaphore, #tpu.memory_space<semaphore_mem>>, %arg14: memref<!tpu.dma_semaphore, #tpu.memory_space<semaphore_mem>>) attributes {dimension_semantics = [#tpu.dimension_semantics<core_parallel>, #tpu.dimension_semantics<subcore_parallel>], iteration_bounds = array<i64: 2, 16>, scalar_prefetch = 0 : i64, scratch_operands = 8 : i64, tpu.core_type = #tpu.core_type<sc_vector_subcore>, window_params = [{transform_indices = #map}, {transform_indices = #map1}, {transform_indices = #map1}, {transform_indices = #map}, {transform_indices = #map}]} {
    %mul3A = arith.constant 2 : i32
    %mul3A_0 = arith.muli %arg1, %mul3A : i32
    %add3A = arith.addi %mul3A_0, %arg0 : i32
    %mul3A_1 = arith.constant 1760 : i32
    %mul3A_2 = arith.muli %add3A, %mul3A_1 : i32
    %add3A_3 = arith.constant 103680 : i32
    %add3A_4 = arith.addi %add3A_3, %mul3A_2 : i32
    "tpu.region"() ({
      %run_scoped3A_96 = tpu.sem_alloc : memref<!tpu.dma_semaphore, #tpu.memory_space<semaphore_mem>>
      %dma_start3A_97 = tpu.memref_slice %arg3[%add3A_4] : memref<160000xi32, #tpu.memory_space<hbm>> -> memref<1760xi32, #tpu.memory_space<hbm>>
      %dma_start3A_98 = tpu.memref_slice %arg3[%add3A_4] : memref<160000xi32, #tpu.memory_space<hbm>> -> memref<1760xi32, #tpu.memory_space<hbm>>
      tpu.enqueue_dma source(%dma_start3A_98 : memref<1760xi32, #tpu.memory_space<hbm>>) target(%arg7 : memref<1760xi32, #tpu.memory_space<vmem>>) target_semaphore(%run_scoped3A_96 : memref<!tpu.dma_semaphore, #tpu.memory_space<semaphore_mem>>)
      %dma_wait3A_99 = tpu.memref_slice %arg3[%add3A_4] : memref<160000xi32, #tpu.memory_space<hbm>> -> memref<1760xi32, #tpu.memory_space<hbm>>
      %dma_wait3A_100 = tpu.memref_slice %arg3[%add3A_4] : memref<160000xi32, #tpu.memory_space<hbm>> -> memref<1760xi32, #tpu.memory_space<hbm>>
      tpu.wait_dma2 semaphore(%run_scoped3A_96 : memref<!tpu.dma_semaphore, #tpu.memory_space<semaphore_mem>>) src(%dma_wait3A_100 : memref<1760xi32, #tpu.memory_space<hbm>>) dst(%arg7 : memref<1760xi32, #tpu.memory_space<vmem>>)
      tpu.yield
    }) : () -> ()
    %add3A_5 = arith.constant 103680 : i32
    %add3A_6 = arith.addi %add3A_5, %mul3A_2 : i32
    "tpu.region"() ({
      %run_scoped3A_96 = tpu.sem_alloc : memref<!tpu.dma_semaphore, #tpu.memory_space<semaphore_mem>>
      %dma_start3A_97 = tpu.memref_slice %arg4[%add3A_6] : memref<160000xi32, #tpu.memory_space<hbm>> -> memref<1760xi32, #tpu.memory_space<hbm>>
      %dma_start3A_98 = tpu.memref_slice %arg4[%add3A_6] : memref<160000xi32, #tpu.memory_space<hbm>> -> memref<1760xi32, #tpu.memory_space<hbm>>
      tpu.enqueue_dma source(%dma_start3A_98 : memref<1760xi32, #tpu.memory_space<hbm>>) target(%arg8 : memref<1760xi32, #tpu.memory_space<vmem>>) target_semaphore(%run_scoped3A_96 : memref<!tpu.dma_semaphore, #tpu.memory_space<semaphore_mem>>)
      %dma_wait3A_99 = tpu.memref_slice %arg4[%add3A_6] : memref<160000xi32, #tpu.memory_space<hbm>> -> memref<1760xi32, #tpu.memory_space<hbm>>
      %dma_wait3A_100 = tpu.memref_slice %arg4[%add3A_6] : memref<160000xi32, #tpu.memory_space<hbm>> -> memref<1760xi32, #tpu.memory_space<hbm>>
      tpu.wait_dma2 semaphore(%run_scoped3A_96 : memref<!tpu.dma_semaphore, #tpu.memory_space<semaphore_mem>>) src(%dma_wait3A_100 : memref<1760xi32, #tpu.memory_space<hbm>>) dst(%arg8 : memref<1760xi32, #tpu.memory_space<vmem>>)
      tpu.yield
    }) : () -> ()
    %dma_start3A = arith.constant 0 : i32
    %dma_start3A_7 = arith.constant 0 : i32
    %dma_start3A_8 = arith.constant 0 : i32
    %dma_start3A_9 = tpu.memref_slice %arg9[%dma_start3A, %dma_start3A_7, %dma_start3A_8] : memref<2x128x128xf32, #tpu.memory_space<vmem>> -> memref<1x128x128xf32, #tpu.memory_space<vmem>>
    %dma_start3A_10 = tpu.memref_squeeze %dma_start3A_9 : memref<1x128x128xf32, #tpu.memory_space<vmem>> -> memref<128x128xf32, #tpu.memory_space<vmem>>
    %dma_start3A_11 = arith.constant 0 : i32
    %dma_start3A_12 = tpu.memref_slice %arg7[%dma_start3A_11] : memref<1760xi32, #tpu.memory_space<vmem>> -> memref<128xi32, #tpu.memory_space<vmem>>
    %dma_start3A_13 = arith.constant 0 : i32
    %dma_start3A_14 = arith.constant 0 : i32
    %dma_start3A_15 = tpu.memref_slice %arg2[%dma_start3A_13, %dma_start3A_14] : memref<10000x128xf32, #tpu.memory_space<hbm>> -> memref<10000x128xf32, #tpu.memory_space<hbm>>
    tpu.enqueue_indirect_dma source(%dma_start3A_15 : memref<10000x128xf32, #tpu.memory_space<hbm>>) target(%dma_start3A_10 : memref<128x128xf32, #tpu.memory_space<vmem>>) offsets(%dma_start3A_12 : memref<128xi32, #tpu.memory_space<vmem>>) semaphore(%arg11 : memref<!tpu.dma_semaphore, #tpu.memory_space<semaphore_mem>>)
    %dma_start3A_16 = arith.constant 0 : i32
    %dma_start3A_17 = arith.constant 0 : i32
    %dma_start3A_18 = arith.constant 0 : i32
    %dma_start3A_19 = tpu.memref_slice %arg10[%dma_start3A_16, %dma_start3A_17, %dma_start3A_18] : memref<2x128x128xf32, #tpu.memory_space<vmem>> -> memref<1x128x128xf32, #tpu.memory_space<vmem>>
    %dma_start3A_20 = tpu.memref_squeeze %dma_start3A_19 : memref<1x128x128xf32, #tpu.memory_space<vmem>> -> memref<128x128xf32, #tpu.memory_space<vmem>>
    %dma_start3A_21 = arith.constant 0 : i32
    %dma_start3A_22 = tpu.memref_slice %arg8[%dma_start3A_21] : memref<1760xi32, #tpu.memory_space<vmem>> -> memref<128xi32, #tpu.memory_space<vmem>>
    %dma_start3A_23 = arith.constant 0 : i32
    %dma_start3A_24 = arith.constant 0 : i32
    %dma_start3A_25 = tpu.memref_slice %arg2[%dma_start3A_23, %dma_start3A_24] : memref<10000x128xf32, #tpu.memory_space<hbm>> -> memref<10000x128xf32, #tpu.memory_space<hbm>>
    tpu.enqueue_indirect_dma source(%dma_start3A_25 : memref<10000x128xf32, #tpu.memory_space<hbm>>) target(%dma_start3A_20 : memref<128x128xf32, #tpu.memory_space<vmem>>) offsets(%dma_start3A_22 : memref<128xi32, #tpu.memory_space<vmem>>) semaphore(%arg13 : memref<!tpu.dma_semaphore, #tpu.memory_space<semaphore_mem>>)
    %scan3A = arith.constant 0 : i32
    %scan3A_26 = arith.constant 6 : i32
    %scan3A_27 = arith.addi %scan3A, %scan3A_26 : i32
    %scan3A_28 = arith.constant 1 : i32
    scf.for %scan3A_96 = %scan3A to %scan3A_27 step %scan3A_28  : i32 {
      %mul3A_97 = arith.constant 2 : i32
      %mul3A_98 = arith.muli %mul3A_97, %scan3A_96 : i32
      %add3A_99 = arith.constant 1 : i32
      %add3A_100 = arith.addi %mul3A_98, %add3A_99 : i32
      %mul3A_101 = arith.constant 128 : i32
      %mul3A_102 = arith.muli %add3A_100, %mul3A_101 : i32
      %dma_start3A_103 = arith.constant 1 : i32
      %dma_start3A_104 = arith.constant 0 : i32
      %dma_start3A_105 = arith.constant 0 : i32
      %dma_start3A_106 = tpu.memref_slice %arg9[%dma_start3A_103, %dma_start3A_104, %dma_start3A_105] : memref<2x128x128xf32, #tpu.memory_space<vmem>> -> memref<1x128x128xf32, #tpu.memory_space<vmem>>
      %dma_start3A_107 = tpu.memref_squeeze %dma_start3A_106 : memref<1x128x128xf32, #tpu.memory_space<vmem>> -> memref<128x128xf32, #tpu.memory_space<vmem>>
      %dma_start3A_108 = tpu.memref_slice %arg7[%mul3A_102] : memref<1760xi32, #tpu.memory_space<vmem>> -> memref<128xi32, #tpu.memory_space<vmem>>
      %dma_start3A_109 = arith.constant 0 : i32
      %dma_start3A_110 = arith.constant 0 : i32
      %dma_start3A_111 = tpu.memref_slice %arg2[%dma_start3A_109, %dma_start3A_110] : memref<10000x128xf32, #tpu.memory_space<hbm>> -> memref<10000x128xf32, #tpu.memory_space<hbm>>
      tpu.enqueue_indirect_dma source(%dma_start3A_111 : memref<10000x128xf32, #tpu.memory_space<hbm>>) target(%dma_start3A_107 : memref<128x128xf32, #tpu.memory_space<vmem>>) offsets(%dma_start3A_108 : memref<128xi32, #tpu.memory_space<vmem>>) semaphore(%arg12 : memref<!tpu.dma_semaphore, #tpu.memory_space<semaphore_mem>>)
      %dma_start3A_112 = arith.constant 1 : i32
      %dma_start3A_113 = arith.constant 0 : i32
      %dma_start3A_114 = arith.constant 0 : i32
      %dma_start3A_115 = tpu.memref_slice %arg10[%dma_start3A_112, %dma_start3A_113, %dma_start3A_114] : memref<2x128x128xf32, #tpu.memory_space<vmem>> -> memref<1x128x128xf32, #tpu.memory_space<vmem>>
      %dma_start3A_116 = tpu.memref_squeeze %dma_start3A_115 : memref<1x128x128xf32, #tpu.memory_space<vmem>> -> memref<128x128xf32, #tpu.memory_space<vmem>>
      %dma_start3A_117 = tpu.memref_slice %arg8[%mul3A_102] : memref<1760xi32, #tpu.memory_space<vmem>> -> memref<128xi32, #tpu.memory_space<vmem>>
      %dma_start3A_118 = arith.constant 0 : i32
      %dma_start3A_119 = arith.constant 0 : i32
      %dma_start3A_120 = tpu.memref_slice %arg2[%dma_start3A_118, %dma_start3A_119] : memref<10000x128xf32, #tpu.memory_space<hbm>> -> memref<10000x128xf32, #tpu.memory_space<hbm>>
      tpu.enqueue_indirect_dma source(%dma_start3A_120 : memref<10000x128xf32, #tpu.memory_space<hbm>>) target(%dma_start3A_116 : memref<128x128xf32, #tpu.memory_space<vmem>>) offsets(%dma_start3A_117 : memref<128xi32, #tpu.memory_space<vmem>>) semaphore(%arg14 : memref<!tpu.dma_semaphore, #tpu.memory_space<semaphore_mem>>)
      %mul3A_121 = arith.constant 128 : i32
      %mul3A_122 = arith.muli %mul3A_98, %mul3A_121 : i32
      %dma_wait3A_123 = arith.constant 0 : i32
      %dma_wait3A_124 = arith.constant 0 : i32
      %dma_wait3A_125 = arith.constant 0 : i32
      %dma_wait3A_126 = tpu.memref_slice %arg9[%dma_wait3A_123, %dma_wait3A_124, %dma_wait3A_125] : memref<2x128x128xf32, #tpu.memory_space<vmem>> -> memref<1x128x128xf32, #tpu.memory_space<vmem>>
      %dma_wait3A_127 = tpu.memref_squeeze %dma_wait3A_126 : memref<1x128x128xf32, #tpu.memory_space<vmem>> -> memref<128x128xf32, #tpu.memory_space<vmem>>
      %dma_wait3A_128 = tpu.memref_slice %arg7[%mul3A_122] : memref<1760xi32, #tpu.memory_space<vmem>> -> memref<128xi32, #tpu.memory_space<vmem>>
      %dma_wait3A_129 = arith.constant 0 : i32
      %dma_wait3A_130 = arith.constant 0 : i32
      %dma_wait3A_131 = tpu.memref_slice %arg2[%dma_wait3A_129, %dma_wait3A_130] : memref<10000x128xf32, #tpu.memory_space<hbm>> -> memref<10000x128xf32, #tpu.memory_space<hbm>>
      tpu.wait_indirect_dma semaphore(%arg11 : memref<!tpu.dma_semaphore, #tpu.memory_space<semaphore_mem>>) src(%dma_wait3A_131 : memref<10000x128xf32, #tpu.memory_space<hbm>>) dst(%dma_wait3A_127 : memref<128x128xf32, #tpu.memory_space<vmem>>)
      %dma_wait3A_132 = arith.constant 0 : i32
      %dma_wait3A_133 = arith.constant 0 : i32
      %dma_wait3A_134 = arith.constant 0 : i32
      %dma_wait3A_135 = tpu.memref_slice %arg10[%dma_wait3A_132, %dma_wait3A_133, %dma_wait3A_134] : memref<2x128x128xf32, #tpu.memory_space<vmem>> -> memref<1x128x128xf32, #tpu.memory_space<vmem>>
      %dma_wait3A_136 = tpu.memref_squeeze %dma_wait3A_135 : memref<1x128x128xf32, #tpu.memory_space<vmem>> -> memref<128x128xf32, #tpu.memory_space<vmem>>
      %dma_wait3A_137 = tpu.memref_slice %arg8[%mul3A_122] : memref<1760xi32, #tpu.memory_space<vmem>> -> memref<128xi32, #tpu.memory_space<vmem>>
      %dma_wait3A_138 = arith.constant 0 : i32
      %dma_wait3A_139 = arith.constant 0 : i32
      %dma_wait3A_140 = tpu.memref_slice %arg2[%dma_wait3A_138, %dma_wait3A_139] : memref<10000x128xf32, #tpu.memory_space<hbm>> -> memref<10000x128xf32, #tpu.memory_space<hbm>>
      tpu.wait_indirect_dma semaphore(%arg13 : memref<!tpu.dma_semaphore, #tpu.memory_space<semaphore_mem>>) src(%dma_wait3A_140 : memref<10000x128xf32, #tpu.memory_space<hbm>>) dst(%dma_wait3A_136 : memref<128x128xf32, #tpu.memory_space<vmem>>)
      %mul3A_141 = arith.constant 128 : i32
      %mul3A_142 = arith.muli %mul3A_98, %mul3A_141 : i32
      %add3A_143 = arith.addi %mul3A_2, %mul3A_142 : i32
      %run_scoped3A_144 = arith.constant 0 : i32
      "tpu.region"() ({
        %run_scoped3A_197 = tpu.sem_alloc : memref<!tpu.dma_semaphore, #tpu.memory_space<semaphore_mem>>
        %dma_start3A_198 = arith.constant 0 : i32
        %dma_start3A_199 = arith.constant 0 : i32
        %dma_start3A_200 = tpu.memref_slice %arg9[%run_scoped3A_144, %dma_start3A_198, %dma_start3A_199] : memref<2x128x128xf32, #tpu.memory_space<vmem>> -> memref<1x128x128xf32, #tpu.memory_space<vmem>>
        %dma_start3A_201 = tpu.memref_squeeze %dma_start3A_200 : memref<1x128x128xf32, #tpu.memory_space<vmem>> -> memref<128x128xf32, #tpu.memory_space<vmem>>
        %dma_start3A_202 = arith.constant 0 : i32
        %dma_start3A_203 = tpu.memref_slice %arg5[%add3A_143, %dma_start3A_202] : memref<56320x128xf32, #tpu.memory_space<hbm>> -> memref<128x128xf32, #tpu.memory_space<hbm>>
        %dma_start3A_204 = arith.constant 0 : i32
        %dma_start3A_205 = tpu.memref_slice %arg5[%add3A_143, %dma_start3A_204] : memref<56320x128xf32, #tpu.memory_space<hbm>> -> memref<128x128xf32, #tpu.memory_space<hbm>>
        %dma_start3A_206 = arith.constant 0 : i32
        %dma_start3A_207 = arith.constant 0 : i32
        %dma_start3A_208 = tpu.memref_slice %arg9[%run_scoped3A_144, %dma_start3A_206, %dma_start3A_207] : memref<2x128x128xf32, #tpu.memory_space<vmem>> -> memref<1x128x128xf32, #tpu.memory_space<vmem>>
        %dma_start3A_209 = tpu.memref_squeeze %dma_start3A_208 : memref<1x128x128xf32, #tpu.memory_space<vmem>> -> memref<128x128xf32, #tpu.memory_space<vmem>>
        tpu.enqueue_dma source(%dma_start3A_209 : memref<128x128xf32, #tpu.memory_space<vmem>>) target(%dma_start3A_205 : memref<128x128xf32, #tpu.memory_space<hbm>>) target_semaphore(%run_scoped3A_197 : memref<!tpu.dma_semaphore, #tpu.memory_space<semaphore_mem>>)
        %dma_wait3A_210 = arith.constant 0 : i32
        %dma_wait3A_211 = arith.constant 0 : i32
        %dma_wait3A_212 = tpu.memref_slice %arg9[%run_scoped3A_144, %dma_wait3A_210, %dma_wait3A_211] : memref<2x128x128xf32, #tpu.memory_space<vmem>> -> memref<1x128x128xf32, #tpu.memory_space<vmem>>
        %dma_wait3A_213 = tpu.memref_squeeze %dma_wait3A_212 : memref<1x128x128xf32, #tpu.memory_space<vmem>> -> memref<128x128xf32, #tpu.memory_space<vmem>>
        %dma_wait3A_214 = arith.constant 0 : i32
        %dma_wait3A_215 = tpu.memref_slice %arg5[%add3A_143, %dma_wait3A_214] : memref<56320x128xf32, #tpu.memory_space<hbm>> -> memref<128x128xf32, #tpu.memory_space<hbm>>
        %dma_wait3A_216 = arith.constant 0 : i32
        %dma_wait3A_217 = tpu.memref_slice %arg5[%add3A_143, %dma_wait3A_216] : memref<56320x128xf32, #tpu.memory_space<hbm>> -> memref<128x128xf32, #tpu.memory_space<hbm>>
        %dma_wait3A_218 = arith.constant 0 : i32
        %dma_wait3A_219 = arith.constant 0 : i32
        %dma_wait3A_220 = tpu.memref_slice %arg9[%run_scoped3A_144, %dma_wait3A_218, %dma_wait3A_219] : memref<2x128x128xf32, #tpu.memory_space<vmem>> -> memref<1x128x128xf32, #tpu.memory_space<vmem>>
        %dma_wait3A_221 = tpu.memref_squeeze %dma_wait3A_220 : memref<1x128x128xf32, #tpu.memory_space<vmem>> -> memref<128x128xf32, #tpu.memory_space<vmem>>
        tpu.wait_dma2 semaphore(%run_scoped3A_197 : memref<!tpu.dma_semaphore, #tpu.memory_space<semaphore_mem>>) src(%dma_wait3A_221 : memref<128x128xf32, #tpu.memory_space<vmem>>) dst(%dma_wait3A_217 : memref<128x128xf32, #tpu.memory_space<hbm>>)
        tpu.yield
      }) : () -> ()
      %run_scoped3A_145 = arith.constant 0 : i32
      "tpu.region"() ({
        %run_scoped3A_197 = tpu.sem_alloc : memref<!tpu.dma_semaphore, #tpu.memory_space<semaphore_mem>>
        %dma_start3A_198 = arith.constant 0 : i32
        %dma_start3A_199 = arith.constant 0 : i32
        %dma_start3A_200 = tpu.memref_slice %arg10[%run_scoped3A_145, %dma_start3A_198, %dma_start3A_199] : memref<2x128x128xf32, #tpu.memory_space<vmem>> -> memref<1x128x128xf32, #tpu.memory_space<vmem>>
        %dma_start3A_201 = tpu.memref_squeeze %dma_start3A_200 : memref<1x128x128xf32, #tpu.memory_space<vmem>> -> memref<128x128xf32, #tpu.memory_space<vmem>>
        %dma_start3A_202 = arith.constant 0 : i32
        %dma_start3A_203 = tpu.memref_slice %arg6[%add3A_143, %dma_start3A_202] : memref<56320x128xf32, #tpu.memory_space<hbm>> -> memref<128x128xf32, #tpu.memory_space<hbm>>
        %dma_start3A_204 = arith.constant 0 : i32
        %dma_start3A_205 = tpu.memref_slice %arg6[%add3A_143, %dma_start3A_204] : memref<56320x128xf32, #tpu.memory_space<hbm>> -> memref<128x128xf32, #tpu.memory_space<hbm>>
        %dma_start3A_206 = arith.constant 0 : i32
        %dma_start3A_207 = arith.constant 0 : i32
        %dma_start3A_208 = tpu.memref_slice %arg10[%run_scoped3A_145, %dma_start3A_206, %dma_start3A_207] : memref<2x128x128xf32, #tpu.memory_space<vmem>> -> memref<1x128x128xf32, #tpu.memory_space<vmem>>
        %dma_start3A_209 = tpu.memref_squeeze %dma_start3A_208 : memref<1x128x128xf32, #tpu.memory_space<vmem>> -> memref<128x128xf32, #tpu.memory_space<vmem>>
        tpu.enqueue_dma source(%dma_start3A_209 : memref<128x128xf32, #tpu.memory_space<vmem>>) target(%dma_start3A_205 : memref<128x128xf32, #tpu.memory_space<hbm>>) target_semaphore(%run_scoped3A_197 : memref<!tpu.dma_semaphore, #tpu.memory_space<semaphore_mem>>)
        %dma_wait3A_210 = arith.constant 0 : i32
        %dma_wait3A_211 = arith.constant 0 : i32
        %dma_wait3A_212 = tpu.memref_slice %arg10[%run_scoped3A_145, %dma_wait3A_210, %dma_wait3A_211] : memref<2x128x128xf32, #tpu.memory_space<vmem>> -> memref<1x128x128xf32, #tpu.memory_space<vmem>>
        %dma_wait3A_213 = tpu.memref_squeeze %dma_wait3A_212 : memref<1x128x128xf32, #tpu.memory_space<vmem>> -> memref<128x128xf32, #tpu.memory_space<vmem>>
        %dma_wait3A_214 = arith.constant 0 : i32
        %dma_wait3A_215 = tpu.memref_slice %arg6[%add3A_143, %dma_wait3A_214] : memref<56320x128xf32, #tpu.memory_space<hbm>> -> memref<128x128xf32, #tpu.memory_space<hbm>>
        %dma_wait3A_216 = arith.constant 0 : i32
        %dma_wait3A_217 = tpu.memref_slice %arg6[%add3A_143, %dma_wait3A_216] : memref<56320x128xf32, #tpu.memory_space<hbm>> -> memref<128x128xf32, #tpu.memory_space<hbm>>
        %dma_wait3A_218 = arith.constant 0 : i32
        %dma_wait3A_219 = arith.constant 0 : i32
        %dma_wait3A_220 = tpu.memref_slice %arg10[%run_scoped3A_145, %dma_wait3A_218, %dma_wait3A_219] : memref<2x128x128xf32, #tpu.memory_space<vmem>> -> memref<1x128x128xf32, #tpu.memory_space<vmem>>
        %dma_wait3A_221 = tpu.memref_squeeze %dma_wait3A_220 : memref<1x128x128xf32, #tpu.memory_space<vmem>> -> memref<128x128xf32, #tpu.memory_space<vmem>>
        tpu.wait_dma2 semaphore(%run_scoped3A_197 : memref<!tpu.dma_semaphore, #tpu.memory_space<semaphore_mem>>) src(%dma_wait3A_221 : memref<128x128xf32, #tpu.memory_space<vmem>>) dst(%dma_wait3A_217 : memref<128x128xf32, #tpu.memory_space<hbm>>)
        tpu.yield
      }) : () -> ()
      %add3A_146 = arith.constant 2 : i32
      %add3A_147 = arith.addi %mul3A_98, %add3A_146 : i32
      %mul3A_148 = arith.constant 128 : i32
      %mul3A_149 = arith.muli %add3A_147, %mul3A_148 : i32
      %dma_start3A_150 = arith.constant 0 : i32
      %dma_start3A_151 = arith.constant 0 : i32
      %dma_start3A_152 = arith.constant 0 : i32
      %dma_start3A_153 = tpu.memref_slice %arg9[%dma_start3A_150, %dma_start3A_151, %dma_start3A_152] : memref<2x128x128xf32, #tpu.memory_space<vmem>> -> memref<1x128x128xf32, #tpu.memory_space<vmem>>
      %dma_start3A_154 = tpu.memref_squeeze %dma_start3A_153 : memref<1x128x128xf32, #tpu.memory_space<vmem>> -> memref<128x128xf32, #tpu.memory_space<vmem>>
      %dma_start3A_155 = tpu.memref_slice %arg7[%mul3A_149] : memref<1760xi32, #tpu.memory_space<vmem>> -> memref<128xi32, #tpu.memory_space<vmem>>
      %dma_start3A_156 = arith.constant 0 : i32
      %dma_start3A_157 = arith.constant 0 : i32
      %dma_start3A_158 = tpu.memref_slice %arg2[%dma_start3A_156, %dma_start3A_157] : memref<10000x128xf32, #tpu.memory_space<hbm>> -> memref<10000x128xf32, #tpu.memory_space<hbm>>
      tpu.enqueue_indirect_dma source(%dma_start3A_158 : memref<10000x128xf32, #tpu.memory_space<hbm>>) target(%dma_start3A_154 : memref<128x128xf32, #tpu.memory_space<vmem>>) offsets(%dma_start3A_155 : memref<128xi32, #tpu.memory_space<vmem>>) semaphore(%arg11 : memref<!tpu.dma_semaphore, #tpu.memory_space<semaphore_mem>>)
      %dma_start3A_159 = arith.constant 0 : i32
      %dma_start3A_160 = arith.constant 0 : i32
      %dma_start3A_161 = arith.constant 0 : i32
      %dma_start3A_162 = tpu.memref_slice %arg10[%dma_start3A_159, %dma_start3A_160, %dma_start3A_161] : memref<2x128x128xf32, #tpu.memory_space<vmem>> -> memref<1x128x128xf32, #tpu.memory_space<vmem>>
      %dma_start3A_163 = tpu.memref_squeeze %dma_start3A_162 : memref<1x128x128xf32, #tpu.memory_space<vmem>> -> memref<128x128xf32, #tpu.memory_space<vmem>>
      %dma_start3A_164 = tpu.memref_slice %arg8[%mul3A_149] : memref<1760xi32, #tpu.memory_space<vmem>> -> memref<128xi32, #tpu.memory_space<vmem>>
      %dma_start3A_165 = arith.constant 0 : i32
      %dma_start3A_166 = arith.constant 0 : i32
      %dma_start3A_167 = tpu.memref_slice %arg2[%dma_start3A_165, %dma_start3A_166] : memref<10000x128xf32, #tpu.memory_space<hbm>> -> memref<10000x128xf32, #tpu.memory_space<hbm>>
      tpu.enqueue_indirect_dma source(%dma_start3A_167 : memref<10000x128xf32, #tpu.memory_space<hbm>>) target(%dma_start3A_163 : memref<128x128xf32, #tpu.memory_space<vmem>>) offsets(%dma_start3A_164 : memref<128xi32, #tpu.memory_space<vmem>>) semaphore(%arg13 : memref<!tpu.dma_semaphore, #tpu.memory_space<semaphore_mem>>)
      %add3A_168 = arith.constant 1 : i32
      %add3A_169 = arith.addi %mul3A_98, %add3A_168 : i32
      %mul3A_170 = arith.constant 128 : i32
      %mul3A_171 = arith.muli %add3A_169, %mul3A_170 : i32
      %dma_wait3A_172 = arith.constant 1 : i32
      %dma_wait3A_173 = arith.constant 0 : i32
      %dma_wait3A_174 = arith.constant 0 : i32
      %dma_wait3A_175 = tpu.memref_slice %arg9[%dma_wait3A_172, %dma_wait3A_173, %dma_wait3A_174] : memref<2x128x128xf32, #tpu.memory_space<vmem>> -> memref<1x128x128xf32, #tpu.memory_space<vmem>>
      %dma_wait3A_176 = tpu.memref_squeeze %dma_wait3A_175 : memref<1x128x128xf32, #tpu.memory_space<vmem>> -> memref<128x128xf32, #tpu.memory_space<vmem>>
      %dma_wait3A_177 = tpu.memref_slice %arg7[%mul3A_171] : memref<1760xi32, #tpu.memory_space<vmem>> -> memref<128xi32, #tpu.memory_space<vmem>>
      %dma_wait3A_178 = arith.constant 0 : i32
      %dma_wait3A_179 = arith.constant 0 : i32
      %dma_wait3A_180 = tpu.memref_slice %arg2[%dma_wait3A_178, %dma_wait3A_179] : memref<10000x128xf32, #tpu.memory_space<hbm>> -> memref<10000x128xf32, #tpu.memory_space<hbm>>
      tpu.wait_indirect_dma semaphore(%arg12 : memref<!tpu.dma_semaphore, #tpu.memory_space<semaphore_mem>>) src(%dma_wait3A_180 : memref<10000x128xf32, #tpu.memory_space<hbm>>) dst(%dma_wait3A_176 : memref<128x128xf32, #tpu.memory_space<vmem>>)
      %dma_wait3A_181 = arith.constant 1 : i32
      %dma_wait3A_182 = arith.constant 0 : i32
      %dma_wait3A_183 = arith.constant 0 : i32
      %dma_wait3A_184 = tpu.memref_slice %arg10[%dma_wait3A_181, %dma_wait3A_182, %dma_wait3A_183] : memref<2x128x128xf32, #tpu.memory_space<vmem>> -> memref<1x128x128xf32, #tpu.memory_space<vmem>>
      %dma_wait3A_185 = tpu.memref_squeeze %dma_wait3A_184 : memref<1x128x128xf32, #tpu.memory_space<vmem>> -> memref<128x128xf32, #tpu.memory_space<vmem>>
      %dma_wait3A_186 = tpu.memref_slice %arg8[%mul3A_171] : memref<1760xi32, #tpu.memory_space<vmem>> -> memref<128xi32, #tpu.memory_space<vmem>>
      %dma_wait3A_187 = arith.constant 0 : i32
      %dma_wait3A_188 = arith.constant 0 : i32
      %dma_wait3A_189 = tpu.memref_slice %arg2[%dma_wait3A_187, %dma_wait3A_188] : memref<10000x128xf32, #tpu.memory_space<hbm>> -> memref<10000x128xf32, #tpu.memory_space<hbm>>
      tpu.wait_indirect_dma semaphore(%arg14 : memref<!tpu.dma_semaphore, #tpu.memory_space<semaphore_mem>>) src(%dma_wait3A_189 : memref<10000x128xf32, #tpu.memory_space<hbm>>) dst(%dma_wait3A_185 : memref<128x128xf32, #tpu.memory_space<vmem>>)
      %add3A_190 = arith.constant 1 : i32
      %add3A_191 = arith.addi %mul3A_98, %add3A_190 : i32
      %mul3A_192 = arith.constant 128 : i32
      %mul3A_193 = arith.muli %add3A_191, %mul3A_192 : i32
      %add3A_194 = arith.addi %mul3A_2, %mul3A_193 : i32
      %run_scoped3A_195 = arith.constant 1 : i32
      "tpu.region"() ({
        %run_scoped3A_197 = tpu.sem_alloc : memref<!tpu.dma_semaphore, #tpu.memory_space<semaphore_mem>>
        %dma_start3A_198 = arith.constant 0 : i32
        %dma_start3A_199 = arith.constant 0 : i32
        %dma_start3A_200 = tpu.memref_slice %arg9[%run_scoped3A_195, %dma_start3A_198, %dma_start3A_199] : memref<2x128x128xf32, #tpu.memory_space<vmem>> -> memref<1x128x128xf32, #tpu.memory_space<vmem>>
        %dma_start3A_201 = tpu.memref_squeeze %dma_start3A_200 : memref<1x128x128xf32, #tpu.memory_space<vmem>> -> memref<128x128xf32, #tpu.memory_space<vmem>>
        %dma_start3A_202 = arith.constant 0 : i32
        %dma_start3A_203 = tpu.memref_slice %arg5[%add3A_194, %dma_start3A_202] : memref<56320x128xf32, #tpu.memory_space<hbm>> -> memref<128x128xf32, #tpu.memory_space<hbm>>
        %dma_start3A_204 = arith.constant 0 : i32
        %dma_start3A_205 = tpu.memref_slice %arg5[%add3A_194, %dma_start3A_204] : memref<56320x128xf32, #tpu.memory_space<hbm>> -> memref<128x128xf32, #tpu.memory_space<hbm>>
        %dma_start3A_206 = arith.constant 0 : i32
        %dma_start3A_207 = arith.constant 0 : i32
        %dma_start3A_208 = tpu.memref_slice %arg9[%run_scoped3A_195, %dma_start3A_206, %dma_start3A_207] : memref<2x128x128xf32, #tpu.memory_space<vmem>> -> memref<1x128x128xf32, #tpu.memory_space<vmem>>
        %dma_start3A_209 = tpu.memref_squeeze %dma_start3A_208 : memref<1x128x128xf32, #tpu.memory_space<vmem>> -> memref<128x128xf32, #tpu.memory_space<vmem>>
        tpu.enqueue_dma source(%dma_start3A_209 : memref<128x128xf32, #tpu.memory_space<vmem>>) target(%dma_start3A_205 : memref<128x128xf32, #tpu.memory_space<hbm>>) target_semaphore(%run_scoped3A_197 : memref<!tpu.dma_semaphore, #tpu.memory_space<semaphore_mem>>)
        %dma_wait3A_210 = arith.constant 0 : i32
        %dma_wait3A_211 = arith.constant 0 : i32
        %dma_wait3A_212 = tpu.memref_slice %arg9[%run_scoped3A_195, %dma_wait3A_210, %dma_wait3A_211] : memref<2x128x128xf32, #tpu.memory_space<vmem>> -> memref<1x128x128xf32, #tpu.memory_space<vmem>>
        %dma_wait3A_213 = tpu.memref_squeeze %dma_wait3A_212 : memref<1x128x128xf32, #tpu.memory_space<vmem>> -> memref<128x128xf32, #tpu.memory_space<vmem>>
        %dma_wait3A_214 = arith.constant 0 : i32
        %dma_wait3A_215 = tpu.memref_slice %arg5[%add3A_194, %dma_wait3A_214] : memref<56320x128xf32, #tpu.memory_space<hbm>> -> memref<128x128xf32, #tpu.memory_space<hbm>>
        %dma_wait3A_216 = arith.constant 0 : i32
        %dma_wait3A_217 = tpu.memref_slice %arg5[%add3A_194, %dma_wait3A_216] : memref<56320x128xf32, #tpu.memory_space<hbm>> -> memref<128x128xf32, #tpu.memory_space<hbm>>
        %dma_wait3A_218 = arith.constant 0 : i32
        %dma_wait3A_219 = arith.constant 0 : i32
        %dma_wait3A_220 = tpu.memref_slice %arg9[%run_scoped3A_195, %dma_wait3A_218, %dma_wait3A_219] : memref<2x128x128xf32, #tpu.memory_space<vmem>> -> memref<1x128x128xf32, #tpu.memory_space<vmem>>
        %dma_wait3A_221 = tpu.memref_squeeze %dma_wait3A_220 : memref<1x128x128xf32, #tpu.memory_space<vmem>> -> memref<128x128xf32, #tpu.memory_space<vmem>>
        tpu.wait_dma2 semaphore(%run_scoped3A_197 : memref<!tpu.dma_semaphore, #tpu.memory_space<semaphore_mem>>) src(%dma_wait3A_221 : memref<128x128xf32, #tpu.memory_space<vmem>>) dst(%dma_wait3A_217 : memref<128x128xf32, #tpu.memory_space<hbm>>)
        tpu.yield
      }) : () -> ()
      %run_scoped3A_196 = arith.constant 1 : i32
      "tpu.region"() ({
        %run_scoped3A_197 = tpu.sem_alloc : memref<!tpu.dma_semaphore, #tpu.memory_space<semaphore_mem>>
        %dma_start3A_198 = arith.constant 0 : i32
        %dma_start3A_199 = arith.constant 0 : i32
        %dma_start3A_200 = tpu.memref_slice %arg10[%run_scoped3A_196, %dma_start3A_198, %dma_start3A_199] : memref<2x128x128xf32, #tpu.memory_space<vmem>> -> memref<1x128x128xf32, #tpu.memory_space<vmem>>
        %dma_start3A_201 = tpu.memref_squeeze %dma_start3A_200 : memref<1x128x128xf32, #tpu.memory_space<vmem>> -> memref<128x128xf32, #tpu.memory_space<vmem>>
        %dma_start3A_202 = arith.constant 0 : i32
        %dma_start3A_203 = tpu.memref_slice %arg6[%add3A_194, %dma_start3A_202] : memref<56320x128xf32, #tpu.memory_space<hbm>> -> memref<128x128xf32, #tpu.memory_space<hbm>>
        %dma_start3A_204 = arith.constant 0 : i32
        %dma_start3A_205 = tpu.memref_slice %arg6[%add3A_194, %dma_start3A_204] : memref<56320x128xf32, #tpu.memory_space<hbm>> -> memref<128x128xf32, #tpu.memory_space<hbm>>
        %dma_start3A_206 = arith.constant 0 : i32
        %dma_start3A_207 = arith.constant 0 : i32
        %dma_start3A_208 = tpu.memref_slice %arg10[%run_scoped3A_196, %dma_start3A_206, %dma_start3A_207] : memref<2x128x128xf32, #tpu.memory_space<vmem>> -> memref<1x128x128xf32, #tpu.memory_space<vmem>>
        %dma_start3A_209 = tpu.memref_squeeze %dma_start3A_208 : memref<1x128x128xf32, #tpu.memory_space<vmem>> -> memref<128x128xf32, #tpu.memory_space<vmem>>
        tpu.enqueue_dma source(%dma_start3A_209 : memref<128x128xf32, #tpu.memory_space<vmem>>) target(%dma_start3A_205 : memref<128x128xf32, #tpu.memory_space<hbm>>) target_semaphore(%run_scoped3A_197 : memref<!tpu.dma_semaphore, #tpu.memory_space<semaphore_mem>>)
        %dma_wait3A_210 = arith.constant 0 : i32
        %dma_wait3A_211 = arith.constant 0 : i32
        %dma_wait3A_212 = tpu.memref_slice %arg10[%run_scoped3A_196, %dma_wait3A_210, %dma_wait3A_211] : memref<2x128x128xf32, #tpu.memory_space<vmem>> -> memref<1x128x128xf32, #tpu.memory_space<vmem>>
        %dma_wait3A_213 = tpu.memref_squeeze %dma_wait3A_212 : memref<1x128x128xf32, #tpu.memory_space<vmem>> -> memref<128x128xf32, #tpu.memory_space<vmem>>
        %dma_wait3A_214 = arith.constant 0 : i32
        %dma_wait3A_215 = tpu.memref_slice %arg6[%add3A_194, %dma_wait3A_214] : memref<56320x128xf32, #tpu.memory_space<hbm>> -> memref<128x128xf32, #tpu.memory_space<hbm>>
        %dma_wait3A_216 = arith.constant 0 : i32
        %dma_wait3A_217 = tpu.memref_slice %arg6[%add3A_194, %dma_wait3A_216] : memref<56320x128xf32, #tpu.memory_space<hbm>> -> memref<128x128xf32, #tpu.memory_space<hbm>>
        %dma_wait3A_218 = arith.constant 0 : i32
        %dma_wait3A_219 = arith.constant 0 : i32
        %dma_wait3A_220 = tpu.memref_slice %arg10[%run_scoped3A_196, %dma_wait3A_218, %dma_wait3A_219] : memref<2x128x128xf32, #tpu.memory_space<vmem>> -> memref<1x128x128xf32, #tpu.memory_space<vmem>>
        %dma_wait3A_221 = tpu.memref_squeeze %dma_wait3A_220 : memref<1x128x128xf32, #tpu.memory_space<vmem>> -> memref<128x128xf32, #tpu.memory_space<vmem>>
        tpu.wait_dma2 semaphore(%run_scoped3A_197 : memref<!tpu.dma_semaphore, #tpu.memory_space<semaphore_mem>>) src(%dma_wait3A_221 : memref<128x128xf32, #tpu.memory_space<vmem>>) dst(%dma_wait3A_217 : memref<128x128xf32, #tpu.memory_space<hbm>>)
        tpu.yield
      }) : () -> ()
    }
    %scan3A_29 = arith.constant 6 : i32
    %dma_start3A_30 = arith.constant 1 : i32
    %dma_start3A_31 = arith.constant 0 : i32
    %dma_start3A_32 = arith.constant 0 : i32
    %dma_start3A_33 = tpu.memref_slice %arg9[%dma_start3A_30, %dma_start3A_31, %dma_start3A_32] : memref<2x128x128xf32, #tpu.memory_space<vmem>> -> memref<1x96x128xf32, #tpu.memory_space<vmem>>
    %dma_start3A_34 = tpu.memref_squeeze %dma_start3A_33 : memref<1x96x128xf32, #tpu.memory_space<vmem>> -> memref<96x128xf32, #tpu.memory_space<vmem>>
    %dma_start3A_35 = arith.constant 1664 : i32
    %dma_start3A_36 = tpu.memref_slice %arg7[%dma_start3A_35] : memref<1760xi32, #tpu.memory_space<vmem>> -> memref<96xi32, #tpu.memory_space<vmem>>
    %dma_start3A_37 = arith.constant 0 : i32
    %dma_start3A_38 = arith.constant 0 : i32
    %dma_start3A_39 = tpu.memref_slice %arg2[%dma_start3A_37, %dma_start3A_38] : memref<10000x128xf32, #tpu.memory_space<hbm>> -> memref<10000x128xf32, #tpu.memory_space<hbm>>
    tpu.enqueue_indirect_dma source(%dma_start3A_39 : memref<10000x128xf32, #tpu.memory_space<hbm>>) target(%dma_start3A_34 : memref<96x128xf32, #tpu.memory_space<vmem>>) offsets(%dma_start3A_36 : memref<96xi32, #tpu.memory_space<vmem>>) semaphore(%arg12 : memref<!tpu.dma_semaphore, #tpu.memory_space<semaphore_mem>>)
    %dma_start3A_40 = arith.constant 1 : i32
    %dma_start3A_41 = arith.constant 0 : i32
    %dma_start3A_42 = arith.constant 0 : i32
    %dma_start3A_43 = tpu.memref_slice %arg10[%dma_start3A_40, %dma_start3A_41, %dma_start3A_42] : memref<2x128x128xf32, #tpu.memory_space<vmem>> -> memref<1x96x128xf32, #tpu.memory_space<vmem>>
    %dma_start3A_44 = tpu.memref_squeeze %dma_start3A_43 : memref<1x96x128xf32, #tpu.memory_space<vmem>> -> memref<96x128xf32, #tpu.memory_space<vmem>>
    %dma_start3A_45 = arith.constant 1664 : i32
    %dma_start3A_46 = tpu.memref_slice %arg8[%dma_start3A_45] : memref<1760xi32, #tpu.memory_space<vmem>> -> memref<96xi32, #tpu.memory_space<vmem>>
    %dma_start3A_47 = arith.constant 0 : i32
    %dma_start3A_48 = arith.constant 0 : i32
    %dma_start3A_49 = tpu.memref_slice %arg2[%dma_start3A_47, %dma_start3A_48] : memref<10000x128xf32, #tpu.memory_space<hbm>> -> memref<10000x128xf32, #tpu.memory_space<hbm>>
    tpu.enqueue_indirect_dma source(%dma_start3A_49 : memref<10000x128xf32, #tpu.memory_space<hbm>>) target(%dma_start3A_44 : memref<96x128xf32, #tpu.memory_space<vmem>>) offsets(%dma_start3A_46 : memref<96xi32, #tpu.memory_space<vmem>>) semaphore(%arg14 : memref<!tpu.dma_semaphore, #tpu.memory_space<semaphore_mem>>)
    %dma_wait3A = arith.constant 0 : i32
    %dma_wait3A_50 = arith.constant 0 : i32
    %dma_wait3A_51 = arith.constant 0 : i32
    %dma_wait3A_52 = tpu.memref_slice %arg9[%dma_wait3A, %dma_wait3A_50, %dma_wait3A_51] : memref<2x128x128xf32, #tpu.memory_space<vmem>> -> memref<1x128x128xf32, #tpu.memory_space<vmem>>
    %dma_wait3A_53 = tpu.memref_squeeze %dma_wait3A_52 : memref<1x128x128xf32, #tpu.memory_space<vmem>> -> memref<128x128xf32, #tpu.memory_space<vmem>>
    %dma_wait3A_54 = arith.constant 1536 : i32
    %dma_wait3A_55 = tpu.memref_slice %arg7[%dma_wait3A_54] : memref<1760xi32, #tpu.memory_space<vmem>> -> memref<128xi32, #tpu.memory_space<vmem>>
    %dma_wait3A_56 = arith.constant 0 : i32
    %dma_wait3A_57 = arith.constant 0 : i32
    %dma_wait3A_58 = tpu.memref_slice %arg2[%dma_wait3A_56, %dma_wait3A_57] : memref<10000x128xf32, #tpu.memory_space<hbm>> -> memref<10000x128xf32, #tpu.memory_space<hbm>>
    tpu.wait_indirect_dma semaphore(%arg11 : memref<!tpu.dma_semaphore, #tpu.memory_space<semaphore_mem>>) src(%dma_wait3A_58 : memref<10000x128xf32, #tpu.memory_space<hbm>>) dst(%dma_wait3A_53 : memref<128x128xf32, #tpu.memory_space<vmem>>)
    %dma_wait3A_59 = arith.constant 0 : i32
    %dma_wait3A_60 = arith.constant 0 : i32
    %dma_wait3A_61 = arith.constant 0 : i32
    %dma_wait3A_62 = tpu.memref_slice %arg10[%dma_wait3A_59, %dma_wait3A_60, %dma_wait3A_61] : memref<2x128x128xf32, #tpu.memory_space<vmem>> -> memref<1x128x128xf32, #tpu.memory_space<vmem>>
    %dma_wait3A_63 = tpu.memref_squeeze %dma_wait3A_62 : memref<1x128x128xf32, #tpu.memory_space<vmem>> -> memref<128x128xf32, #tpu.memory_space<vmem>>
    %dma_wait3A_64 = arith.constant 1536 : i32
    %dma_wait3A_65 = tpu.memref_slice %arg8[%dma_wait3A_64] : memref<1760xi32, #tpu.memory_space<vmem>> -> memref<128xi32, #tpu.memory_space<vmem>>
    %dma_wait3A_66 = arith.constant 0 : i32
    %dma_wait3A_67 = arith.constant 0 : i32
    %dma_wait3A_68 = tpu.memref_slice %arg2[%dma_wait3A_66, %dma_wait3A_67] : memref<10000x128xf32, #tpu.memory_space<hbm>> -> memref<10000x128xf32, #tpu.memory_space<hbm>>
    tpu.wait_indirect_dma semaphore(%arg13 : memref<!tpu.dma_semaphore, #tpu.memory_space<semaphore_mem>>) src(%dma_wait3A_68 : memref<10000x128xf32, #tpu.memory_space<hbm>>) dst(%dma_wait3A_63 : memref<128x128xf32, #tpu.memory_space<vmem>>)
    %add3A_69 = arith.constant 1536 : i32
    %add3A_70 = arith.addi %mul3A_2, %add3A_69 : i32
    %run_scoped3A = arith.constant 0 : i32
    "tpu.region"() ({
      %run_scoped3A_96 = tpu.sem_alloc : memref<!tpu.dma_semaphore, #tpu.memory_space<semaphore_mem>>
      %dma_start3A_97 = arith.constant 0 : i32
      %dma_start3A_98 = arith.constant 0 : i32
      %dma_start3A_99 = tpu.memref_slice %arg9[%run_scoped3A, %dma_start3A_97, %dma_start3A_98] : memref<2x128x128xf32, #tpu.memory_space<vmem>> -> memref<1x128x128xf32, #tpu.memory_space<vmem>>
      %dma_start3A_100 = tpu.memref_squeeze %dma_start3A_99 : memref<1x128x128xf32, #tpu.memory_space<vmem>> -> memref<128x128xf32, #tpu.memory_space<vmem>>
      %dma_start3A_101 = arith.constant 0 : i32
      %dma_start3A_102 = tpu.memref_slice %arg5[%add3A_70, %dma_start3A_101] : memref<56320x128xf32, #tpu.memory_space<hbm>> -> memref<128x128xf32, #tpu.memory_space<hbm>>
      %dma_start3A_103 = arith.constant 0 : i32
      %dma_start3A_104 = tpu.memref_slice %arg5[%add3A_70, %dma_start3A_103] : memref<56320x128xf32, #tpu.memory_space<hbm>> -> memref<128x128xf32, #tpu.memory_space<hbm>>
      %dma_start3A_105 = arith.constant 0 : i32
      %dma_start3A_106 = arith.constant 0 : i32
      %dma_start3A_107 = tpu.memref_slice %arg9[%run_scoped3A, %dma_start3A_105, %dma_start3A_106] : memref<2x128x128xf32, #tpu.memory_space<vmem>> -> memref<1x128x128xf32, #tpu.memory_space<vmem>>
      %dma_start3A_108 = tpu.memref_squeeze %dma_start3A_107 : memref<1x128x128xf32, #tpu.memory_space<vmem>> -> memref<128x128xf32, #tpu.memory_space<vmem>>
      tpu.enqueue_dma source(%dma_start3A_108 : memref<128x128xf32, #tpu.memory_space<vmem>>) target(%dma_start3A_104 : memref<128x128xf32, #tpu.memory_space<hbm>>) target_semaphore(%run_scoped3A_96 : memref<!tpu.dma_semaphore, #tpu.memory_space<semaphore_mem>>)
      %dma_wait3A_109 = arith.constant 0 : i32
      %dma_wait3A_110 = arith.constant 0 : i32
      %dma_wait3A_111 = tpu.memref_slice %arg9[%run_scoped3A, %dma_wait3A_109, %dma_wait3A_110] : memref<2x128x128xf32, #tpu.memory_space<vmem>> -> memref<1x128x128xf32, #tpu.memory_space<vmem>>
      %dma_wait3A_112 = tpu.memref_squeeze %dma_wait3A_111 : memref<1x128x128xf32, #tpu.memory_space<vmem>> -> memref<128x128xf32, #tpu.memory_space<vmem>>
      %dma_wait3A_113 = arith.constant 0 : i32
      %dma_wait3A_114 = tpu.memref_slice %arg5[%add3A_70, %dma_wait3A_113] : memref<56320x128xf32, #tpu.memory_space<hbm>> -> memref<128x128xf32, #tpu.memory_space<hbm>>
      %dma_wait3A_115 = arith.constant 0 : i32
      %dma_wait3A_116 = tpu.memref_slice %arg5[%add3A_70, %dma_wait3A_115] : memref<56320x128xf32, #tpu.memory_space<hbm>> -> memref<128x128xf32, #tpu.memory_space<hbm>>
      %dma_wait3A_117 = arith.constant 0 : i32
      %dma_wait3A_118 = arith.constant 0 : i32
      %dma_wait3A_119 = tpu.memref_slice %arg9[%run_scoped3A, %dma_wait3A_117, %dma_wait3A_118] : memref<2x128x128xf32, #tpu.memory_space<vmem>> -> memref<1x128x128xf32, #tpu.memory_space<vmem>>
      %dma_wait3A_120 = tpu.memref_squeeze %dma_wait3A_119 : memref<1x128x128xf32, #tpu.memory_space<vmem>> -> memref<128x128xf32, #tpu.memory_space<vmem>>
      tpu.wait_dma2 semaphore(%run_scoped3A_96 : memref<!tpu.dma_semaphore, #tpu.memory_space<semaphore_mem>>) src(%dma_wait3A_120 : memref<128x128xf32, #tpu.memory_space<vmem>>) dst(%dma_wait3A_116 : memref<128x128xf32, #tpu.memory_space<hbm>>)
      tpu.yield
    }) : () -> ()
    %run_scoped3A_71 = arith.constant 0 : i32
    "tpu.region"() ({
      %run_scoped3A_96 = tpu.sem_alloc : memref<!tpu.dma_semaphore, #tpu.memory_space<semaphore_mem>>
      %dma_start3A_97 = arith.constant 0 : i32
      %dma_start3A_98 = arith.constant 0 : i32
      %dma_start3A_99 = tpu.memref_slice %arg10[%run_scoped3A_71, %dma_start3A_97, %dma_start3A_98] : memref<2x128x128xf32, #tpu.memory_space<vmem>> -> memref<1x128x128xf32, #tpu.memory_space<vmem>>
      %dma_start3A_100 = tpu.memref_squeeze %dma_start3A_99 : memref<1x128x128xf32, #tpu.memory_space<vmem>> -> memref<128x128xf32, #tpu.memory_space<vmem>>
      %dma_start3A_101 = arith.constant 0 : i32
      %dma_start3A_102 = tpu.memref_slice %arg6[%add3A_70, %dma_start3A_101] : memref<56320x128xf32, #tpu.memory_space<hbm>> -> memref<128x128xf32, #tpu.memory_space<hbm>>
      %dma_start3A_103 = arith.constant 0 : i32
      %dma_start3A_104 = tpu.memref_slice %arg6[%add3A_70, %dma_start3A_103] : memref<56320x128xf32, #tpu.memory_space<hbm>> -> memref<128x128xf32, #tpu.memory_space<hbm>>
      %dma_start3A_105 = arith.constant 0 : i32
      %dma_start3A_106 = arith.constant 0 : i32
      %dma_start3A_107 = tpu.memref_slice %arg10[%run_scoped3A_71, %dma_start3A_105, %dma_start3A_106] : memref<2x128x128xf32, #tpu.memory_space<vmem>> -> memref<1x128x128xf32, #tpu.memory_space<vmem>>
      %dma_start3A_108 = tpu.memref_squeeze %dma_start3A_107 : memref<1x128x128xf32, #tpu.memory_space<vmem>> -> memref<128x128xf32, #tpu.memory_space<vmem>>
      tpu.enqueue_dma source(%dma_start3A_108 : memref<128x128xf32, #tpu.memory_space<vmem>>) target(%dma_start3A_104 : memref<128x128xf32, #tpu.memory_space<hbm>>) target_semaphore(%run_scoped3A_96 : memref<!tpu.dma_semaphore, #tpu.memory_space<semaphore_mem>>)
      %dma_wait3A_109 = arith.constant 0 : i32
      %dma_wait3A_110 = arith.constant 0 : i32
      %dma_wait3A_111 = tpu.memref_slice %arg10[%run_scoped3A_71, %dma_wait3A_109, %dma_wait3A_110] : memref<2x128x128xf32, #tpu.memory_space<vmem>> -> memref<1x128x128xf32, #tpu.memory_space<vmem>>
      %dma_wait3A_112 = tpu.memref_squeeze %dma_wait3A_111 : memref<1x128x128xf32, #tpu.memory_space<vmem>> -> memref<128x128xf32, #tpu.memory_space<vmem>>
      %dma_wait3A_113 = arith.constant 0 : i32
      %dma_wait3A_114 = tpu.memref_slice %arg6[%add3A_70, %dma_wait3A_113] : memref<56320x128xf32, #tpu.memory_space<hbm>> -> memref<128x128xf32, #tpu.memory_space<hbm>>
      %dma_wait3A_115 = arith.constant 0 : i32
      %dma_wait3A_116 = tpu.memref_slice %arg6[%add3A_70, %dma_wait3A_115] : memref<56320x128xf32, #tpu.memory_space<hbm>> -> memref<128x128xf32, #tpu.memory_space<hbm>>
      %dma_wait3A_117 = arith.constant 0 : i32
      %dma_wait3A_118 = arith.constant 0 : i32
      %dma_wait3A_119 = tpu.memref_slice %arg10[%run_scoped3A_71, %dma_wait3A_117, %dma_wait3A_118] : memref<2x128x128xf32, #tpu.memory_space<vmem>> -> memref<1x128x128xf32, #tpu.memory_space<vmem>>
      %dma_wait3A_120 = tpu.memref_squeeze %dma_wait3A_119 : memref<1x128x128xf32, #tpu.memory_space<vmem>> -> memref<128x128xf32, #tpu.memory_space<vmem>>
      tpu.wait_dma2 semaphore(%run_scoped3A_96 : memref<!tpu.dma_semaphore, #tpu.memory_space<semaphore_mem>>) src(%dma_wait3A_120 : memref<128x128xf32, #tpu.memory_space<vmem>>) dst(%dma_wait3A_116 : memref<128x128xf32, #tpu.memory_space<hbm>>)
      tpu.yield
    }) : () -> ()
    %dma_wait3A_72 = arith.constant 1 : i32
    %dma_wait3A_73 = arith.constant 0 : i32
    %dma_wait3A_74 = arith.constant 0 : i32
    %dma_wait3A_75 = tpu.memref_slice %arg9[%dma_wait3A_72, %dma_wait3A_73, %dma_wait3A_74] : memref<2x128x128xf32, #tpu.memory_space<vmem>> -> memref<1x96x128xf32, #tpu.memory_space<vmem>>
    %dma_wait3A_76 = tpu.memref_squeeze %dma_wait3A_75 : memref<1x96x128xf32, #tpu.memory_space<vmem>> -> memref<96x128xf32, #tpu.memory_space<vmem>>
    %dma_wait3A_77 = arith.constant 1664 : i32
    %dma_wait3A_78 = tpu.memref_slice %arg7[%dma_wait3A_77] : memref<1760xi32, #tpu.memory_space<vmem>> -> memref<96xi32, #tpu.memory_space<vmem>>
    %dma_wait3A_79 = arith.constant 0 : i32
    %dma_wait3A_80 = arith.constant 0 : i32
    %dma_wait3A_81 = tpu.memref_slice %arg2[%dma_wait3A_79, %dma_wait3A_80] : memref<10000x128xf32, #tpu.memory_space<hbm>> -> memref<10000x128xf32, #tpu.memory_space<hbm>>
    tpu.wait_indirect_dma semaphore(%arg12 : memref<!tpu.dma_semaphore, #tpu.memory_space<semaphore_mem>>) src(%dma_wait3A_81 : memref<10000x128xf32, #tpu.memory_space<hbm>>) dst(%dma_wait3A_76 : memref<96x128xf32, #tpu.memory_space<vmem>>)
    %dma_wait3A_82 = arith.constant 1 : i32
    %dma_wait3A_83 = arith.constant 0 : i32
    %dma_wait3A_84 = arith.constant 0 : i32
    %dma_wait3A_85 = tpu.memref_slice %arg10[%dma_wait3A_82, %dma_wait3A_83, %dma_wait3A_84] : memref<2x128x128xf32, #tpu.memory_space<vmem>> -> memref<1x96x128xf32, #tpu.memory_space<vmem>>
    %dma_wait3A_86 = tpu.memref_squeeze %dma_wait3A_85 : memref<1x96x128xf32, #tpu.memory_space<vmem>> -> memref<96x128xf32, #tpu.memory_space<vmem>>
    %dma_wait3A_87 = arith.constant 1664 : i32
    %dma_wait3A_88 = tpu.memref_slice %arg8[%dma_wait3A_87] : memref<1760xi32, #tpu.memory_space<vmem>> -> memref<96xi32, #tpu.memory_space<vmem>>
    %dma_wait3A_89 = arith.constant 0 : i32
    %dma_wait3A_90 = arith.constant 0 : i32
    %dma_wait3A_91 = tpu.memref_slice %arg2[%dma_wait3A_89, %dma_wait3A_90] : memref<10000x128xf32, #tpu.memory_space<hbm>> -> memref<10000x128xf32, #tpu.memory_space<hbm>>
    tpu.wait_indirect_dma semaphore(%arg14 : memref<!tpu.dma_semaphore, #tpu.memory_space<semaphore_mem>>) src(%dma_wait3A_91 : memref<10000x128xf32, #tpu.memory_space<hbm>>) dst(%dma_wait3A_86 : memref<96x128xf32, #tpu.memory_space<vmem>>)
    %add3A_92 = arith.constant 1664 : i32
    %add3A_93 = arith.addi %mul3A_2, %add3A_92 : i32
    %run_scoped3A_94 = arith.constant 1 : i32
    "tpu.region"() ({
      %run_scoped3A_96 = tpu.sem_alloc : memref<!tpu.dma_semaphore, #tpu.memory_space<semaphore_mem>>
      %dma_start3A_97 = arith.constant 0 : i32
      %dma_start3A_98 = arith.constant 0 : i32
      %dma_start3A_99 = tpu.memref_slice %arg9[%run_scoped3A_94, %dma_start3A_97, %dma_start3A_98] : memref<2x128x128xf32, #tpu.memory_space<vmem>> -> memref<1x96x128xf32, #tpu.memory_space<vmem>>
      %dma_start3A_100 = tpu.memref_squeeze %dma_start3A_99 : memref<1x96x128xf32, #tpu.memory_space<vmem>> -> memref<96x128xf32, #tpu.memory_space<vmem>>
      %dma_start3A_101 = arith.constant 0 : i32
      %dma_start3A_102 = tpu.memref_slice %arg5[%add3A_93, %dma_start3A_101] : memref<56320x128xf32, #tpu.memory_space<hbm>> -> memref<96x128xf32, #tpu.memory_space<hbm>>
      %dma_start3A_103 = arith.constant 0 : i32
      %dma_start3A_104 = tpu.memref_slice %arg5[%add3A_93, %dma_start3A_103] : memref<56320x128xf32, #tpu.memory_space<hbm>> -> memref<96x128xf32, #tpu.memory_space<hbm>>
      %dma_start3A_105 = arith.constant 0 : i32
      %dma_start3A_106 = arith.constant 0 : i32
      %dma_start3A_107 = tpu.memref_slice %arg9[%run_scoped3A_94, %dma_start3A_105, %dma_start3A_106] : memref<2x128x128xf32, #tpu.memory_space<vmem>> -> memref<1x96x128xf32, #tpu.memory_space<vmem>>
      %dma_start3A_108 = tpu.memref_squeeze %dma_start3A_107 : memref<1x96x128xf32, #tpu.memory_space<vmem>> -> memref<96x128xf32, #tpu.memory_space<vmem>>
      tpu.enqueue_dma source(%dma_start3A_108 : memref<96x128xf32, #tpu.memory_space<vmem>>) target(%dma_start3A_104 : memref<96x128xf32, #tpu.memory_space<hbm>>) target_semaphore(%run_scoped3A_96 : memref<!tpu.dma_semaphore, #tpu.memory_space<semaphore_mem>>)
      %dma_wait3A_109 = arith.constant 0 : i32
      %dma_wait3A_110 = arith.constant 0 : i32
      %dma_wait3A_111 = tpu.memref_slice %arg9[%run_scoped3A_94, %dma_wait3A_109, %dma_wait3A_110] : memref<2x128x128xf32, #tpu.memory_space<vmem>> -> memref<1x96x128xf32, #tpu.memory_space<vmem>>
      %dma_wait3A_112 = tpu.memref_squeeze %dma_wait3A_111 : memref<1x96x128xf32, #tpu.memory_space<vmem>> -> memref<96x128xf32, #tpu.memory_space<vmem>>
      %dma_wait3A_113 = arith.constant 0 : i32
      %dma_wait3A_114 = tpu.memref_slice %arg5[%add3A_93, %dma_wait3A_113] : memref<56320x128xf32, #tpu.memory_space<hbm>> -> memref<96x128xf32, #tpu.memory_space<hbm>>
      %dma_wait3A_115 = arith.constant 0 : i32
      %dma_wait3A_116 = tpu.memref_slice %arg5[%add3A_93, %dma_wait3A_115] : memref<56320x128xf32, #tpu.memory_space<hbm>> -> memref<96x128xf32, #tpu.memory_space<hbm>>
      %dma_wait3A_117 = arith.constant 0 : i32
      %dma_wait3A_118 = arith.constant 0 : i32
      %dma_wait3A_119 = tpu.memref_slice %arg9[%run_scoped3A_94, %dma_wait3A_117, %dma_wait3A_118] : memref<2x128x128xf32, #tpu.memory_space<vmem>> -> memref<1x96x128xf32, #tpu.memory_space<vmem>>
      %dma_wait3A_120 = tpu.memref_squeeze %dma_wait3A_119 : memref<1x96x128xf32, #tpu.memory_space<vmem>> -> memref<96x128xf32, #tpu.memory_space<vmem>>
      tpu.wait_dma2 semaphore(%run_scoped3A_96 : memref<!tpu.dma_semaphore, #tpu.memory_space<semaphore_mem>>) src(%dma_wait3A_120 : memref<96x128xf32, #tpu.memory_space<vmem>>) dst(%dma_wait3A_116 : memref<96x128xf32, #tpu.memory_space<hbm>>)
      tpu.yield
    }) : () -> ()
    %run_scoped3A_95 = arith.constant 1 : i32
    "tpu.region"() ({
      %run_scoped3A_96 = tpu.sem_alloc : memref<!tpu.dma_semaphore, #tpu.memory_space<semaphore_mem>>
      %dma_start3A_97 = arith.constant 0 : i32
      %dma_start3A_98 = arith.constant 0 : i32
      %dma_start3A_99 = tpu.memref_slice %arg10[%run_scoped3A_95, %dma_start3A_97, %dma_start3A_98] : memref<2x128x128xf32, #tpu.memory_space<vmem>> -> memref<1x96x128xf32, #tpu.memory_space<vmem>>
      %dma_start3A_100 = tpu.memref_squeeze %dma_start3A_99 : memref<1x96x128xf32, #tpu.memory_space<vmem>> -> memref<96x128xf32, #tpu.memory_space<vmem>>
      %dma_start3A_101 = arith.constant 0 : i32
      %dma_start3A_102 = tpu.memref_slice %arg6[%add3A_93, %dma_start3A_101] : memref<56320x128xf32, #tpu.memory_space<hbm>> -> memref<96x128xf32, #tpu.memory_space<hbm>>
      %dma_start3A_103 = arith.constant 0 : i32
      %dma_start3A_104 = tpu.memref_slice %arg6[%add3A_93, %dma_start3A_103] : memref<56320x128xf32, #tpu.memory_space<hbm>> -> memref<96x128xf32, #tpu.memory_space<hbm>>
      %dma_start3A_105 = arith.constant 0 : i32
      %dma_start3A_106 = arith.constant 0 : i32
      %dma_start3A_107 = tpu.memref_slice %arg10[%run_scoped3A_95, %dma_start3A_105, %dma_start3A_106] : memref<2x128x128xf32, #tpu.memory_space<vmem>> -> memref<1x96x128xf32, #tpu.memory_space<vmem>>
      %dma_start3A_108 = tpu.memref_squeeze %dma_start3A_107 : memref<1x96x128xf32, #tpu.memory_space<vmem>> -> memref<96x128xf32, #tpu.memory_space<vmem>>
      tpu.enqueue_dma source(%dma_start3A_108 : memref<96x128xf32, #tpu.memory_space<vmem>>) target(%dma_start3A_104 : memref<96x128xf32, #tpu.memory_space<hbm>>) target_semaphore(%run_scoped3A_96 : memref<!tpu.dma_semaphore, #tpu.memory_space<semaphore_mem>>)
      %dma_wait3A_109 = arith.constant 0 : i32
      %dma_wait3A_110 = arith.constant 0 : i32
      %dma_wait3A_111 = tpu.memref_slice %arg10[%run_scoped3A_95, %dma_wait3A_109, %dma_wait3A_110] : memref<2x128x128xf32, #tpu.memory_space<vmem>> -> memref<1x96x128xf32, #tpu.memory_space<vmem>>
      %dma_wait3A_112 = tpu.memref_squeeze %dma_wait3A_111 : memref<1x96x128xf32, #tpu.memory_space<vmem>> -> memref<96x128xf32, #tpu.memory_space<vmem>>
      %dma_wait3A_113 = arith.constant 0 : i32
      %dma_wait3A_114 = tpu.memref_slice %arg6[%add3A_93, %dma_wait3A_113] : memref<56320x128xf32, #tpu.memory_space<hbm>> -> memref<96x128xf32, #tpu.memory_space<hbm>>
      %dma_wait3A_115 = arith.constant 0 : i32
      %dma_wait3A_116 = tpu.memref_slice %arg6[%add3A_93, %dma_wait3A_115] : memref<56320x128xf32, #tpu.memory_space<hbm>> -> memref<96x128xf32, #tpu.memory_space<hbm>>
      %dma_wait3A_117 = arith.constant 0 : i32
      %dma_wait3A_118 = arith.constant 0 : i32
      %dma_wait3A_119 = tpu.memref_slice %arg10[%run_scoped3A_95, %dma_wait3A_117, %dma_wait3A_118] : memref<2x128x128xf32, #tpu.memory_space<vmem>> -> memref<1x96x128xf32, #tpu.memory_space<vmem>>
      %dma_wait3A_120 = tpu.memref_squeeze %dma_wait3A_119 : memref<1x96x128xf32, #tpu.memory_space<vmem>> -> memref<96x128xf32, #tpu.memory_space<vmem>>
      tpu.wait_dma2 semaphore(%run_scoped3A_96 : memref<!tpu.dma_semaphore, #tpu.memory_space<semaphore_mem>>) src(%dma_wait3A_120 : memref<96x128xf32, #tpu.memory_space<vmem>>) dst(%dma_wait3A_116 : memref<96x128xf32, #tpu.memory_space<hbm>>)
      tpu.yield
    }) : () -> ()
    return
  }
}

#map = affine_map<(d0, d1) -> (0, 0)>
#map1 = affine_map<(d0, d1) -> (0, 0, 0)>
module attributes {stable_mosaic.version = 14 : i64} {
  func.func @scatter_k(%arg0: i32, %arg1: i32, %arg2: memref<160000x128xf32, #tpu.memory_space<hbm>>, %arg3: memref<32x40x128xi32, #tpu.memory_space<hbm>>, %arg4: memref<128x128xf32, #tpu.memory_space<hbm>>, %arg5: memref<2x10240x128xf32, #tpu.memory_space<hbm>>, %arg6: memref<10240x128xf32, #tpu.memory_space<vmem_shared>>, %arg7: memref<8x128xi32, #tpu.memory_space<vmem>>, %arg8: memref<2x128x128xf32, #tpu.memory_space<vmem>>, %arg9: memref<!tpu.dma_semaphore, #tpu.memory_space<semaphore_mem>>, %arg10: memref<!tpu.dma_semaphore, #tpu.memory_space<semaphore_mem>>) attributes {dimension_semantics = [#tpu.dimension_semantics<core_parallel>, #tpu.dimension_semantics<subcore_parallel>], iteration_bounds = array<i64: 2, 16>, scalar_prefetch = 0 : i64, scratch_operands = 5 : i64, tpu.core_type = #tpu.core_type<sc_vector_subcore>, window_params = [{transform_indices = #map}, {transform_indices = #map1}, {transform_indices = #map}, {transform_indices = #map1}]} {
    %mul3A = arith.constant 2 : i32
    %mul3A_0 = arith.muli %arg1, %mul3A : i32
    %add3A = arith.addi %mul3A_0, %arg0 : i32
    %mul3A_1 = arith.constant 5000 : i32
    %mul3A_2 = arith.muli %add3A, %mul3A_1 : i32
    %mul3A_3 = arith.constant 640 : i32
    %mul3A_4 = arith.muli %arg1, %mul3A_3 : i32
    %run_scoped3A = arith.constant 0 : i32
    "tpu.region"() ({
      %run_scoped3A_85 = tpu.sem_alloc : memref<!tpu.dma_semaphore, #tpu.memory_space<semaphore_mem>>
      %dma_start3A_86 = arith.constant 0 : i32
      %dma_start3A_87 = arith.constant 0 : i32
      %dma_start3A_88 = tpu.memref_slice %arg8[%run_scoped3A, %dma_start3A_86, %dma_start3A_87] : memref<2x128x128xf32, #tpu.memory_space<vmem>> -> memref<1x128x128xf32, #tpu.memory_space<vmem>>
      %dma_start3A_89 = tpu.memref_squeeze %dma_start3A_88 : memref<1x128x128xf32, #tpu.memory_space<vmem>> -> memref<128x128xf32, #tpu.memory_space<vmem>>
      %dma_start3A_90 = arith.constant 0 : i32
      %dma_start3A_91 = arith.constant 0 : i32
      %dma_start3A_92 = tpu.memref_slice %arg8[%run_scoped3A, %dma_start3A_90, %dma_start3A_91] : memref<2x128x128xf32, #tpu.memory_space<vmem>> -> memref<1x128x128xf32, #tpu.memory_space<vmem>>
      %dma_start3A_93 = tpu.memref_squeeze %dma_start3A_92 : memref<1x128x128xf32, #tpu.memory_space<vmem>> -> memref<128x128xf32, #tpu.memory_space<vmem>>
      tpu.enqueue_dma source(%arg4 : memref<128x128xf32, #tpu.memory_space<hbm>>) target(%dma_start3A_93 : memref<128x128xf32, #tpu.memory_space<vmem>>) target_semaphore(%run_scoped3A_85 : memref<!tpu.dma_semaphore, #tpu.memory_space<semaphore_mem>>)
      %dma_wait3A_94 = arith.constant 0 : i32
      %dma_wait3A_95 = arith.constant 0 : i32
      %dma_wait3A_96 = tpu.memref_slice %arg8[%run_scoped3A, %dma_wait3A_94, %dma_wait3A_95] : memref<2x128x128xf32, #tpu.memory_space<vmem>> -> memref<1x128x128xf32, #tpu.memory_space<vmem>>
      %dma_wait3A_97 = tpu.memref_squeeze %dma_wait3A_96 : memref<1x128x128xf32, #tpu.memory_space<vmem>> -> memref<128x128xf32, #tpu.memory_space<vmem>>
      %dma_wait3A_98 = arith.constant 0 : i32
      %dma_wait3A_99 = arith.constant 0 : i32
      %dma_wait3A_100 = tpu.memref_slice %arg8[%run_scoped3A, %dma_wait3A_98, %dma_wait3A_99] : memref<2x128x128xf32, #tpu.memory_space<vmem>> -> memref<1x128x128xf32, #tpu.memory_space<vmem>>
      %dma_wait3A_101 = tpu.memref_squeeze %dma_wait3A_100 : memref<1x128x128xf32, #tpu.memory_space<vmem>> -> memref<128x128xf32, #tpu.memory_space<vmem>>
      tpu.wait_dma2 semaphore(%run_scoped3A_85 : memref<!tpu.dma_semaphore, #tpu.memory_space<semaphore_mem>>) src(%arg4 : memref<128x128xf32, #tpu.memory_space<hbm>>) dst(%dma_wait3A_101 : memref<128x128xf32, #tpu.memory_space<vmem>>)
      tpu.yield
    }) : () -> ()
    %scan3A = arith.constant 0 : i32
    %scan3A_5 = arith.constant 5 : i32
    %scan3A_6 = arith.addi %scan3A, %scan3A_5 : i32
    %scan3A_7 = arith.constant 1 : i32
    scf.for %scan3A_85 = %scan3A to %scan3A_6 step %scan3A_7  : i32 {
      %mul3A_86 = arith.constant 128 : i32
      %mul3A_87 = arith.muli %scan3A_85, %mul3A_86 : i32
      %add3A_88 = arith.addi %mul3A_4, %mul3A_87 : i32
      %run_scoped3A_89 = arith.constant 0 : i32
      "tpu.region"() ({
        %run_scoped3A_90 = tpu.sem_alloc : memref<!tpu.dma_semaphore, #tpu.memory_space<semaphore_mem>>
        %dma_start3A_91 = arith.constant 0 : i32
        %dma_start3A_92 = arith.constant 0 : i32
        %dma_start3A_93 = tpu.memref_slice %arg8[%run_scoped3A_89, %dma_start3A_91, %dma_start3A_92] : memref<2x128x128xf32, #tpu.memory_space<vmem>> -> memref<1x128x128xf32, #tpu.memory_space<vmem>>
        %dma_start3A_94 = tpu.memref_squeeze %dma_start3A_93 : memref<1x128x128xf32, #tpu.memory_space<vmem>> -> memref<128x128xf32, #tpu.memory_space<vmem>>
        %dma_start3A_95 = arith.constant 0 : i32
        %dma_start3A_96 = tpu.memref_slice %arg6[%add3A_88, %dma_start3A_95] : memref<10240x128xf32, #tpu.memory_space<vmem_shared>> -> memref<128x128xf32, #tpu.memory_space<vmem_shared>>
        %dma_start3A_97 = arith.constant 0 : i32
        %dma_start3A_98 = tpu.memref_slice %arg6[%add3A_88, %dma_start3A_97] : memref<10240x128xf32, #tpu.memory_space<vmem_shared>> -> memref<128x128xf32, #tpu.memory_space<vmem_shared>>
        %dma_start3A_99 = arith.constant 0 : i32
        %dma_start3A_100 = arith.constant 0 : i32
        %dma_start3A_101 = tpu.memref_slice %arg8[%run_scoped3A_89, %dma_start3A_99, %dma_start3A_100] : memref<2x128x128xf32, #tpu.memory_space<vmem>> -> memref<1x128x128xf32, #tpu.memory_space<vmem>>
        %dma_start3A_102 = tpu.memref_squeeze %dma_start3A_101 : memref<1x128x128xf32, #tpu.memory_space<vmem>> -> memref<128x128xf32, #tpu.memory_space<vmem>>
        tpu.enqueue_dma source(%dma_start3A_102 : memref<128x128xf32, #tpu.memory_space<vmem>>) target(%dma_start3A_98 : memref<128x128xf32, #tpu.memory_space<vmem_shared>>) target_semaphore(%run_scoped3A_90 : memref<!tpu.dma_semaphore, #tpu.memory_space<semaphore_mem>>)
        %dma_wait3A_103 = arith.constant 0 : i32
        %dma_wait3A_104 = arith.constant 0 : i32
        %dma_wait3A_105 = tpu.memref_slice %arg8[%run_scoped3A_89, %dma_wait3A_103, %dma_wait3A_104] : memref<2x128x128xf32, #tpu.memory_space<vmem>> -> memref<1x128x128xf32, #tpu.memory_space<vmem>>
        %dma_wait3A_106 = tpu.memref_squeeze %dma_wait3A_105 : memref<1x128x128xf32, #tpu.memory_space<vmem>> -> memref<128x128xf32, #tpu.memory_space<vmem>>
        %dma_wait3A_107 = arith.constant 0 : i32
        %dma_wait3A_108 = tpu.memref_slice %arg6[%add3A_88, %dma_wait3A_107] : memref<10240x128xf32, #tpu.memory_space<vmem_shared>> -> memref<128x128xf32, #tpu.memory_space<vmem_shared>>
        %dma_wait3A_109 = arith.constant 0 : i32
        %dma_wait3A_110 = tpu.memref_slice %arg6[%add3A_88, %dma_wait3A_109] : memref<10240x128xf32, #tpu.memory_space<vmem_shared>> -> memref<128x128xf32, #tpu.memory_space<vmem_shared>>
        %dma_wait3A_111 = arith.constant 0 : i32
        %dma_wait3A_112 = arith.constant 0 : i32
        %dma_wait3A_113 = tpu.memref_slice %arg8[%run_scoped3A_89, %dma_wait3A_111, %dma_wait3A_112] : memref<2x128x128xf32, #tpu.memory_space<vmem>> -> memref<1x128x128xf32, #tpu.memory_space<vmem>>
        %dma_wait3A_114 = tpu.memref_squeeze %dma_wait3A_113 : memref<1x128x128xf32, #tpu.memory_space<vmem>> -> memref<128x128xf32, #tpu.memory_space<vmem>>
        tpu.wait_dma2 semaphore(%run_scoped3A_90 : memref<!tpu.dma_semaphore, #tpu.memory_space<semaphore_mem>>) src(%dma_wait3A_114 : memref<128x128xf32, #tpu.memory_space<vmem>>) dst(%dma_wait3A_110 : memref<128x128xf32, #tpu.memory_space<vmem_shared>>)
        tpu.yield
      }) : () -> ()
    }
    %scan3A_8 = arith.constant 5 : i32
    %barrier3A = arith.constant 0 : index
    tpu.barrier barrier_id(%barrier3A)
    %add3A_9 = arith.constant 0 : i32
    %add3A_10 = arith.addi %mul3A_2, %add3A_9 : i32
    %dma_start3A = arith.constant 0 : i32
    %dma_start3A_11 = arith.constant 0 : i32
    %dma_start3A_12 = arith.constant 0 : i32
    %dma_start3A_13 = tpu.memref_slice %arg8[%dma_start3A, %dma_start3A_11, %dma_start3A_12] : memref<2x128x128xf32, #tpu.memory_space<vmem>> -> memref<1x128x128xf32, #tpu.memory_space<vmem>>
    %dma_start3A_14 = tpu.memref_squeeze %dma_start3A_13 : memref<1x128x128xf32, #tpu.memory_space<vmem>> -> memref<128x128xf32, #tpu.memory_space<vmem>>
    %dma_start3A_15 = arith.constant 0 : i32
    %dma_start3A_16 = tpu.memref_slice %arg2[%add3A_10, %dma_start3A_15] : memref<160000x128xf32, #tpu.memory_space<hbm>> -> memref<128x128xf32, #tpu.memory_space<hbm>>
    %dma_start3A_17 = arith.constant 0 : i32
    %dma_start3A_18 = arith.constant 0 : i32
    %dma_start3A_19 = tpu.memref_slice %arg8[%dma_start3A, %dma_start3A_17, %dma_start3A_18] : memref<2x128x128xf32, #tpu.memory_space<vmem>> -> memref<1x128x128xf32, #tpu.memory_space<vmem>>
    %dma_start3A_20 = tpu.memref_squeeze %dma_start3A_19 : memref<1x128x128xf32, #tpu.memory_space<vmem>> -> memref<128x128xf32, #tpu.memory_space<vmem>>
    %dma_start3A_21 = arith.constant 0 : i32
    %dma_start3A_22 = tpu.memref_slice %arg2[%add3A_10, %dma_start3A_21] : memref<160000x128xf32, #tpu.memory_space<hbm>> -> memref<128x128xf32, #tpu.memory_space<hbm>>
    tpu.enqueue_dma source(%dma_start3A_22 : memref<128x128xf32, #tpu.memory_space<hbm>>) target(%dma_start3A_20 : memref<128x128xf32, #tpu.memory_space<vmem>>) target_semaphore(%arg9 : memref<!tpu.dma_semaphore, #tpu.memory_space<semaphore_mem>>)
    %scan3A_23 = arith.constant 0 : i32
    %scan3A_24 = arith.constant 19 : i32
    %scan3A_25 = arith.addi %scan3A_23, %scan3A_24 : i32
    %scan3A_26 = arith.constant 1 : i32
    scf.for %scan3A_85 = %scan3A_23 to %scan3A_25 step %scan3A_26  : i32 {
      %mul3A_86 = arith.constant 2 : i32
      %mul3A_87 = arith.muli %mul3A_86, %scan3A_85 : i32
      %add3A_88 = arith.constant 1 : i32
      %add3A_89 = arith.addi %mul3A_87, %add3A_88 : i32
      %mul3A_90 = arith.constant 128 : i32
      %mul3A_91 = arith.muli %add3A_89, %mul3A_90 : i32
      %add3A_92 = arith.addi %mul3A_2, %mul3A_91 : i32
      %dma_start3A_93 = arith.constant 1 : i32
      %dma_start3A_94 = arith.constant 0 : i32
      %dma_start3A_95 = arith.constant 0 : i32
      %dma_start3A_96 = tpu.memref_slice %arg8[%dma_start3A_93, %dma_start3A_94, %dma_start3A_95] : memref<2x128x128xf32, #tpu.memory_space<vmem>> -> memref<1x128x128xf32, #tpu.memory_space<vmem>>
      %dma_start3A_97 = tpu.memref_squeeze %dma_start3A_96 : memref<1x128x128xf32, #tpu.memory_space<vmem>> -> memref<128x128xf32, #tpu.memory_space<vmem>>
      %dma_start3A_98 = arith.constant 0 : i32
      %dma_start3A_99 = tpu.memref_slice %arg2[%add3A_92, %dma_start3A_98] : memref<160000x128xf32, #tpu.memory_space<hbm>> -> memref<128x128xf32, #tpu.memory_space<hbm>>
      %dma_start3A_100 = arith.constant 0 : i32
      %dma_start3A_101 = arith.constant 0 : i32
      %dma_start3A_102 = tpu.memref_slice %arg8[%dma_start3A_93, %dma_start3A_100, %dma_start3A_101] : memref<2x128x128xf32, #tpu.memory_space<vmem>> -> memref<1x128x128xf32, #tpu.memory_space<vmem>>
      %dma_start3A_103 = tpu.memref_squeeze %dma_start3A_102 : memref<1x128x128xf32, #tpu.memory_space<vmem>> -> memref<128x128xf32, #tpu.memory_space<vmem>>
      %dma_start3A_104 = arith.constant 0 : i32
      %dma_start3A_105 = tpu.memref_slice %arg2[%add3A_92, %dma_start3A_104] : memref<160000x128xf32, #tpu.memory_space<hbm>> -> memref<128x128xf32, #tpu.memory_space<hbm>>
      tpu.enqueue_dma source(%dma_start3A_105 : memref<128x128xf32, #tpu.memory_space<hbm>>) target(%dma_start3A_103 : memref<128x128xf32, #tpu.memory_space<vmem>>) target_semaphore(%arg10 : memref<!tpu.dma_semaphore, #tpu.memory_space<semaphore_mem>>)
      %rem3A_106 = arith.constant 8 : i32
      %rem3A_107 = arith.remsi %mul3A_87, %rem3A_106 : i32
      %eq3A = arith.constant 0 : i32
      %eq3A_108 = arith.cmpi eq, %rem3A_107, %eq3A : i32
      %convert_element_type3A = arith.extui %eq3A_108 : i1 to i32
      %cond3A = arith.constant 0 : i32
      %cond3A_109 = arith.cmpi ne, %convert_element_type3A, %cond3A : i32
      scf.if %cond3A_109 {
        %jit3A = arith.constant 8 : i32
        %div3A = arith.divsi %mul3A_87, %jit3A : i32
        %sign3A = arith.constant 0 : i32
        %sign3A_170 = arith.cmpi sgt, %mul3A_87, %sign3A : i32
        %sign3A_171 = arith.extui %sign3A_170 : i1 to i32
        %sign3A_172 = arith.constant 0 : i32
        %sign3A_173 = arith.cmpi slt, %mul3A_87, %sign3A_172 : i32
        %sign3A_174 = arith.extui %sign3A_173 : i1 to i32
        %sign3A_175 = arith.subi %sign3A_171, %sign3A_174 : i32
        %sign3A_176 = arith.constant 0 : i32
        %sign3A_177 = arith.cmpi sgt, %jit3A, %sign3A_176 : i32
        %sign3A_178 = arith.extui %sign3A_177 : i1 to i32
        %sign3A_179 = arith.constant 0 : i32
        %sign3A_180 = arith.cmpi slt, %jit3A, %sign3A_179 : i32
        %sign3A_181 = arith.extui %sign3A_180 : i1 to i32
        %sign3A_182 = arith.subi %sign3A_178, %sign3A_181 : i32
        %ne3A = arith.cmpi ne, %sign3A_175, %sign3A_182 : i32
        %rem3A_183 = arith.remsi %mul3A_87, %jit3A : i32
        %ne3A_184 = arith.constant 0 : i32
        %ne3A_185 = arith.cmpi ne, %rem3A_183, %ne3A_184 : i32
        %and3A = arith.andi %ne3A, %ne3A_185 : i1
        %sub3A = arith.constant 1 : i32
        %sub3A_186 = arith.subi %div3A, %sub3A : i32
        %select_n3A = arith.select %and3A, %sub3A_186, %div3A : i32
        %mul3A_187 = arith.constant 8 : i32
        %mul3A_188 = arith.muli %select_n3A, %mul3A_187 : i32
        "tpu.region"() ({
          %run_scoped3A_189 = tpu.sem_alloc : memref<!tpu.dma_semaphore, #tpu.memory_space<semaphore_mem>>
          %dma_start3A_190 = arith.constant 0 : i32
          %dma_start3A_191 = tpu.memref_slice %arg3[%add3A, %mul3A_188, %dma_start3A_190] : memref<32x40x128xi32, #tpu.memory_space<hbm>> -> memref<1x8x128xi32, #tpu.memory_space<hbm>>
          %dma_start3A_192 = tpu.memref_squeeze %dma_start3A_191 : memref<1x8x128xi32, #tpu.memory_space<hbm>> -> memref<8x128xi32, #tpu.memory_space<hbm>>
          %dma_start3A_193 = arith.constant 0 : i32
          %dma_start3A_194 = tpu.memref_slice %arg3[%add3A, %mul3A_188, %dma_start3A_193] : memref<32x40x128xi32, #tpu.memory_space<hbm>> -> memref<1x8x128xi32, #tpu.memory_space<hbm>>
          %dma_start3A_195 = tpu.memref_squeeze %dma_start3A_194 : memref<1x8x128xi32, #tpu.memory_space<hbm>> -> memref<8x128xi32, #tpu.memory_space<hbm>>
          tpu.enqueue_dma source(%dma_start3A_195 : memref<8x128xi32, #tpu.memory_space<hbm>>) target(%arg7 : memref<8x128xi32, #tpu.memory_space<vmem>>) target_semaphore(%run_scoped3A_189 : memref<!tpu.dma_semaphore, #tpu.memory_space<semaphore_mem>>)
          %dma_wait3A_196 = arith.constant 0 : i32
          %dma_wait3A_197 = tpu.memref_slice %arg3[%add3A, %mul3A_188, %dma_wait3A_196] : memref<32x40x128xi32, #tpu.memory_space<hbm>> -> memref<1x8x128xi32, #tpu.memory_space<hbm>>
          %dma_wait3A_198 = tpu.memref_squeeze %dma_wait3A_197 : memref<1x8x128xi32, #tpu.memory_space<hbm>> -> memref<8x128xi32, #tpu.memory_space<hbm>>
          %dma_wait3A_199 = arith.constant 0 : i32
          %dma_wait3A_200 = tpu.memref_slice %arg3[%add3A, %mul3A_188, %dma_wait3A_199] : memref<32x40x128xi32, #tpu.memory_space<hbm>> -> memref<1x8x128xi32, #tpu.memory_space<hbm>>
          %dma_wait3A_201 = tpu.memref_squeeze %dma_wait3A_200 : memref<1x8x128xi32, #tpu.memory_space<hbm>> -> memref<8x128xi32, #tpu.memory_space<hbm>>
          tpu.wait_dma2 semaphore(%run_scoped3A_189 : memref<!tpu.dma_semaphore, #tpu.memory_space<semaphore_mem>>) src(%dma_wait3A_201 : memref<8x128xi32, #tpu.memory_space<hbm>>) dst(%arg7 : memref<8x128xi32, #tpu.memory_space<vmem>>)
          tpu.yield
        }) : () -> ()
      } else {
      }
      %mul3A_110 = arith.constant 128 : i32
      %mul3A_111 = arith.muli %mul3A_87, %mul3A_110 : i32
      %add3A_112 = arith.addi %mul3A_2, %mul3A_111 : i32
      %dma_wait3A_113 = arith.constant 0 : i32
      %dma_wait3A_114 = arith.constant 0 : i32
      %dma_wait3A_115 = arith.constant 0 : i32
      %dma_wait3A_116 = tpu.memref_slice %arg8[%dma_wait3A_113, %dma_wait3A_114, %dma_wait3A_115] : memref<2x128x128xf32, #tpu.memory_space<vmem>> -> memref<1x128x128xf32, #tpu.memory_space<vmem>>
      %dma_wait3A_117 = tpu.memref_squeeze %dma_wait3A_116 : memref<1x128x128xf32, #tpu.memory_space<vmem>> -> memref<128x128xf32, #tpu.memory_space<vmem>>
      %dma_wait3A_118 = arith.constant 0 : i32
      %dma_wait3A_119 = tpu.memref_slice %arg2[%add3A_112, %dma_wait3A_118] : memref<160000x128xf32, #tpu.memory_space<hbm>> -> memref<128x128xf32, #tpu.memory_space<hbm>>
      %dma_wait3A_120 = arith.constant 0 : i32
      %dma_wait3A_121 = arith.constant 0 : i32
      %dma_wait3A_122 = tpu.memref_slice %arg8[%dma_wait3A_113, %dma_wait3A_120, %dma_wait3A_121] : memref<2x128x128xf32, #tpu.memory_space<vmem>> -> memref<1x128x128xf32, #tpu.memory_space<vmem>>
      %dma_wait3A_123 = tpu.memref_squeeze %dma_wait3A_122 : memref<1x128x128xf32, #tpu.memory_space<vmem>> -> memref<128x128xf32, #tpu.memory_space<vmem>>
      %dma_wait3A_124 = arith.constant 0 : i32
      %dma_wait3A_125 = tpu.memref_slice %arg2[%add3A_112, %dma_wait3A_124] : memref<160000x128xf32, #tpu.memory_space<hbm>> -> memref<128x128xf32, #tpu.memory_space<hbm>>
      tpu.wait_dma2 semaphore(%arg9 : memref<!tpu.dma_semaphore, #tpu.memory_space<semaphore_mem>>) src(%dma_wait3A_125 : memref<128x128xf32, #tpu.memory_space<hbm>>) dst(%dma_wait3A_123 : memref<128x128xf32, #tpu.memory_space<vmem>>)
      %rem3A_126 = arith.constant 8 : i32
      %rem3A_127 = arith.remsi %mul3A_87, %rem3A_126 : i32
      %run_scoped3A_128 = arith.constant 0 : i32
      "tpu.region"() ({
        %run_scoped3A_170 = tpu.sem_alloc : memref<!tpu.dma_semaphore, #tpu.memory_space<semaphore_mem>>
        %dma_start3A_171 = arith.constant 0 : i32
        %dma_start3A_172 = arith.constant 0 : i32
        %dma_start3A_173 = tpu.memref_slice %arg8[%run_scoped3A_128, %dma_start3A_171, %dma_start3A_172] : memref<2x128x128xf32, #tpu.memory_space<vmem>> -> memref<1x128x128xf32, #tpu.memory_space<vmem>>
        %dma_start3A_174 = tpu.memref_squeeze %dma_start3A_173 : memref<1x128x128xf32, #tpu.memory_space<vmem>> -> memref<128x128xf32, #tpu.memory_space<vmem>>
        %dma_start3A_175 = arith.constant 0 : i32
        %dma_start3A_176 = tpu.memref_slice %arg7[%rem3A_127, %dma_start3A_175] : memref<8x128xi32, #tpu.memory_space<vmem>> -> memref<1x128xi32, #tpu.memory_space<vmem>>
        %dma_start3A_177 = tpu.memref_squeeze %dma_start3A_176 : memref<1x128xi32, #tpu.memory_space<vmem>> -> memref<128xi32, #tpu.memory_space<vmem>>
        %dma_start3A_178 = arith.constant 0 : i32
        %dma_start3A_179 = arith.constant 0 : i32
        %dma_start3A_180 = tpu.memref_slice %arg6[%dma_start3A_178, %dma_start3A_179] : memref<10240x128xf32, #tpu.memory_space<vmem_shared>> -> memref<10240x128xf32, #tpu.memory_space<vmem_shared>>
        tpu.enqueue_indirect_dma source(%dma_start3A_174 : memref<128x128xf32, #tpu.memory_space<vmem>>) target(%dma_start3A_180 : memref<10240x128xf32, #tpu.memory_space<vmem_shared>>) offsets(%dma_start3A_177 : memref<128xi32, #tpu.memory_space<vmem>>) semaphore(%run_scoped3A_170 : memref<!tpu.dma_semaphore, #tpu.memory_space<semaphore_mem>>) {add = true}
        %dma_wait3A_181 = arith.constant 0 : i32
        %dma_wait3A_182 = arith.constant 0 : i32
        %dma_wait3A_183 = tpu.memref_slice %arg8[%run_scoped3A_128, %dma_wait3A_181, %dma_wait3A_182] : memref<2x128x128xf32, #tpu.memory_space<vmem>> -> memref<1x128x128xf32, #tpu.memory_space<vmem>>
        %dma_wait3A_184 = tpu.memref_squeeze %dma_wait3A_183 : memref<1x128x128xf32, #tpu.memory_space<vmem>> -> memref<128x128xf32, #tpu.memory_space<vmem>>
        %dma_wait3A_185 = arith.constant 0 : i32
        %dma_wait3A_186 = tpu.memref_slice %arg7[%rem3A_127, %dma_wait3A_185] : memref<8x128xi32, #tpu.memory_space<vmem>> -> memref<1x128xi32, #tpu.memory_space<vmem>>
        %dma_wait3A_187 = tpu.memref_squeeze %dma_wait3A_186 : memref<1x128xi32, #tpu.memory_space<vmem>> -> memref<128xi32, #tpu.memory_space<vmem>>
        %dma_wait3A_188 = arith.constant 0 : i32
        %dma_wait3A_189 = arith.constant 0 : i32
        %dma_wait3A_190 = tpu.memref_slice %arg6[%dma_wait3A_188, %dma_wait3A_189] : memref<10240x128xf32, #tpu.memory_space<vmem_shared>> -> memref<10240x128xf32, #tpu.memory_space<vmem_shared>>
        tpu.wait_indirect_dma semaphore(%run_scoped3A_170 : memref<!tpu.dma_semaphore, #tpu.memory_space<semaphore_mem>>) src(%dma_wait3A_184 : memref<128x128xf32, #tpu.memory_space<vmem>>) dst(%dma_wait3A_190 : memref<10240x128xf32, #tpu.memory_space<vmem_shared>>)
        tpu.yield
      }) : () -> ()
      %add3A_129 = arith.constant 2 : i32
      %add3A_130 = arith.addi %mul3A_87, %add3A_129 : i32
      %mul3A_131 = arith.constant 128 : i32
      %mul3A_132 = arith.muli %add3A_130, %mul3A_131 : i32
      %add3A_133 = arith.addi %mul3A_2, %mul3A_132 : i32
      %dma_start3A_134 = arith.constant 0 : i32
      %dma_start3A_135 = arith.constant 0 : i32
      %dma_start3A_136 = arith.constant 0 : i32
      %dma_start3A_137 = tpu.memref_slice %arg8[%dma_start3A_134, %dma_start3A_135, %dma_start3A_136] : memref<2x128x128xf32, #tpu.memory_space<vmem>> -> memref<1x128x128xf32, #tpu.memory_space<vmem>>
      %dma_start3A_138 = tpu.memref_squeeze %dma_start3A_137 : memref<1x128x128xf32, #tpu.memory_space<vmem>> -> memref<128x128xf32, #tpu.memory_space<vmem>>
      %dma_start3A_139 = arith.constant 0 : i32
      %dma_start3A_140 = tpu.memref_slice %arg2[%add3A_133, %dma_start3A_139] : memref<160000x128xf32, #tpu.memory_space<hbm>> -> memref<128x128xf32, #tpu.memory_space<hbm>>
      %dma_start3A_141 = arith.constant 0 : i32
      %dma_start3A_142 = arith.constant 0 : i32
      %dma_start3A_143 = tpu.memref_slice %arg8[%dma_start3A_134, %dma_start3A_141, %dma_start3A_142] : memref<2x128x128xf32, #tpu.memory_space<vmem>> -> memref<1x128x128xf32, #tpu.memory_space<vmem>>
      %dma_start3A_144 = tpu.memref_squeeze %dma_start3A_143 : memref<1x128x128xf32, #tpu.memory_space<vmem>> -> memref<128x128xf32, #tpu.memory_space<vmem>>
      %dma_start3A_145 = arith.constant 0 : i32
      %dma_start3A_146 = tpu.memref_slice %arg2[%add3A_133, %dma_start3A_145] : memref<160000x128xf32, #tpu.memory_space<hbm>> -> memref<128x128xf32, #tpu.memory_space<hbm>>
      tpu.enqueue_dma source(%dma_start3A_146 : memref<128x128xf32, #tpu.memory_space<hbm>>) target(%dma_start3A_144 : memref<128x128xf32, #tpu.memory_space<vmem>>) target_semaphore(%arg9 : memref<!tpu.dma_semaphore, #tpu.memory_space<semaphore_mem>>)
      %add3A_147 = arith.constant 1 : i32
      %add3A_148 = arith.addi %mul3A_87, %add3A_147 : i32
      %mul3A_149 = arith.constant 128 : i32
      %mul3A_150 = arith.muli %add3A_148, %mul3A_149 : i32
      %add3A_151 = arith.addi %mul3A_2, %mul3A_150 : i32
      %dma_wait3A_152 = arith.constant 1 : i32
      %dma_wait3A_153 = arith.constant 0 : i32
      %dma_wait3A_154 = arith.constant 0 : i32
      %dma_wait3A_155 = tpu.memref_slice %arg8[%dma_wait3A_152, %dma_wait3A_153, %dma_wait3A_154] : memref<2x128x128xf32, #tpu.memory_space<vmem>> -> memref<1x128x128xf32, #tpu.memory_space<vmem>>
      %dma_wait3A_156 = tpu.memref_squeeze %dma_wait3A_155 : memref<1x128x128xf32, #tpu.memory_space<vmem>> -> memref<128x128xf32, #tpu.memory_space<vmem>>
      %dma_wait3A_157 = arith.constant 0 : i32
      %dma_wait3A_158 = tpu.memref_slice %arg2[%add3A_151, %dma_wait3A_157] : memref<160000x128xf32, #tpu.memory_space<hbm>> -> memref<128x128xf32, #tpu.memory_space<hbm>>
      %dma_wait3A_159 = arith.constant 0 : i32
      %dma_wait3A_160 = arith.constant 0 : i32
      %dma_wait3A_161 = tpu.memref_slice %arg8[%dma_wait3A_152, %dma_wait3A_159, %dma_wait3A_160] : memref<2x128x128xf32, #tpu.memory_space<vmem>> -> memref<1x128x128xf32, #tpu.memory_space<vmem>>
      %dma_wait3A_162 = tpu.memref_squeeze %dma_wait3A_161 : memref<1x128x128xf32, #tpu.memory_space<vmem>> -> memref<128x128xf32, #tpu.memory_space<vmem>>
      %dma_wait3A_163 = arith.constant 0 : i32
      %dma_wait3A_164 = tpu.memref_slice %arg2[%add3A_151, %dma_wait3A_163] : memref<160000x128xf32, #tpu.memory_space<hbm>> -> memref<128x128xf32, #tpu.memory_space<hbm>>
      tpu.wait_dma2 semaphore(%arg10 : memref<!tpu.dma_semaphore, #tpu.memory_space<semaphore_mem>>) src(%dma_wait3A_164 : memref<128x128xf32, #tpu.memory_space<hbm>>) dst(%dma_wait3A_162 : memref<128x128xf32, #tpu.memory_space<vmem>>)
      %add3A_165 = arith.constant 1 : i32
      %add3A_166 = arith.addi %mul3A_87, %add3A_165 : i32
      %rem3A_167 = arith.constant 8 : i32
      %rem3A_168 = arith.remsi %add3A_166, %rem3A_167 : i32
      %run_scoped3A_169 = arith.constant 1 : i32
      "tpu.region"() ({
        %run_scoped3A_170 = tpu.sem_alloc : memref<!tpu.dma_semaphore, #tpu.memory_space<semaphore_mem>>
        %dma_start3A_171 = arith.constant 0 : i32
        %dma_start3A_172 = arith.constant 0 : i32
        %dma_start3A_173 = tpu.memref_slice %arg8[%run_scoped3A_169, %dma_start3A_171, %dma_start3A_172] : memref<2x128x128xf32, #tpu.memory_space<vmem>> -> memref<1x128x128xf32, #tpu.memory_space<vmem>>
        %dma_start3A_174 = tpu.memref_squeeze %dma_start3A_173 : memref<1x128x128xf32, #tpu.memory_space<vmem>> -> memref<128x128xf32, #tpu.memory_space<vmem>>
        %dma_start3A_175 = arith.constant 0 : i32
        %dma_start3A_176 = tpu.memref_slice %arg7[%rem3A_168, %dma_start3A_175] : memref<8x128xi32, #tpu.memory_space<vmem>> -> memref<1x128xi32, #tpu.memory_space<vmem>>
        %dma_start3A_177 = tpu.memref_squeeze %dma_start3A_176 : memref<1x128xi32, #tpu.memory_space<vmem>> -> memref<128xi32, #tpu.memory_space<vmem>>
        %dma_start3A_178 = arith.constant 0 : i32
        %dma_start3A_179 = arith.constant 0 : i32
        %dma_start3A_180 = tpu.memref_slice %arg6[%dma_start3A_178, %dma_start3A_179] : memref<10240x128xf32, #tpu.memory_space<vmem_shared>> -> memref<10240x128xf32, #tpu.memory_space<vmem_shared>>
        tpu.enqueue_indirect_dma source(%dma_start3A_174 : memref<128x128xf32, #tpu.memory_space<vmem>>) target(%dma_start3A_180 : memref<10240x128xf32, #tpu.memory_space<vmem_shared>>) offsets(%dma_start3A_177 : memref<128xi32, #tpu.memory_space<vmem>>) semaphore(%run_scoped3A_170 : memref<!tpu.dma_semaphore, #tpu.memory_space<semaphore_mem>>) {add = true}
        %dma_wait3A_181 = arith.constant 0 : i32
        %dma_wait3A_182 = arith.constant 0 : i32
        %dma_wait3A_183 = tpu.memref_slice %arg8[%run_scoped3A_169, %dma_wait3A_181, %dma_wait3A_182] : memref<2x128x128xf32, #tpu.memory_space<vmem>> -> memref<1x128x128xf32, #tpu.memory_space<vmem>>
        %dma_wait3A_184 = tpu.memref_squeeze %dma_wait3A_183 : memref<1x128x128xf32, #tpu.memory_space<vmem>> -> memref<128x128xf32, #tpu.memory_space<vmem>>
        %dma_wait3A_185 = arith.constant 0 : i32
        %dma_wait3A_186 = tpu.memref_slice %arg7[%rem3A_168, %dma_wait3A_185] : memref<8x128xi32, #tpu.memory_space<vmem>> -> memref<1x128xi32, #tpu.memory_space<vmem>>
        %dma_wait3A_187 = tpu.memref_squeeze %dma_wait3A_186 : memref<1x128xi32, #tpu.memory_space<vmem>> -> memref<128xi32, #tpu.memory_space<vmem>>
        %dma_wait3A_188 = arith.constant 0 : i32
        %dma_wait3A_189 = arith.constant 0 : i32
        %dma_wait3A_190 = tpu.memref_slice %arg6[%dma_wait3A_188, %dma_wait3A_189] : memref<10240x128xf32, #tpu.memory_space<vmem_shared>> -> memref<10240x128xf32, #tpu.memory_space<vmem_shared>>
        tpu.wait_indirect_dma semaphore(%run_scoped3A_170 : memref<!tpu.dma_semaphore, #tpu.memory_space<semaphore_mem>>) src(%dma_wait3A_184 : memref<128x128xf32, #tpu.memory_space<vmem>>) dst(%dma_wait3A_190 : memref<10240x128xf32, #tpu.memory_space<vmem_shared>>)
        tpu.yield
      }) : () -> ()
    }
    %scan3A_27 = arith.constant 19 : i32
    %add3A_28 = arith.constant 4992 : i32
    %add3A_29 = arith.addi %mul3A_2, %add3A_28 : i32
    %dma_start3A_30 = arith.constant 1 : i32
    %dma_start3A_31 = arith.constant 0 : i32
    %dma_start3A_32 = arith.constant 0 : i32
    %dma_start3A_33 = tpu.memref_slice %arg8[%dma_start3A_30, %dma_start3A_31, %dma_start3A_32] : memref<2x128x128xf32, #tpu.memory_space<vmem>> -> memref<1x8x128xf32, #tpu.memory_space<vmem>>
    %dma_start3A_34 = tpu.memref_squeeze %dma_start3A_33 : memref<1x8x128xf32, #tpu.memory_space<vmem>> -> memref<8x128xf32, #tpu.memory_space<vmem>>
    %dma_start3A_35 = arith.constant 0 : i32
    %dma_start3A_36 = tpu.memref_slice %arg2[%add3A_29, %dma_start3A_35] : memref<160000x128xf32, #tpu.memory_space<hbm>> -> memref<8x128xf32, #tpu.memory_space<hbm>>
    %dma_start3A_37 = arith.constant 0 : i32
    %dma_start3A_38 = arith.constant 0 : i32
    %dma_start3A_39 = tpu.memref_slice %arg8[%dma_start3A_30, %dma_start3A_37, %dma_start3A_38] : memref<2x128x128xf32, #tpu.memory_space<vmem>> -> memref<1x8x128xf32, #tpu.memory_space<vmem>>
    %dma_start3A_40 = tpu.memref_squeeze %dma_start3A_39 : memref<1x8x128xf32, #tpu.memory_space<vmem>> -> memref<8x128xf32, #tpu.memory_space<vmem>>
    %dma_start3A_41 = arith.constant 0 : i32
    %dma_start3A_42 = tpu.memref_slice %arg2[%add3A_29, %dma_start3A_41] : memref<160000x128xf32, #tpu.memory_space<hbm>> -> memref<8x128xf32, #tpu.memory_space<hbm>>
    tpu.enqueue_dma source(%dma_start3A_42 : memref<8x128xf32, #tpu.memory_space<hbm>>) target(%dma_start3A_40 : memref<8x128xf32, #tpu.memory_space<vmem>>) target_semaphore(%arg10 : memref<!tpu.dma_semaphore, #tpu.memory_space<semaphore_mem>>)
    %add3A_43 = arith.constant 4864 : i32
    %add3A_44 = arith.addi %mul3A_2, %add3A_43 : i32
    %dma_wait3A = arith.constant 0 : i32
    %dma_wait3A_45 = arith.constant 0 : i32
    %dma_wait3A_46 = arith.constant 0 : i32
    %dma_wait3A_47 = tpu.memref_slice %arg8[%dma_wait3A, %dma_wait3A_45, %dma_wait3A_46] : memref<2x128x128xf32, #tpu.memory_space<vmem>> -> memref<1x128x128xf32, #tpu.memory_space<vmem>>
    %dma_wait3A_48 = tpu.memref_squeeze %dma_wait3A_47 : memref<1x128x128xf32, #tpu.memory_space<vmem>> -> memref<128x128xf32, #tpu.memory_space<vmem>>
    %dma_wait3A_49 = arith.constant 0 : i32
    %dma_wait3A_50 = tpu.memref_slice %arg2[%add3A_44, %dma_wait3A_49] : memref<160000x128xf32, #tpu.memory_space<hbm>> -> memref<128x128xf32, #tpu.memory_space<hbm>>
    %dma_wait3A_51 = arith.constant 0 : i32
    %dma_wait3A_52 = arith.constant 0 : i32
    %dma_wait3A_53 = tpu.memref_slice %arg8[%dma_wait3A, %dma_wait3A_51, %dma_wait3A_52] : memref<2x128x128xf32, #tpu.memory_space<vmem>> -> memref<1x128x128xf32, #tpu.memory_space<vmem>>
    %dma_wait3A_54 = tpu.memref_squeeze %dma_wait3A_53 : memref<1x128x128xf32, #tpu.memory_space<vmem>> -> memref<128x128xf32, #tpu.memory_space<vmem>>
    %dma_wait3A_55 = arith.constant 0 : i32
    %dma_wait3A_56 = tpu.memref_slice %arg2[%add3A_44, %dma_wait3A_55] : memref<160000x128xf32, #tpu.memory_space<hbm>> -> memref<128x128xf32, #tpu.memory_space<hbm>>
    tpu.wait_dma2 semaphore(%arg9 : memref<!tpu.dma_semaphore, #tpu.memory_space<semaphore_mem>>) src(%dma_wait3A_56 : memref<128x128xf32, #tpu.memory_space<hbm>>) dst(%dma_wait3A_54 : memref<128x128xf32, #tpu.memory_space<vmem>>)
    %rem3A = arith.constant 38 : i32
    %rem3A_57 = arith.constant 8 : i32
    %rem3A_58 = arith.remsi %rem3A, %rem3A_57 : i32
    %run_scoped3A_59 = arith.constant 0 : i32
    "tpu.region"() ({
      %run_scoped3A_85 = tpu.sem_alloc : memref<!tpu.dma_semaphore, #tpu.memory_space<semaphore_mem>>
      %dma_start3A_86 = arith.constant 0 : i32
      %dma_start3A_87 = arith.constant 0 : i32
      %dma_start3A_88 = tpu.memref_slice %arg8[%run_scoped3A_59, %dma_start3A_86, %dma_start3A_87] : memref<2x128x128xf32, #tpu.memory_space<vmem>> -> memref<1x128x128xf32, #tpu.memory_space<vmem>>
      %dma_start3A_89 = tpu.memref_squeeze %dma_start3A_88 : memref<1x128x128xf32, #tpu.memory_space<vmem>> -> memref<128x128xf32, #tpu.memory_space<vmem>>
      %dma_start3A_90 = arith.constant 0 : i32
      %dma_start3A_91 = tpu.memref_slice %arg7[%rem3A_58, %dma_start3A_90] : memref<8x128xi32, #tpu.memory_space<vmem>> -> memref<1x128xi32, #tpu.memory_space<vmem>>
      %dma_start3A_92 = tpu.memref_squeeze %dma_start3A_91 : memref<1x128xi32, #tpu.memory_space<vmem>> -> memref<128xi32, #tpu.memory_space<vmem>>
      %dma_start3A_93 = arith.constant 0 : i32
      %dma_start3A_94 = arith.constant 0 : i32
      %dma_start3A_95 = tpu.memref_slice %arg6[%dma_start3A_93, %dma_start3A_94] : memref<10240x128xf32, #tpu.memory_space<vmem_shared>> -> memref<10240x128xf32, #tpu.memory_space<vmem_shared>>
      tpu.enqueue_indirect_dma source(%dma_start3A_89 : memref<128x128xf32, #tpu.memory_space<vmem>>) target(%dma_start3A_95 : memref<10240x128xf32, #tpu.memory_space<vmem_shared>>) offsets(%dma_start3A_92 : memref<128xi32, #tpu.memory_space<vmem>>) semaphore(%run_scoped3A_85 : memref<!tpu.dma_semaphore, #tpu.memory_space<semaphore_mem>>) {add = true}
      %dma_wait3A_96 = arith.constant 0 : i32
      %dma_wait3A_97 = arith.constant 0 : i32
      %dma_wait3A_98 = tpu.memref_slice %arg8[%run_scoped3A_59, %dma_wait3A_96, %dma_wait3A_97] : memref<2x128x128xf32, #tpu.memory_space<vmem>> -> memref<1x128x128xf32, #tpu.memory_space<vmem>>
      %dma_wait3A_99 = tpu.memref_squeeze %dma_wait3A_98 : memref<1x128x128xf32, #tpu.memory_space<vmem>> -> memref<128x128xf32, #tpu.memory_space<vmem>>
      %dma_wait3A_100 = arith.constant 0 : i32
      %dma_wait3A_101 = tpu.memref_slice %arg7[%rem3A_58, %dma_wait3A_100] : memref<8x128xi32, #tpu.memory_space<vmem>> -> memref<1x128xi32, #tpu.memory_space<vmem>>
      %dma_wait3A_102 = tpu.memref_squeeze %dma_wait3A_101 : memref<1x128xi32, #tpu.memory_space<vmem>> -> memref<128xi32, #tpu.memory_space<vmem>>
      %dma_wait3A_103 = arith.constant 0 : i32
      %dma_wait3A_104 = arith.constant 0 : i32
      %dma_wait3A_105 = tpu.memref_slice %arg6[%dma_wait3A_103, %dma_wait3A_104] : memref<10240x128xf32, #tpu.memory_space<vmem_shared>> -> memref<10240x128xf32, #tpu.memory_space<vmem_shared>>
      tpu.wait_indirect_dma semaphore(%run_scoped3A_85 : memref<!tpu.dma_semaphore, #tpu.memory_space<semaphore_mem>>) src(%dma_wait3A_99 : memref<128x128xf32, #tpu.memory_space<vmem>>) dst(%dma_wait3A_105 : memref<10240x128xf32, #tpu.memory_space<vmem_shared>>)
      tpu.yield
    }) : () -> ()
    %add3A_60 = arith.constant 4992 : i32
    %add3A_61 = arith.addi %mul3A_2, %add3A_60 : i32
    %dma_wait3A_62 = arith.constant 1 : i32
    %dma_wait3A_63 = arith.constant 0 : i32
    %dma_wait3A_64 = arith.constant 0 : i32
    %dma_wait3A_65 = tpu.memref_slice %arg8[%dma_wait3A_62, %dma_wait3A_63, %dma_wait3A_64] : memref<2x128x128xf32, #tpu.memory_space<vmem>> -> memref<1x8x128xf32, #tpu.memory_space<vmem>>
    %dma_wait3A_66 = tpu.memref_squeeze %dma_wait3A_65 : memref<1x8x128xf32, #tpu.memory_space<vmem>> -> memref<8x128xf32, #tpu.memory_space<vmem>>
    %dma_wait3A_67 = arith.constant 0 : i32
    %dma_wait3A_68 = tpu.memref_slice %arg2[%add3A_61, %dma_wait3A_67] : memref<160000x128xf32, #tpu.memory_space<hbm>> -> memref<8x128xf32, #tpu.memory_space<hbm>>
    %dma_wait3A_69 = arith.constant 0 : i32
    %dma_wait3A_70 = arith.constant 0 : i32
    %dma_wait3A_71 = tpu.memref_slice %arg8[%dma_wait3A_62, %dma_wait3A_69, %dma_wait3A_70] : memref<2x128x128xf32, #tpu.memory_space<vmem>> -> memref<1x8x128xf32, #tpu.memory_space<vmem>>
    %dma_wait3A_72 = tpu.memref_squeeze %dma_wait3A_71 : memref<1x8x128xf32, #tpu.memory_space<vmem>> -> memref<8x128xf32, #tpu.memory_space<vmem>>
    %dma_wait3A_73 = arith.constant 0 : i32
    %dma_wait3A_74 = tpu.memref_slice %arg2[%add3A_61, %dma_wait3A_73] : memref<160000x128xf32, #tpu.memory_space<hbm>> -> memref<8x128xf32, #tpu.memory_space<hbm>>
    tpu.wait_dma2 semaphore(%arg10 : memref<!tpu.dma_semaphore, #tpu.memory_space<semaphore_mem>>) src(%dma_wait3A_74 : memref<8x128xf32, #tpu.memory_space<hbm>>) dst(%dma_wait3A_72 : memref<8x128xf32, #tpu.memory_space<vmem>>)
    %rem3A_75 = arith.constant 39 : i32
    %rem3A_76 = arith.constant 8 : i32
    %rem3A_77 = arith.remsi %rem3A_75, %rem3A_76 : i32
    %run_scoped3A_78 = arith.constant 1 : i32
    "tpu.region"() ({
      %run_scoped3A_85 = tpu.sem_alloc : memref<!tpu.dma_semaphore, #tpu.memory_space<semaphore_mem>>
      %dma_start3A_86 = arith.constant 0 : i32
      %dma_start3A_87 = arith.constant 0 : i32
      %dma_start3A_88 = tpu.memref_slice %arg8[%run_scoped3A_78, %dma_start3A_86, %dma_start3A_87] : memref<2x128x128xf32, #tpu.memory_space<vmem>> -> memref<1x128x128xf32, #tpu.memory_space<vmem>>
      %dma_start3A_89 = tpu.memref_squeeze %dma_start3A_88 : memref<1x128x128xf32, #tpu.memory_space<vmem>> -> memref<128x128xf32, #tpu.memory_space<vmem>>
      %dma_start3A_90 = arith.constant 0 : i32
      %dma_start3A_91 = tpu.memref_slice %arg7[%rem3A_77, %dma_start3A_90] : memref<8x128xi32, #tpu.memory_space<vmem>> -> memref<1x128xi32, #tpu.memory_space<vmem>>
      %dma_start3A_92 = tpu.memref_squeeze %dma_start3A_91 : memref<1x128xi32, #tpu.memory_space<vmem>> -> memref<128xi32, #tpu.memory_space<vmem>>
      %dma_start3A_93 = arith.constant 0 : i32
      %dma_start3A_94 = arith.constant 0 : i32
      %dma_start3A_95 = tpu.memref_slice %arg6[%dma_start3A_93, %dma_start3A_94] : memref<10240x128xf32, #tpu.memory_space<vmem_shared>> -> memref<10240x128xf32, #tpu.memory_space<vmem_shared>>
      tpu.enqueue_indirect_dma source(%dma_start3A_89 : memref<128x128xf32, #tpu.memory_space<vmem>>) target(%dma_start3A_95 : memref<10240x128xf32, #tpu.memory_space<vmem_shared>>) offsets(%dma_start3A_92 : memref<128xi32, #tpu.memory_space<vmem>>) semaphore(%run_scoped3A_85 : memref<!tpu.dma_semaphore, #tpu.memory_space<semaphore_mem>>) {add = true}
      %dma_wait3A_96 = arith.constant 0 : i32
      %dma_wait3A_97 = arith.constant 0 : i32
      %dma_wait3A_98 = tpu.memref_slice %arg8[%run_scoped3A_78, %dma_wait3A_96, %dma_wait3A_97] : memref<2x128x128xf32, #tpu.memory_space<vmem>> -> memref<1x128x128xf32, #tpu.memory_space<vmem>>
      %dma_wait3A_99 = tpu.memref_squeeze %dma_wait3A_98 : memref<1x128x128xf32, #tpu.memory_space<vmem>> -> memref<128x128xf32, #tpu.memory_space<vmem>>
      %dma_wait3A_100 = arith.constant 0 : i32
      %dma_wait3A_101 = tpu.memref_slice %arg7[%rem3A_77, %dma_wait3A_100] : memref<8x128xi32, #tpu.memory_space<vmem>> -> memref<1x128xi32, #tpu.memory_space<vmem>>
      %dma_wait3A_102 = tpu.memref_squeeze %dma_wait3A_101 : memref<1x128xi32, #tpu.memory_space<vmem>> -> memref<128xi32, #tpu.memory_space<vmem>>
      %dma_wait3A_103 = arith.constant 0 : i32
      %dma_wait3A_104 = arith.constant 0 : i32
      %dma_wait3A_105 = tpu.memref_slice %arg6[%dma_wait3A_103, %dma_wait3A_104] : memref<10240x128xf32, #tpu.memory_space<vmem_shared>> -> memref<10240x128xf32, #tpu.memory_space<vmem_shared>>
      tpu.wait_indirect_dma semaphore(%run_scoped3A_85 : memref<!tpu.dma_semaphore, #tpu.memory_space<semaphore_mem>>) src(%dma_wait3A_99 : memref<128x128xf32, #tpu.memory_space<vmem>>) dst(%dma_wait3A_105 : memref<10240x128xf32, #tpu.memory_space<vmem_shared>>)
      tpu.yield
    }) : () -> ()
    %barrier3A_79 = arith.constant 0 : index
    tpu.barrier barrier_id(%barrier3A_79)
    %scan3A_80 = arith.constant 0 : i32
    %scan3A_81 = arith.constant 5 : i32
    %scan3A_82 = arith.addi %scan3A_80, %scan3A_81 : i32
    %scan3A_83 = arith.constant 1 : i32
    scf.for %scan3A_85 = %scan3A_80 to %scan3A_82 step %scan3A_83  : i32 {
      %mul3A_86 = arith.constant 128 : i32
      %mul3A_87 = arith.muli %scan3A_85, %mul3A_86 : i32
      %add3A_88 = arith.addi %mul3A_4, %mul3A_87 : i32
      %run_scoped3A_89 = arith.constant 0 : i32
      "tpu.region"() ({
        %run_scoped3A_94 = tpu.sem_alloc : memref<!tpu.dma_semaphore, #tpu.memory_space<semaphore_mem>>
        %dma_start3A_95 = arith.constant 0 : i32
        %dma_start3A_96 = arith.constant 0 : i32
        %dma_start3A_97 = tpu.memref_slice %arg8[%run_scoped3A_89, %dma_start3A_95, %dma_start3A_96] : memref<2x128x128xf32, #tpu.memory_space<vmem>> -> memref<1x128x128xf32, #tpu.memory_space<vmem>>
        %dma_start3A_98 = tpu.memref_squeeze %dma_start3A_97 : memref<1x128x128xf32, #tpu.memory_space<vmem>> -> memref<128x128xf32, #tpu.memory_space<vmem>>
        %dma_start3A_99 = arith.constant 0 : i32
        %dma_start3A_100 = tpu.memref_slice %arg6[%add3A_88, %dma_start3A_99] : memref<10240x128xf32, #tpu.memory_space<vmem_shared>> -> memref<128x128xf32, #tpu.memory_space<vmem_shared>>
        %dma_start3A_101 = arith.constant 0 : i32
        %dma_start3A_102 = arith.constant 0 : i32
        %dma_start3A_103 = tpu.memref_slice %arg8[%run_scoped3A_89, %dma_start3A_101, %dma_start3A_102] : memref<2x128x128xf32, #tpu.memory_space<vmem>> -> memref<1x128x128xf32, #tpu.memory_space<vmem>>
        %dma_start3A_104 = tpu.memref_squeeze %dma_start3A_103 : memref<1x128x128xf32, #tpu.memory_space<vmem>> -> memref<128x128xf32, #tpu.memory_space<vmem>>
        %dma_start3A_105 = arith.constant 0 : i32
        %dma_start3A_106 = tpu.memref_slice %arg6[%add3A_88, %dma_start3A_105] : memref<10240x128xf32, #tpu.memory_space<vmem_shared>> -> memref<128x128xf32, #tpu.memory_space<vmem_shared>>
        tpu.enqueue_dma source(%dma_start3A_106 : memref<128x128xf32, #tpu.memory_space<vmem_shared>>) target(%dma_start3A_104 : memref<128x128xf32, #tpu.memory_space<vmem>>) target_semaphore(%run_scoped3A_94 : memref<!tpu.dma_semaphore, #tpu.memory_space<semaphore_mem>>)
        %dma_wait3A_107 = arith.constant 0 : i32
        %dma_wait3A_108 = arith.constant 0 : i32
        %dma_wait3A_109 = tpu.memref_slice %arg8[%run_scoped3A_89, %dma_wait3A_107, %dma_wait3A_108] : memref<2x128x128xf32, #tpu.memory_space<vmem>> -> memref<1x128x128xf32, #tpu.memory_space<vmem>>
        %dma_wait3A_110 = tpu.memref_squeeze %dma_wait3A_109 : memref<1x128x128xf32, #tpu.memory_space<vmem>> -> memref<128x128xf32, #tpu.memory_space<vmem>>
        %dma_wait3A_111 = arith.constant 0 : i32
        %dma_wait3A_112 = tpu.memref_slice %arg6[%add3A_88, %dma_wait3A_111] : memref<10240x128xf32, #tpu.memory_space<vmem_shared>> -> memref<128x128xf32, #tpu.memory_space<vmem_shared>>
        %dma_wait3A_113 = arith.constant 0 : i32
        %dma_wait3A_114 = arith.constant 0 : i32
        %dma_wait3A_115 = tpu.memref_slice %arg8[%run_scoped3A_89, %dma_wait3A_113, %dma_wait3A_114] : memref<2x128x128xf32, #tpu.memory_space<vmem>> -> memref<1x128x128xf32, #tpu.memory_space<vmem>>
        %dma_wait3A_116 = tpu.memref_squeeze %dma_wait3A_115 : memref<1x128x128xf32, #tpu.memory_space<vmem>> -> memref<128x128xf32, #tpu.memory_space<vmem>>
        %dma_wait3A_117 = arith.constant 0 : i32
        %dma_wait3A_118 = tpu.memref_slice %arg6[%add3A_88, %dma_wait3A_117] : memref<10240x128xf32, #tpu.memory_space<vmem_shared>> -> memref<128x128xf32, #tpu.memory_space<vmem_shared>>
        tpu.wait_dma2 semaphore(%run_scoped3A_94 : memref<!tpu.dma_semaphore, #tpu.memory_space<semaphore_mem>>) src(%dma_wait3A_118 : memref<128x128xf32, #tpu.memory_space<vmem_shared>>) dst(%dma_wait3A_116 : memref<128x128xf32, #tpu.memory_space<vmem>>)
        tpu.yield
      }) : () -> ()
      %mul3A_90 = arith.constant 128 : i32
      %mul3A_91 = arith.muli %scan3A_85, %mul3A_90 : i32
      %add3A_92 = arith.addi %mul3A_4, %mul3A_91 : i32
      %run_scoped3A_93 = arith.constant 0 : i32
      "tpu.region"() ({
        %run_scoped3A_94 = tpu.sem_alloc : memref<!tpu.dma_semaphore, #tpu.memory_space<semaphore_mem>>
        %dma_start3A_95 = arith.constant 0 : i32
        %dma_start3A_96 = arith.constant 0 : i32
        %dma_start3A_97 = tpu.memref_slice %arg8[%run_scoped3A_93, %dma_start3A_95, %dma_start3A_96] : memref<2x128x128xf32, #tpu.memory_space<vmem>> -> memref<1x128x128xf32, #tpu.memory_space<vmem>>
        %dma_start3A_98 = tpu.memref_squeeze %dma_start3A_97 : memref<1x128x128xf32, #tpu.memory_space<vmem>> -> memref<128x128xf32, #tpu.memory_space<vmem>>
        %dma_start3A_99 = arith.constant 0 : i32
        %dma_start3A_100 = tpu.memref_slice %arg5[%arg0, %add3A_92, %dma_start3A_99] : memref<2x10240x128xf32, #tpu.memory_space<hbm>> -> memref<1x128x128xf32, #tpu.memory_space<hbm>>
        %dma_start3A_101 = tpu.memref_squeeze %dma_start3A_100 : memref<1x128x128xf32, #tpu.memory_space<hbm>> -> memref<128x128xf32, #tpu.memory_space<hbm>>
        %dma_start3A_102 = arith.constant 0 : i32
        %dma_start3A_103 = tpu.memref_slice %arg5[%arg0, %add3A_92, %dma_start3A_102] : memref<2x10240x128xf32, #tpu.memory_space<hbm>> -> memref<1x128x128xf32, #tpu.memory_space<hbm>>
        %dma_start3A_104 = tpu.memref_squeeze %dma_start3A_103 : memref<1x128x128xf32, #tpu.memory_space<hbm>> -> memref<128x128xf32, #tpu.memory_space<hbm>>
        %dma_start3A_105 = arith.constant 0 : i32
        %dma_start3A_106 = arith.constant 0 : i32
        %dma_start3A_107 = tpu.memref_slice %arg8[%run_scoped3A_93, %dma_start3A_105, %dma_start3A_106] : memref<2x128x128xf32, #tpu.memory_space<vmem>> -> memref<1x128x128xf32, #tpu.memory_space<vmem>>
        %dma_start3A_108 = tpu.memref_squeeze %dma_start3A_107 : memref<1x128x128xf32, #tpu.memory_space<vmem>> -> memref<128x128xf32, #tpu.memory_space<vmem>>
        tpu.enqueue_dma source(%dma_start3A_108 : memref<128x128xf32, #tpu.memory_space<vmem>>) target(%dma_start3A_104 : memref<128x128xf32, #tpu.memory_space<hbm>>) target_semaphore(%run_scoped3A_94 : memref<!tpu.dma_semaphore, #tpu.memory_space<semaphore_mem>>)
        %dma_wait3A_109 = arith.constant 0 : i32
        %dma_wait3A_110 = arith.constant 0 : i32
        %dma_wait3A_111 = tpu.memref_slice %arg8[%run_scoped3A_93, %dma_wait3A_109, %dma_wait3A_110] : memref<2x128x128xf32, #tpu.memory_space<vmem>> -> memref<1x128x128xf32, #tpu.memory_space<vmem>>
        %dma_wait3A_112 = tpu.memref_squeeze %dma_wait3A_111 : memref<1x128x128xf32, #tpu.memory_space<vmem>> -> memref<128x128xf32, #tpu.memory_space<vmem>>
        %dma_wait3A_113 = arith.constant 0 : i32
        %dma_wait3A_114 = tpu.memref_slice %arg5[%arg0, %add3A_92, %dma_wait3A_113] : memref<2x10240x128xf32, #tpu.memory_space<hbm>> -> memref<1x128x128xf32, #tpu.memory_space<hbm>>
        %dma_wait3A_115 = tpu.memref_squeeze %dma_wait3A_114 : memref<1x128x128xf32, #tpu.memory_space<hbm>> -> memref<128x128xf32, #tpu.memory_space<hbm>>
        %dma_wait3A_116 = arith.constant 0 : i32
        %dma_wait3A_117 = tpu.memref_slice %arg5[%arg0, %add3A_92, %dma_wait3A_116] : memref<2x10240x128xf32, #tpu.memory_space<hbm>> -> memref<1x128x128xf32, #tpu.memory_space<hbm>>
        %dma_wait3A_118 = tpu.memref_squeeze %dma_wait3A_117 : memref<1x128x128xf32, #tpu.memory_space<hbm>> -> memref<128x128xf32, #tpu.memory_space<hbm>>
        %dma_wait3A_119 = arith.constant 0 : i32
        %dma_wait3A_120 = arith.constant 0 : i32
        %dma_wait3A_121 = tpu.memref_slice %arg8[%run_scoped3A_93, %dma_wait3A_119, %dma_wait3A_120] : memref<2x128x128xf32, #tpu.memory_space<vmem>> -> memref<1x128x128xf32, #tpu.memory_space<vmem>>
        %dma_wait3A_122 = tpu.memref_squeeze %dma_wait3A_121 : memref<1x128x128xf32, #tpu.memory_space<vmem>> -> memref<128x128xf32, #tpu.memory_space<vmem>>
        tpu.wait_dma2 semaphore(%run_scoped3A_94 : memref<!tpu.dma_semaphore, #tpu.memory_space<semaphore_mem>>) src(%dma_wait3A_122 : memref<128x128xf32, #tpu.memory_space<vmem>>) dst(%dma_wait3A_118 : memref<128x128xf32, #tpu.memory_space<hbm>>)
        tpu.yield
      }) : () -> ()
    }
    %scan3A_84 = arith.constant 5 : i32
    return
  }
}

module attributes {stable_mosaic.version = 14 : i64} {
  func.func @_edge_body(%arg0: i32, %arg1: memref<1280x128xf32, #tpu.memory_space<vmem>>, %arg2: memref<1280x128xf32, #tpu.memory_space<vmem>>, %arg3: memref<1280x128xf32, #tpu.memory_space<vmem>>, %arg4: memref<1280x128xf32, #tpu.memory_space<vmem>>, %arg5: memref<1280x128xf32, #tpu.memory_space<vmem>>, %arg6: memref<1x128xf32, #tpu.memory_space<vmem>>, %arg7: memref<128x512xbf16, #tpu.memory_space<vmem>>, %arg8: memref<128x512xbf16, #tpu.memory_space<vmem>>, %arg9: memref<128x512xbf16, #tpu.memory_space<vmem>>, %arg10: memref<128x512xbf16, #tpu.memory_space<vmem>>, %arg11: memref<128x512xbf16, #tpu.memory_space<vmem>>, %arg12: memref<1x512xf32, #tpu.memory_space<vmem>>, %arg13: memref<160000x128xf32, #tpu.memory_space<hbm>>, %arg14: memref<160000x128xf32, #tpu.memory_space<hbm>>, %arg15: memref<160000x128xf32, #tpu.memory_space<hbm>>, %arg16: memref<1280x128xf32, #tpu.memory_space<vmem>>, %arg17: memref<1280x128xf32, #tpu.memory_space<vmem>>, %arg18: memref<1280x128xf32, #tpu.memory_space<vmem>>, %arg19: memref<1x512xf32, #tpu.memory_space<vmem>>) attributes {dimension_semantics = [#tpu.dimension_semantics<arbitrary>], iteration_bounds = array<i64: 43>, scalar_prefetch = 0 : i64, scratch_operands = 1 : i64, tpu.core_type = #tpu.core_type<tc>, window_params = [{transform_indices = @transform_0, window_bounds = array<i64: 1280, 128>}, {transform_indices = @transform_1, window_bounds = array<i64: 1280, 128>}, {transform_indices = @transform_2, window_bounds = array<i64: 1280, 128>}, {transform_indices = @transform_3, window_bounds = array<i64: 1280, 128>}, {transform_indices = @transform_4, window_bounds = array<i64: 1280, 128>}, {pipeline_mode = #tpu.pipeline_mode<synchronous>, transform_indices = @transform_5, window_bounds = array<i64: 1, 128>}, {pipeline_mode = #tpu.pipeline_mode<synchronous>, transform_indices = @transform_6, window_bounds = array<i64: 128, 512>}, {pipeline_mode = #tpu.pipeline_mode<synchronous>, transform_indices = @transform_7, window_bounds = array<i64: 128, 512>}, {pipeline_mode = #tpu.pipeline_mode<synchronous>, transform_indices = @transform_8, window_bounds = array<i64: 128, 512>}, {pipeline_mode = #tpu.pipeline_mode<synchronous>, transform_indices = @transform_9, window_bounds = array<i64: 128, 512>}, {pipeline_mode = #tpu.pipeline_mode<synchronous>, transform_indices = @transform_10, window_bounds = array<i64: 128, 512>}, {pipeline_mode = #tpu.pipeline_mode<synchronous>, transform_indices = @transform_11, window_bounds = array<i64: 1, 512>}, {}, {}, {}, {transform_indices = @transform_15, window_bounds = array<i64: 1280, 128>}, {transform_indices = @transform_16, window_bounds = array<i64: 1280, 128>}, {transform_indices = @transform_17, window_bounds = array<i64: 1280, 128>}]} {
    %eq3A = arith.constant 0 : i32
    %eq3A_0 = arith.cmpi eq, %arg0, %eq3A : i32
    %convert_element_type3A = arith.extui %eq3A_0 : i1 to i32
    %cond3A = arith.constant 0 : i32
    %cond3A_1 = arith.cmpi ne, %convert_element_type3A, %cond3A : i32
    scf.if %cond3A_1 {
      %get3A_80 = arith.constant 0 : index
      %get3A_81 = arith.constant 0 : index
      %get3A_82 = vector.load %arg6[%get3A_80, %get3A_81] : memref<1x128xf32, #tpu.memory_space<vmem>>, vector<1x128xf32>
      %convert_element_type3A_83 = arith.truncf %get3A_82 : vector<1x128xf32> to vector<1x128xbf16>
      %get3A_84 = arith.constant 0 : index
      %get3A_85 = arith.constant 0 : index
      %get3A_86 = vector.load %arg10[%get3A_84, %get3A_85] : memref<128x512xbf16, #tpu.memory_space<vmem>>, vector<128x512xbf16>
      %dot_general3A_87 = arith.constant dense<0.000000e+00> : vector<1x512xf32>
      %dot_general3A_88 = tpu.matmul %convert_element_type3A_83, %get3A_86, %dot_general3A_87 {dimension_numbers = #tpu.dot_dimension_numbers<[1], [0], [0], [1], [0, 0, 1, 1], [], []>, transpose_lhs_hint = false} : vector<1x128xbf16>, vector<128x512xbf16>, vector<1x512xf32> -> vector<1x512xf32>
      %get3A_89 = arith.constant 0 : index
      %get3A_90 = arith.constant 0 : index
      %get3A_91 = vector.load %arg12[%get3A_89, %get3A_90] : memref<1x512xf32, #tpu.memory_space<vmem>>, vector<1x512xf32>
      %add3A_92 = arith.addf %dot_general3A_88, %get3A_91 : vector<1x512xf32>
      %swap3A_93 = arith.constant 0 : index
      %swap3A_94 = arith.constant 0 : index
      %swap3A_95 = vector.load %arg19[%swap3A_93, %swap3A_94] : memref<1x512xf32, #tpu.memory_space<vmem>>, vector<1x512xf32>
      tpu.vector_store %arg19[%swap3A_93, %swap3A_94], %add3A_92 {strides = array<i32>} : memref<1x512xf32, #tpu.memory_space<vmem>>, vector<1x512xf32>,
    } else {
    }
    %get3A = arith.constant 0 : index
    %get3A_2 = arith.constant 0 : index
    %get3A_3 = vector.load %arg1[%get3A, %get3A_2] : memref<1280x128xf32, #tpu.memory_space<vmem>>, vector<1280x128xf32>
    %convert_element_type3A_4 = arith.truncf %get3A_3 : vector<1280x128xf32> to vector<1280x128xbf16>
    %get3A_5 = arith.constant 0 : index
    %get3A_6 = arith.constant 0 : index
    %get3A_7 = vector.load %arg7[%get3A_5, %get3A_6] : memref<128x512xbf16, #tpu.memory_space<vmem>>, vector<128x512xbf16>
    %dot_general3A = arith.constant dense<0.000000e+00> : vector<1280x512xf32>
    %dot_general3A_8 = tpu.matmul %convert_element_type3A_4, %get3A_7, %dot_general3A {dimension_numbers = #tpu.dot_dimension_numbers<[1], [0], [0], [1], [0, 0, 1, 1], [], []>, transpose_lhs_hint = false} : vector<1280x128xbf16>, vector<128x512xbf16>, vector<1280x512xf32> -> vector<1280x512xf32>
    %get3A_9 = arith.constant 0 : index
    %get3A_10 = arith.constant 0 : index
    %get3A_11 = vector.load %arg2[%get3A_9, %get3A_10] : memref<1280x128xf32, #tpu.memory_space<vmem>>, vector<1280x128xf32>
    %convert_element_type3A_12 = arith.truncf %get3A_11 : vector<1280x128xf32> to vector<1280x128xbf16>
    %get3A_13 = arith.constant 0 : index
    %get3A_14 = arith.constant 0 : index
    %get3A_15 = vector.load %arg8[%get3A_13, %get3A_14] : memref<128x512xbf16, #tpu.memory_space<vmem>>, vector<128x512xbf16>
    %dot_general3A_16 = arith.constant dense<0.000000e+00> : vector<1280x512xf32>
    %dot_general3A_17 = tpu.matmul %convert_element_type3A_12, %get3A_15, %dot_general3A_16 {dimension_numbers = #tpu.dot_dimension_numbers<[1], [0], [0], [1], [0, 0, 1, 1], [], []>, transpose_lhs_hint = false} : vector<1280x128xbf16>, vector<128x512xbf16>, vector<1280x512xf32> -> vector<1280x512xf32>
    %add3A = arith.addf %dot_general3A_8, %dot_general3A_17 : vector<1280x512xf32>
    %get3A_18 = arith.constant 0 : index
    %get3A_19 = arith.constant 0 : index
    %get3A_20 = vector.load %arg3[%get3A_18, %get3A_19] : memref<1280x128xf32, #tpu.memory_space<vmem>>, vector<1280x128xf32>
    %convert_element_type3A_21 = arith.truncf %get3A_20 : vector<1280x128xf32> to vector<1280x128xbf16>
    %get3A_22 = arith.constant 0 : index
    %get3A_23 = arith.constant 0 : index
    %get3A_24 = vector.load %arg9[%get3A_22, %get3A_23] : memref<128x512xbf16, #tpu.memory_space<vmem>>, vector<128x512xbf16>
    %dot_general3A_25 = arith.constant dense<0.000000e+00> : vector<1280x512xf32>
    %dot_general3A_26 = tpu.matmul %convert_element_type3A_21, %get3A_24, %dot_general3A_25 {dimension_numbers = #tpu.dot_dimension_numbers<[1], [0], [0], [1], [0, 0, 1, 1], [], []>, transpose_lhs_hint = false} : vector<1280x128xbf16>, vector<128x512xbf16>, vector<1280x512xf32> -> vector<1280x512xf32>
    %add3A_27 = arith.addf %add3A, %dot_general3A_26 : vector<1280x512xf32>
    %get3A_28 = arith.constant 0 : index
    %get3A_29 = arith.constant 0 : index
    %get3A_30 = vector.load %arg4[%get3A_28, %get3A_29] : memref<1280x128xf32, #tpu.memory_space<vmem>>, vector<1280x128xf32>
    %convert_element_type3A_31 = arith.truncf %get3A_30 : vector<1280x128xf32> to vector<1280x128xbf16>
    %get3A_32 = arith.constant 0 : index
    %get3A_33 = arith.constant 0 : index
    %get3A_34 = vector.load %arg11[%get3A_32, %get3A_33] : memref<128x512xbf16, #tpu.memory_space<vmem>>, vector<128x512xbf16>
    %dot_general3A_35 = arith.constant dense<0.000000e+00> : vector<1280x512xf32>
    %dot_general3A_36 = tpu.matmul %convert_element_type3A_31, %get3A_34, %dot_general3A_35 {dimension_numbers = #tpu.dot_dimension_numbers<[1], [0], [0], [1], [0, 0, 1, 1], [], []>, transpose_lhs_hint = false} : vector<1280x128xbf16>, vector<128x512xbf16>, vector<1280x512xf32> -> vector<1280x512xf32>
    %add3A_37 = arith.addf %add3A_27, %dot_general3A_36 : vector<1280x512xf32>
    %get3A_38 = arith.constant 0 : index
    %get3A_39 = arith.constant 0 : index
    %get3A_40 = vector.load %arg19[%get3A_38, %get3A_39] : memref<1x512xf32, #tpu.memory_space<vmem>>, vector<1x512xf32>
    %add3A_41 = vector.broadcast %get3A_40 : vector<1x512xf32> to vector<1280x512xf32>
    %add3A_42 = arith.addf %add3A_37, %add3A_41 : vector<1280x512xf32>
    %slice3A = vector.extract_strided_slice %add3A_42 {offsets = [0, 0], sizes = [1280, 128], strides = [1, 1]} : vector<1280x512xf32> to vector<1280x128xf32>
    %logistic3A = arith.negf %slice3A : vector<1280x128xf32>
    %logistic3A_43 = math.exp %logistic3A : vector<1280x128xf32>
    %logistic3A_44 = arith.constant 1.000000e+00 : f32
    %logistic3A_45 = vector.broadcast %logistic3A_44 : f32 to vector<1280x128xf32>
    %logistic3A_46 = arith.addf %logistic3A_45, %logistic3A_43 : vector<1280x128xf32>
    %logistic3A_47 = arith.divf %logistic3A_45, %logistic3A_46 : vector<1280x128xf32>
    %slice3A_48 = vector.extract_strided_slice %add3A_42 {offsets = [0, 128], sizes = [1280, 128], strides = [1, 1]} : vector<1280x512xf32> to vector<1280x128xf32>
    %logistic3A_49 = arith.negf %slice3A_48 : vector<1280x128xf32>
    %logistic3A_50 = math.exp %logistic3A_49 : vector<1280x128xf32>
    %logistic3A_51 = arith.constant 1.000000e+00 : f32
    %logistic3A_52 = vector.broadcast %logistic3A_51 : f32 to vector<1280x128xf32>
    %logistic3A_53 = arith.addf %logistic3A_52, %logistic3A_50 : vector<1280x128xf32>
    %logistic3A_54 = arith.divf %logistic3A_52, %logistic3A_53 : vector<1280x128xf32>
    %slice3A_55 = vector.extract_strided_slice %add3A_42 {offsets = [0, 256], sizes = [1280, 128], strides = [1, 1]} : vector<1280x512xf32> to vector<1280x128xf32>
    %tanh3A = math.tanh %slice3A_55 : vector<1280x128xf32>
    %slice3A_56 = vector.extract_strided_slice %add3A_42 {offsets = [0, 384], sizes = [1280, 128], strides = [1, 1]} : vector<1280x512xf32> to vector<1280x128xf32>
    %logistic3A_57 = arith.negf %slice3A_56 : vector<1280x128xf32>
    %logistic3A_58 = math.exp %logistic3A_57 : vector<1280x128xf32>
    %logistic3A_59 = arith.constant 1.000000e+00 : f32
    %logistic3A_60 = vector.broadcast %logistic3A_59 : f32 to vector<1280x128xf32>
    %logistic3A_61 = arith.addf %logistic3A_60, %logistic3A_58 : vector<1280x128xf32>
    %logistic3A_62 = arith.divf %logistic3A_60, %logistic3A_61 : vector<1280x128xf32>
    %get3A_63 = arith.constant 0 : index
    %get3A_64 = arith.constant 0 : index
    %get3A_65 = vector.load %arg5[%get3A_63, %get3A_64] : memref<1280x128xf32, #tpu.memory_space<vmem>>, vector<1280x128xf32>
    %mul3A = arith.mulf %logistic3A_54, %get3A_65 : vector<1280x128xf32>
    %mul3A_66 = arith.mulf %logistic3A_47, %tanh3A : vector<1280x128xf32>
    %add3A_67 = arith.addf %mul3A, %mul3A_66 : vector<1280x128xf32>
    %tanh3A_68 = math.tanh %add3A_67 : vector<1280x128xf32>
    %mul3A_69 = arith.mulf %logistic3A_62, %tanh3A_68 : vector<1280x128xf32>
    %swap3A = arith.constant 0 : index
    %swap3A_70 = arith.constant 0 : index
    %swap3A_71 = vector.load %arg16[%swap3A, %swap3A_70] : memref<1280x128xf32, #tpu.memory_space<vmem>>, vector<1280x128xf32>
    tpu.vector_store %arg16[%swap3A, %swap3A_70], %mul3A_69 {strides = array<i32>} : memref<1280x128xf32, #tpu.memory_space<vmem>>, vector<1280x128xf32>,
    %swap3A_72 = arith.constant 0 : index
    %swap3A_73 = arith.constant 0 : index
    %swap3A_74 = vector.load %arg17[%swap3A_72, %swap3A_73] : memref<1280x128xf32, #tpu.memory_space<vmem>>, vector<1280x128xf32>
    tpu.vector_store %arg17[%swap3A_72, %swap3A_73], %add3A_67 {strides = array<i32>} : memref<1280x128xf32, #tpu.memory_space<vmem>>, vector<1280x128xf32>,
    %max3A = arith.constant 0.000000e+00 : f32
    %max3A_75 = vector.broadcast %max3A : f32 to vector<1280x128xf32>
    %max3A_76 = arith.maximumf %mul3A_69, %max3A_75 : vector<1280x128xf32>
    %swap3A_77 = arith.constant 0 : index
    %swap3A_78 = arith.constant 0 : index
    %swap3A_79 = vector.load %arg18[%swap3A_77, %swap3A_78] : memref<1280x128xf32, #tpu.memory_space<vmem>>, vector<1280x128xf32>
    tpu.vector_store %arg18[%swap3A_77, %swap3A_78], %max3A_76 {strides = array<i32>} : memref<1280x128xf32, #tpu.memory_space<vmem>>, vector<1280x128xf32>,
    return
  }
  func.func @transform_0(%arg0: i32) -> (i32, i32) {
    %add3A = arith.constant 38 : i32
    %add3A_0 = arith.addi %arg0, %add3A : i32
    %c0_i32 = arith.constant 0 : i32
    %c0_i32_1 = arith.constant 0 : i32
    return %add3A_0, %c0_i32 : i32, i32
  }
  func.func @transform_1(%arg0: i32) -> (i32, i32) {
    %c0_i32 = arith.constant 0 : i32
    %c0_i32_0 = arith.constant 0 : i32
    return %arg0, %c0_i32 : i32, i32
  }
  func.func @transform_2(%arg0: i32) -> (i32, i32) {
    %c0_i32 = arith.constant 0 : i32
    %c0_i32_0 = arith.constant 0 : i32
    return %arg0, %c0_i32 : i32, i32
  }
  func.func @transform_3(%arg0: i32) -> (i32, i32) {
    %add3A = arith.constant 38 : i32
    %add3A_0 = arith.addi %arg0, %add3A : i32
    %c0_i32 = arith.constant 0 : i32
    %c0_i32_1 = arith.constant 0 : i32
    return %add3A_0, %c0_i32 : i32, i32
  }
  func.func @transform_4(%arg0: i32) -> (i32, i32) {
    %add3A = arith.constant 38 : i32
    %add3A_0 = arith.addi %arg0, %add3A : i32
    %c0_i32 = arith.constant 0 : i32
    %c0_i32_1 = arith.constant 0 : i32
    return %add3A_0, %c0_i32 : i32, i32
  }
  func.func @transform_5(%arg0: i32) -> (i32, i32) {
    %c0_i32 = arith.constant 0 : i32
    %c0_i32_0 = arith.constant 0 : i32
    %c0_i32_1 = arith.constant 0 : i32
    return %c0_i32, %c0_i32_0 : i32, i32
  }
  func.func @transform_6(%arg0: i32) -> (i32, i32) {
    %c0_i32 = arith.constant 0 : i32
    %c0_i32_0 = arith.constant 0 : i32
    %c0_i32_1 = arith.constant 0 : i32
    return %c0_i32, %c0_i32_0 : i32, i32
  }
  func.func @transform_7(%arg0: i32) -> (i32, i32) {
    %c0_i32 = arith.constant 0 : i32
    %c0_i32_0 = arith.constant 0 : i32
    %c0_i32_1 = arith.constant 0 : i32
    return %c0_i32, %c0_i32_0 : i32, i32
  }
  func.func @transform_8(%arg0: i32) -> (i32, i32) {
    %c0_i32 = arith.constant 0 : i32
    %c0_i32_0 = arith.constant 0 : i32
    %c0_i32_1 = arith.constant 0 : i32
    return %c0_i32, %c0_i32_0 : i32, i32
  }
  func.func @transform_9(%arg0: i32) -> (i32, i32) {
    %c0_i32 = arith.constant 0 : i32
    %c0_i32_0 = arith.constant 0 : i32
    %c0_i32_1 = arith.constant 0 : i32
    return %c0_i32, %c0_i32_0 : i32, i32
  }
  func.func @transform_10(%arg0: i32) -> (i32, i32) {
    %c0_i32 = arith.constant 0 : i32
    %c0_i32_0 = arith.constant 0 : i32
    %c0_i32_1 = arith.constant 0 : i32
    return %c0_i32, %c0_i32_0 : i32, i32
  }
  func.func @transform_11(%arg0: i32) -> (i32, i32) {
    %c0_i32 = arith.constant 0 : i32
    %c0_i32_0 = arith.constant 0 : i32
    %c0_i32_1 = arith.constant 0 : i32
    return %c0_i32, %c0_i32_0 : i32, i32
  }
  func.func @transform_15(%arg0: i32) -> (i32, i32) {
    %add3A = arith.constant 38 : i32
    %add3A_0 = arith.addi %arg0, %add3A : i32
    %c0_i32 = arith.constant 0 : i32
    %c0_i32_1 = arith.constant 0 : i32
    return %add3A_0, %c0_i32 : i32, i32
  }
  func.func @transform_16(%arg0: i32) -> (i32, i32) {
    %add3A = arith.constant 38 : i32
    %add3A_0 = arith.addi %arg0, %add3A : i32
    %c0_i32 = arith.constant 0 : i32
    %c0_i32_1 = arith.constant 0 : i32
    return %add3A_0, %c0_i32 : i32, i32
  }
  func.func @transform_17(%arg0: i32) -> (i32, i32) {
    %add3A = arith.constant 38 : i32
    %add3A_0 = arith.addi %arg0, %add3A : i32
    %c0_i32 = arith.constant 0 : i32
    %c0_i32_1 = arith.constant 0 : i32
    return %add3A_0, %c0_i32 : i32, i32
  }
}

module attributes {stable_mosaic.version = 14 : i64} {
  func.func @_edge_body(%arg0: i32, %arg1: memref<1280x128xf32, #tpu.memory_space<vmem>>, %arg2: memref<1280x128xf32, #tpu.memory_space<vmem>>, %arg3: memref<1280x128xf32, #tpu.memory_space<vmem>>, %arg4: memref<1280x128xf32, #tpu.memory_space<vmem>>, %arg5: memref<1280x128xf32, #tpu.memory_space<vmem>>, %arg6: memref<1x128xf32, #tpu.memory_space<vmem>>, %arg7: memref<128x512xbf16, #tpu.memory_space<vmem>>, %arg8: memref<128x512xbf16, #tpu.memory_space<vmem>>, %arg9: memref<128x512xbf16, #tpu.memory_space<vmem>>, %arg10: memref<128x512xbf16, #tpu.memory_space<vmem>>, %arg11: memref<128x512xbf16, #tpu.memory_space<vmem>>, %arg12: memref<1x512xf32, #tpu.memory_space<vmem>>, %arg13: memref<1280x128xf32, #tpu.memory_space<vmem>>, %arg14: memref<1280x128xf32, #tpu.memory_space<vmem>>, %arg15: memref<1280x128xf32, #tpu.memory_space<vmem>>, %arg16: memref<1x512xf32, #tpu.memory_space<vmem>>) attributes {dimension_semantics = [#tpu.dimension_semantics<arbitrary>], iteration_bounds = array<i64: 38>, scalar_prefetch = 0 : i64, scratch_operands = 1 : i64, tpu.core_type = #tpu.core_type<tc>, window_params = [{transform_indices = @transform_0, window_bounds = array<i64: 1280, 128>}, {transform_indices = @transform_1, window_bounds = array<i64: 1280, 128>}, {transform_indices = @transform_2, window_bounds = array<i64: 1280, 128>}, {transform_indices = @transform_3, window_bounds = array<i64: 1280, 128>}, {transform_indices = @transform_4, window_bounds = array<i64: 1280, 128>}, {pipeline_mode = #tpu.pipeline_mode<synchronous>, transform_indices = @transform_5, window_bounds = array<i64: 1, 128>}, {pipeline_mode = #tpu.pipeline_mode<synchronous>, transform_indices = @transform_6, window_bounds = array<i64: 128, 512>}, {pipeline_mode = #tpu.pipeline_mode<synchronous>, transform_indices = @transform_7, window_bounds = array<i64: 128, 512>}, {pipeline_mode = #tpu.pipeline_mode<synchronous>, transform_indices = @transform_8, window_bounds = array<i64: 128, 512>}, {pipeline_mode = #tpu.pipeline_mode<synchronous>, transform_indices = @transform_9, window_bounds = array<i64: 128, 512>}, {pipeline_mode = #tpu.pipeline_mode<synchronous>, transform_indices = @transform_10, window_bounds = array<i64: 128, 512>}, {pipeline_mode = #tpu.pipeline_mode<synchronous>, transform_indices = @transform_11, window_bounds = array<i64: 1, 512>}, {transform_indices = @transform_12, window_bounds = array<i64: 1280, 128>}, {transform_indices = @transform_13, window_bounds = array<i64: 1280, 128>}, {transform_indices = @transform_14, window_bounds = array<i64: 1280, 128>}]} {
    %eq3A = arith.constant 0 : i32
    %eq3A_0 = arith.cmpi eq, %arg0, %eq3A : i32
    %convert_element_type3A = arith.extui %eq3A_0 : i1 to i32
    %cond3A = arith.constant 0 : i32
    %cond3A_1 = arith.cmpi ne, %convert_element_type3A, %cond3A : i32
    scf.if %cond3A_1 {
      %get3A_80 = arith.constant 0 : index
      %get3A_81 = arith.constant 0 : index
      %get3A_82 = vector.load %arg6[%get3A_80, %get3A_81] : memref<1x128xf32, #tpu.memory_space<vmem>>, vector<1x128xf32>
      %convert_element_type3A_83 = arith.truncf %get3A_82 : vector<1x128xf32> to vector<1x128xbf16>
      %get3A_84 = arith.constant 0 : index
      %get3A_85 = arith.constant 0 : index
      %get3A_86 = vector.load %arg10[%get3A_84, %get3A_85] : memref<128x512xbf16, #tpu.memory_space<vmem>>, vector<128x512xbf16>
      %dot_general3A_87 = arith.constant dense<0.000000e+00> : vector<1x512xf32>
      %dot_general3A_88 = tpu.matmul %convert_element_type3A_83, %get3A_86, %dot_general3A_87 {dimension_numbers = #tpu.dot_dimension_numbers<[1], [0], [0], [1], [0, 0, 1, 1], [], []>, transpose_lhs_hint = false} : vector<1x128xbf16>, vector<128x512xbf16>, vector<1x512xf32> -> vector<1x512xf32>
      %get3A_89 = arith.constant 0 : index
      %get3A_90 = arith.constant 0 : index
      %get3A_91 = vector.load %arg12[%get3A_89, %get3A_90] : memref<1x512xf32, #tpu.memory_space<vmem>>, vector<1x512xf32>
      %add3A_92 = arith.addf %dot_general3A_88, %get3A_91 : vector<1x512xf32>
      %swap3A_93 = arith.constant 0 : index
      %swap3A_94 = arith.constant 0 : index
      %swap3A_95 = vector.load %arg16[%swap3A_93, %swap3A_94] : memref<1x512xf32, #tpu.memory_space<vmem>>, vector<1x512xf32>
      tpu.vector_store %arg16[%swap3A_93, %swap3A_94], %add3A_92 {strides = array<i32>} : memref<1x512xf32, #tpu.memory_space<vmem>>, vector<1x512xf32>,
    } else {
    }
    %get3A = arith.constant 0 : index
    %get3A_2 = arith.constant 0 : index
    %get3A_3 = vector.load %arg1[%get3A, %get3A_2] : memref<1280x128xf32, #tpu.memory_space<vmem>>, vector<1280x128xf32>
    %convert_element_type3A_4 = arith.truncf %get3A_3 : vector<1280x128xf32> to vector<1280x128xbf16>
    %get3A_5 = arith.constant 0 : index
    %get3A_6 = arith.constant 0 : index
    %get3A_7 = vector.load %arg7[%get3A_5, %get3A_6] : memref<128x512xbf16, #tpu.memory_space<vmem>>, vector<128x512xbf16>
    %dot_general3A = arith.constant dense<0.000000e+00> : vector<1280x512xf32>
    %dot_general3A_8 = tpu.matmul %convert_element_type3A_4, %get3A_7, %dot_general3A {dimension_numbers = #tpu.dot_dimension_numbers<[1], [0], [0], [1], [0, 0, 1, 1], [], []>, transpose_lhs_hint = false} : vector<1280x128xbf16>, vector<128x512xbf16>, vector<1280x512xf32> -> vector<1280x512xf32>
    %get3A_9 = arith.constant 0 : index
    %get3A_10 = arith.constant 0 : index
    %get3A_11 = vector.load %arg2[%get3A_9, %get3A_10] : memref<1280x128xf32, #tpu.memory_space<vmem>>, vector<1280x128xf32>
    %convert_element_type3A_12 = arith.truncf %get3A_11 : vector<1280x128xf32> to vector<1280x128xbf16>
    %get3A_13 = arith.constant 0 : index
    %get3A_14 = arith.constant 0 : index
    %get3A_15 = vector.load %arg8[%get3A_13, %get3A_14] : memref<128x512xbf16, #tpu.memory_space<vmem>>, vector<128x512xbf16>
    %dot_general3A_16 = arith.constant dense<0.000000e+00> : vector<1280x512xf32>
    %dot_general3A_17 = tpu.matmul %convert_element_type3A_12, %get3A_15, %dot_general3A_16 {dimension_numbers = #tpu.dot_dimension_numbers<[1], [0], [0], [1], [0, 0, 1, 1], [], []>, transpose_lhs_hint = false} : vector<1280x128xbf16>, vector<128x512xbf16>, vector<1280x512xf32> -> vector<1280x512xf32>
    %add3A = arith.addf %dot_general3A_8, %dot_general3A_17 : vector<1280x512xf32>
    %get3A_18 = arith.constant 0 : index
    %get3A_19 = arith.constant 0 : index
    %get3A_20 = vector.load %arg3[%get3A_18, %get3A_19] : memref<1280x128xf32, #tpu.memory_space<vmem>>, vector<1280x128xf32>
    %convert_element_type3A_21 = arith.truncf %get3A_20 : vector<1280x128xf32> to vector<1280x128xbf16>
    %get3A_22 = arith.constant 0 : index
    %get3A_23 = arith.constant 0 : index
    %get3A_24 = vector.load %arg9[%get3A_22, %get3A_23] : memref<128x512xbf16, #tpu.memory_space<vmem>>, vector<128x512xbf16>
    %dot_general3A_25 = arith.constant dense<0.000000e+00> : vector<1280x512xf32>
    %dot_general3A_26 = tpu.matmul %convert_element_type3A_21, %get3A_24, %dot_general3A_25 {dimension_numbers = #tpu.dot_dimension_numbers<[1], [0], [0], [1], [0, 0, 1, 1], [], []>, transpose_lhs_hint = false} : vector<1280x128xbf16>, vector<128x512xbf16>, vector<1280x512xf32> -> vector<1280x512xf32>
    %add3A_27 = arith.addf %add3A, %dot_general3A_26 : vector<1280x512xf32>
    %get3A_28 = arith.constant 0 : index
    %get3A_29 = arith.constant 0 : index
    %get3A_30 = vector.load %arg4[%get3A_28, %get3A_29] : memref<1280x128xf32, #tpu.memory_space<vmem>>, vector<1280x128xf32>
    %convert_element_type3A_31 = arith.truncf %get3A_30 : vector<1280x128xf32> to vector<1280x128xbf16>
    %get3A_32 = arith.constant 0 : index
    %get3A_33 = arith.constant 0 : index
    %get3A_34 = vector.load %arg11[%get3A_32, %get3A_33] : memref<128x512xbf16, #tpu.memory_space<vmem>>, vector<128x512xbf16>
    %dot_general3A_35 = arith.constant dense<0.000000e+00> : vector<1280x512xf32>
    %dot_general3A_36 = tpu.matmul %convert_element_type3A_31, %get3A_34, %dot_general3A_35 {dimension_numbers = #tpu.dot_dimension_numbers<[1], [0], [0], [1], [0, 0, 1, 1], [], []>, transpose_lhs_hint = false} : vector<1280x128xbf16>, vector<128x512xbf16>, vector<1280x512xf32> -> vector<1280x512xf32>
    %add3A_37 = arith.addf %add3A_27, %dot_general3A_36 : vector<1280x512xf32>
    %get3A_38 = arith.constant 0 : index
    %get3A_39 = arith.constant 0 : index
    %get3A_40 = vector.load %arg16[%get3A_38, %get3A_39] : memref<1x512xf32, #tpu.memory_space<vmem>>, vector<1x512xf32>
    %add3A_41 = vector.broadcast %get3A_40 : vector<1x512xf32> to vector<1280x512xf32>
    %add3A_42 = arith.addf %add3A_37, %add3A_41 : vector<1280x512xf32>
    %slice3A = vector.extract_strided_slice %add3A_42 {offsets = [0, 0], sizes = [1280, 128], strides = [1, 1]} : vector<1280x512xf32> to vector<1280x128xf32>
    %logistic3A = arith.negf %slice3A : vector<1280x128xf32>
    %logistic3A_43 = math.exp %logistic3A : vector<1280x128xf32>
    %logistic3A_44 = arith.constant 1.000000e+00 : f32
    %logistic3A_45 = vector.broadcast %logistic3A_44 : f32 to vector<1280x128xf32>
    %logistic3A_46 = arith.addf %logistic3A_45, %logistic3A_43 : vector<1280x128xf32>
    %logistic3A_47 = arith.divf %logistic3A_45, %logistic3A_46 : vector<1280x128xf32>
    %slice3A_48 = vector.extract_strided_slice %add3A_42 {offsets = [0, 128], sizes = [1280, 128], strides = [1, 1]} : vector<1280x512xf32> to vector<1280x128xf32>
    %logistic3A_49 = arith.negf %slice3A_48 : vector<1280x128xf32>
    %logistic3A_50 = math.exp %logistic3A_49 : vector<1280x128xf32>
    %logistic3A_51 = arith.constant 1.000000e+00 : f32
    %logistic3A_52 = vector.broadcast %logistic3A_51 : f32 to vector<1280x128xf32>
    %logistic3A_53 = arith.addf %logistic3A_52, %logistic3A_50 : vector<1280x128xf32>
    %logistic3A_54 = arith.divf %logistic3A_52, %logistic3A_53 : vector<1280x128xf32>
    %slice3A_55 = vector.extract_strided_slice %add3A_42 {offsets = [0, 256], sizes = [1280, 128], strides = [1, 1]} : vector<1280x512xf32> to vector<1280x128xf32>
    %tanh3A = math.tanh %slice3A_55 : vector<1280x128xf32>
    %slice3A_56 = vector.extract_strided_slice %add3A_42 {offsets = [0, 384], sizes = [1280, 128], strides = [1, 1]} : vector<1280x512xf32> to vector<1280x128xf32>
    %logistic3A_57 = arith.negf %slice3A_56 : vector<1280x128xf32>
    %logistic3A_58 = math.exp %logistic3A_57 : vector<1280x128xf32>
    %logistic3A_59 = arith.constant 1.000000e+00 : f32
    %logistic3A_60 = vector.broadcast %logistic3A_59 : f32 to vector<1280x128xf32>
    %logistic3A_61 = arith.addf %logistic3A_60, %logistic3A_58 : vector<1280x128xf32>
    %logistic3A_62 = arith.divf %logistic3A_60, %logistic3A_61 : vector<1280x128xf32>
    %get3A_63 = arith.constant 0 : index
    %get3A_64 = arith.constant 0 : index
    %get3A_65 = vector.load %arg5[%get3A_63, %get3A_64] : memref<1280x128xf32, #tpu.memory_space<vmem>>, vector<1280x128xf32>
    %mul3A = arith.mulf %logistic3A_54, %get3A_65 : vector<1280x128xf32>
    %mul3A_66 = arith.mulf %logistic3A_47, %tanh3A : vector<1280x128xf32>
    %add3A_67 = arith.addf %mul3A, %mul3A_66 : vector<1280x128xf32>
    %tanh3A_68 = math.tanh %add3A_67 : vector<1280x128xf32>
    %mul3A_69 = arith.mulf %logistic3A_62, %tanh3A_68 : vector<1280x128xf32>
    %swap3A = arith.constant 0 : index
    %swap3A_70 = arith.constant 0 : index
    %swap3A_71 = vector.load %arg13[%swap3A, %swap3A_70] : memref<1280x128xf32, #tpu.memory_space<vmem>>, vector<1280x128xf32>
    tpu.vector_store %arg13[%swap3A, %swap3A_70], %mul3A_69 {strides = array<i32>} : memref<1280x128xf32, #tpu.memory_space<vmem>>, vector<1280x128xf32>,
    %swap3A_72 = arith.constant 0 : index
    %swap3A_73 = arith.constant 0 : index
    %swap3A_74 = vector.load %arg14[%swap3A_72, %swap3A_73] : memref<1280x128xf32, #tpu.memory_space<vmem>>, vector<1280x128xf32>
    tpu.vector_store %arg14[%swap3A_72, %swap3A_73], %add3A_67 {strides = array<i32>} : memref<1280x128xf32, #tpu.memory_space<vmem>>, vector<1280x128xf32>,
    %max3A = arith.constant 0.000000e+00 : f32
    %max3A_75 = vector.broadcast %max3A : f32 to vector<1280x128xf32>
    %max3A_76 = arith.maximumf %mul3A_69, %max3A_75 : vector<1280x128xf32>
    %swap3A_77 = arith.constant 0 : index
    %swap3A_78 = arith.constant 0 : index
    %swap3A_79 = vector.load %arg15[%swap3A_77, %swap3A_78] : memref<1280x128xf32, #tpu.memory_space<vmem>>, vector<1280x128xf32>
    tpu.vector_store %arg15[%swap3A_77, %swap3A_78], %max3A_76 {strides = array<i32>} : memref<1280x128xf32, #tpu.memory_space<vmem>>, vector<1280x128xf32>,
    return
  }
  func.func @transform_0(%arg0: i32) -> (i32, i32) {
    %add3A = arith.constant 0 : i32
    %add3A_0 = arith.addi %arg0, %add3A : i32
    %c0_i32 = arith.constant 0 : i32
    %c0_i32_1 = arith.constant 0 : i32
    return %add3A_0, %c0_i32 : i32, i32
  }
  func.func @transform_1(%arg0: i32) -> (i32, i32) {
    %c0_i32 = arith.constant 0 : i32
    %c0_i32_0 = arith.constant 0 : i32
    return %arg0, %c0_i32 : i32, i32
  }
  func.func @transform_2(%arg0: i32) -> (i32, i32) {
    %c0_i32 = arith.constant 0 : i32
    %c0_i32_0 = arith.constant 0 : i32
    return %arg0, %c0_i32 : i32, i32
  }
  func.func @transform_3(%arg0: i32) -> (i32, i32) {
    %add3A = arith.constant 0 : i32
    %add3A_0 = arith.addi %arg0, %add3A : i32
    %c0_i32 = arith.constant 0 : i32
    %c0_i32_1 = arith.constant 0 : i32
    return %add3A_0, %c0_i32 : i32, i32
  }
  func.func @transform_4(%arg0: i32) -> (i32, i32) {
    %add3A = arith.constant 0 : i32
    %add3A_0 = arith.addi %arg0, %add3A : i32
    %c0_i32 = arith.constant 0 : i32
    %c0_i32_1 = arith.constant 0 : i32
    return %add3A_0, %c0_i32 : i32, i32
  }
  func.func @transform_5(%arg0: i32) -> (i32, i32) {
    %c0_i32 = arith.constant 0 : i32
    %c0_i32_0 = arith.constant 0 : i32
    %c0_i32_1 = arith.constant 0 : i32
    return %c0_i32, %c0_i32_0 : i32, i32
  }
  func.func @transform_6(%arg0: i32) -> (i32, i32) {
    %c0_i32 = arith.constant 0 : i32
    %c0_i32_0 = arith.constant 0 : i32
    %c0_i32_1 = arith.constant 0 : i32
    return %c0_i32, %c0_i32_0 : i32, i32
  }
  func.func @transform_7(%arg0: i32) -> (i32, i32) {
    %c0_i32 = arith.constant 0 : i32
    %c0_i32_0 = arith.constant 0 : i32
    %c0_i32_1 = arith.constant 0 : i32
    return %c0_i32, %c0_i32_0 : i32, i32
  }
  func.func @transform_8(%arg0: i32) -> (i32, i32) {
    %c0_i32 = arith.constant 0 : i32
    %c0_i32_0 = arith.constant 0 : i32
    %c0_i32_1 = arith.constant 0 : i32
    return %c0_i32, %c0_i32_0 : i32, i32
  }
  func.func @transform_9(%arg0: i32) -> (i32, i32) {
    %c0_i32 = arith.constant 0 : i32
    %c0_i32_0 = arith.constant 0 : i32
    %c0_i32_1 = arith.constant 0 : i32
    return %c0_i32, %c0_i32_0 : i32, i32
  }
  func.func @transform_10(%arg0: i32) -> (i32, i32) {
    %c0_i32 = arith.constant 0 : i32
    %c0_i32_0 = arith.constant 0 : i32
    %c0_i32_1 = arith.constant 0 : i32
    return %c0_i32, %c0_i32_0 : i32, i32
  }
  func.func @transform_11(%arg0: i32) -> (i32, i32) {
    %c0_i32 = arith.constant 0 : i32
    %c0_i32_0 = arith.constant 0 : i32
    %c0_i32_1 = arith.constant 0 : i32
    return %c0_i32, %c0_i32_0 : i32, i32
  }
  func.func @transform_12(%arg0: i32) -> (i32, i32) {
    %add3A = arith.constant 0 : i32
    %add3A_0 = arith.addi %arg0, %add3A : i32
    %c0_i32 = arith.constant 0 : i32
    %c0_i32_1 = arith.constant 0 : i32
    return %add3A_0, %c0_i32 : i32, i32
  }
  func.func @transform_13(%arg0: i32) -> (i32, i32) {
    %add3A = arith.constant 0 : i32
    %add3A_0 = arith.addi %arg0, %add3A : i32
    %c0_i32 = arith.constant 0 : i32
    %c0_i32_1 = arith.constant 0 : i32
    return %add3A_0, %c0_i32 : i32, i32
  }
  func.func @transform_14(%arg0: i32) -> (i32, i32) {
    %add3A = arith.constant 0 : i32
    %add3A_0 = arith.addi %arg0, %add3A : i32
    %c0_i32 = arith.constant 0 : i32
    %c0_i32_1 = arith.constant 0 : i32
    return %add3A_0, %c0_i32 : i32, i32
  }
}

module attributes {stable_mosaic.version = 14 : i64} {
  func.func @_edge_body(%arg0: i32, %arg1: memref<1280x128xf32, #tpu.memory_space<vmem>>, %arg2: memref<1280x128xf32, #tpu.memory_space<vmem>>, %arg3: memref<1280x128xf32, #tpu.memory_space<vmem>>, %arg4: memref<1280x128xf32, #tpu.memory_space<vmem>>, %arg5: memref<1280x128xf32, #tpu.memory_space<vmem>>, %arg6: memref<1x128xf32, #tpu.memory_space<vmem>>, %arg7: memref<128x512xbf16, #tpu.memory_space<vmem>>, %arg8: memref<128x512xbf16, #tpu.memory_space<vmem>>, %arg9: memref<128x512xbf16, #tpu.memory_space<vmem>>, %arg10: memref<128x512xbf16, #tpu.memory_space<vmem>>, %arg11: memref<128x512xbf16, #tpu.memory_space<vmem>>, %arg12: memref<1x512xf32, #tpu.memory_space<vmem>>, %arg13: memref<160000x128xf32, #tpu.memory_space<hbm>>, %arg14: memref<160000x128xf32, #tpu.memory_space<hbm>>, %arg15: memref<160000x128xf32, #tpu.memory_space<hbm>>, %arg16: memref<1280x128xf32, #tpu.memory_space<vmem>>, %arg17: memref<1280x128xf32, #tpu.memory_space<vmem>>, %arg18: memref<1280x128xf32, #tpu.memory_space<vmem>>, %arg19: memref<1x512xf32, #tpu.memory_space<vmem>>) attributes {dimension_semantics = [#tpu.dimension_semantics<arbitrary>], iteration_bounds = array<i64: 44>, scalar_prefetch = 0 : i64, scratch_operands = 1 : i64, tpu.core_type = #tpu.core_type<tc>, window_params = [{transform_indices = @transform_0, window_bounds = array<i64: 1280, 128>}, {transform_indices = @transform_1, window_bounds = array<i64: 1280, 128>}, {transform_indices = @transform_2, window_bounds = array<i64: 1280, 128>}, {transform_indices = @transform_3, window_bounds = array<i64: 1280, 128>}, {transform_indices = @transform_4, window_bounds = array<i64: 1280, 128>}, {pipeline_mode = #tpu.pipeline_mode<synchronous>, transform_indices = @transform_5, window_bounds = array<i64: 1, 128>}, {pipeline_mode = #tpu.pipeline_mode<synchronous>, transform_indices = @transform_6, window_bounds = array<i64: 128, 512>}, {pipeline_mode = #tpu.pipeline_mode<synchronous>, transform_indices = @transform_7, window_bounds = array<i64: 128, 512>}, {pipeline_mode = #tpu.pipeline_mode<synchronous>, transform_indices = @transform_8, window_bounds = array<i64: 128, 512>}, {pipeline_mode = #tpu.pipeline_mode<synchronous>, transform_indices = @transform_9, window_bounds = array<i64: 128, 512>}, {pipeline_mode = #tpu.pipeline_mode<synchronous>, transform_indices = @transform_10, window_bounds = array<i64: 128, 512>}, {pipeline_mode = #tpu.pipeline_mode<synchronous>, transform_indices = @transform_11, window_bounds = array<i64: 1, 512>}, {}, {}, {}, {transform_indices = @transform_15, window_bounds = array<i64: 1280, 128>}, {transform_indices = @transform_16, window_bounds = array<i64: 1280, 128>}, {transform_indices = @transform_17, window_bounds = array<i64: 1280, 128>}]} {
    %eq3A = arith.constant 0 : i32
    %eq3A_0 = arith.cmpi eq, %arg0, %eq3A : i32
    %convert_element_type3A = arith.extui %eq3A_0 : i1 to i32
    %cond3A = arith.constant 0 : i32
    %cond3A_1 = arith.cmpi ne, %convert_element_type3A, %cond3A : i32
    scf.if %cond3A_1 {
      %get3A_80 = arith.constant 0 : index
      %get3A_81 = arith.constant 0 : index
      %get3A_82 = vector.load %arg6[%get3A_80, %get3A_81] : memref<1x128xf32, #tpu.memory_space<vmem>>, vector<1x128xf32>
      %convert_element_type3A_83 = arith.truncf %get3A_82 : vector<1x128xf32> to vector<1x128xbf16>
      %get3A_84 = arith.constant 0 : index
      %get3A_85 = arith.constant 0 : index
      %get3A_86 = vector.load %arg10[%get3A_84, %get3A_85] : memref<128x512xbf16, #tpu.memory_space<vmem>>, vector<128x512xbf16>
      %dot_general3A_87 = arith.constant dense<0.000000e+00> : vector<1x512xf32>
      %dot_general3A_88 = tpu.matmul %convert_element_type3A_83, %get3A_86, %dot_general3A_87 {dimension_numbers = #tpu.dot_dimension_numbers<[1], [0], [0], [1], [0, 0, 1, 1], [], []>, transpose_lhs_hint = false} : vector<1x128xbf16>, vector<128x512xbf16>, vector<1x512xf32> -> vector<1x512xf32>
      %get3A_89 = arith.constant 0 : index
      %get3A_90 = arith.constant 0 : index
      %get3A_91 = vector.load %arg12[%get3A_89, %get3A_90] : memref<1x512xf32, #tpu.memory_space<vmem>>, vector<1x512xf32>
      %add3A_92 = arith.addf %dot_general3A_88, %get3A_91 : vector<1x512xf32>
      %swap3A_93 = arith.constant 0 : index
      %swap3A_94 = arith.constant 0 : index
      %swap3A_95 = vector.load %arg19[%swap3A_93, %swap3A_94] : memref<1x512xf32, #tpu.memory_space<vmem>>, vector<1x512xf32>
      tpu.vector_store %arg19[%swap3A_93, %swap3A_94], %add3A_92 {strides = array<i32>} : memref<1x512xf32, #tpu.memory_space<vmem>>, vector<1x512xf32>,
    } else {
    }
    %get3A = arith.constant 0 : index
    %get3A_2 = arith.constant 0 : index
    %get3A_3 = vector.load %arg1[%get3A, %get3A_2] : memref<1280x128xf32, #tpu.memory_space<vmem>>, vector<1280x128xf32>
    %convert_element_type3A_4 = arith.truncf %get3A_3 : vector<1280x128xf32> to vector<1280x128xbf16>
    %get3A_5 = arith.constant 0 : index
    %get3A_6 = arith.constant 0 : index
    %get3A_7 = vector.load %arg7[%get3A_5, %get3A_6] : memref<128x512xbf16, #tpu.memory_space<vmem>>, vector<128x512xbf16>
    %dot_general3A = arith.constant dense<0.000000e+00> : vector<1280x512xf32>
    %dot_general3A_8 = tpu.matmul %convert_element_type3A_4, %get3A_7, %dot_general3A {dimension_numbers = #tpu.dot_dimension_numbers<[1], [0], [0], [1], [0, 0, 1, 1], [], []>, transpose_lhs_hint = false} : vector<1280x128xbf16>, vector<128x512xbf16>, vector<1280x512xf32> -> vector<1280x512xf32>
    %get3A_9 = arith.constant 0 : index
    %get3A_10 = arith.constant 0 : index
    %get3A_11 = vector.load %arg2[%get3A_9, %get3A_10] : memref<1280x128xf32, #tpu.memory_space<vmem>>, vector<1280x128xf32>
    %convert_element_type3A_12 = arith.truncf %get3A_11 : vector<1280x128xf32> to vector<1280x128xbf16>
    %get3A_13 = arith.constant 0 : index
    %get3A_14 = arith.constant 0 : index
    %get3A_15 = vector.load %arg8[%get3A_13, %get3A_14] : memref<128x512xbf16, #tpu.memory_space<vmem>>, vector<128x512xbf16>
    %dot_general3A_16 = arith.constant dense<0.000000e+00> : vector<1280x512xf32>
    %dot_general3A_17 = tpu.matmul %convert_element_type3A_12, %get3A_15, %dot_general3A_16 {dimension_numbers = #tpu.dot_dimension_numbers<[1], [0], [0], [1], [0, 0, 1, 1], [], []>, transpose_lhs_hint = false} : vector<1280x128xbf16>, vector<128x512xbf16>, vector<1280x512xf32> -> vector<1280x512xf32>
    %add3A = arith.addf %dot_general3A_8, %dot_general3A_17 : vector<1280x512xf32>
    %get3A_18 = arith.constant 0 : index
    %get3A_19 = arith.constant 0 : index
    %get3A_20 = vector.load %arg3[%get3A_18, %get3A_19] : memref<1280x128xf32, #tpu.memory_space<vmem>>, vector<1280x128xf32>
    %convert_element_type3A_21 = arith.truncf %get3A_20 : vector<1280x128xf32> to vector<1280x128xbf16>
    %get3A_22 = arith.constant 0 : index
    %get3A_23 = arith.constant 0 : index
    %get3A_24 = vector.load %arg9[%get3A_22, %get3A_23] : memref<128x512xbf16, #tpu.memory_space<vmem>>, vector<128x512xbf16>
    %dot_general3A_25 = arith.constant dense<0.000000e+00> : vector<1280x512xf32>
    %dot_general3A_26 = tpu.matmul %convert_element_type3A_21, %get3A_24, %dot_general3A_25 {dimension_numbers = #tpu.dot_dimension_numbers<[1], [0], [0], [1], [0, 0, 1, 1], [], []>, transpose_lhs_hint = false} : vector<1280x128xbf16>, vector<128x512xbf16>, vector<1280x512xf32> -> vector<1280x512xf32>
    %add3A_27 = arith.addf %add3A, %dot_general3A_26 : vector<1280x512xf32>
    %get3A_28 = arith.constant 0 : index
    %get3A_29 = arith.constant 0 : index
    %get3A_30 = vector.load %arg4[%get3A_28, %get3A_29] : memref<1280x128xf32, #tpu.memory_space<vmem>>, vector<1280x128xf32>
    %convert_element_type3A_31 = arith.truncf %get3A_30 : vector<1280x128xf32> to vector<1280x128xbf16>
    %get3A_32 = arith.constant 0 : index
    %get3A_33 = arith.constant 0 : index
    %get3A_34 = vector.load %arg11[%get3A_32, %get3A_33] : memref<128x512xbf16, #tpu.memory_space<vmem>>, vector<128x512xbf16>
    %dot_general3A_35 = arith.constant dense<0.000000e+00> : vector<1280x512xf32>
    %dot_general3A_36 = tpu.matmul %convert_element_type3A_31, %get3A_34, %dot_general3A_35 {dimension_numbers = #tpu.dot_dimension_numbers<[1], [0], [0], [1], [0, 0, 1, 1], [], []>, transpose_lhs_hint = false} : vector<1280x128xbf16>, vector<128x512xbf16>, vector<1280x512xf32> -> vector<1280x512xf32>
    %add3A_37 = arith.addf %add3A_27, %dot_general3A_36 : vector<1280x512xf32>
    %get3A_38 = arith.constant 0 : index
    %get3A_39 = arith.constant 0 : index
    %get3A_40 = vector.load %arg19[%get3A_38, %get3A_39] : memref<1x512xf32, #tpu.memory_space<vmem>>, vector<1x512xf32>
    %add3A_41 = vector.broadcast %get3A_40 : vector<1x512xf32> to vector<1280x512xf32>
    %add3A_42 = arith.addf %add3A_37, %add3A_41 : vector<1280x512xf32>
    %slice3A = vector.extract_strided_slice %add3A_42 {offsets = [0, 0], sizes = [1280, 128], strides = [1, 1]} : vector<1280x512xf32> to vector<1280x128xf32>
    %logistic3A = arith.negf %slice3A : vector<1280x128xf32>
    %logistic3A_43 = math.exp %logistic3A : vector<1280x128xf32>
    %logistic3A_44 = arith.constant 1.000000e+00 : f32
    %logistic3A_45 = vector.broadcast %logistic3A_44 : f32 to vector<1280x128xf32>
    %logistic3A_46 = arith.addf %logistic3A_45, %logistic3A_43 : vector<1280x128xf32>
    %logistic3A_47 = arith.divf %logistic3A_45, %logistic3A_46 : vector<1280x128xf32>
    %slice3A_48 = vector.extract_strided_slice %add3A_42 {offsets = [0, 128], sizes = [1280, 128], strides = [1, 1]} : vector<1280x512xf32> to vector<1280x128xf32>
    %logistic3A_49 = arith.negf %slice3A_48 : vector<1280x128xf32>
    %logistic3A_50 = math.exp %logistic3A_49 : vector<1280x128xf32>
    %logistic3A_51 = arith.constant 1.000000e+00 : f32
    %logistic3A_52 = vector.broadcast %logistic3A_51 : f32 to vector<1280x128xf32>
    %logistic3A_53 = arith.addf %logistic3A_52, %logistic3A_50 : vector<1280x128xf32>
    %logistic3A_54 = arith.divf %logistic3A_52, %logistic3A_53 : vector<1280x128xf32>
    %slice3A_55 = vector.extract_strided_slice %add3A_42 {offsets = [0, 256], sizes = [1280, 128], strides = [1, 1]} : vector<1280x512xf32> to vector<1280x128xf32>
    %tanh3A = math.tanh %slice3A_55 : vector<1280x128xf32>
    %slice3A_56 = vector.extract_strided_slice %add3A_42 {offsets = [0, 384], sizes = [1280, 128], strides = [1, 1]} : vector<1280x512xf32> to vector<1280x128xf32>
    %logistic3A_57 = arith.negf %slice3A_56 : vector<1280x128xf32>
    %logistic3A_58 = math.exp %logistic3A_57 : vector<1280x128xf32>
    %logistic3A_59 = arith.constant 1.000000e+00 : f32
    %logistic3A_60 = vector.broadcast %logistic3A_59 : f32 to vector<1280x128xf32>
    %logistic3A_61 = arith.addf %logistic3A_60, %logistic3A_58 : vector<1280x128xf32>
    %logistic3A_62 = arith.divf %logistic3A_60, %logistic3A_61 : vector<1280x128xf32>
    %get3A_63 = arith.constant 0 : index
    %get3A_64 = arith.constant 0 : index
    %get3A_65 = vector.load %arg5[%get3A_63, %get3A_64] : memref<1280x128xf32, #tpu.memory_space<vmem>>, vector<1280x128xf32>
    %mul3A = arith.mulf %logistic3A_54, %get3A_65 : vector<1280x128xf32>
    %mul3A_66 = arith.mulf %logistic3A_47, %tanh3A : vector<1280x128xf32>
    %add3A_67 = arith.addf %mul3A, %mul3A_66 : vector<1280x128xf32>
    %tanh3A_68 = math.tanh %add3A_67 : vector<1280x128xf32>
    %mul3A_69 = arith.mulf %logistic3A_62, %tanh3A_68 : vector<1280x128xf32>
    %swap3A = arith.constant 0 : index
    %swap3A_70 = arith.constant 0 : index
    %swap3A_71 = vector.load %arg16[%swap3A, %swap3A_70] : memref<1280x128xf32, #tpu.memory_space<vmem>>, vector<1280x128xf32>
    tpu.vector_store %arg16[%swap3A, %swap3A_70], %mul3A_69 {strides = array<i32>} : memref<1280x128xf32, #tpu.memory_space<vmem>>, vector<1280x128xf32>,
    %swap3A_72 = arith.constant 0 : index
    %swap3A_73 = arith.constant 0 : index
    %swap3A_74 = vector.load %arg17[%swap3A_72, %swap3A_73] : memref<1280x128xf32, #tpu.memory_space<vmem>>, vector<1280x128xf32>
    tpu.vector_store %arg17[%swap3A_72, %swap3A_73], %add3A_67 {strides = array<i32>} : memref<1280x128xf32, #tpu.memory_space<vmem>>, vector<1280x128xf32>,
    %max3A = arith.constant 0.000000e+00 : f32
    %max3A_75 = vector.broadcast %max3A : f32 to vector<1280x128xf32>
    %max3A_76 = arith.maximumf %mul3A_69, %max3A_75 : vector<1280x128xf32>
    %swap3A_77 = arith.constant 0 : index
    %swap3A_78 = arith.constant 0 : index
    %swap3A_79 = vector.load %arg18[%swap3A_77, %swap3A_78] : memref<1280x128xf32, #tpu.memory_space<vmem>>, vector<1280x128xf32>
    tpu.vector_store %arg18[%swap3A_77, %swap3A_78], %max3A_76 {strides = array<i32>} : memref<1280x128xf32, #tpu.memory_space<vmem>>, vector<1280x128xf32>,
    return
  }
  func.func @transform_0(%arg0: i32) -> (i32, i32) {
    %add3A = arith.constant 81 : i32
    %add3A_0 = arith.addi %arg0, %add3A : i32
    %c0_i32 = arith.constant 0 : i32
    %c0_i32_1 = arith.constant 0 : i32
    return %add3A_0, %c0_i32 : i32, i32
  }
  func.func @transform_1(%arg0: i32) -> (i32, i32) {
    %c0_i32 = arith.constant 0 : i32
    %c0_i32_0 = arith.constant 0 : i32
    return %arg0, %c0_i32 : i32, i32
  }
  func.func @transform_2(%arg0: i32) -> (i32, i32) {
    %c0_i32 = arith.constant 0 : i32
    %c0_i32_0 = arith.constant 0 : i32
    return %arg0, %c0_i32 : i32, i32
  }
  func.func @transform_3(%arg0: i32) -> (i32, i32) {
    %add3A = arith.constant 81 : i32
    %add3A_0 = arith.addi %arg0, %add3A : i32
    %c0_i32 = arith.constant 0 : i32
    %c0_i32_1 = arith.constant 0 : i32
    return %add3A_0, %c0_i32 : i32, i32
  }
  func.func @transform_4(%arg0: i32) -> (i32, i32) {
    %add3A = arith.constant 81 : i32
    %add3A_0 = arith.addi %arg0, %add3A : i32
    %c0_i32 = arith.constant 0 : i32
    %c0_i32_1 = arith.constant 0 : i32
    return %add3A_0, %c0_i32 : i32, i32
  }
  func.func @transform_5(%arg0: i32) -> (i32, i32) {
    %c0_i32 = arith.constant 0 : i32
    %c0_i32_0 = arith.constant 0 : i32
    %c0_i32_1 = arith.constant 0 : i32
    return %c0_i32, %c0_i32_0 : i32, i32
  }
  func.func @transform_6(%arg0: i32) -> (i32, i32) {
    %c0_i32 = arith.constant 0 : i32
    %c0_i32_0 = arith.constant 0 : i32
    %c0_i32_1 = arith.constant 0 : i32
    return %c0_i32, %c0_i32_0 : i32, i32
  }
  func.func @transform_7(%arg0: i32) -> (i32, i32) {
    %c0_i32 = arith.constant 0 : i32
    %c0_i32_0 = arith.constant 0 : i32
    %c0_i32_1 = arith.constant 0 : i32
    return %c0_i32, %c0_i32_0 : i32, i32
  }
  func.func @transform_8(%arg0: i32) -> (i32, i32) {
    %c0_i32 = arith.constant 0 : i32
    %c0_i32_0 = arith.constant 0 : i32
    %c0_i32_1 = arith.constant 0 : i32
    return %c0_i32, %c0_i32_0 : i32, i32
  }
  func.func @transform_9(%arg0: i32) -> (i32, i32) {
    %c0_i32 = arith.constant 0 : i32
    %c0_i32_0 = arith.constant 0 : i32
    %c0_i32_1 = arith.constant 0 : i32
    return %c0_i32, %c0_i32_0 : i32, i32
  }
  func.func @transform_10(%arg0: i32) -> (i32, i32) {
    %c0_i32 = arith.constant 0 : i32
    %c0_i32_0 = arith.constant 0 : i32
    %c0_i32_1 = arith.constant 0 : i32
    return %c0_i32, %c0_i32_0 : i32, i32
  }
  func.func @transform_11(%arg0: i32) -> (i32, i32) {
    %c0_i32 = arith.constant 0 : i32
    %c0_i32_0 = arith.constant 0 : i32
    %c0_i32_1 = arith.constant 0 : i32
    return %c0_i32, %c0_i32_0 : i32, i32
  }
  func.func @transform_15(%arg0: i32) -> (i32, i32) {
    %add3A = arith.constant 81 : i32
    %add3A_0 = arith.addi %arg0, %add3A : i32
    %c0_i32 = arith.constant 0 : i32
    %c0_i32_1 = arith.constant 0 : i32
    return %add3A_0, %c0_i32 : i32, i32
  }
  func.func @transform_16(%arg0: i32) -> (i32, i32) {
    %add3A = arith.constant 81 : i32
    %add3A_0 = arith.addi %arg0, %add3A : i32
    %c0_i32 = arith.constant 0 : i32
    %c0_i32_1 = arith.constant 0 : i32
    return %add3A_0, %c0_i32 : i32, i32
  }
  func.func @transform_17(%arg0: i32) -> (i32, i32) {
    %add3A = arith.constant 81 : i32
    %add3A_0 = arith.addi %arg0, %add3A : i32
    %c0_i32 = arith.constant 0 : i32
    %c0_i32_1 = arith.constant 0 : i32
    return %add3A_0, %c0_i32 : i32, i32
  }
}

module attributes {stable_mosaic.version = 14 : i64} {
  func.func @_node_body(%arg0: i32, %arg1: memref<1000x128xf32, #tpu.memory_space<vmem>>, %arg2: memref<2x1000x128xf32, #tpu.memory_space<vmem>>, %arg3: memref<1000x128xf32, #tpu.memory_space<vmem>>, %arg4: memref<1000x128xf32, #tpu.memory_space<vmem>>, %arg5: memref<1x128xf32, #tpu.memory_space<vmem>>, %arg6: memref<128x512xbf16, #tpu.memory_space<vmem>>, %arg7: memref<128x512xbf16, #tpu.memory_space<vmem>>, %arg8: memref<128x512xbf16, #tpu.memory_space<vmem>>, %arg9: memref<128x512xbf16, #tpu.memory_space<vmem>>, %arg10: memref<1x512xf32, #tpu.memory_space<vmem>>, %arg11: memref<1x128xf32, #tpu.memory_space<vmem>>, %arg12: memref<1x128xf32, #tpu.memory_space<vmem>>, %arg13: memref<128x512xf32, #tpu.memory_space<vmem>>, %arg14: memref<128x512xf32, #tpu.memory_space<vmem>>, %arg15: memref<128x512xf32, #tpu.memory_space<vmem>>, %arg16: memref<128x512xf32, #tpu.memory_space<vmem>>, %arg17: memref<1x512xf32, #tpu.memory_space<vmem>>, %arg18: memref<1000x128xf32, #tpu.memory_space<vmem>>, %arg19: memref<1000x128xf32, #tpu.memory_space<vmem>>, %arg20: memref<1000x128xf32, #tpu.memory_space<vmem>>, %arg21: memref<1x128xf32, #tpu.memory_space<vmem>>, %arg22: memref<1x128xf32, #tpu.memory_space<vmem>>, %arg23: memref<1x128xf32, #tpu.memory_space<vmem>>, %arg24: memref<1x128xf32, #tpu.memory_space<vmem>>, %arg25: memref<1x128xf32, #tpu.memory_space<vmem>>) attributes {dimension_semantics = [#tpu.dimension_semantics<arbitrary>], iteration_bounds = array<i64: 10>, scalar_prefetch = 0 : i64, scratch_operands = 2 : i64, tpu.core_type = #tpu.core_type<tc>, window_params = [{transform_indices = @transform_0, window_bounds = array<i64: 1000, 128>}, {transform_indices = @transform_1, window_bounds = array<i64: 2, 1000, 128>}, {transform_indices = @transform_2, window_bounds = array<i64: 1000, 128>}, {transform_indices = @transform_3, window_bounds = array<i64: 1000, 128>}, {pipeline_mode = #tpu.pipeline_mode<synchronous>, transform_indices = @transform_4, window_bounds = array<i64: 1, 128>}, {pipeline_mode = #tpu.pipeline_mode<synchronous>, transform_indices = @transform_5, window_bounds = array<i64: 128, 512>}, {pipeline_mode = #tpu.pipeline_mode<synchronous>, transform_indices = @transform_6, window_bounds = array<i64: 128, 512>}, {pipeline_mode = #tpu.pipeline_mode<synchronous>, transform_indices = @transform_7, window_bounds = array<i64: 128, 512>}, {pipeline_mode = #tpu.pipeline_mode<synchronous>, transform_indices = @transform_8, window_bounds = array<i64: 128, 512>}, {pipeline_mode = #tpu.pipeline_mode<synchronous>, transform_indices = @transform_9, window_bounds = array<i64: 1, 512>}, {pipeline_mode = #tpu.pipeline_mode<synchronous>, transform_indices = @transform_10, window_bounds = array<i64: 1, 128>}, {pipeline_mode = #tpu.pipeline_mode<synchronous>, transform_indices = @transform_11, window_bounds = array<i64: 1, 128>}, {pipeline_mode = #tpu.pipeline_mode<synchronous>, transform_indices = @transform_12, window_bounds = array<i64: 128, 512>}, {pipeline_mode = #tpu.pipeline_mode<synchronous>, transform_indices = @transform_13, window_bounds = array<i64: 128, 512>}, {pipeline_mode = #tpu.pipeline_mode<synchronous>, transform_indices = @transform_14, window_bounds = array<i64: 128, 512>}, {pipeline_mode = #tpu.pipeline_mode<synchronous>, transform_indices = @transform_15, window_bounds = array<i64: 128, 512>}, {pipeline_mode = #tpu.pipeline_mode<synchronous>, transform_indices = @transform_16, window_bounds = array<i64: 1, 512>}, {transform_indices = @transform_17, window_bounds = array<i64: 1000, 128>}, {transform_indices = @transform_18, window_bounds = array<i64: 1000, 128>}, {transform_indices = @transform_19, window_bounds = array<i64: 1000, 128>}, {pipeline_mode = #tpu.pipeline_mode<synchronous>, transform_indices = @transform_20, window_bounds = array<i64: 1, 128>}, {pipeline_mode = #tpu.pipeline_mode<synchronous>, transform_indices = @transform_21, window_bounds = array<i64: 1, 128>}, {pipeline_mode = #tpu.pipeline_mode<synchronous>, transform_indices = @transform_22, window_bounds = array<i64: 1, 128>}]} {
    %get3A = arith.constant 0 : index
    %get3A_0 = arith.constant 0 : index
    %get3A_1 = arith.constant 0 : index
    %get3A_2 = vector.load %arg2[%get3A, %get3A_0, %get3A_1] : memref<2x1000x128xf32, #tpu.memory_space<vmem>>, vector<1x1000x128xf32>
    %get3A_3 = vector.shape_cast %get3A_2 : vector<1x1000x128xf32> to vector<1000x128xf32>
    %get3A_4 = arith.constant 1 : index
    %get3A_5 = arith.constant 0 : index
    %get3A_6 = arith.constant 0 : index
    %get3A_7 = vector.load %arg2[%get3A_4, %get3A_5, %get3A_6] : memref<2x1000x128xf32, #tpu.memory_space<vmem>>, vector<1x1000x128xf32>
    %get3A_8 = vector.shape_cast %get3A_7 : vector<1x1000x128xf32> to vector<1000x128xf32>
    %add3A = arith.addf %get3A_3, %get3A_8 : vector<1000x128xf32>
    %get3A_9 = arith.constant 0 : index
    %get3A_10 = arith.constant 0 : index
    %get3A_11 = vector.load %arg1[%get3A_9, %get3A_10] : memref<1000x128xf32, #tpu.memory_space<vmem>>, vector<1000x128xf32>
    %convert_element_type3A = arith.truncf %get3A_11 : vector<1000x128xf32> to vector<1000x128xbf16>
    %get3A_12 = arith.constant 0 : index
    %get3A_13 = arith.constant 0 : index
    %get3A_14 = vector.load %arg6[%get3A_12, %get3A_13] : memref<128x512xbf16, #tpu.memory_space<vmem>>, vector<128x512xbf16>
    %dot_general3A = arith.constant dense<0.000000e+00> : vector<1000x512xf32>
    %dot_general3A_15 = tpu.matmul %convert_element_type3A, %get3A_14, %dot_general3A {dimension_numbers = #tpu.dot_dimension_numbers<[1], [0], [0], [1], [0, 0, 1, 1], [], []>, transpose_lhs_hint = false} : vector<1000x128xbf16>, vector<128x512xbf16>, vector<1000x512xf32> -> vector<1000x512xf32>
    %convert_element_type3A_16 = arith.truncf %add3A : vector<1000x128xf32> to vector<1000x128xbf16>
    %get3A_17 = arith.constant 0 : index
    %get3A_18 = arith.constant 0 : index
    %get3A_19 = vector.load %arg7[%get3A_17, %get3A_18] : memref<128x512xbf16, #tpu.memory_space<vmem>>, vector<128x512xbf16>
    %dot_general3A_20 = arith.constant dense<0.000000e+00> : vector<1000x512xf32>
    %dot_general3A_21 = tpu.matmul %convert_element_type3A_16, %get3A_19, %dot_general3A_20 {dimension_numbers = #tpu.dot_dimension_numbers<[1], [0], [0], [1], [0, 0, 1, 1], [], []>, transpose_lhs_hint = false} : vector<1000x128xbf16>, vector<128x512xbf16>, vector<1000x512xf32> -> vector<1000x512xf32>
    %add3A_22 = arith.addf %dot_general3A_15, %dot_general3A_21 : vector<1000x512xf32>
    %get3A_23 = arith.constant 0 : index
    %get3A_24 = arith.constant 0 : index
    %get3A_25 = vector.load %arg3[%get3A_23, %get3A_24] : memref<1000x128xf32, #tpu.memory_space<vmem>>, vector<1000x128xf32>
    %convert_element_type3A_26 = arith.truncf %get3A_25 : vector<1000x128xf32> to vector<1000x128xbf16>
    %get3A_27 = arith.constant 0 : index
    %get3A_28 = arith.constant 0 : index
    %get3A_29 = vector.load %arg9[%get3A_27, %get3A_28] : memref<128x512xbf16, #tpu.memory_space<vmem>>, vector<128x512xbf16>
    %dot_general3A_30 = arith.constant dense<0.000000e+00> : vector<1000x512xf32>
    %dot_general3A_31 = tpu.matmul %convert_element_type3A_26, %get3A_29, %dot_general3A_30 {dimension_numbers = #tpu.dot_dimension_numbers<[1], [0], [0], [1], [0, 0, 1, 1], [], []>, transpose_lhs_hint = false} : vector<1000x128xbf16>, vector<128x512xbf16>, vector<1000x512xf32> -> vector<1000x512xf32>
    %add3A_32 = arith.addf %add3A_22, %dot_general3A_31 : vector<1000x512xf32>
    %get3A_33 = arith.constant 0 : index
    %get3A_34 = arith.constant 0 : index
    %get3A_35 = vector.load %arg5[%get3A_33, %get3A_34] : memref<1x128xf32, #tpu.memory_space<vmem>>, vector<1x128xf32>
    %convert_element_type3A_36 = arith.truncf %get3A_35 : vector<1x128xf32> to vector<1x128xbf16>
    %get3A_37 = arith.constant 0 : index
    %get3A_38 = arith.constant 0 : index
    %get3A_39 = vector.load %arg8[%get3A_37, %get3A_38] : memref<128x512xbf16, #tpu.memory_space<vmem>>, vector<128x512xbf16>
    %dot_general3A_40 = arith.constant dense<0.000000e+00> : vector<1x512xf32>
    %dot_general3A_41 = tpu.matmul %convert_element_type3A_36, %get3A_39, %dot_general3A_40 {dimension_numbers = #tpu.dot_dimension_numbers<[1], [0], [0], [1], [0, 0, 1, 1], [], []>, transpose_lhs_hint = false} : vector<1x128xbf16>, vector<128x512xbf16>, vector<1x512xf32> -> vector<1x512xf32>
    %get3A_42 = arith.constant 0 : index
    %get3A_43 = arith.constant 0 : index
    %get3A_44 = vector.load %arg10[%get3A_42, %get3A_43] : memref<1x512xf32, #tpu.memory_space<vmem>>, vector<1x512xf32>
    %add3A_45 = arith.addf %dot_general3A_41, %get3A_44 : vector<1x512xf32>
    %add3A_46 = vector.broadcast %add3A_45 : vector<1x512xf32> to vector<1000x512xf32>
    %add3A_47 = arith.addf %add3A_32, %add3A_46 : vector<1000x512xf32>
    %slice3A = vector.extract_strided_slice %add3A_47 {offsets = [0, 0], sizes = [1000, 128], strides = [1, 1]} : vector<1000x512xf32> to vector<1000x128xf32>
    %logistic3A = arith.negf %slice3A : vector<1000x128xf32>
    %logistic3A_48 = math.exp %logistic3A : vector<1000x128xf32>
    %logistic3A_49 = arith.constant 1.000000e+00 : f32
    %logistic3A_50 = vector.broadcast %logistic3A_49 : f32 to vector<1000x128xf32>
    %logistic3A_51 = arith.addf %logistic3A_50, %logistic3A_48 : vector<1000x128xf32>
    %logistic3A_52 = arith.divf %logistic3A_50, %logistic3A_51 : vector<1000x128xf32>
    %slice3A_53 = vector.extract_strided_slice %add3A_47 {offsets = [0, 128], sizes = [1000, 128], strides = [1, 1]} : vector<1000x512xf32> to vector<1000x128xf32>
    %logistic3A_54 = arith.negf %slice3A_53 : vector<1000x128xf32>
    %logistic3A_55 = math.exp %logistic3A_54 : vector<1000x128xf32>
    %logistic3A_56 = arith.constant 1.000000e+00 : f32
    %logistic3A_57 = vector.broadcast %logistic3A_56 : f32 to vector<1000x128xf32>
    %logistic3A_58 = arith.addf %logistic3A_57, %logistic3A_55 : vector<1000x128xf32>
    %logistic3A_59 = arith.divf %logistic3A_57, %logistic3A_58 : vector<1000x128xf32>
    %slice3A_60 = vector.extract_strided_slice %add3A_47 {offsets = [0, 256], sizes = [1000, 128], strides = [1, 1]} : vector<1000x512xf32> to vector<1000x128xf32>
    %tanh3A = math.tanh %slice3A_60 : vector<1000x128xf32>
    %slice3A_61 = vector.extract_strided_slice %add3A_47 {offsets = [0, 384], sizes = [1000, 128], strides = [1, 1]} : vector<1000x512xf32> to vector<1000x128xf32>
    %logistic3A_62 = arith.negf %slice3A_61 : vector<1000x128xf32>
    %logistic3A_63 = math.exp %logistic3A_62 : vector<1000x128xf32>
    %logistic3A_64 = arith.constant 1.000000e+00 : f32
    %logistic3A_65 = vector.broadcast %logistic3A_64 : f32 to vector<1000x128xf32>
    %logistic3A_66 = arith.addf %logistic3A_65, %logistic3A_63 : vector<1000x128xf32>
    %logistic3A_67 = arith.divf %logistic3A_65, %logistic3A_66 : vector<1000x128xf32>
    %get3A_68 = arith.constant 0 : index
    %get3A_69 = arith.constant 0 : index
    %get3A_70 = vector.load %arg4[%get3A_68, %get3A_69] : memref<1000x128xf32, #tpu.memory_space<vmem>>, vector<1000x128xf32>
    %mul3A = arith.mulf %logistic3A_59, %get3A_70 : vector<1000x128xf32>
    %mul3A_71 = arith.mulf %logistic3A_52, %tanh3A : vector<1000x128xf32>
    %add3A_72 = arith.addf %mul3A, %mul3A_71 : vector<1000x128xf32>
    %tanh3A_73 = math.tanh %add3A_72 : vector<1000x128xf32>
    %mul3A_74 = arith.mulf %logistic3A_67, %tanh3A_73 : vector<1000x128xf32>
    %max3A = arith.constant 0.000000e+00 : f32
    %max3A_75 = vector.broadcast %max3A : f32 to vector<1000x128xf32>
    %max3A_76 = arith.maximumf %mul3A_74, %max3A_75 : vector<1000x128xf32>
    %swap3A = arith.constant 0 : index
    %swap3A_77 = arith.constant 0 : index
    %swap3A_78 = vector.load %arg18[%swap3A, %swap3A_77] : memref<1000x128xf32, #tpu.memory_space<vmem>>, vector<1000x128xf32>
    tpu.vector_store %arg18[%swap3A, %swap3A_77], %max3A_76 {strides = array<i32>} : memref<1000x128xf32, #tpu.memory_space<vmem>>, vector<1000x128xf32>,
    %swap3A_79 = arith.constant 0 : index
    %swap3A_80 = arith.constant 0 : index
    %swap3A_81 = vector.load %arg19[%swap3A_79, %swap3A_80] : memref<1000x128xf32, #tpu.memory_space<vmem>>, vector<1000x128xf32>
    tpu.vector_store %arg19[%swap3A_79, %swap3A_80], %mul3A_74 {strides = array<i32>} : memref<1000x128xf32, #tpu.memory_space<vmem>>, vector<1000x128xf32>,
    %swap3A_82 = arith.constant 0 : index
    %swap3A_83 = arith.constant 0 : index
    %swap3A_84 = vector.load %arg20[%swap3A_82, %swap3A_83] : memref<1000x128xf32, #tpu.memory_space<vmem>>, vector<1000x128xf32>
    tpu.vector_store %arg20[%swap3A_82, %swap3A_83], %add3A_72 {strides = array<i32>} : memref<1000x128xf32, #tpu.memory_space<vmem>>, vector<1000x128xf32>,
    %reduce_sum3A = arith.constant dense<0.000000e+00> : vector<128xf32>
    %reduce_sum3A_85 = vector.multi_reduction <add>, %max3A_76, %reduce_sum3A [0] : vector<1000x128xf32> to vector<128xf32>
    %broadcast_in_dim3A = vector.shape_cast %reduce_sum3A_85 : vector<128xf32> to vector<1x128xf32>
    %reduce_sum3A_86 = arith.constant dense<0.000000e+00> : vector<128xf32>
    %reduce_sum3A_87 = vector.multi_reduction <add>, %add3A, %reduce_sum3A_86 [0] : vector<1000x128xf32> to vector<128xf32>
    %broadcast_in_dim3A_88 = vector.shape_cast %reduce_sum3A_87 : vector<128xf32> to vector<1x128xf32>
    %eq3A = arith.constant 0 : i32
    %eq3A_89 = arith.cmpi eq, %arg0, %eq3A : i32
    %convert_element_type3A_90 = arith.extui %eq3A_89 : i1 to i32
    %cond3A = arith.constant 0 : i32
    %cond3A_91 = arith.cmpi ne, %convert_element_type3A_90, %cond3A : i32
    scf.if %cond3A_91 {
      %swap3A_101 = arith.constant 0 : index
      %swap3A_102 = arith.constant 0 : index
      %swap3A_103 = vector.load %arg24[%swap3A_101, %swap3A_102] : memref<1x128xf32, #tpu.memory_space<vmem>>, vector<1x128xf32>
      tpu.vector_store %arg24[%swap3A_101, %swap3A_102], %broadcast_in_dim3A {strides = array<i32>} : memref<1x128xf32, #tpu.memory_space<vmem>>, vector<1x128xf32>,
      %swap3A_104 = arith.constant 0 : index
      %swap3A_105 = arith.constant 0 : index
      %swap3A_106 = vector.load %arg25[%swap3A_104, %swap3A_105] : memref<1x128xf32, #tpu.memory_space<vmem>>, vector<1x128xf32>
      tpu.vector_store %arg25[%swap3A_104, %swap3A_105], %broadcast_in_dim3A_88 {strides = array<i32>} : memref<1x128xf32, #tpu.memory_space<vmem>>, vector<1x128xf32>,
    } else {
    }
    %gt3A = arith.constant 0 : i32
    %gt3A_92 = arith.cmpi sgt, %arg0, %gt3A : i32
    %convert_element_type3A_93 = arith.extui %gt3A_92 : i1 to i32
    %cond3A_94 = arith.constant 0 : i32
    %cond3A_95 = arith.cmpi ne, %convert_element_type3A_93, %cond3A_94 : i32
    scf.if %cond3A_95 {
      %get3A_101 = arith.constant 0 : index
      %get3A_102 = arith.constant 0 : index
      %get3A_103 = vector.load %arg24[%get3A_101, %get3A_102] : memref<1x128xf32, #tpu.memory_space<vmem>>, vector<1x128xf32>
      %add3A_104 = arith.addf %get3A_103, %broadcast_in_dim3A : vector<1x128xf32>
      %swap3A_105 = arith.constant 0 : index
      %swap3A_106 = arith.constant 0 : index
      %swap3A_107 = vector.load %arg24[%swap3A_105, %swap3A_106] : memref<1x128xf32, #tpu.memory_space<vmem>>, vector<1x128xf32>
      tpu.vector_store %arg24[%swap3A_105, %swap3A_106], %add3A_104 {strides = array<i32>} : memref<1x128xf32, #tpu.memory_space<vmem>>, vector<1x128xf32>,
      %get3A_108 = arith.constant 0 : index
      %get3A_109 = arith.constant 0 : index
      %get3A_110 = vector.load %arg25[%get3A_108, %get3A_109] : memref<1x128xf32, #tpu.memory_space<vmem>>, vector<1x128xf32>
      %add3A_111 = arith.addf %get3A_110, %broadcast_in_dim3A_88 : vector<1x128xf32>
      %swap3A_112 = arith.constant 0 : index
      %swap3A_113 = arith.constant 0 : index
      %swap3A_114 = vector.load %arg25[%swap3A_112, %swap3A_113] : memref<1x128xf32, #tpu.memory_space<vmem>>, vector<1x128xf32>
      tpu.vector_store %arg25[%swap3A_112, %swap3A_113], %add3A_111 {strides = array<i32>} : memref<1x128xf32, #tpu.memory_space<vmem>>, vector<1x128xf32>,
    } else {
    }
    %eq3A_96 = arith.constant 9 : i32
    %eq3A_97 = arith.cmpi eq, %arg0, %eq3A_96 : i32
    %convert_element_type3A_98 = arith.extui %eq3A_97 : i1 to i32
    %cond3A_99 = arith.constant 0 : i32
    %cond3A_100 = arith.cmpi ne, %convert_element_type3A_98, %cond3A_99 : i32
    scf.if %cond3A_100 {
      %get3A_101 = arith.constant 0 : index
      %get3A_102 = arith.constant 0 : index
      %get3A_103 = vector.load %arg24[%get3A_101, %get3A_102] : memref<1x128xf32, #tpu.memory_space<vmem>>, vector<1x128xf32>
      %get3A_104 = arith.constant 0 : index
      %get3A_105 = arith.constant 0 : index
      %get3A_106 = vector.load %arg13[%get3A_104, %get3A_105] : memref<128x512xf32, #tpu.memory_space<vmem>>, vector<128x512xf32>
      %dot_general3A_107 = arith.constant dense<0.000000e+00> : vector<1x512xf32>
      %dot_general3A_108 = tpu.matmul %get3A_103, %get3A_106, %dot_general3A_107 {dimension_numbers = #tpu.dot_dimension_numbers<[1], [0], [0], [1], [0, 0, 1, 1], [], []>, transpose_lhs_hint = false} : vector<1x128xf32>, vector<128x512xf32>, vector<1x512xf32> -> vector<1x512xf32>
      %get3A_109 = arith.constant 0 : index
      %get3A_110 = arith.constant 0 : index
      %get3A_111 = vector.load %arg25[%get3A_109, %get3A_110] : memref<1x128xf32, #tpu.memory_space<vmem>>, vector<1x128xf32>
      %get3A_112 = arith.constant 0 : index
      %get3A_113 = arith.constant 0 : index
      %get3A_114 = vector.load %arg14[%get3A_112, %get3A_113] : memref<128x512xf32, #tpu.memory_space<vmem>>, vector<128x512xf32>
      %dot_general3A_115 = arith.constant dense<0.000000e+00> : vector<1x512xf32>
      %dot_general3A_116 = tpu.matmul %get3A_111, %get3A_114, %dot_general3A_115 {dimension_numbers = #tpu.dot_dimension_numbers<[1], [0], [0], [1], [0, 0, 1, 1], [], []>, transpose_lhs_hint = false} : vector<1x128xf32>, vector<128x512xf32>, vector<1x512xf32> -> vector<1x512xf32>
      %add3A_117 = arith.addf %dot_general3A_108, %dot_general3A_116 : vector<1x512xf32>
      %get3A_118 = arith.constant 0 : index
      %get3A_119 = arith.constant 0 : index
      %get3A_120 = vector.load %arg5[%get3A_118, %get3A_119] : memref<1x128xf32, #tpu.memory_space<vmem>>, vector<1x128xf32>
      %get3A_121 = arith.constant 0 : index
      %get3A_122 = arith.constant 0 : index
      %get3A_123 = vector.load %arg15[%get3A_121, %get3A_122] : memref<128x512xf32, #tpu.memory_space<vmem>>, vector<128x512xf32>
      %dot_general3A_124 = arith.constant dense<0.000000e+00> : vector<1x512xf32>
      %dot_general3A_125 = tpu.matmul %get3A_120, %get3A_123, %dot_general3A_124 {dimension_numbers = #tpu.dot_dimension_numbers<[1], [0], [0], [1], [0, 0, 1, 1], [], []>, transpose_lhs_hint = false} : vector<1x128xf32>, vector<128x512xf32>, vector<1x512xf32> -> vector<1x512xf32>
      %add3A_126 = arith.addf %add3A_117, %dot_general3A_125 : vector<1x512xf32>
      %get3A_127 = arith.constant 0 : index
      %get3A_128 = arith.constant 0 : index
      %get3A_129 = vector.load %arg11[%get3A_127, %get3A_128] : memref<1x128xf32, #tpu.memory_space<vmem>>, vector<1x128xf32>
      %get3A_130 = arith.constant 0 : index
      %get3A_131 = arith.constant 0 : index
      %get3A_132 = vector.load %arg16[%get3A_130, %get3A_131] : memref<128x512xf32, #tpu.memory_space<vmem>>, vector<128x512xf32>
      %dot_general3A_133 = arith.constant dense<0.000000e+00> : vector<1x512xf32>
      %dot_general3A_134 = tpu.matmul %get3A_129, %get3A_132, %dot_general3A_133 {dimension_numbers = #tpu.dot_dimension_numbers<[1], [0], [0], [1], [0, 0, 1, 1], [], []>, transpose_lhs_hint = false} : vector<1x128xf32>, vector<128x512xf32>, vector<1x512xf32> -> vector<1x512xf32>
      %add3A_135 = arith.addf %add3A_126, %dot_general3A_134 : vector<1x512xf32>
      %get3A_136 = arith.constant 0 : index
      %get3A_137 = arith.constant 0 : index
      %get3A_138 = vector.load %arg17[%get3A_136, %get3A_137] : memref<1x512xf32, #tpu.memory_space<vmem>>, vector<1x512xf32>
      %add3A_139 = arith.addf %add3A_135, %get3A_138 : vector<1x512xf32>
      %slice3A_140 = vector.extract_strided_slice %add3A_139 {offsets = [0, 0], sizes = [1, 128], strides = [1, 1]} : vector<1x512xf32> to vector<1x128xf32>
      %logistic3A_141 = arith.negf %slice3A_140 : vector<1x128xf32>
      %logistic3A_142 = math.exp %logistic3A_141 : vector<1x128xf32>
      %logistic3A_143 = arith.constant 1.000000e+00 : f32
      %logistic3A_144 = vector.broadcast %logistic3A_143 : f32 to vector<1x128xf32>
      %logistic3A_145 = arith.addf %logistic3A_144, %logistic3A_142 : vector<1x128xf32>
      %logistic3A_146 = arith.divf %logistic3A_144, %logistic3A_145 : vector<1x128xf32>
      %slice3A_147 = vector.extract_strided_slice %add3A_139 {offsets = [0, 128], sizes = [1, 128], strides = [1, 1]} : vector<1x512xf32> to vector<1x128xf32>
      %logistic3A_148 = arith.negf %slice3A_147 : vector<1x128xf32>
      %logistic3A_149 = math.exp %logistic3A_148 : vector<1x128xf32>
      %logistic3A_150 = arith.constant 1.000000e+00 : f32
      %logistic3A_151 = vector.broadcast %logistic3A_150 : f32 to vector<1x128xf32>
      %logistic3A_152 = arith.addf %logistic3A_151, %logistic3A_149 : vector<1x128xf32>
      %logistic3A_153 = arith.divf %logistic3A_151, %logistic3A_152 : vector<1x128xf32>
      %slice3A_154 = vector.extract_strided_slice %add3A_139 {offsets = [0, 256], sizes = [1, 128], strides = [1, 1]} : vector<1x512xf32> to vector<1x128xf32>
      %tanh3A_155 = math.tanh %slice3A_154 : vector<1x128xf32>
      %slice3A_156 = vector.extract_strided_slice %add3A_139 {offsets = [0, 384], sizes = [1, 128], strides = [1, 1]} : vector<1x512xf32> to vector<1x128xf32>
      %logistic3A_157 = arith.negf %slice3A_156 : vector<1x128xf32>
      %logistic3A_158 = math.exp %logistic3A_157 : vector<1x128xf32>
      %logistic3A_159 = arith.constant 1.000000e+00 : f32
      %logistic3A_160 = vector.broadcast %logistic3A_159 : f32 to vector<1x128xf32>
      %logistic3A_161 = arith.addf %logistic3A_160, %logistic3A_158 : vector<1x128xf32>
      %logistic3A_162 = arith.divf %logistic3A_160, %logistic3A_161 : vector<1x128xf32>
      %get3A_163 = arith.constant 0 : index
      %get3A_164 = arith.constant 0 : index
      %get3A_165 = vector.load %arg12[%get3A_163, %get3A_164] : memref<1x128xf32, #tpu.memory_space<vmem>>, vector<1x128xf32>
      %mul3A_166 = arith.mulf %logistic3A_153, %get3A_165 : vector<1x128xf32>
      %mul3A_167 = arith.mulf %logistic3A_146, %tanh3A_155 : vector<1x128xf32>
      %add3A_168 = arith.addf %mul3A_166, %mul3A_167 : vector<1x128xf32>
      %tanh3A_169 = math.tanh %add3A_168 : vector<1x128xf32>
      %mul3A_170 = arith.mulf %logistic3A_162, %tanh3A_169 : vector<1x128xf32>
      %swap3A_171 = arith.constant 0 : index
      %swap3A_172 = arith.constant 0 : index
      %swap3A_173 = vector.load %arg23[%swap3A_171, %swap3A_172] : memref<1x128xf32, #tpu.memory_space<vmem>>, vector<1x128xf32>
      tpu.vector_store %arg23[%swap3A_171, %swap3A_172], %add3A_168 {strides = array<i32>} : memref<1x128xf32, #tpu.memory_space<vmem>>, vector<1x128xf32>,
      %swap3A_174 = arith.constant 0 : index
      %swap3A_175 = arith.constant 0 : index
      %swap3A_176 = vector.load %arg22[%swap3A_174, %swap3A_175] : memref<1x128xf32, #tpu.memory_space<vmem>>, vector<1x128xf32>
      tpu.vector_store %arg22[%swap3A_174, %swap3A_175], %mul3A_170 {strides = array<i32>} : memref<1x128xf32, #tpu.memory_space<vmem>>, vector<1x128xf32>,
      %max3A_177 = arith.constant 0.000000e+00 : f32
      %max3A_178 = vector.broadcast %max3A_177 : f32 to vector<1x128xf32>
      %max3A_179 = arith.maximumf %mul3A_170, %max3A_178 : vector<1x128xf32>
      %swap3A_180 = arith.constant 0 : index
      %swap3A_181 = arith.constant 0 : index
      %swap3A_182 = vector.load %arg21[%swap3A_180, %swap3A_181] : memref<1x128xf32, #tpu.memory_space<vmem>>, vector<1x128xf32>
      tpu.vector_store %arg21[%swap3A_180, %swap3A_181], %max3A_179 {strides = array<i32>} : memref<1x128xf32, #tpu.memory_space<vmem>>, vector<1x128xf32>,
    } else {
    }
    return
  }
  func.func @transform_0(%arg0: i32) -> (i32, i32) {
    %c0_i32 = arith.constant 0 : i32
    %c0_i32_0 = arith.constant 0 : i32
    return %arg0, %c0_i32 : i32, i32
  }
  func.func @transform_1(%arg0: i32) -> (i32, i32, i32) {
    %c0_i32 = arith.constant 0 : i32
    %c0_i32_0 = arith.constant 0 : i32
    %c0_i32_1 = arith.constant 0 : i32
    return %c0_i32, %arg0, %c0_i32_0 : i32, i32, i32
  }
  func.func @transform_2(%arg0: i32) -> (i32, i32) {
    %c0_i32 = arith.constant 0 : i32
    %c0_i32_0 = arith.constant 0 : i32
    return %arg0, %c0_i32 : i32, i32
  }
  func.func @transform_3(%arg0: i32) -> (i32, i32) {
    %c0_i32 = arith.constant 0 : i32
    %c0_i32_0 = arith.constant 0 : i32
    return %arg0, %c0_i32 : i32, i32
  }
  func.func @transform_4(%arg0: i32) -> (i32, i32) {
    %c0_i32 = arith.constant 0 : i32
    %c0_i32_0 = arith.constant 0 : i32
    %c0_i32_1 = arith.constant 0 : i32
    return %c0_i32, %c0_i32_0 : i32, i32
  }
  func.func @transform_5(%arg0: i32) -> (i32, i32) {
    %c0_i32 = arith.constant 0 : i32
    %c0_i32_0 = arith.constant 0 : i32
    %c0_i32_1 = arith.constant 0 : i32
    return %c0_i32, %c0_i32_0 : i32, i32
  }
  func.func @transform_6(%arg0: i32) -> (i32, i32) {
    %c0_i32 = arith.constant 0 : i32
    %c0_i32_0 = arith.constant 0 : i32
    %c0_i32_1 = arith.constant 0 : i32
    return %c0_i32, %c0_i32_0 : i32, i32
  }
  func.func @transform_7(%arg0: i32) -> (i32, i32) {
    %c0_i32 = arith.constant 0 : i32
    %c0_i32_0 = arith.constant 0 : i32
    %c0_i32_1 = arith.constant 0 : i32
    return %c0_i32, %c0_i32_0 : i32, i32
  }
  func.func @transform_8(%arg0: i32) -> (i32, i32) {
    %c0_i32 = arith.constant 0 : i32
    %c0_i32_0 = arith.constant 0 : i32
    %c0_i32_1 = arith.constant 0 : i32
    return %c0_i32, %c0_i32_0 : i32, i32
  }
  func.func @transform_9(%arg0: i32) -> (i32, i32) {
    %c0_i32 = arith.constant 0 : i32
    %c0_i32_0 = arith.constant 0 : i32
    %c0_i32_1 = arith.constant 0 : i32
    return %c0_i32, %c0_i32_0 : i32, i32
  }
  func.func @transform_10(%arg0: i32) -> (i32, i32) {
    %c0_i32 = arith.constant 0 : i32
    %c0_i32_0 = arith.constant 0 : i32
    %c0_i32_1 = arith.constant 0 : i32
    return %c0_i32, %c0_i32_0 : i32, i32
  }
  func.func @transform_11(%arg0: i32) -> (i32, i32) {
    %c0_i32 = arith.constant 0 : i32
    %c0_i32_0 = arith.constant 0 : i32
    %c0_i32_1 = arith.constant 0 : i32
    return %c0_i32, %c0_i32_0 : i32, i32
  }
  func.func @transform_12(%arg0: i32) -> (i32, i32) {
    %c0_i32 = arith.constant 0 : i32
    %c0_i32_0 = arith.constant 0 : i32
    %c0_i32_1 = arith.constant 0 : i32
    return %c0_i32, %c0_i32_0 : i32, i32
  }
  func.func @transform_13(%arg0: i32) -> (i32, i32) {
    %c0_i32 = arith.constant 0 : i32
    %c0_i32_0 = arith.constant 0 : i32
    %c0_i32_1 = arith.constant 0 : i32
    return %c0_i32, %c0_i32_0 : i32, i32
  }
  func.func @transform_14(%arg0: i32) -> (i32, i32) {
    %c0_i32 = arith.constant 0 : i32
    %c0_i32_0 = arith.constant 0 : i32
    %c0_i32_1 = arith.constant 0 : i32
    return %c0_i32, %c0_i32_0 : i32, i32
  }
  func.func @transform_15(%arg0: i32) -> (i32, i32) {
    %c0_i32 = arith.constant 0 : i32
    %c0_i32_0 = arith.constant 0 : i32
    %c0_i32_1 = arith.constant 0 : i32
    return %c0_i32, %c0_i32_0 : i32, i32
  }
  func.func @transform_16(%arg0: i32) -> (i32, i32) {
    %c0_i32 = arith.constant 0 : i32
    %c0_i32_0 = arith.constant 0 : i32
    %c0_i32_1 = arith.constant 0 : i32
    return %c0_i32, %c0_i32_0 : i32, i32
  }
  func.func @transform_17(%arg0: i32) -> (i32, i32) {
    %c0_i32 = arith.constant 0 : i32
    %c0_i32_0 = arith.constant 0 : i32
    return %arg0, %c0_i32 : i32, i32
  }
  func.func @transform_18(%arg0: i32) -> (i32, i32) {
    %c0_i32 = arith.constant 0 : i32
    %c0_i32_0 = arith.constant 0 : i32
    return %arg0, %c0_i32 : i32, i32
  }
  func.func @transform_19(%arg0: i32) -> (i32, i32) {
    %c0_i32 = arith.constant 0 : i32
    %c0_i32_0 = arith.constant 0 : i32
    return %arg0, %c0_i32 : i32, i32
  }
  func.func @transform_20(%arg0: i32) -> (i32, i32) {
    %c0_i32 = arith.constant 0 : i32
    %c0_i32_0 = arith.constant 0 : i32
    %c0_i32_1 = arith.constant 0 : i32
    return %c0_i32, %c0_i32_0 : i32, i32
  }
  func.func @transform_21(%arg0: i32) -> (i32, i32) {
    %c0_i32 = arith.constant 0 : i32
    %c0_i32_0 = arith.constant 0 : i32
    %c0_i32_1 = arith.constant 0 : i32
    return %c0_i32, %c0_i32_0 : i32, i32
  }
  func.func @transform_22(%arg0: i32) -> (i32, i32) {
    %c0_i32 = arith.constant 0 : i32
    %c0_i32_0 = arith.constant 0 : i32
    %c0_i32_1 = arith.constant 0 : i32
    return %c0_i32, %c0_i32_0 : i32, i32
  }
}

</mosaic_0001>

<sc_bundles>
// kernel: kernel.10.cloned.1.call-start
scs
__scs_entry_jumppad:
0x0: {  	(pc) =	sbr.rel $0x88, $3  }
0x1: {  	(tag) =	ssettag $0x0;
	lr =	simm.s32 $0x1  }
0x2: {  	[smem:$0x3F8B] =	sst lr;
	_ =	strace $0xD0000000  }
0x3: {  	_ = 	snop  }
0x4: {  	_ = 	snop  }
0x5: {  	_ = 	snop  }
0x6: {  	_ = 	snop  }
0x7: {  	_ = 	snop  }
__scs_overlays_trampoline_lowered:
0x8: {  	[smem:$0x3F9A] =	sst s0  }
0x9: {  	[smem:$0x3F9B] =	sst s1  }
0xa: {  	[smem:$0x3F9C] =	sst s2  }
0xb: {  	[smem:$0x3F9D] =	sst s3  }
0xc: {  	[smem:$0x3F9E] =	sst s4  }
0xd: {  	[smem:$0x3F9F] =	sst s5  }
0xe: {  	[smem:$0x3FA0] =	sst s6  }
0xf: {  	[smem:$0x3FA1] =	sst s7  }
0x10: {  	[smem:$0x3FA2] =	sst s8  }
0x11: {  	[smem:$0x3FA3] =	sst s9;
	s0 =	simm.s32 @!p0 $0x0  }
0x12: {  	s1 =	sld [smem:$0x3F89];
	s0 =	simm.s32 @p0 $0x1  }
0x13: {  	[smem:$0x3FA4] =	sst s0;
	s0 =	simm.s32 @!p1 $0x0  }
0x14: {  	s2 =	sld [smem:$0x3F88];
	s0 =	simm.s32 @p1 $0x1  }
0x15: {  	[smem:$0x3FA5] =	sst s0;
	s0 =	simm.s32 @!p2 $0x0  }
0x16: {  	s3 =	sld [smem:$0x3FDB];
	s0 =	simm.s32 @p2 $0x1  }
0x17: {  	s4 =	simm.s32 $0x1BF5;
	[smem:$0x3FA7] =	sst s0  }
0x18: {  	s0 =	sld [smem:$0x3F8A];
	_ =	swait.ge [sflag:s4], $0x0  }
0x19: {  	s7 =	sld [smem:$0x3F8B]  }
0x1a: {  	s8 =	sadd.s32 $0xFFFFE003, lr  }
0x1b: {  	s9 =	sadd.s32 $0xFFFFFEF7, lr;
	s5 =	simm.s32 $0xFFFFFFFF;
	p2 =	slt.u32 s8, $0xFFFFF086  }
0x1c: {  	p1 =	slt.u32 s9, $0xF7A;
	s5 =	simm.s32 @!p2 $0x0  }
0x1d: {  	s5 =	simm.s32 @p1 $0x1;
	p0 =	seq.s32 s7, s2  }
0x1e: {  	s7 =	smul.u32 @!p0 $0xF7A, s2;
	p2 =	seq.s32 @!p0 s5, $0x0  }
0x1f: {  	s9 =	smul.u32 $0xF7A, s1;
	s8 =	simm.s32 @!p0 $0x1BF5;
	p2 =	por !p2, p0  }
0x20: {  	[sflag:s8] =	ssyncset.s32 @!p0 $0xFFFFF086;
	s6 =	sadd.s32 @!p0 s3, s7;
	s7 =	simm.s32 @!p0 $0x108  }
0x21: {  	s3 =	sadd.s32 s3, s9;
	s6 =	sadd.s32 @!p0 $0x88, s6;
	s7 =	simm.s32 @p2 $0x1082  }
0x22: {  	[simem:s7], [sflag:s8] =	dma.local @!p0 [hbm:s6], $0xF7A  }
0x23: {  	s9 =	sor.u32 $0xD0000000, s2;
	s6 =	simm.s32 $0x108;
	_ =	swait.ge @!p0 [sflag:s8], $0x0  }
0x24: {  	s3 =	sadd.s32 $0x88, s3;
	s6 =	simm.s32 @!p1 $0x1082;
	[sflag:s4] =	ssyncset.s32 $0xFFFFF086  }
0x25: {  	[simem:s6], [sflag:s4] =	dma.local [hbm:s3], $0xF7A  }
0x26: {  	[smem:$0x3F8B] =	sst s1;
	(tag) =	ssettag s2;
	_ =	strace s9  }
0x27: {  	s1 =	sld [smem:$0x3F9B]  }
0x28: {  	s2 =	sld [smem:$0x3F9C]  }
0x29: {  	s4 =	sld [smem:$0x3F9E]  }
0x2a: {  	p0 =	seq.s32 s5, $0x0;
	s5 =	sld [smem:$0x3F9F]  }
0x2b: {  	s6 =	sld [smem:$0x3FA0]  }
0x2c: {  	s7 =	sld [smem:$0x3FA1]  }
0x2d: {  	s3 =	simm.s32 $0x108;
	s8 =	sld [smem:$0x3FA2]  }
0x2e: {  	s3 =	simm.s32 @!p0 $0x1082;
	s9 =	sld [smem:$0x3FA3]  }
0x2f: {  	lr =	sadd.s32 s0, s3;
	s0 =	sld [smem:$0x3F9A]  }
0x30: {  	s3 =	sld [smem:$0x3F9D]  }
0x31: {  	[smem:$0x3FA6] =	sst s10  }
0x32: {  	s10 =	sld [smem:$0x3FA4];
	_ =	sdelay $0x3  }
0x33: {  	p0 =	seq.s32 s10, $0x1;
	s10 =	sld [smem:$0x3FA6];
	_ =	sdelay $0x3  }
0x34: {  	[smem:$0x3FA6] =	sst s10  }
0x35: {  	s10 =	sld [smem:$0x3FA5];
	_ =	sdelay $0x3  }
0x36: {  	p1 =	seq.s32 s10, $0x1;
	s10 =	sld [smem:$0x3FA6];
	_ =	sdelay $0x3  }
0x37: {  	[smem:$0x3FA6] =	sst s10  }
0x38: {  	s10 =	sld [smem:$0x3FA7]  }
0x39: {  	_ = 	snop;
	(pc) =	sbr.ind lr, $3  }
0x3a: {  	_ = 	snop  }
0x3b: {  	_ = 	snop  }
0x3c: {  	p2 =	seq.s32 s10, $0x1;
	s10 =	sld [smem:$0x3FA6]  }
0x3d: {  	_ =	shalt  }
0x3e: {  	_ =	shalt  }
0x3f: {  	_ =	shalt  }
0x40: {  	_ =	shalt  }
0x41: {  	_ =	shalt  }
0x42: {  	_ =	shalt  }
0x43: {  	_ =	shalt  }
0x44: {  	_ =	shalt  }
0x45: {  	_ =	shalt  }
0x46: {  	_ =	shalt  }
0x47: {  	_ =	shalt  }
0x48: {  	_ =	shalt  }
0x49: {  	_ =	shalt  }
0x4a: {  	_ =	shalt  }
0x4b: {  	_ =	shalt  }
0x4c: {  	_ =	shalt  }
0x4d: {  	_ =	shalt  }
0x4e: {  	_ =	shalt  }
0x4f: {  	_ =	shalt  }
0x50: {  	_ =	shalt  }
0x51: {  	_ =	shalt  }
0x52: {  	_ =	shalt  }
0x53: {  	_ =	shalt  }
0x54: {  	_ =	shalt  }
0x55: {  	_ =	shalt  }
0x56: {  	_ =	shalt  }
0x57: {  	_ =	shalt  }
0x58: {  	_ =	shalt  }
0x59: {  	_ =	shalt  }
0x5a: {  	_ =	shalt  }
0x5b: {  	_ =	shalt  }
0x5c: {  	_ =	shalt  }
0x5d: {  	_ =	shalt  }
0x5e: {  	_ =	shalt  }
0x5f: {  	_ =	shalt  }
0x60: {  	_ =	shalt  }
0x61: {  	_ =	shalt  }
0x62: {  	_ =	shalt  }
0x63: {  	_ =	shalt  }
0x64: {  	_ =	shalt  }
0x65: {  	_ =	shalt  }
0x66: {  	_ =	shalt  }
0x67: {  	_ =	shalt  }
0x68: {  	_ =	shalt  }
0x69: {  	_ =	shalt  }
0x6a: {  	_ =	shalt  }
0x6b: {  	_ =	shalt  }
0x6c: {  	_ =	shalt  }
0x6d: {  	_ =	shalt  }
0x6e: {  	_ =	shalt  }
0x6f: {  	_ =	shalt  }
0x70: {  	_ =	shalt  }
0x71: {  	_ =	shalt  }
0x72: {  	_ =	shalt  }
0x73: {  	_ =	shalt  }
0x74: {  	_ =	shalt  }
0x75: {  	_ =	shalt  }
0x76: {  	_ =	shalt  }
0x77: {  	_ =	shalt  }
0x78: {  	_ =	shalt  }
0x79: {  	_ =	shalt  }
0x7a: {  	_ =	shalt  }
0x7b: {  	_ =	shalt  }
0x7c: {  	_ =	shalt  }
0x7d: {  	_ =	shalt  }
0x7e: {  	_ =	shalt  }
0x7f: {  	_ =	shalt  }
0x80: {  	_ =	shalt  }
0x81: {  	_ =	shalt  }
0x82: {  	_ =	shalt  }
0x83: {  	_ =	shalt  }
0x84: {  	_ =	shalt  }
0x85: {  	_ =	shalt  }
0x86: {  	_ =	shalt  }
0x87: {  	_ =	shalt  }
.Lfunc_end0:
.L_simem_size_0:
called_computation_lowered:
.L_overlay_start_0:
0x88: {  	s2 =	sld [smem:$0x3FD9]  }
0x89: {  	s3 =	sld [smem:$0x3FFE];
	_ =	sdelay $0x1  }
0x8a: {  	s1 =	srdreg.scid  }
0x8b: {  	s0 =	sand.u32 $0x1, s1  }
0x8c: {  	s14 =	sshll.u32 s0, $0xA;
	s2 =	sadd.s32 s3, s2  }
0x8d: {  	s2 =	sadd.s32 s2, s14  }
0x8e: {  	[smem:$0x3FB2] =	sst s2  }
0x8f: {  	_ = 	snop  }
0x90: {  	s2 =	sld [smem:$0x3FD0];
	_ =	sdelay $0x2  }
0x91: {  	s4 =	simm.s32 $0xC;
	s5 =	simm.s32 $0x10;
	s15 =	sld [smem:$0x3FC7]  }
0x92: {  	[smem:s5], [sflag:s4] =	dma.local [hbm:s2], $0x1  }
0x93: {  	_ =	swait.eq [sflag:s4], $0x1  }
0x94: {  	[sflag:s4] =	ssyncset.done $0x0  }
0x95: {  	s16 =	sld [smem:$0x13];
	[sflag:s4] =	ssyncadd.s32 $0xFFFFFFFF  }
0x96: {  	s17 =	sld [smem:$0x14];
	(tm) =	ssettm $0x1  }
0x97: {  	s18 =	sld [smem:$0x3FFB];
	_ =	sdelay $0x3  }
0x98: {  	_ =	strace s18  }
0x99: {  	s5 =	sld [smem:$0x3FFC];
	_ =	sdelay $0x3  }
0x9a: {  	_ =	strace s5  }
0x9b: {  	s5 =	sld [smem:$0x3FFD];
	_ =	sdelay $0x3  }
0x9c: {  	_ =	strace s5  }
0x9d: {  	_ =	strace $0x8FFFFFFF  }
0x9e: {  	s19 =	sld [smem:$0x3FDB];
	_ =	sdelay $0x1  }
0x9f: {  	s6 =	simm.s32 $_scs_section_size  }
0xa0: {  	s7 =	simm.s32 $_size__tile_overlayer_lowered;
	s8 =	simm.s32 $_tile_overlayer_lowered  }
0xa1: {  	s22 =	simm.s32 $0x1BFF;
	s21 =	sshll.u32 s8, $0x1;
	s5 =	sadd.s32 s6, s19  }
0xa2: {  	s9 =	simm.s32 $0x0;
	s20 =	sshll.u32 s7, $0x1;
	s7 =	sadd.s32 s21, s5  }
0xa3: {  	[timem:s9], [sflag:s22] =	dma.local [hbm:s7], s20  }
0xa4: {  	_ =	swait.ge [sflag:s22], s20  }
0xa5: {  	s6 =	ssub.s32 $0x0, s20;
	[sflag:s22] =	ssyncset.done $0x0  }
0xa6: {  	[sflag:s22] =	ssyncadd.s32 s6;
	_ =	sdelay $0x1  }
0xa7: {  	s23 =	simm.s32 $0x1B8B  }
0xa8: {  	_ =	swait.ge [sflag:s23], $0x1  }
0xa9: {  	[sflag:s23] =	ssyncset.done $0x0  }
0xaa: {  	s25 =	simm.s32 $0x1B8E;
	s24 =	sld [smem:$0x3FFE];
	[sflag:s23] =	ssyncadd.s32 $0xFFFFFFFF  }
0xab: {  	s26 =	simm.s32 $execute0_lowered;
	[smem:$0x3FD2] =	sst s25  }
0xac: {  	s7 =	sshll.u32 s26, $0x1;
	_ =	strace $0x80000046;
	[dreg:$0x1] =	wrdreg $0xFFFFFFFF  }
0xad: {  	s28 =	simm.s32 $_size_execute0_lowered;
	s5 =	sadd.s32 s5, s7;
	[dreg:$0x0] =	wrdreg $0x0  }
0xae: {  	s7 =	sshll.u32 s28, $0x1;
	[dreg:$0x2] =	wrdreg s5  }
0xaf: {  	[dreg:$0x3] =	wrdreg s7  }
0xb0: {  	[dreg:$0x4] =	wrdreg $0xC0  }
0xb1: {  	_ =	task [dreg:s9], $0x5FFFF  }
0xb2: {  	[dreg:$0x1] =	wrdreg $0xFFFFFFFF  }
0xb3: {  	[dreg:$0x0] =	wrdreg $0x60  }
0xb4: {  	[dreg:$0x2] =	wrdreg s15  }
0xb5: {  	[dreg:$0x3] =	wrdreg s16  }
0xb6: {  	[dreg:$0x4] =	wrdreg s17  }
0xb7: {  	[dreg:$0x5] =	wrdreg s24  }
0xb8: {  	[dreg:$0x6] =	wrdreg $0x9  }
0xb9: {  	_ =	task.clear_ibuf [dreg:s9], $0x7FFFF;
	_ =	strace $0x90000046  }
0xba: {  	s29 =	simm.s32 $0x9;
	_ =	strace $0x80000048  }
0xbb: {  	_ =	swait.ge [sflag:s29], $0x1  }
0xbc: {  	[sflag:s29] =	ssyncadd.s32 $0xFFFFFFFF  }
0xbd: {  	_ =	strace $0x90000048  }
0xbe: {  	_ =	sfence  }
0xbf: {  	s30 =	sld [smem:$0x0];
	_ =	sdelay $0x2  }
0xc0: {  	s31 =	sshll.u32 s1, $0xD;
	s1 =	sshrl.u32 s1, $0x2  }
0xc1: {  	s3 =	sand.u32 $0x4000, s31;
	s1 =	sadd.s32 s1, s30  }
0xc2: {  	s0 =	sor.u32 s3, s0;
	s1 =	sshll.u32 s1, $0x11  }
0xc3: {  	s0 =	sor.u32 s1, s0  }
0xc4: {  	s0 =	sadd.s32 $0x8F2B, s0  }
0xc5: {  	[sflag:s0] =	ssyncadd.remote.s32 $0x1  }
0xc6: {  	_ =	sfence.sel $0xFFFF  }
0xc7: {  	[dreg:$0x0] =	wrdreg $0xFFFFFFFF;
	(pc) =	sbr.abs _section_cstart, $3  }
0xc8: {  	[dreg:$0x1] =	wrdreg $0xFFFFFFFF  }
0xc9: {  	_ =	task.clear_ibuf [dreg:s9], $0x2FFFF;
	_ =	strace $0x9FFFFFFF  }
0xca: {  	(tm) =	ssettm $0x7FFFFFFF  }
0xcb: {  	_ =	shalt  }
tec
execute0_lowered:
.L_overlay_start_1:
0x0: {  	(tag) =	ssettag $0x1  }
0x1: {  	s1 =	rddreg [dreg:$0x0]  }
0x2: {  	s0 =	rddreg [dreg:$0x1]  }
0x3: {  	s2 =	rddreg [dreg:$0x2];
	s3 =	srdreg.scid  }
0x4: {  	s15 =	stileid.u32;
	s4 =	rddreg [dreg:$0x3]  }
0x5: {  	s16 =	simm.s32 $0x600;
	s17 =	simm.s32 $0xC00;
	s18 =	simm.s32 $0x8C00  }
0x6: {  	s19 =	simm.s32 $0x80;
	s20 =	simm.s32 $0x4C00;
	s21 =	simm.s32 $0xCC00  }
0x7: {  	s22 =	simm.s32 $0x1;
	s30 =	simm.s32 $0x0;
	s25 =	smul.u32 $0x5F000, s15  }
0x8: {  	s11 =	sand.u32 $0x1, s3;
	s5 =	sshll.u32 s15, $0x1;
	s28 =	smul.u32 $0xBE00, s15  }
0x9: {  	s3 =	simm.s32 $0x0;
	s12 =	sadd.s32 $0x4800, s4;
	s14 =	smul.u32 $0x2F800, s11  }
0xa: {  	s13 =	sadd.s32 $0xC2800, s4;
	s5 =	sor.u32 s11, s5;
	s29 =	smul.u32 $0x5F00, s11  }
0xb: {  	[smem:$0x7FF] =	sst s3;
	s23 =	ssub.s32 $0x2, s11;
	s6 =	smul.u32 $0x5F0, s5  }
0xc: {  	_ =	strace $0x80000047;
	s7 =	sshrl.u32 s23, $0x1;
	s15 =	sadd.s32 s28, s12  }
0xd: {  	s5 =	smul.u32 $0x2F800, s5;
	s10 =	ssub.s32 s23, s7;
	s31 =	sadd.s32 s29, s15  }
0xe: {  	s15 =	simm.s32 $0x5;
	s23 =	simm.s32 $0x3;
	s6 =	sshrl.u32 s6, $0x3  }
0xf: {  	s8 =	sshrl.u32 s5, $0x3;
	s10 =	smax.u32 s10, $0x1;
	s4 =	sadd.s32 s0, s6  }
0x10: {  	s24 =	sadd.s32 $0x5000, s8;
	s5 =	sadd.s32 s2, s6;
	s26 =	sadd.s32 $0x5800, s8  }
0x11: {  	s2 =	sadd.s32 s14, s25;
	s0 =	sadd.s32 s28, s13;
	s25 =	simm.s32 $0x4  }
0x12: {  	s6 =	sadd.s32 s12, s24;
	s7 =	sadd.s32 s13, s24;
	s8 =	sadd.s32 s12, s26  }
0x13: {  	s9 =	sadd.s32 s13, s26;
	s2 =	sshrl.u32 s2, $0x3;
	s0 =	sadd.s32 s29, s0  }
0x14: {  	s24 =	simm.s32 $0x2;
	s26 =	simm.s32 $0x70;
	s11 =	sadd.s32 s2, s13  }
0x15: {  	s12 =	sadd.s32 s2, s12;
	s13 =	sadd.s32 $0x800, s31;
	s14 =	sadd.s32 $0x800, s0  }
.LBB2_1:
0x16: {  	[tilespmem:s3], [sflag:$0x5] =	stream.linear.gather [hbm4b:s4+s3], $0x5F0, $0x38;
	[tilespmem:$0x10C00] =	vst v63  }
0x17: {  	_ =	swait.ge [sflag:s15], $0x5F0  }
0x18: {  	[sflag:s15] =	ssyncset.done $0x0  }
0x19: {  	[sflag:s15] =	ssyncadd.s32 $0xFFFFFA10  }
0x1a: {  	[tilespmem:s16], [sflag:$0x5] =	stream.linear.gather [hbm4b:s5+s3], $0x5F0, $0x38;
	[tilespmem:$0x10C00] =	vst v63  }
0x1b: {  	_ =	swait.ge [sflag:s15], $0x5F0  }
0x1c: {  	[sflag:s15] =	ssyncset.done $0x0  }
0x1d: {  	[sflag:s15] =	ssyncadd.s32 $0xFFFFFA10  }
0x1e: {  	[tilespmem:s17], [sflag:$0x1] =	stream.indirect.gather [hbm4b:s1+s19], $0x80, s3, s19, $0xb8;
	[tilespmem:$0x10C00] =	vst v63  }
0x1f: {  	_ = 	snop  }
0x20: {  	[tilespmem:s18], [sflag:$0x3] =	stream.indirect.gather [hbm4b:s1+s19], $0x80, s16, s19, $0xb8;
	[tilespmem:$0x10C00] =	vst v63  }
0x21: {  	_ = 	snop  }
0x22: {  	[tilespmem:s20], [sflag:$0x2] =	stream.indirect.gather [hbm4b:s1+s19], $0x80, s19, s19, $0xb8;
	[tilespmem:$0x10C00] =	vst v63  }
0x23: {  	s31 =	simm.s32 $0x680  }
0x24: {  	[tilespmem:s21], [sflag:$0x4] =	stream.indirect.gather [hbm4b:s1+s19], $0x80, s31, s19, $0xb8;
	[tilespmem:$0x10C00] =	vst v63  }
0x25: {  	_ =	swait.ge [sflag:s22], $0x4000  }
0x26: {  	[sflag:s22] =	ssyncset.done $0x0  }
0x27: {  	[sflag:s22] =	ssyncadd.s32 $0xFFFFC000  }
0x28: {  	_ =	swait.ge [sflag:s23], $0x4000  }
0x29: {  	[sflag:s23] =	ssyncset.done $0x0  }
0x2a: {  	s0 =	sadd.s32 $0x0, s12;
	[sflag:s23] =	ssyncadd.s32 $0xFFFFC000  }
0x2b: {  	[hbm4b:s0+s3] =	stream.linear.scatter [tilespmem:s17], [sflag:$0x5], $0x4000, $0x38;
	[tilespmem:$0x10C00] =	vst v63  }
0x2c: {  	_ =	swait.ge [sflag:s15], $0x4000  }
0x2d: {  	[sflag:s15] =	ssyncset.done $0x0  }
0x2e: {  	s28 =	sadd.s32 $0x0, s11;
	[sflag:s15] =	ssyncadd.s32 $0xFFFFC000  }
0x2f: {  	[hbm4b:s28+s3] =	stream.linear.scatter [tilespmem:s18], [sflag:$0x5], $0x4000, $0x38;
	[tilespmem:$0x10C00] =	vst v63  }
0x30: {  	_ =	swait.ge [sflag:s15], $0x4000  }
0x31: {  	[sflag:s15] =	ssyncset.done $0x0  }
0x32: {  	s29 =	simm.s32 $0x100;
	[sflag:s15] =	ssyncadd.s32 $0xFFFFC000  }
0x33: {  	[tilespmem:s17], [sflag:$0x1] =	stream.indirect.gather [hbm4b:s1+s19], $0x80, s29, s19, $0xb8;
	[tilespmem:$0x10C00] =	vst v63  }
0x34: {  	s2 =	simm.s32 $0x700  }
0x35: {  	[tilespmem:s18], [sflag:$0x3] =	stream.indirect.gather [hbm4b:s1+s19], $0x80, s2, s19, $0xb8;
	[tilespmem:$0x10C00] =	vst v63  }
0x36: {  	_ =	swait.ge [sflag:s24], $0x4000  }
0x37: {  	[sflag:s24] =	ssyncset.done $0x0  }
0x38: {  	[sflag:s24] =	ssyncadd.s32 $0xFFFFC000  }
0x39: {  	_ =	swait.ge [sflag:s25], $0x4000  }
0x3a: {  	[sflag:s25] =	ssyncset.done $0x0  }
0x3b: {  	s28 =	sadd.s32 $0x0, s13;
	[sflag:s25] =	ssyncadd.s32 $0xFFFFC000  }
0x3c: {  	[hbm4b:s28+s3] =	stream.linear.scatter [tilespmem:s20], [sflag:$0x5], $0x4000, $0x38;
	[tilespmem:$0x10C00] =	vst v63  }
0x3d: {  	_ =	swait.ge [sflag:s15], $0x4000  }
0x3e: {  	[sflag:s15] =	ssyncset.done $0x0  }
0x3f: {  	s29 =	sadd.s32 $0x0, s14;
	[sflag:s15] =	ssyncadd.s32 $0xFFFFC000  }
0x40: {  	[hbm4b:s29+s3] =	stream.linear.scatter [tilespmem:s21], [sflag:$0x5], $0x4000, $0x38;
	[tilespmem:$0x10C00] =	vst v63  }
0x41: {  	_ =	swait.ge [sflag:s15], $0x4000  }
0x42: {  	s0 =	simm.s32 $0x80;
	s2 =	simm.s32 $0x1000;
	[sflag:s15] =	ssyncset.done $0x0  }
.LBB2_2:
0x43: {  	[sflag:s15] =	ssyncadd.s32 $0xFFFFC000;
	s0 =	sadd.s32 $0x100, s0;
	s31 =	sadd.s32 $0x100, s31  }
0x44: {  	[tilespmem:s20], [sflag:$0x2] =	stream.indirect.gather [hbm4b:s1+s19], $0x80, s0, s19, $0xb8;
	[tilespmem:$0x10C00] =	vst v63  }
0x45: {  	p0 =	sne.s32 s2, $0x4000;
	s28 =	smov.u32 s2;
	s2 =	sadd.s32 $0x1000, s2  }
0x46: {  	[tilespmem:s21], [sflag:$0x4] =	stream.indirect.gather [hbm4b:s1+s19], $0x80, s31, s19, $0xb8;
	[tilespmem:$0x10C00] =	vst v63  }
0x47: {  	_ =	swait.ge [sflag:s22], $0x4000  }
0x48: {  	[sflag:s22] =	ssyncset.done $0x0  }
0x49: {  	[sflag:s22] =	ssyncadd.s32 $0xFFFFC000  }
0x4a: {  	_ =	swait.ge [sflag:s23], $0x4000  }
0x4b: {  	[sflag:s23] =	ssyncset.done $0x0  }
0x4c: {  	s29 =	sadd.s32 s28, s12;
	[sflag:s23] =	ssyncadd.s32 $0xFFFFC000  }
0x4d: {  	[hbm4b:s29+s3] =	stream.linear.scatter [tilespmem:s17], [sflag:$0x5], $0x4000, $0x38;
	[tilespmem:$0x10C00] =	vst v63  }
0x4e: {  	_ =	swait.ge [sflag:s15], $0x4000  }
0x4f: {  	[sflag:s15] =	ssyncset.done $0x0  }
0x50: {  	s29 =	sadd.s32 s28, s11;
	[sflag:s15] =	ssyncadd.s32 $0xFFFFC000  }
0x51: {  	[hbm4b:s29+s3] =	stream.linear.scatter [tilespmem:s18], [sflag:$0x5], $0x4000, $0x38;
	[tilespmem:$0x10C00] =	vst v63  }
0x52: {  	_ =	swait.ge [sflag:s15], $0x4000  }
0x53: {  	[sflag:s15] =	ssyncset.done $0x0  }
0x54: {  	s29 =	sadd.s32 $0x80, s0;
	[sflag:s15] =	ssyncadd.s32 $0xFFFFC000  }
0x55: {  	[tilespmem:s17], [sflag:$0x1] =	stream.indirect.gather [hbm4b:s1+s19], $0x80, s29, s19, $0xb8;
	[tilespmem:$0x10C00] =	vst v63  }
0x56: {  	s29 =	sadd.s32 $0x80, s31  }
0x57: {  	[tilespmem:s18], [sflag:$0x3] =	stream.indirect.gather [hbm4b:s1+s19], $0x80, s29, s19, $0xb8;
	[tilespmem:$0x10C00] =	vst v63  }
0x58: {  	_ =	swait.ge [sflag:s24], $0x4000  }
0x59: {  	[sflag:s24] =	ssyncset.done $0x0  }
0x5a: {  	[sflag:s24] =	ssyncadd.s32 $0xFFFFC000  }
0x5b: {  	_ =	swait.ge [sflag:s25], $0x4000  }
0x5c: {  	[sflag:s25] =	ssyncset.done $0x0  }
0x5d: {  	s29 =	sadd.s32 s28, s13;
	[sflag:s25] =	ssyncadd.s32 $0xFFFFC000  }
0x5e: {  	[hbm4b:s29+s3] =	stream.linear.scatter [tilespmem:s20], [sflag:$0x5], $0x4000, $0x38;
	[tilespmem:$0x10C00] =	vst v63  }
0x5f: {  	_ =	swait.ge [sflag:s15], $0x4000  }
.Ltmp0:
0x60: {  	[sflag:s15] =	ssyncset.done $0x0;
	(pc) =	sbr.rel @p0 .LBB2_2-.Ltmp0, $4  }
0x61: {  	s28 =	sadd.s32 s28, s14;
	[sflag:s15] =	ssyncadd.s32 $0xFFFFC000  }
0x62: {  	[hbm4b:s28+s3] =	stream.linear.scatter [tilespmem:s21], [sflag:$0x5], $0x4000, $0x38;
	[tilespmem:$0x10C00] =	vst v63  }
0x63: {  	_ =	swait.ge [sflag:s15], $0x4000  }
0x64: {  	[sflag:s15] =	ssyncset.done $0x0  }
0x65: {  	[sflag:s15] =	ssyncadd.s32 $0xFFFFC000;
	s0 =	simm.s32 $0x580  }
0x66: {  	[tilespmem:s20], [sflag:$0x2] =	stream.indirect.gather [hbm4b:s1+s26], $0x80, s0, s26, $0xb8;
	[tilespmem:$0x10C00] =	vst v63  }
0x67: {  	s31 =	simm.s32 $0xB80  }
0x68: {  	[tilespmem:s21], [sflag:$0x4] =	stream.indirect.gather [hbm4b:s1+s26], $0x80, s31, s26, $0xb8;
	[tilespmem:$0x10C00] =	vst v63  }
0x69: {  	_ =	swait.ge [sflag:s22], $0x4000  }
0x6a: {  	[sflag:s22] =	ssyncset.done $0x0  }
0x6b: {  	[sflag:s22] =	ssyncadd.s32 $0xFFFFC000  }
0x6c: {  	_ =	swait.ge [sflag:s23], $0x4000  }
0x6d: {  	[sflag:s23] =	ssyncset.done $0x0  }
0x6e: {  	[sflag:s23] =	ssyncadd.s32 $0xFFFFC000  }
0x6f: {  	[hbm4b:s6+s3] =	stream.linear.scatter [tilespmem:s17], [sflag:$0x5], $0x4000, $0x38;
	[tilespmem:$0x10C00] =	vst v63  }
0x70: {  	_ =	swait.ge [sflag:s15], $0x4000  }
0x71: {  	[sflag:s15] =	ssyncset.done $0x0  }
0x72: {  	[sflag:s15] =	ssyncadd.s32 $0xFFFFC000  }
0x73: {  	[hbm4b:s7+s3] =	stream.linear.scatter [tilespmem:s18], [sflag:$0x5], $0x4000, $0x38;
	[tilespmem:$0x10C00] =	vst v63  }
0x74: {  	_ =	swait.ge [sflag:s15], $0x4000  }
0x75: {  	[sflag:s15] =	ssyncset.done $0x0  }
0x76: {  	[sflag:s15] =	ssyncadd.s32 $0xFFFFC000  }
0x77: {  	_ =	swait.ge [sflag:s24], $0x3800  }
0x78: {  	[sflag:s24] =	ssyncset.done $0x0  }
0x79: {  	[sflag:s24] =	ssyncadd.s32 $0xFFFFC800  }
0x7a: {  	_ =	swait.ge [sflag:s25], $0x3800  }
0x7b: {  	[sflag:s25] =	ssyncset.done $0x0  }
0x7c: {  	[sflag:s25] =	ssyncadd.s32 $0xFFFFC800  }
0x7d: {  	[hbm4b:s8+s3] =	stream.linear.scatter [tilespmem:s20], [sflag:$0x5], $0x3800, $0x38;
	[tilespmem:$0x10C00] =	vst v63  }
0x7e: {  	s30 =	sadd.s32 $0x1, s30;
	_ =	swait.ge [sflag:s15], $0x3800  }
0x7f: {  	p0 =	sne.s32 s30, s10;
	[sflag:s15] =	ssyncset.done $0x0  }
.Ltmp1:
0x80: {  	[sflag:s15] =	ssyncadd.s32 $0xFFFFC800;
	(pc) =	sbr.rel @p0 .LBB2_1-.Ltmp1, $4  }
0x81: {  	[hbm4b:s9+s3] =	stream.linear.scatter [tilespmem:s21], [sflag:$0x5], $0x3800, $0x38;
	[tilespmem:$0x10C00] =	vst v63  }
0x82: {  	_ =	swait.ge [sflag:s15], $0x3800  }
0x83: {  	[sflag:s15] =	ssyncset.done $0x0  }
0x84: {  	[sflag:s15] =	ssyncadd.s32 $0xFFFFC800  }
0x85: {  	_ =	sfence.sel $0x180000  }
0x86: {  	[bflag:$0x0] =	sbarrier.arrive $0xFFFF  }
0x87: {  	_ =	strace $0x90000047  }
0x88: {  	s0 =	stileid.u32;
	[bflag:$0x2] =	sbarrier.arrive $0xFFFF  }
0x89: {  	p0 =	sne.s32 s0, $0x0;
	s0 =	rddreg [dreg:$0x4]  }
0x8a: {  	s0 =	sadd.s32 @!p0 $0x100000, s0  }
0x8b: {  	[sflag:s0] =	ssyncadd.tile.s32 @!p0 $0x1;
	_ =	shalt  }
.Lfunc_end2:
_tile_overlayer_lowered:
.L_overlay_start_2:
0x8c: {  	(tag) =	ssettag $0x2  }
0x8d: {  	s0 =	rddreg [dreg:$0x0];
	s2 =	stileid.u32  }
0x8e: {  	s1 =	rddreg [dreg:$0x1];
	p0 =	sne.s32 s2, $0x0  }
0x8f: {  	s3 =	rddreg [dreg:$0x2];
	[bflag:$0x3] =	sbarrier.arrive $0xFFFF;
	s2 =	simm.s32 @!p0 $0x1C05  }
0x90: {  	[timem:s3], [sflag:s2] =	dma.local @!p0 [hbm:s0], s1  }
0x91: {  	s0 =	simm.s32 @!p0 $0x5  }
0x92: {  	_ =	swait.ge @!p0 [sflag:s0], s1  }
0x93: {  	s1 =	ssub.s32 @!p0 $0x0, s1;
	[sflag:s0] =	ssyncset.done @!p0 $0x0  }
0x94: {  	[sflag:s0] =	ssyncadd.s32 @!p0 s1  }
0x95: {  	[bflag:$0x3] =	sbarrier.arrive $0xFFFF  }
0x96: {  	_ =	shalt  }

// kernel: kernel.13.cloned.1.call-start
scs
__scs_entry_jumppad:
0x0: {  	(pc) =	sbr.rel $0x88, $3  }
0x1: {  	(tag) =	ssettag $0x0;
	lr =	simm.s32 $0x1  }
0x2: {  	[smem:$0x3F8B] =	sst lr;
	_ =	strace $0xD0000000  }
0x3: {  	_ = 	snop  }
0x4: {  	_ = 	snop  }
0x5: {  	_ = 	snop  }
0x6: {  	_ = 	snop  }
0x7: {  	_ = 	snop  }
__scs_overlays_trampoline_lowered:
0x8: {  	[smem:$0x3F9A] =	sst s0  }
0x9: {  	[smem:$0x3F9B] =	sst s1  }
0xa: {  	[smem:$0x3F9C] =	sst s2  }
0xb: {  	[smem:$0x3F9D] =	sst s3  }
0xc: {  	[smem:$0x3F9E] =	sst s4  }
0xd: {  	[smem:$0x3F9F] =	sst s5  }
0xe: {  	[smem:$0x3FA0] =	sst s6  }
0xf: {  	[smem:$0x3FA1] =	sst s7  }
0x10: {  	[smem:$0x3FA2] =	sst s8  }
0x11: {  	[smem:$0x3FA3] =	sst s9;
	s0 =	simm.s32 @!p0 $0x0  }
0x12: {  	s1 =	sld [smem:$0x3F89];
	s0 =	simm.s32 @p0 $0x1  }
0x13: {  	[smem:$0x3FA4] =	sst s0;
	s0 =	simm.s32 @!p1 $0x0  }
0x14: {  	s2 =	sld [smem:$0x3F88];
	s0 =	simm.s32 @p1 $0x1  }
0x15: {  	[smem:$0x3FA5] =	sst s0;
	s0 =	simm.s32 @!p2 $0x0  }
0x16: {  	s3 =	sld [smem:$0x3FDB];
	s0 =	simm.s32 @p2 $0x1  }
0x17: {  	s4 =	simm.s32 $0x1BF5;
	[smem:$0x3FA7] =	sst s0  }
0x18: {  	s0 =	sld [smem:$0x3F8A];
	_ =	swait.ge [sflag:s4], $0x0  }
0x19: {  	s7 =	sld [smem:$0x3F8B]  }
0x1a: {  	s8 =	sadd.s32 $0xFFFFE003, lr  }
0x1b: {  	s9 =	sadd.s32 $0xFFFFFEF7, lr;
	s5 =	simm.s32 $0xFFFFFFFF;
	p2 =	slt.u32 s8, $0xFFFFF086  }
0x1c: {  	p1 =	slt.u32 s9, $0xF7A;
	s5 =	simm.s32 @!p2 $0x0  }
0x1d: {  	s5 =	simm.s32 @p1 $0x1;
	p0 =	seq.s32 s7, s2  }
0x1e: {  	s7 =	smul.u32 @!p0 $0xF7A, s2;
	p2 =	seq.s32 @!p0 s5, $0x0  }
0x1f: {  	s9 =	smul.u32 $0xF7A, s1;
	s8 =	simm.s32 @!p0 $0x1BF5;
	p2 =	por !p2, p0  }
0x20: {  	[sflag:s8] =	ssyncset.s32 @!p0 $0xFFFFF086;
	s6 =	sadd.s32 @!p0 s3, s7;
	s7 =	simm.s32 @!p0 $0x108  }
0x21: {  	s3 =	sadd.s32 s3, s9;
	s6 =	sadd.s32 @!p0 $0x88, s6;
	s7 =	simm.s32 @p2 $0x1082  }
0x22: {  	[simem:s7], [sflag:s8] =	dma.local @!p0 [hbm:s6], $0xF7A  }
0x23: {  	s9 =	sor.u32 $0xD0000000, s2;
	s6 =	simm.s32 $0x108;
	_ =	swait.ge @!p0 [sflag:s8], $0x0  }
0x24: {  	s3 =	sadd.s32 $0x88, s3;
	s6 =	simm.s32 @!p1 $0x1082;
	[sflag:s4] =	ssyncset.s32 $0xFFFFF086  }
0x25: {  	[simem:s6], [sflag:s4] =	dma.local [hbm:s3], $0xF7A  }
0x26: {  	[smem:$0x3F8B] =	sst s1;
	(tag) =	ssettag s2;
	_ =	strace s9  }
0x27: {  	s1 =	sld [smem:$0x3F9B]  }
0x28: {  	s2 =	sld [smem:$0x3F9C]  }
0x29: {  	s4 =	sld [smem:$0x3F9E]  }
0x2a: {  	p0 =	seq.s32 s5, $0x0;
	s5 =	sld [smem:$0x3F9F]  }
0x2b: {  	s6 =	sld [smem:$0x3FA0]  }
0x2c: {  	s7 =	sld [smem:$0x3FA1]  }
0x2d: {  	s3 =	simm.s32 $0x108;
	s8 =	sld [smem:$0x3FA2]  }
0x2e: {  	s3 =	simm.s32 @!p0 $0x1082;
	s9 =	sld [smem:$0x3FA3]  }
0x2f: {  	lr =	sadd.s32 s0, s3;
	s0 =	sld [smem:$0x3F9A]  }
0x30: {  	s3 =	sld [smem:$0x3F9D]  }
0x31: {  	[smem:$0x3FA6] =	sst s10  }
0x32: {  	s10 =	sld [smem:$0x3FA4];
	_ =	sdelay $0x3  }
0x33: {  	p0 =	seq.s32 s10, $0x1;
	s10 =	sld [smem:$0x3FA6];
	_ =	sdelay $0x3  }
0x34: {  	[smem:$0x3FA6] =	sst s10  }
0x35: {  	s10 =	sld [smem:$0x3FA5];
	_ =	sdelay $0x3  }
0x36: {  	p1 =	seq.s32 s10, $0x1;
	s10 =	sld [smem:$0x3FA6];
	_ =	sdelay $0x3  }
0x37: {  	[smem:$0x3FA6] =	sst s10  }
0x38: {  	s10 =	sld [smem:$0x3FA7]  }
0x39: {  	_ = 	snop;
	(pc) =	sbr.ind lr, $3  }
0x3a: {  	_ = 	snop  }
0x3b: {  	_ = 	snop  }
0x3c: {  	p2 =	seq.s32 s10, $0x1;
	s10 =	sld [smem:$0x3FA6]  }
0x3d: {  	_ =	shalt  }
0x3e: {  	_ =	shalt  }
0x3f: {  	_ =	shalt  }
0x40: {  	_ =	shalt  }
0x41: {  	_ =	shalt  }
0x42: {  	_ =	shalt  }
0x43: {  	_ =	shalt  }
0x44: {  	_ =	shalt  }
0x45: {  	_ =	shalt  }
0x46: {  	_ =	shalt  }
0x47: {  	_ =	shalt  }
0x48: {  	_ =	shalt  }
0x49: {  	_ =	shalt  }
0x4a: {  	_ =	shalt  }
0x4b: {  	_ =	shalt  }
0x4c: {  	_ =	shalt  }
0x4d: {  	_ =	shalt  }
0x4e: {  	_ =	shalt  }
0x4f: {  	_ =	shalt  }
0x50: {  	_ =	shalt  }
0x51: {  	_ =	shalt  }
0x52: {  	_ =	shalt  }
0x53: {  	_ =	shalt  }
0x54: {  	_ =	shalt  }
0x55: {  	_ =	shalt  }
0x56: {  	_ =	shalt  }
0x57: {  	_ =	shalt  }
0x58: {  	_ =	shalt  }
0x59: {  	_ =	shalt  }
0x5a: {  	_ =	shalt  }
0x5b: {  	_ =	shalt  }
0x5c: {  	_ =	shalt  }
0x5d: {  	_ =	shalt  }
0x5e: {  	_ =	shalt  }
0x5f: {  	_ =	shalt  }
0x60: {  	_ =	shalt  }
0x61: {  	_ =	shalt  }
0x62: {  	_ =	shalt  }
0x63: {  	_ =	shalt  }
0x64: {  	_ =	shalt  }
0x65: {  	_ =	shalt  }
0x66: {  	_ =	shalt  }
0x67: {  	_ =	shalt  }
0x68: {  	_ =	shalt  }
0x69: {  	_ =	shalt  }
0x6a: {  	_ =	shalt  }
0x6b: {  	_ =	shalt  }
0x6c: {  	_ =	shalt  }
0x6d: {  	_ =	shalt  }
0x6e: {  	_ =	shalt  }
0x6f: {  	_ =	shalt  }
0x70: {  	_ =	shalt  }
0x71: {  	_ =	shalt  }
0x72: {  	_ =	shalt  }
0x73: {  	_ =	shalt  }
0x74: {  	_ =	shalt  }
0x75: {  	_ =	shalt  }
0x76: {  	_ =	shalt  }
0x77: {  	_ =	shalt  }
0x78: {  	_ =	shalt  }
0x79: {  	_ =	shalt  }
0x7a: {  	_ =	shalt  }
0x7b: {  	_ =	shalt  }
0x7c: {  	_ =	shalt  }
0x7d: {  	_ =	shalt  }
0x7e: {  	_ =	shalt  }
0x7f: {  	_ =	shalt  }
0x80: {  	_ =	shalt  }
0x81: {  	_ =	shalt  }
0x82: {  	_ =	shalt  }
0x83: {  	_ =	shalt  }
0x84: {  	_ =	shalt  }
0x85: {  	_ =	shalt  }
0x86: {  	_ =	shalt  }
0x87: {  	_ =	shalt  }
.Lfunc_end0:
.L_simem_size_0:
called_computation.1_lowered:
.L_overlay_start_0:
0x88: {  	s2 =	sld [smem:$0x3FD9]  }
0x89: {  	s3 =	sld [smem:$0x3FFE];
	_ =	sdelay $0x1  }
0x8a: {  	s1 =	srdreg.scid  }
0x8b: {  	s0 =	sand.u32 $0x1, s1  }
0x8c: {  	s15 =	sshll.u32 s0, $0xA;
	s2 =	sadd.s32 s3, s2  }
0x8d: {  	s2 =	sadd.s32 s2, s15  }
0x8e: {  	[smem:$0x3FB2] =	sst s2  }
0x8f: {  	_ = 	snop  }
0x90: {  	s16 =	sld [smem:$0x3FD0];
	_ =	sdelay $0x2  }
0x91: {  	s5 =	simm.s32 $0xC;
	s4 =	simm.s32 $0x10;
	s2 =	sld [smem:$0x3FC7]  }
0x92: {  	[smem:s4], [sflag:s5] =	dma.local [hbm:s16], $0x1  }
0x93: {  	_ =	swait.eq [sflag:s5], $0x1  }
0x94: {  	[sflag:s5] =	ssyncset.done $0x0  }
0x95: {  	s17 =	sld [smem:$0x13];
	[sflag:s5] =	ssyncadd.s32 $0xFFFFFFFF  }
0x96: {  	s18 =	sld [smem:$0x14];
	(tm) =	ssettm $0x1  }
0x97: {  	s19 =	sld [smem:$0x3FFB];
	_ =	sdelay $0x3  }
0x98: {  	_ =	strace s19  }
0x99: {  	s3 =	sld [smem:$0x3FFC];
	_ =	sdelay $0x3  }
0x9a: {  	_ =	strace s3  }
0x9b: {  	s3 =	sld [smem:$0x3FFD];
	_ =	sdelay $0x3  }
0x9c: {  	_ =	strace s3  }
0x9d: {  	_ =	strace $0x8FFFFFFF  }
0x9e: {  	s20 =	sld [smem:$0x3FDB];
	_ =	sdelay $0x1  }
0x9f: {  	s6 =	simm.s32 $_scs_section_size  }
0xa0: {  	s7 =	simm.s32 $_size__tile_overlayer_lowered;
	s8 =	simm.s32 $_tile_overlayer_lowered  }
0xa1: {  	s9 =	simm.s32 $0x1BFF;
	s21 =	sshll.u32 s8, $0x1;
	s6 =	sadd.s32 s6, s20  }
0xa2: {  	s22 =	simm.s32 $0x0;
	s7 =	sshll.u32 s7, $0x1;
	s8 =	sadd.s32 s21, s6  }
0xa3: {  	[timem:s22], [sflag:s9] =	dma.local [hbm:s8], s7  }
0xa4: {  	_ =	swait.ge [sflag:s9], s7  }
0xa5: {  	s7 =	ssub.s32 $0x0, s7;
	[sflag:s9] =	ssyncset.done $0x0  }
0xa6: {  	[sflag:s9] =	ssyncadd.s32 s7;
	_ =	sdelay $0x1  }
0xa7: {  	s23 =	simm.s32 $0x1B8B  }
0xa8: {  	_ =	swait.ge [sflag:s23], $0x1  }
0xa9: {  	[sflag:s23] =	ssyncset.done $0x0  }
0xaa: {  	[sflag:s23] =	ssyncadd.s32 $0xFFFFFFFF  }
0xab: {  	s7 =	sld [smem:$0x0]  }
0xac: {  	s8 =	sand.u32 $0xFFFFFFFE, s1  }
0xad: {  	p0 =	sne.s32 s1, s8  }
0xae: {  	s8 =	sshll.u32 @p0 s8, $0xE  }
0xaf: {  	s8 =	sadd.s32 @p0 $0x11B8D, s8;
	s9 =	sshll.u32 @p0 s7, $0x11  }
0xb0: {  	s8 =	sor.u32 @p0 s9, s8  }
0xb1: {  	[sflag:s8] =	ssyncadd.remote.s32 @p0 $0x1;
	_ =	sdelay $0x1  }
0xb2: {  	s8 =	simm.s32 @p0 $0x1B8D  }
0xb3: {  	_ =	swait.eq @p0 [sflag:s8], $0x1  }
0xb4: {  	[sflag:s8] =	ssyncadd.s32 @p0 $0xFFFFFFFF  }
0xb5: {  	s9 =	sshll.u32 @!p0 s1, $0xE  }
0xb6: {  	s9 =	sor.u32 @!p0 $0x4000, s9;
	s8 =	simm.s32 @!p0 $0x1B8D  }
0xb7: {  	s7 =	sshll.u32 @!p0 s7, $0x11;
	s9 =	sadd.s32 @!p0 $0x11B8D, s9;
	_ =	swait.eq @!p0 [sflag:s8], $0x1  }
0xb8: {  	s7 =	sor.u32 @!p0 s7, s9;
	[sflag:s8] =	ssyncadd.s32 @!p0 $0xFFFFFFFF  }
0xb9: {  	s25 =	simm.s32 $0x1B8E;
	s24 =	sld [smem:$0x3FFE];
	[sflag:s7] =	ssyncadd.remote.s32 @!p0 $0x1  }
0xba: {  	s26 =	simm.s32 $execute0_lowered;
	[smem:$0x3FD2] =	sst s25  }
0xbb: {  	s8 =	sshll.u32 s26, $0x1;
	_ =	strace $0x80000049;
	[dreg:$0x1] =	wrdreg $0xFFFFFFFF  }
0xbc: {  	s28 =	simm.s32 $_size_execute0_lowered;
	s6 =	sadd.s32 s6, s8;
	[dreg:$0x0] =	wrdreg $0x0  }
0xbd: {  	s8 =	sshll.u32 s28, $0x1;
	[dreg:$0x2] =	wrdreg s6  }
0xbe: {  	[dreg:$0x3] =	wrdreg s8  }
0xbf: {  	[dreg:$0x4] =	wrdreg $0xC0  }
0xc0: {  	_ =	task [dreg:s22], $0x5FFFF  }
0xc1: {  	[dreg:$0x1] =	wrdreg $0xFFFFFFFF  }
0xc2: {  	[dreg:$0x0] =	wrdreg $0x60  }
0xc3: {  	[dreg:$0x2] =	wrdreg s2  }
0xc4: {  	[dreg:$0x3] =	wrdreg s17  }
0xc5: {  	[dreg:$0x4] =	wrdreg s18  }
0xc6: {  	[dreg:$0x5] =	wrdreg s24  }
0xc7: {  	[dreg:$0x6] =	wrdreg $0xA  }
0xc8: {  	_ =	task.clear_ibuf [dreg:s22], $0x7FFFF;
	_ =	strace $0x90000049  }
0xc9: {  	s29 =	simm.s32 $0xA;
	_ =	strace $0x8000004B  }
0xca: {  	_ =	swait.ge [sflag:s29], $0x1  }
0xcb: {  	[sflag:s29] =	ssyncadd.s32 $0xFFFFFFFF  }
0xcc: {  	_ =	strace $0x9000004B  }
0xcd: {  	_ =	sfence  }
0xce: {  	s30 =	sld [smem:$0x0];
	_ =	sdelay $0x2  }
0xcf: {  	s31 =	sshll.u32 s1, $0xD;
	s1 =	sshrl.u32 s1, $0x2  }
0xd0: {  	s4 =	sand.u32 $0x4000, s31;
	s1 =	sadd.s32 s1, s30  }
0xd1: {  	s0 =	sor.u32 s4, s0;
	s1 =	sshll.u32 s1, $0x11  }
0xd2: {  	s0 =	sor.u32 s1, s0  }
0xd3: {  	s0 =	sadd.s32 $0x8F2B, s0  }
0xd4: {  	[sflag:s0] =	ssyncadd.remote.s32 $0x1  }
0xd5: {  	_ =	sfence.sel $0xFFFF  }
0xd6: {  	[dreg:$0x0] =	wrdreg $0xFFFFFFFF;
	(pc) =	sbr.abs _section_cstart, $3  }
0xd7: {  	[dreg:$0x1] =	wrdreg $0xFFFFFFFF  }
0xd8: {  	_ =	task.clear_ibuf [dreg:s22], $0x2FFFF;
	_ =	strace $0x9FFFFFFF  }
0xd9: {  	(tm) =	ssettm $0x7FFFFFFF  }
tec
execute0_lowered:
.L_overlay_start_1:
0x0: {  	(tag) =	ssettag $0x1  }
0x1: {  	s1 =	rddreg [dreg:$0x0]  }
0x2: {  	s0 =	rddreg [dreg:$0x1]  }
0x3: {  	s2 =	rddreg [dreg:$0x2]  }
0x4: {  	s4 =	rddreg [dreg:$0x3]  }
0x5: {  	s5 =	srdreg.scid;
	s15 =	stileid.u32;
	s3 =	simm.s32 $0x0  }
0x6: {  	s16 =	simm.s32 $0x700;
	s17 =	simm.s32 $0xE00;
	s18 =	simm.s32 $0x8E00  }
0x7: {  	s19 =	simm.s32 $0x80;
	s20 =	simm.s32 $0x4E00;
	s21 =	simm.s32 $0xCE00  }
0x8: {  	s30 =	simm.s32 $0x0;
	s11 =	sand.u32 $0x1, s5;
	s25 =	smul.u32 $0x6B800, s15  }
0x9: {  	s22 =	sshll.u32 s15, $0x1;
	s12 =	sadd.s32 $0x180800, s4;
	s28 =	smul.u32 $0xD700, s15  }
0xa: {  	[smem:$0x7FF] =	sst s3;
	s13 =	sadd.s32 $0x257800, s4;
	s14 =	smul.u32 $0x35C00, s11  }
0xb: {  	s5 =	sor.u32 s11, s22;
	_ =	strace $0x8000004A;
	s29 =	smul.u32 $0x6B80, s11  }
0xc: {  	s23 =	ssub.s32 $0x2, s11;
	s22 =	simm.s32 $0x1;
	s6 =	smul.u32 $0x6B8, s5  }
0xd: {  	s5 =	smul.u32 $0x35C00, s5;
	s7 =	sshrl.u32 s23, $0x1;
	s15 =	sadd.s32 s28, s12  }
0xe: {  	s10 =	ssub.s32 s23, s7;
	s31 =	sadd.s32 s29, s15;
	s15 =	simm.s32 $0x5  }
0xf: {  	s23 =	simm.s32 $0x3;
	s6 =	sshrl.u32 s6, $0x3;
	s8 =	sshrl.u32 s5, $0x3  }
0x10: {  	s10 =	smax.u32 s10, $0x1;
	s6 =	sadd.s32 $0x17C0, s6;
	s24 =	sadd.s32 $0x6000, s8  }
0x11: {  	s26 =	sadd.s32 $0x6800, s8;
	s4 =	sadd.s32 s0, s6;
	s5 =	sadd.s32 s2, s6  }
0x12: {  	s6 =	sadd.s32 s12, s24;
	s7 =	sadd.s32 s13, s24;
	s8 =	sadd.s32 s12, s26  }
0x13: {  	s9 =	sadd.s32 s13, s26;
	s2 =	sadd.s32 s14, s25;
	s0 =	sadd.s32 s28, s13  }
0x14: {  	s24 =	simm.s32 $0x2;
	s25 =	simm.s32 $0x4;
	s2 =	sshrl.u32 s2, $0x3  }
0x15: {  	s26 =	simm.s32 $0x38;
	s0 =	sadd.s32 s29, s0;
	s11 =	sadd.s32 s2, s13  }
0x16: {  	s12 =	sadd.s32 s2, s12;
	s13 =	sadd.s32 $0x800, s31;
	s14 =	sadd.s32 $0x800, s0  }
.LBB2_1:
0x17: {  	[tilespmem:s3], [sflag:$0x5] =	stream.linear.gather [hbm4b:s4+s3], $0x6B8, $0x38;
	[tilespmem:$0x10E00] =	vst v63  }
0x18: {  	_ =	swait.ge [sflag:s15], $0x6B8  }
0x19: {  	[sflag:s15] =	ssyncset.done $0x0  }
0x1a: {  	[sflag:s15] =	ssyncadd.s32 $0xFFFFF948  }
0x1b: {  	[tilespmem:s16], [sflag:$0x5] =	stream.linear.gather [hbm4b:s5+s3], $0x6B8, $0x38;
	[tilespmem:$0x10E00] =	vst v63  }
0x1c: {  	_ =	swait.ge [sflag:s15], $0x6B8  }
0x1d: {  	[sflag:s15] =	ssyncset.done $0x0  }
0x1e: {  	[sflag:s15] =	ssyncadd.s32 $0xFFFFF948  }
0x1f: {  	[tilespmem:s17], [sflag:$0x1] =	stream.indirect.gather [hbm4b:s1+s19], $0x80, s3, s19, $0xb8;
	[tilespmem:$0x10E00] =	vst v63  }
0x20: {  	_ = 	snop  }
0x21: {  	[tilespmem:s18], [sflag:$0x3] =	stream.indirect.gather [hbm4b:s1+s19], $0x80, s16, s19, $0xb8;
	[tilespmem:$0x10E00] =	vst v63  }
0x22: {  	_ = 	snop  }
0x23: {  	[tilespmem:s20], [sflag:$0x2] =	stream.indirect.gather [hbm4b:s1+s19], $0x80, s19, s19, $0xb8;
	[tilespmem:$0x10E00] =	vst v63  }
0x24: {  	s31 =	simm.s32 $0x780  }
0x25: {  	[tilespmem:s21], [sflag:$0x4] =	stream.indirect.gather [hbm4b:s1+s19], $0x80, s31, s19, $0xb8;
	[tilespmem:$0x10E00] =	vst v63  }
0x26: {  	_ =	swait.ge [sflag:s22], $0x4000  }
0x27: {  	[sflag:s22] =	ssyncset.done $0x0  }
0x28: {  	[sflag:s22] =	ssyncadd.s32 $0xFFFFC000  }
0x29: {  	_ =	swait.ge [sflag:s23], $0x4000  }
0x2a: {  	[sflag:s23] =	ssyncset.done $0x0  }
0x2b: {  	s0 =	sadd.s32 $0x0, s12;
	[sflag:s23] =	ssyncadd.s32 $0xFFFFC000  }
0x2c: {  	[hbm4b:s0+s3] =	stream.linear.scatter [tilespmem:s17], [sflag:$0x5], $0x4000, $0x38;
	[tilespmem:$0x10E00] =	vst v63  }
0x2d: {  	_ =	swait.ge [sflag:s15], $0x4000  }
0x2e: {  	[sflag:s15] =	ssyncset.done $0x0  }
0x2f: {  	s28 =	sadd.s32 $0x0, s11;
	[sflag:s15] =	ssyncadd.s32 $0xFFFFC000  }
0x30: {  	[hbm4b:s28+s3] =	stream.linear.scatter [tilespmem:s18], [sflag:$0x5], $0x4000, $0x38;
	[tilespmem:$0x10E00] =	vst v63  }
0x31: {  	_ =	swait.ge [sflag:s15], $0x4000  }
0x32: {  	[sflag:s15] =	ssyncset.done $0x0  }
0x33: {  	s29 =	simm.s32 $0x100;
	[sflag:s15] =	ssyncadd.s32 $0xFFFFC000  }
0x34: {  	[tilespmem:s17], [sflag:$0x1] =	stream.indirect.gather [hbm4b:s1+s19], $0x80, s29, s19, $0xb8;
	[tilespmem:$0x10E00] =	vst v63  }
0x35: {  	s2 =	simm.s32 $0x800  }
0x36: {  	[tilespmem:s18], [sflag:$0x3] =	stream.indirect.gather [hbm4b:s1+s19], $0x80, s2, s19, $0xb8;
	[tilespmem:$0x10E00] =	vst v63  }
0x37: {  	_ =	swait.ge [sflag:s24], $0x4000  }
0x38: {  	[sflag:s24] =	ssyncset.done $0x0  }
0x39: {  	[sflag:s24] =	ssyncadd.s32 $0xFFFFC000  }
0x3a: {  	_ =	swait.ge [sflag:s25], $0x4000  }
0x3b: {  	[sflag:s25] =	ssyncset.done $0x0  }
0x3c: {  	s28 =	sadd.s32 $0x0, s13;
	[sflag:s25] =	ssyncadd.s32 $0xFFFFC000  }
0x3d: {  	[hbm4b:s28+s3] =	stream.linear.scatter [tilespmem:s20], [sflag:$0x5], $0x4000, $0x38;
	[tilespmem:$0x10E00] =	vst v63  }
0x3e: {  	_ =	swait.ge [sflag:s15], $0x4000  }
0x3f: {  	[sflag:s15] =	ssyncset.done $0x0  }
0x40: {  	s29 =	sadd.s32 $0x0, s14;
	[sflag:s15] =	ssyncadd.s32 $0xFFFFC000  }
0x41: {  	[hbm4b:s29+s3] =	stream.linear.scatter [tilespmem:s21], [sflag:$0x5], $0x4000, $0x38;
	[tilespmem:$0x10E00] =	vst v63  }
0x42: {  	_ =	swait.ge [sflag:s15], $0x4000  }
0x43: {  	s0 =	simm.s32 $0x1000;
	s2 =	simm.s32 $0x80;
	[sflag:s15] =	ssyncset.done $0x0  }
.LBB2_2:
0x44: {  	[sflag:s15] =	ssyncadd.s32 $0xFFFFC000;
	s2 =	sadd.s32 $0x100, s2;
	s31 =	sadd.s32 $0x100, s31  }
0x45: {  	[tilespmem:s20], [sflag:$0x2] =	stream.indirect.gather [hbm4b:s1+s19], $0x80, s2, s19, $0xb8;
	[tilespmem:$0x10E00] =	vst v63  }
0x46: {  	p0 =	sne.s32 s0, $0x5000;
	s28 =	smov.u32 s0;
	s0 =	sadd.s32 $0x1000, s0  }
0x47: {  	[tilespmem:s21], [sflag:$0x4] =	stream.indirect.gather [hbm4b:s1+s19], $0x80, s31, s19, $0xb8;
	[tilespmem:$0x10E00] =	vst v63  }
0x48: {  	_ =	swait.ge [sflag:s22], $0x4000  }
0x49: {  	[sflag:s22] =	ssyncset.done $0x0  }
0x4a: {  	[sflag:s22] =	ssyncadd.s32 $0xFFFFC000  }
0x4b: {  	_ =	swait.ge [sflag:s23], $0x4000  }
0x4c: {  	[sflag:s23] =	ssyncset.done $0x0  }
0x4d: {  	s29 =	sadd.s32 s28, s12;
	[sflag:s23] =	ssyncadd.s32 $0xFFFFC000  }
0x4e: {  	[hbm4b:s29+s3] =	stream.linear.scatter [tilespmem:s17], [sflag:$0x5], $0x4000, $0x38;
	[tilespmem:$0x10E00] =	vst v63  }
0x4f: {  	_ =	swait.ge [sflag:s15], $0x4000  }
0x50: {  	[sflag:s15] =	ssyncset.done $0x0  }
0x51: {  	s29 =	sadd.s32 s28, s11;
	[sflag:s15] =	ssyncadd.s32 $0xFFFFC000  }
0x52: {  	[hbm4b:s29+s3] =	stream.linear.scatter [tilespmem:s18], [sflag:$0x5], $0x4000, $0x38;
	[tilespmem:$0x10E00] =	vst v63  }
0x53: {  	_ =	swait.ge [sflag:s15], $0x4000  }
0x54: {  	[sflag:s15] =	ssyncset.done $0x0  }
0x55: {  	s29 =	sadd.s32 $0x80, s2;
	[sflag:s15] =	ssyncadd.s32 $0xFFFFC000  }
0x56: {  	[tilespmem:s17], [sflag:$0x1] =	stream.indirect.gather [hbm4b:s1+s19], $0x80, s29, s19, $0xb8;
	[tilespmem:$0x10E00] =	vst v63  }
0x57: {  	s29 =	sadd.s32 $0x80, s31  }
0x58: {  	[tilespmem:s18], [sflag:$0x3] =	stream.indirect.gather [hbm4b:s1+s19], $0x80, s29, s19, $0xb8;
	[tilespmem:$0x10E00] =	vst v63  }
0x59: {  	_ =	swait.ge [sflag:s24], $0x4000  }
0x5a: {  	[sflag:s24] =	ssyncset.done $0x0  }
0x5b: {  	[sflag:s24] =	ssyncadd.s32 $0xFFFFC000  }
0x5c: {  	_ =	swait.ge [sflag:s25], $0x4000  }
0x5d: {  	[sflag:s25] =	ssyncset.done $0x0  }
0x5e: {  	s29 =	sadd.s32 s28, s13;
	[sflag:s25] =	ssyncadd.s32 $0xFFFFC000  }
0x5f: {  	[hbm4b:s29+s3] =	stream.linear.scatter [tilespmem:s20], [sflag:$0x5], $0x4000, $0x38;
	[tilespmem:$0x10E00] =	vst v63  }
0x60: {  	_ =	swait.ge [sflag:s15], $0x4000  }
.Ltmp0:
0x61: {  	[sflag:s15] =	ssyncset.done $0x0;
	(pc) =	sbr.rel @p0 .LBB2_2-.Ltmp0, $4  }
0x62: {  	s28 =	sadd.s32 s28, s14;
	[sflag:s15] =	ssyncadd.s32 $0xFFFFC000  }
0x63: {  	[hbm4b:s28+s3] =	stream.linear.scatter [tilespmem:s21], [sflag:$0x5], $0x4000, $0x38;
	[tilespmem:$0x10E00] =	vst v63  }
0x64: {  	_ =	swait.ge [sflag:s15], $0x4000  }
0x65: {  	[sflag:s15] =	ssyncset.done $0x0  }
0x66: {  	[sflag:s15] =	ssyncadd.s32 $0xFFFFC000;
	s0 =	simm.s32 $0x680  }
0x67: {  	[tilespmem:s20], [sflag:$0x2] =	stream.indirect.gather [hbm4b:s1+s26], $0x80, s0, s26, $0xb8;
	[tilespmem:$0x10E00] =	vst v63  }
0x68: {  	s31 =	simm.s32 $0xD80  }
0x69: {  	[tilespmem:s21], [sflag:$0x4] =	stream.indirect.gather [hbm4b:s1+s26], $0x80, s31, s26, $0xb8;
	[tilespmem:$0x10E00] =	vst v63  }
0x6a: {  	_ =	swait.ge [sflag:s22], $0x4000  }
0x6b: {  	[sflag:s22] =	ssyncset.done $0x0  }
0x6c: {  	[sflag:s22] =	ssyncadd.s32 $0xFFFFC000  }
0x6d: {  	_ =	swait.ge [sflag:s23], $0x4000  }
0x6e: {  	[sflag:s23] =	ssyncset.done $0x0  }
0x6f: {  	[sflag:s23] =	ssyncadd.s32 $0xFFFFC000  }
0x70: {  	[hbm4b:s6+s3] =	stream.linear.scatter [tilespmem:s17], [sflag:$0x5], $0x4000, $0x38;
	[tilespmem:$0x10E00] =	vst v63  }
0x71: {  	_ =	swait.ge [sflag:s15], $0x4000  }
0x72: {  	[sflag:s15] =	ssyncset.done $0x0  }
0x73: {  	[sflag:s15] =	ssyncadd.s32 $0xFFFFC000  }
0x74: {  	[hbm4b:s7+s3] =	stream.linear.scatter [tilespmem:s18], [sflag:$0x5], $0x4000, $0x38;
	[tilespmem:$0x10E00] =	vst v63  }
0x75: {  	_ =	swait.ge [sflag:s15], $0x4000  }
0x76: {  	[sflag:s15] =	ssyncset.done $0x0  }
0x77: {  	[sflag:s15] =	ssyncadd.s32 $0xFFFFC000  }
0x78: {  	_ =	swait.ge [sflag:s24], $0x1C00  }
0x79: {  	[sflag:s24] =	ssyncset.done $0x0  }
0x7a: {  	[sflag:s24] =	ssyncadd.s32 $0xFFFFE400  }
0x7b: {  	_ =	swait.ge [sflag:s25], $0x1C00  }
0x7c: {  	[sflag:s25] =	ssyncset.done $0x0  }
0x7d: {  	[sflag:s25] =	ssyncadd.s32 $0xFFFFE400  }
0x7e: {  	[hbm4b:s8+s3] =	stream.linear.scatter [tilespmem:s20], [sflag:$0x5], $0x1C00, $0x38;
	[tilespmem:$0x10E00] =	vst v63  }
0x7f: {  	s30 =	sadd.s32 $0x1, s30;
	_ =	swait.ge [sflag:s15], $0x1C00  }
0x80: {  	p0 =	sne.s32 s30, s10;
	[sflag:s15] =	ssyncset.done $0x0  }
.Ltmp1:
0x81: {  	[sflag:s15] =	ssyncadd.s32 $0xFFFFE400;
	(pc) =	sbr.rel @p0 .LBB2_1-.Ltmp1, $4  }
0x82: {  	[hbm4b:s9+s3] =	stream.linear.scatter [tilespmem:s21], [sflag:$0x5], $0x1C00, $0x38;
	[tilespmem:$0x10E00] =	vst v63  }
0x83: {  	_ =	swait.ge [sflag:s15], $0x1C00  }
0x84: {  	[sflag:s15] =	ssyncset.done $0x0  }
0x85: {  	[sflag:s15] =	ssyncadd.s32 $0xFFFFE400  }
0x86: {  	_ =	sfence.sel $0x180000  }
0x87: {  	[bflag:$0x0] =	sbarrier.arrive $0xFFFF  }
0x88: {  	_ =	strace $0x9000004A  }
0x89: {  	s0 =	stileid.u32;
	[bflag:$0x2] =	sbarrier.arrive $0xFFFF  }
0x8a: {  	p0 =	sne.s32 s0, $0x0;
	s0 =	rddreg [dreg:$0x4]  }
0x8b: {  	s0 =	sadd.s32 @!p0 $0x100000, s0  }
0x8c: {  	[sflag:s0] =	ssyncadd.tile.s32 @!p0 $0x1;
	_ =	shalt  }
.Lfunc_end2:
_tile_overlayer_lowered:
.L_overlay_start_2:
0x8d: {  	(tag) =	ssettag $0x2  }
0x8e: {  	s0 =	rddreg [dreg:$0x0];
	s2 =	stileid.u32  }
0x8f: {  	s1 =	rddreg [dreg:$0x1];
	p0 =	sne.s32 s2, $0x0  }
0x90: {  	s3 =	rddreg [dreg:$0x2];
	[bflag:$0x3] =	sbarrier.arrive $0xFFFF;
	s2 =	simm.s32 @!p0 $0x1C05  }
0x91: {  	[timem:s3], [sflag:s2] =	dma.local @!p0 [hbm:s0], s1  }
0x92: {  	s0 =	simm.s32 @!p0 $0x5  }
0x93: {  	_ =	swait.ge @!p0 [sflag:s0], s1  }
0x94: {  	s1 =	ssub.s32 @!p0 $0x0, s1;
	[sflag:s0] =	ssyncset.done @!p0 $0x0  }
0x95: {  	[sflag:s0] =	ssyncadd.s32 @!p0 s1  }
0x96: {  	[bflag:$0x3] =	sbarrier.arrive $0xFFFF  }
0x97: {  	_ =	shalt  }

// kernel: kernel.16.cloned.1.call-start
scs
__scs_entry_jumppad:
0x0: {  	(pc) =	sbr.rel $0x88, $3  }
0x1: {  	(tag) =	ssettag $0x0;
	lr =	simm.s32 $0x1  }
0x2: {  	[smem:$0x3F8B] =	sst lr;
	_ =	strace $0xD0000000  }
0x3: {  	_ = 	snop  }
0x4: {  	_ = 	snop  }
0x5: {  	_ = 	snop  }
0x6: {  	_ = 	snop  }
0x7: {  	_ = 	snop  }
__scs_overlays_trampoline_lowered:
0x8: {  	[smem:$0x3F9A] =	sst s0  }
0x9: {  	[smem:$0x3F9B] =	sst s1  }
0xa: {  	[smem:$0x3F9C] =	sst s2  }
0xb: {  	[smem:$0x3F9D] =	sst s3  }
0xc: {  	[smem:$0x3F9E] =	sst s4  }
0xd: {  	[smem:$0x3F9F] =	sst s5  }
0xe: {  	[smem:$0x3FA0] =	sst s6  }
0xf: {  	[smem:$0x3FA1] =	sst s7  }
0x10: {  	[smem:$0x3FA2] =	sst s8  }
0x11: {  	[smem:$0x3FA3] =	sst s9;
	s0 =	simm.s32 @!p0 $0x0  }
0x12: {  	s1 =	sld [smem:$0x3F89];
	s0 =	simm.s32 @p0 $0x1  }
0x13: {  	[smem:$0x3FA4] =	sst s0;
	s0 =	simm.s32 @!p1 $0x0  }
0x14: {  	s2 =	sld [smem:$0x3F88];
	s0 =	simm.s32 @p1 $0x1  }
0x15: {  	[smem:$0x3FA5] =	sst s0;
	s0 =	simm.s32 @!p2 $0x0  }
0x16: {  	s3 =	sld [smem:$0x3FDB];
	s0 =	simm.s32 @p2 $0x1  }
0x17: {  	s4 =	simm.s32 $0x1BF5;
	[smem:$0x3FA7] =	sst s0  }
0x18: {  	s0 =	sld [smem:$0x3F8A];
	_ =	swait.ge [sflag:s4], $0x0  }
0x19: {  	s7 =	sld [smem:$0x3F8B]  }
0x1a: {  	s8 =	sadd.s32 $0xFFFFE003, lr  }
0x1b: {  	s9 =	sadd.s32 $0xFFFFFEF7, lr;
	s5 =	simm.s32 $0xFFFFFFFF;
	p2 =	slt.u32 s8, $0xFFFFF086  }
0x1c: {  	p1 =	slt.u32 s9, $0xF7A;
	s5 =	simm.s32 @!p2 $0x0  }
0x1d: {  	s5 =	simm.s32 @p1 $0x1;
	p0 =	seq.s32 s7, s2  }
0x1e: {  	s7 =	smul.u32 @!p0 $0xF7A, s2;
	p2 =	seq.s32 @!p0 s5, $0x0  }
0x1f: {  	s9 =	smul.u32 $0xF7A, s1;
	s8 =	simm.s32 @!p0 $0x1BF5;
	p2 =	por !p2, p0  }
0x20: {  	[sflag:s8] =	ssyncset.s32 @!p0 $0xFFFFF086;
	s6 =	sadd.s32 @!p0 s3, s7;
	s7 =	simm.s32 @!p0 $0x108  }
0x21: {  	s3 =	sadd.s32 s3, s9;
	s6 =	sadd.s32 @!p0 $0x88, s6;
	s7 =	simm.s32 @p2 $0x1082  }
0x22: {  	[simem:s7], [sflag:s8] =	dma.local @!p0 [hbm:s6], $0xF7A  }
0x23: {  	s9 =	sor.u32 $0xD0000000, s2;
	s6 =	simm.s32 $0x108;
	_ =	swait.ge @!p0 [sflag:s8], $0x0  }
0x24: {  	s3 =	sadd.s32 $0x88, s3;
	s6 =	simm.s32 @!p1 $0x1082;
	[sflag:s4] =	ssyncset.s32 $0xFFFFF086  }
0x25: {  	[simem:s6], [sflag:s4] =	dma.local [hbm:s3], $0xF7A  }
0x26: {  	[smem:$0x3F8B] =	sst s1;
	(tag) =	ssettag s2;
	_ =	strace s9  }
0x27: {  	s1 =	sld [smem:$0x3F9B]  }
0x28: {  	s2 =	sld [smem:$0x3F9C]  }
0x29: {  	s4 =	sld [smem:$0x3F9E]  }
0x2a: {  	p0 =	seq.s32 s5, $0x0;
	s5 =	sld [smem:$0x3F9F]  }
0x2b: {  	s6 =	sld [smem:$0x3FA0]  }
0x2c: {  	s7 =	sld [smem:$0x3FA1]  }
0x2d: {  	s3 =	simm.s32 $0x108;
	s8 =	sld [smem:$0x3FA2]  }
0x2e: {  	s3 =	simm.s32 @!p0 $0x1082;
	s9 =	sld [smem:$0x3FA3]  }
0x2f: {  	lr =	sadd.s32 s0, s3;
	s0 =	sld [smem:$0x3F9A]  }
0x30: {  	s3 =	sld [smem:$0x3F9D]  }
0x31: {  	[smem:$0x3FA6] =	sst s10  }
0x32: {  	s10 =	sld [smem:$0x3FA4];
	_ =	sdelay $0x3  }
0x33: {  	p0 =	seq.s32 s10, $0x1;
	s10 =	sld [smem:$0x3FA6];
	_ =	sdelay $0x3  }
0x34: {  	[smem:$0x3FA6] =	sst s10  }
0x35: {  	s10 =	sld [smem:$0x3FA5];
	_ =	sdelay $0x3  }
0x36: {  	p1 =	seq.s32 s10, $0x1;
	s10 =	sld [smem:$0x3FA6];
	_ =	sdelay $0x3  }
0x37: {  	[smem:$0x3FA6] =	sst s10  }
0x38: {  	s10 =	sld [smem:$0x3FA7]  }
0x39: {  	_ = 	snop;
	(pc) =	sbr.ind lr, $3  }
0x3a: {  	_ = 	snop  }
0x3b: {  	_ = 	snop  }
0x3c: {  	p2 =	seq.s32 s10, $0x1;
	s10 =	sld [smem:$0x3FA6]  }
0x3d: {  	_ =	shalt  }
0x3e: {  	_ =	shalt  }
0x3f: {  	_ =	shalt  }
0x40: {  	_ =	shalt  }
0x41: {  	_ =	shalt  }
0x42: {  	_ =	shalt  }
0x43: {  	_ =	shalt  }
0x44: {  	_ =	shalt  }
0x45: {  	_ =	shalt  }
0x46: {  	_ =	shalt  }
0x47: {  	_ =	shalt  }
0x48: {  	_ =	shalt  }
0x49: {  	_ =	shalt  }
0x4a: {  	_ =	shalt  }
0x4b: {  	_ =	shalt  }
0x4c: {  	_ =	shalt  }
0x4d: {  	_ =	shalt  }
0x4e: {  	_ =	shalt  }
0x4f: {  	_ =	shalt  }
0x50: {  	_ =	shalt  }
0x51: {  	_ =	shalt  }
0x52: {  	_ =	shalt  }
0x53: {  	_ =	shalt  }
0x54: {  	_ =	shalt  }
0x55: {  	_ =	shalt  }
0x56: {  	_ =	shalt  }
0x57: {  	_ =	shalt  }
0x58: {  	_ =	shalt  }
0x59: {  	_ =	shalt  }
0x5a: {  	_ =	shalt  }
0x5b: {  	_ =	shalt  }
0x5c: {  	_ =	shalt  }
0x5d: {  	_ =	shalt  }
0x5e: {  	_ =	shalt  }
0x5f: {  	_ =	shalt  }
0x60: {  	_ =	shalt  }
0x61: {  	_ =	shalt  }
0x62: {  	_ =	shalt  }
0x63: {  	_ =	shalt  }
0x64: {  	_ =	shalt  }
0x65: {  	_ =	shalt  }
0x66: {  	_ =	shalt  }
0x67: {  	_ =	shalt  }
0x68: {  	_ =	shalt  }
0x69: {  	_ =	shalt  }
0x6a: {  	_ =	shalt  }
0x6b: {  	_ =	shalt  }
0x6c: {  	_ =	shalt  }
0x6d: {  	_ =	shalt  }
0x6e: {  	_ =	shalt  }
0x6f: {  	_ =	shalt  }
0x70: {  	_ =	shalt  }
0x71: {  	_ =	shalt  }
0x72: {  	_ =	shalt  }
0x73: {  	_ =	shalt  }
0x74: {  	_ =	shalt  }
0x75: {  	_ =	shalt  }
0x76: {  	_ =	shalt  }
0x77: {  	_ =	shalt  }
0x78: {  	_ =	shalt  }
0x79: {  	_ =	shalt  }
0x7a: {  	_ =	shalt  }
0x7b: {  	_ =	shalt  }
0x7c: {  	_ =	shalt  }
0x7d: {  	_ =	shalt  }
0x7e: {  	_ =	shalt  }
0x7f: {  	_ =	shalt  }
0x80: {  	_ =	shalt  }
0x81: {  	_ =	shalt  }
0x82: {  	_ =	shalt  }
0x83: {  	_ =	shalt  }
0x84: {  	_ =	shalt  }
0x85: {  	_ =	shalt  }
0x86: {  	_ =	shalt  }
0x87: {  	_ =	shalt  }
.Lfunc_end0:
.L_simem_size_0:
called_computation.2_lowered:
.L_overlay_start_0:
0x88: {  	s2 =	sld [smem:$0x3FD9]  }
0x89: {  	s3 =	sld [smem:$0x3FFE];
	_ =	sdelay $0x1  }
0x8a: {  	s1 =	srdreg.scid  }
0x8b: {  	s0 =	sand.u32 $0x1, s1  }
0x8c: {  	s15 =	sshll.u32 s0, $0xA;
	s2 =	sadd.s32 s3, s2  }
0x8d: {  	s2 =	sadd.s32 s2, s15  }
0x8e: {  	[smem:$0x3FB2] =	sst s2  }
0x8f: {  	_ = 	snop  }
0x90: {  	s16 =	sld [smem:$0x3FD0];
	_ =	sdelay $0x2  }
0x91: {  	s5 =	simm.s32 $0xC;
	s4 =	simm.s32 $0x10;
	s2 =	sld [smem:$0x3FC7]  }
0x92: {  	[smem:s4], [sflag:s5] =	dma.local [hbm:s16], $0x1  }
0x93: {  	_ =	swait.eq [sflag:s5], $0x1  }
0x94: {  	[sflag:s5] =	ssyncset.done $0x0  }
0x95: {  	s17 =	sld [smem:$0x13];
	[sflag:s5] =	ssyncadd.s32 $0xFFFFFFFF  }
0x96: {  	s18 =	sld [smem:$0x14];
	(tm) =	ssettm $0x1  }
0x97: {  	s19 =	sld [smem:$0x3FFB];
	_ =	sdelay $0x3  }
0x98: {  	_ =	strace s19  }
0x99: {  	s3 =	sld [smem:$0x3FFC];
	_ =	sdelay $0x3  }
0x9a: {  	_ =	strace s3  }
0x9b: {  	s3 =	sld [smem:$0x3FFD];
	_ =	sdelay $0x3  }
0x9c: {  	_ =	strace s3  }
0x9d: {  	_ =	strace $0x8FFFFFFF  }
0x9e: {  	s20 =	sld [smem:$0x3FDB];
	_ =	sdelay $0x1  }
0x9f: {  	s6 =	simm.s32 $_scs_section_size  }
0xa0: {  	s7 =	simm.s32 $_size__tile_overlayer_lowered;
	s8 =	simm.s32 $_tile_overlayer_lowered  }
0xa1: {  	s9 =	simm.s32 $0x1BFF;
	s21 =	sshll.u32 s8, $0x1;
	s6 =	sadd.s32 s6, s20  }
0xa2: {  	s22 =	simm.s32 $0x0;
	s7 =	sshll.u32 s7, $0x1;
	s8 =	sadd.s32 s21, s6  }
0xa3: {  	[timem:s22], [sflag:s9] =	dma.local [hbm:s8], s7  }
0xa4: {  	_ =	swait.ge [sflag:s9], s7  }
0xa5: {  	s7 =	ssub.s32 $0x0, s7;
	[sflag:s9] =	ssyncset.done $0x0  }
0xa6: {  	[sflag:s9] =	ssyncadd.s32 s7;
	_ =	sdelay $0x1  }
0xa7: {  	s23 =	simm.s32 $0x1B8B  }
0xa8: {  	_ =	swait.ge [sflag:s23], $0x1  }
0xa9: {  	[sflag:s23] =	ssyncset.done $0x0  }
0xaa: {  	[sflag:s23] =	ssyncadd.s32 $0xFFFFFFFF  }
0xab: {  	s7 =	sld [smem:$0x0]  }
0xac: {  	s8 =	sand.u32 $0xFFFFFFFE, s1  }
0xad: {  	p0 =	sne.s32 s1, s8  }
0xae: {  	s8 =	sshll.u32 @p0 s8, $0xE  }
0xaf: {  	s8 =	sadd.s32 @p0 $0x11B8D, s8;
	s9 =	sshll.u32 @p0 s7, $0x11  }
0xb0: {  	s8 =	sor.u32 @p0 s9, s8  }
0xb1: {  	[sflag:s8] =	ssyncadd.remote.s32 @p0 $0x1;
	_ =	sdelay $0x1  }
0xb2: {  	s8 =	simm.s32 @p0 $0x1B8D  }
0xb3: {  	_ =	swait.eq @p0 [sflag:s8], $0x1  }
0xb4: {  	[sflag:s8] =	ssyncadd.s32 @p0 $0xFFFFFFFF  }
0xb5: {  	s9 =	sshll.u32 @!p0 s1, $0xE  }
0xb6: {  	s9 =	sor.u32 @!p0 $0x4000, s9;
	s8 =	simm.s32 @!p0 $0x1B8D  }
0xb7: {  	s7 =	sshll.u32 @!p0 s7, $0x11;
	s9 =	sadd.s32 @!p0 $0x11B8D, s9;
	_ =	swait.eq @!p0 [sflag:s8], $0x1  }
0xb8: {  	s7 =	sor.u32 @!p0 s7, s9;
	[sflag:s8] =	ssyncadd.s32 @!p0 $0xFFFFFFFF  }
0xb9: {  	s25 =	simm.s32 $0x1B8E;
	s24 =	sld [smem:$0x3FFE];
	[sflag:s7] =	ssyncadd.remote.s32 @!p0 $0x1  }
0xba: {  	s26 =	simm.s32 $execute0_lowered;
	[smem:$0x3FD2] =	sst s25  }
0xbb: {  	s8 =	sshll.u32 s26, $0x1;
	_ =	strace $0x8000004C;
	[dreg:$0x1] =	wrdreg $0xFFFFFFFF  }
0xbc: {  	s28 =	simm.s32 $_size_execute0_lowered;
	s6 =	sadd.s32 s6, s8;
	[dreg:$0x0] =	wrdreg $0x0  }
0xbd: {  	s8 =	sshll.u32 s28, $0x1;
	[dreg:$0x2] =	wrdreg s6  }
0xbe: {  	[dreg:$0x3] =	wrdreg s8  }
0xbf: {  	[dreg:$0x4] =	wrdreg $0xC0  }
0xc0: {  	_ =	task [dreg:s22], $0x5FFFF  }
0xc1: {  	[dreg:$0x1] =	wrdreg $0xFFFFFFFF  }
0xc2: {  	[dreg:$0x0] =	wrdreg $0x60  }
0xc3: {  	[dreg:$0x2] =	wrdreg s2  }
0xc4: {  	[dreg:$0x3] =	wrdreg s17  }
0xc5: {  	[dreg:$0x4] =	wrdreg s18  }
0xc6: {  	[dreg:$0x5] =	wrdreg s24  }
0xc7: {  	[dreg:$0x6] =	wrdreg $0xB  }
0xc8: {  	_ =	task.clear_ibuf [dreg:s22], $0x7FFFF;
	_ =	strace $0x9000004C  }
0xc9: {  	s29 =	simm.s32 $0xB;
	_ =	strace $0x8000004E  }
0xca: {  	_ =	swait.ge [sflag:s29], $0x1  }
0xcb: {  	[sflag:s29] =	ssyncadd.s32 $0xFFFFFFFF  }
0xcc: {  	_ =	strace $0x9000004E  }
0xcd: {  	_ =	sfence  }
0xce: {  	s30 =	sld [smem:$0x0];
	_ =	sdelay $0x2  }
0xcf: {  	s31 =	sshll.u32 s1, $0xD;
	s1 =	sshrl.u32 s1, $0x2  }
0xd0: {  	s4 =	sand.u32 $0x4000, s31;
	s1 =	sadd.s32 s1, s30  }
0xd1: {  	s0 =	sor.u32 s4, s0;
	s1 =	sshll.u32 s1, $0x11  }
0xd2: {  	s0 =	sor.u32 s1, s0  }
0xd3: {  	s0 =	sadd.s32 $0x8F2B, s0  }
0xd4: {  	[sflag:s0] =	ssyncadd.remote.s32 $0x1  }
0xd5: {  	_ =	sfence.sel $0xFFFF  }
0xd6: {  	[dreg:$0x0] =	wrdreg $0xFFFFFFFF;
	(pc) =	sbr.abs _section_cstart, $3  }
0xd7: {  	[dreg:$0x1] =	wrdreg $0xFFFFFFFF  }
0xd8: {  	_ =	task.clear_ibuf [dreg:s22], $0x2FFFF;
	_ =	strace $0x9FFFFFFF  }
0xd9: {  	(tm) =	ssettm $0x7FFFFFFF  }
tec
execute0_lowered:
.L_overlay_start_1:
0x0: {  	(tag) =	ssettag $0x1  }
0x1: {  	s1 =	rddreg [dreg:$0x0]  }
0x2: {  	s0 =	rddreg [dreg:$0x1]  }
0x3: {  	s2 =	rddreg [dreg:$0x2]  }
0x4: {  	s4 =	rddreg [dreg:$0x3]  }
0x5: {  	s5 =	srdreg.scid;
	s15 =	stileid.u32;
	s3 =	simm.s32 $0x0  }
0x6: {  	s16 =	simm.s32 $0x700;
	s17 =	simm.s32 $0xE00;
	s18 =	simm.s32 $0x8E00  }
0x7: {  	s19 =	simm.s32 $0x80;
	s20 =	simm.s32 $0x4E00;
	s21 =	simm.s32 $0xCE00  }
0x8: {  	s30 =	simm.s32 $0x0;
	s11 =	sand.u32 $0x1, s5;
	s25 =	smul.u32 $0x6E000, s15  }
0x9: {  	s22 =	sshll.u32 s15, $0x1;
	s12 =	sadd.s32 $0x32E800, s4;
	s28 =	smul.u32 $0xDC00, s15  }
0xa: {  	[smem:$0x7FF] =	sst s3;
	s13 =	sadd.s32 $0x40A800, s4;
	s14 =	smul.u32 $0x37000, s11  }
0xb: {  	s5 =	sor.u32 s11, s22;
	_ =	strace $0x8000004D;
	s29 =	smul.u32 $0x6E00, s11  }
0xc: {  	s23 =	ssub.s32 $0x2, s11;
	s22 =	simm.s32 $0x1;
	s6 =	smul.u32 $0x6E0, s5  }
0xd: {  	s5 =	smul.u32 $0x37000, s5;
	s7 =	sshrl.u32 s23, $0x1;
	s15 =	sadd.s32 s28, s12  }
0xe: {  	s10 =	ssub.s32 s23, s7;
	s31 =	sadd.s32 s29, s15;
	s15 =	simm.s32 $0x5  }
0xf: {  	s23 =	simm.s32 $0x3;
	s6 =	sshrl.u32 s6, $0x3;
	s8 =	sshrl.u32 s5, $0x3  }
0x10: {  	s10 =	smax.u32 s10, $0x1;
	s6 =	sadd.s32 $0x32A0, s6;
	s24 =	sadd.s32 $0x6000, s8  }
0x11: {  	s26 =	sadd.s32 $0x6800, s8;
	s4 =	sadd.s32 s0, s6;
	s5 =	sadd.s32 s2, s6  }
0x12: {  	s6 =	sadd.s32 s12, s24;
	s7 =	sadd.s32 s13, s24;
	s8 =	sadd.s32 s12, s26  }
0x13: {  	s9 =	sadd.s32 s13, s26;
	s2 =	sadd.s32 s14, s25;
	s0 =	sadd.s32 s28, s13  }
0x14: {  	s24 =	simm.s32 $0x2;
	s25 =	simm.s32 $0x4;
	s2 =	sshrl.u32 s2, $0x3  }
0x15: {  	s26 =	simm.s32 $0x60;
	s0 =	sadd.s32 s29, s0;
	s11 =	sadd.s32 s2, s13  }
0x16: {  	s12 =	sadd.s32 s2, s12;
	s13 =	sadd.s32 $0x800, s31;
	s14 =	sadd.s32 $0x800, s0  }
.LBB2_1:
0x17: {  	[tilespmem:s3], [sflag:$0x5] =	stream.linear.gather [hbm4b:s4+s3], $0x6E0, $0x38;
	[tilespmem:$0x10E00] =	vst v63  }
0x18: {  	_ =	swait.ge [sflag:s15], $0x6E0  }
0x19: {  	[sflag:s15] =	ssyncset.done $0x0  }
0x1a: {  	[sflag:s15] =	ssyncadd.s32 $0xFFFFF920  }
0x1b: {  	[tilespmem:s16], [sflag:$0x5] =	stream.linear.gather [hbm4b:s5+s3], $0x6E0, $0x38;
	[tilespmem:$0x10E00] =	vst v63  }
0x1c: {  	_ =	swait.ge [sflag:s15], $0x6E0  }
0x1d: {  	[sflag:s15] =	ssyncset.done $0x0  }
0x1e: {  	[sflag:s15] =	ssyncadd.s32 $0xFFFFF920  }
0x1f: {  	[tilespmem:s17], [sflag:$0x1] =	stream.indirect.gather [hbm4b:s1+s19], $0x80, s3, s19, $0xb8;
	[tilespmem:$0x10E00] =	vst v63  }
0x20: {  	_ = 	snop  }
0x21: {  	[tilespmem:s18], [sflag:$0x3] =	stream.indirect.gather [hbm4b:s1+s19], $0x80, s16, s19, $0xb8;
	[tilespmem:$0x10E00] =	vst v63  }
0x22: {  	_ = 	snop  }
0x23: {  	[tilespmem:s20], [sflag:$0x2] =	stream.indirect.gather [hbm4b:s1+s19], $0x80, s19, s19, $0xb8;
	[tilespmem:$0x10E00] =	vst v63  }
0x24: {  	s31 =	simm.s32 $0x780  }
0x25: {  	[tilespmem:s21], [sflag:$0x4] =	stream.indirect.gather [hbm4b:s1+s19], $0x80, s31, s19, $0xb8;
	[tilespmem:$0x10E00] =	vst v63  }
0x26: {  	_ =	swait.ge [sflag:s22], $0x4000  }
0x27: {  	[sflag:s22] =	ssyncset.done $0x0  }
0x28: {  	[sflag:s22] =	ssyncadd.s32 $0xFFFFC000  }
0x29: {  	_ =	swait.ge [sflag:s23], $0x4000  }
0x2a: {  	[sflag:s23] =	ssyncset.done $0x0  }
0x2b: {  	s0 =	sadd.s32 $0x0, s12;
	[sflag:s23] =	ssyncadd.s32 $0xFFFFC000  }
0x2c: {  	[hbm4b:s0+s3] =	stream.linear.scatter [tilespmem:s17], [sflag:$0x5], $0x4000, $0x38;
	[tilespmem:$0x10E00] =	vst v63  }
0x2d: {  	_ =	swait.ge [sflag:s15], $0x4000  }
0x2e: {  	[sflag:s15] =	ssyncset.done $0x0  }
0x2f: {  	s28 =	sadd.s32 $0x0, s11;
	[sflag:s15] =	ssyncadd.s32 $0xFFFFC000  }
0x30: {  	[hbm4b:s28+s3] =	stream.linear.scatter [tilespmem:s18], [sflag:$0x5], $0x4000, $0x38;
	[tilespmem:$0x10E00] =	vst v63  }
0x31: {  	_ =	swait.ge [sflag:s15], $0x4000  }
0x32: {  	[sflag:s15] =	ssyncset.done $0x0  }
0x33: {  	s29 =	simm.s32 $0x100;
	[sflag:s15] =	ssyncadd.s32 $0xFFFFC000  }
0x34: {  	[tilespmem:s17], [sflag:$0x1] =	stream.indirect.gather [hbm4b:s1+s19], $0x80, s29, s19, $0xb8;
	[tilespmem:$0x10E00] =	vst v63  }
0x35: {  	s2 =	simm.s32 $0x800  }
0x36: {  	[tilespmem:s18], [sflag:$0x3] =	stream.indirect.gather [hbm4b:s1+s19], $0x80, s2, s19, $0xb8;
	[tilespmem:$0x10E00] =	vst v63  }
0x37: {  	_ =	swait.ge [sflag:s24], $0x4000  }
0x38: {  	[sflag:s24] =	ssyncset.done $0x0  }
0x39: {  	[sflag:s24] =	ssyncadd.s32 $0xFFFFC000  }
0x3a: {  	_ =	swait.ge [sflag:s25], $0x4000  }
0x3b: {  	[sflag:s25] =	ssyncset.done $0x0  }
0x3c: {  	s28 =	sadd.s32 $0x0, s13;
	[sflag:s25] =	ssyncadd.s32 $0xFFFFC000  }
0x3d: {  	[hbm4b:s28+s3] =	stream.linear.scatter [tilespmem:s20], [sflag:$0x5], $0x4000, $0x38;
	[tilespmem:$0x10E00] =	vst v63  }
0x3e: {  	_ =	swait.ge [sflag:s15], $0x4000  }
0x3f: {  	[sflag:s15] =	ssyncset.done $0x0  }
0x40: {  	s29 =	sadd.s32 $0x0, s14;
	[sflag:s15] =	ssyncadd.s32 $0xFFFFC000  }
0x41: {  	[hbm4b:s29+s3] =	stream.linear.scatter [tilespmem:s21], [sflag:$0x5], $0x4000, $0x38;
	[tilespmem:$0x10E00] =	vst v63  }
0x42: {  	_ =	swait.ge [sflag:s15], $0x4000  }
0x43: {  	s0 =	simm.s32 $0x1000;
	s2 =	simm.s32 $0x80;
	[sflag:s15] =	ssyncset.done $0x0  }
.LBB2_2:
0x44: {  	[sflag:s15] =	ssyncadd.s32 $0xFFFFC000;
	s2 =	sadd.s32 $0x100, s2;
	s31 =	sadd.s32 $0x100, s31  }
0x45: {  	[tilespmem:s20], [sflag:$0x2] =	stream.indirect.gather [hbm4b:s1+s19], $0x80, s2, s19, $0xb8;
	[tilespmem:$0x10E00] =	vst v63  }
0x46: {  	p0 =	sne.s32 s0, $0x5000;
	s28 =	smov.u32 s0;
	s0 =	sadd.s32 $0x1000, s0  }
0x47: {  	[tilespmem:s21], [sflag:$0x4] =	stream.indirect.gather [hbm4b:s1+s19], $0x80, s31, s19, $0xb8;
	[tilespmem:$0x10E00] =	vst v63  }
0x48: {  	_ =	swait.ge [sflag:s22], $0x4000  }
0x49: {  	[sflag:s22] =	ssyncset.done $0x0  }
0x4a: {  	[sflag:s22] =	ssyncadd.s32 $0xFFFFC000  }
0x4b: {  	_ =	swait.ge [sflag:s23], $0x4000  }
0x4c: {  	[sflag:s23] =	ssyncset.done $0x0  }
0x4d: {  	s29 =	sadd.s32 s28, s12;
	[sflag:s23] =	ssyncadd.s32 $0xFFFFC000  }
0x4e: {  	[hbm4b:s29+s3] =	stream.linear.scatter [tilespmem:s17], [sflag:$0x5], $0x4000, $0x38;
	[tilespmem:$0x10E00] =	vst v63  }
0x4f: {  	_ =	swait.ge [sflag:s15], $0x4000  }
0x50: {  	[sflag:s15] =	ssyncset.done $0x0  }
0x51: {  	s29 =	sadd.s32 s28, s11;
	[sflag:s15] =	ssyncadd.s32 $0xFFFFC000  }
0x52: {  	[hbm4b:s29+s3] =	stream.linear.scatter [tilespmem:s18], [sflag:$0x5], $0x4000, $0x38;
	[tilespmem:$0x10E00] =	vst v63  }
0x53: {  	_ =	swait.ge [sflag:s15], $0x4000  }
0x54: {  	[sflag:s15] =	ssyncset.done $0x0  }
0x55: {  	s29 =	sadd.s32 $0x80, s2;
	[sflag:s15] =	ssyncadd.s32 $0xFFFFC000  }
0x56: {  	[tilespmem:s17], [sflag:$0x1] =	stream.indirect.gather [hbm4b:s1+s19], $0x80, s29, s19, $0xb8;
	[tilespmem:$0x10E00] =	vst v63  }
0x57: {  	s29 =	sadd.s32 $0x80, s31  }
0x58: {  	[tilespmem:s18], [sflag:$0x3] =	stream.indirect.gather [hbm4b:s1+s19], $0x80, s29, s19, $0xb8;
	[tilespmem:$0x10E00] =	vst v63  }
0x59: {  	_ =	swait.ge [sflag:s24], $0x4000  }
0x5a: {  	[sflag:s24] =	ssyncset.done $0x0  }
0x5b: {  	[sflag:s24] =	ssyncadd.s32 $0xFFFFC000  }
0x5c: {  	_ =	swait.ge [sflag:s25], $0x4000  }
0x5d: {  	[sflag:s25] =	ssyncset.done $0x0  }
0x5e: {  	s29 =	sadd.s32 s28, s13;
	[sflag:s25] =	ssyncadd.s32 $0xFFFFC000  }
0x5f: {  	[hbm4b:s29+s3] =	stream.linear.scatter [tilespmem:s20], [sflag:$0x5], $0x4000, $0x38;
	[tilespmem:$0x10E00] =	vst v63  }
0x60: {  	_ =	swait.ge [sflag:s15], $0x4000  }
.Ltmp0:
0x61: {  	[sflag:s15] =	ssyncset.done $0x0;
	(pc) =	sbr.rel @p0 .LBB2_2-.Ltmp0, $4  }
0x62: {  	s28 =	sadd.s32 s28, s14;
	[sflag:s15] =	ssyncadd.s32 $0xFFFFC000  }
0x63: {  	[hbm4b:s28+s3] =	stream.linear.scatter [tilespmem:s21], [sflag:$0x5], $0x4000, $0x38;
	[tilespmem:$0x10E00] =	vst v63  }
0x64: {  	_ =	swait.ge [sflag:s15], $0x4000  }
0x65: {  	[sflag:s15] =	ssyncset.done $0x0  }
0x66: {  	[sflag:s15] =	ssyncadd.s32 $0xFFFFC000;
	s0 =	simm.s32 $0x680  }
0x67: {  	[tilespmem:s20], [sflag:$0x2] =	stream.indirect.gather [hbm4b:s1+s26], $0x80, s0, s26, $0xb8;
	[tilespmem:$0x10E00] =	vst v63  }
0x68: {  	s31 =	simm.s32 $0xD80  }
0x69: {  	[tilespmem:s21], [sflag:$0x4] =	stream.indirect.gather [hbm4b:s1+s26], $0x80, s31, s26, $0xb8;
	[tilespmem:$0x10E00] =	vst v63  }
0x6a: {  	_ =	swait.ge [sflag:s22], $0x4000  }
0x6b: {  	[sflag:s22] =	ssyncset.done $0x0  }
0x6c: {  	[sflag:s22] =	ssyncadd.s32 $0xFFFFC000  }
0x6d: {  	_ =	swait.ge [sflag:s23], $0x4000  }
0x6e: {  	[sflag:s23] =	ssyncset.done $0x0  }
0x6f: {  	[sflag:s23] =	ssyncadd.s32 $0xFFFFC000  }
0x70: {  	[hbm4b:s6+s3] =	stream.linear.scatter [tilespmem:s17], [sflag:$0x5], $0x4000, $0x38;
	[tilespmem:$0x10E00] =	vst v63  }
0x71: {  	_ =	swait.ge [sflag:s15], $0x4000  }
0x72: {  	[sflag:s15] =	ssyncset.done $0x0  }
0x73: {  	[sflag:s15] =	ssyncadd.s32 $0xFFFFC000  }
0x74: {  	[hbm4b:s7+s3] =	stream.linear.scatter [tilespmem:s18], [sflag:$0x5], $0x4000, $0x38;
	[tilespmem:$0x10E00] =	vst v63  }
0x75: {  	_ =	swait.ge [sflag:s15], $0x4000  }
0x76: {  	[sflag:s15] =	ssyncset.done $0x0  }
0x77: {  	[sflag:s15] =	ssyncadd.s32 $0xFFFFC000  }
0x78: {  	_ =	swait.ge [sflag:s24], $0x3000  }
0x79: {  	[sflag:s24] =	ssyncset.done $0x0  }
0x7a: {  	[sflag:s24] =	ssyncadd.s32 $0xFFFFD000  }
0x7b: {  	_ =	swait.ge [sflag:s25], $0x3000  }
0x7c: {  	[sflag:s25] =	ssyncset.done $0x0  }
0x7d: {  	[sflag:s25] =	ssyncadd.s32 $0xFFFFD000  }
0x7e: {  	[hbm4b:s8+s3] =	stream.linear.scatter [tilespmem:s20], [sflag:$0x5], $0x3000, $0x38;
	[tilespmem:$0x10E00] =	vst v63  }
0x7f: {  	s30 =	sadd.s32 $0x1, s30;
	_ =	swait.ge [sflag:s15], $0x3000  }
0x80: {  	p0 =	sne.s32 s30, s10;
	[sflag:s15] =	ssyncset.done $0x0  }
.Ltmp1:
0x81: {  	[sflag:s15] =	ssyncadd.s32 $0xFFFFD000;
	(pc) =	sbr.rel @p0 .LBB2_1-.Ltmp1, $4  }
0x82: {  	[hbm4b:s9+s3] =	stream.linear.scatter [tilespmem:s21], [sflag:$0x5], $0x3000, $0x38;
	[tilespmem:$0x10E00] =	vst v63  }
0x83: {  	_ =	swait.ge [sflag:s15], $0x3000  }
0x84: {  	[sflag:s15] =	ssyncset.done $0x0  }
0x85: {  	[sflag:s15] =	ssyncadd.s32 $0xFFFFD000  }
0x86: {  	_ =	sfence.sel $0x180000  }
0x87: {  	[bflag:$0x0] =	sbarrier.arrive $0xFFFF  }
0x88: {  	_ =	strace $0x9000004D  }
0x89: {  	s0 =	stileid.u32;
	[bflag:$0x2] =	sbarrier.arrive $0xFFFF  }
0x8a: {  	p0 =	sne.s32 s0, $0x0;
	s0 =	rddreg [dreg:$0x4]  }
0x8b: {  	s0 =	sadd.s32 @!p0 $0x100000, s0  }
0x8c: {  	[sflag:s0] =	ssyncadd.tile.s32 @!p0 $0x1;
	_ =	shalt  }
.Lfunc_end2:
_tile_overlayer_lowered:
.L_overlay_start_2:
0x8d: {  	(tag) =	ssettag $0x2  }
0x8e: {  	s0 =	rddreg [dreg:$0x0];
	s2 =	stileid.u32  }
0x8f: {  	s1 =	rddreg [dreg:$0x1];
	p0 =	sne.s32 s2, $0x0  }
0x90: {  	s3 =	rddreg [dreg:$0x2];
	[bflag:$0x3] =	sbarrier.arrive $0xFFFF;
	s2 =	simm.s32 @!p0 $0x1C05  }
0x91: {  	[timem:s3], [sflag:s2] =	dma.local @!p0 [hbm:s0], s1  }
0x92: {  	s0 =	simm.s32 @!p0 $0x5  }
0x93: {  	_ =	swait.ge @!p0 [sflag:s0], s1  }
0x94: {  	s1 =	ssub.s32 @!p0 $0x0, s1;
	[sflag:s0] =	ssyncset.done @!p0 $0x0  }
0x95: {  	[sflag:s0] =	ssyncadd.s32 @!p0 s1  }
0x96: {  	[bflag:$0x3] =	sbarrier.arrive $0xFFFF  }
0x97: {  	_ =	shalt  }

// kernel: kernel.19.cloned.1.call-start
scs
__scs_entry_jumppad:
0x0: {  	(pc) =	sbr.rel $0x88, $3  }
0x1: {  	(tag) =	ssettag $0x0;
	lr =	simm.s32 $0x1  }
0x2: {  	[smem:$0x3F8B] =	sst lr;
	_ =	strace $0xD0000000  }
0x3: {  	_ = 	snop  }
0x4: {  	_ = 	snop  }
0x5: {  	_ = 	snop  }
0x6: {  	_ = 	snop  }
0x7: {  	_ = 	snop  }
__scs_overlays_trampoline_lowered:
0x8: {  	[smem:$0x3F9A] =	sst s0  }
0x9: {  	[smem:$0x3F9B] =	sst s1  }
0xa: {  	[smem:$0x3F9C] =	sst s2  }
0xb: {  	[smem:$0x3F9D] =	sst s3  }
0xc: {  	[smem:$0x3F9E] =	sst s4  }
0xd: {  	[smem:$0x3F9F] =	sst s5  }
0xe: {  	[smem:$0x3FA0] =	sst s6  }
0xf: {  	[smem:$0x3FA1] =	sst s7  }
0x10: {  	[smem:$0x3FA2] =	sst s8  }
0x11: {  	[smem:$0x3FA3] =	sst s9;
	s0 =	simm.s32 @!p0 $0x0  }
0x12: {  	s1 =	sld [smem:$0x3F89];
	s0 =	simm.s32 @p0 $0x1  }
0x13: {  	[smem:$0x3FA4] =	sst s0;
	s0 =	simm.s32 @!p1 $0x0  }
0x14: {  	s2 =	sld [smem:$0x3F88];
	s0 =	simm.s32 @p1 $0x1  }
0x15: {  	[smem:$0x3FA5] =	sst s0;
	s0 =	simm.s32 @!p2 $0x0  }
0x16: {  	s3 =	sld [smem:$0x3FDB];
	s0 =	simm.s32 @p2 $0x1  }
0x17: {  	s4 =	simm.s32 $0x1BF5;
	[smem:$0x3FA7] =	sst s0  }
0x18: {  	s0 =	sld [smem:$0x3F8A];
	_ =	swait.ge [sflag:s4], $0x0  }
0x19: {  	s7 =	sld [smem:$0x3F8B]  }
0x1a: {  	s8 =	sadd.s32 $0xFFFFE003, lr  }
0x1b: {  	s9 =	sadd.s32 $0xFFFFFEF7, lr;
	s5 =	simm.s32 $0xFFFFFFFF;
	p2 =	slt.u32 s8, $0xFFFFF086  }
0x1c: {  	p1 =	slt.u32 s9, $0xF7A;
	s5 =	simm.s32 @!p2 $0x0  }
0x1d: {  	s5 =	simm.s32 @p1 $0x1;
	p0 =	seq.s32 s7, s2  }
0x1e: {  	s7 =	smul.u32 @!p0 $0xF7A, s2;
	p2 =	seq.s32 @!p0 s5, $0x0  }
0x1f: {  	s9 =	smul.u32 $0xF7A, s1;
	s8 =	simm.s32 @!p0 $0x1BF5;
	p2 =	por !p2, p0  }
0x20: {  	[sflag:s8] =	ssyncset.s32 @!p0 $0xFFFFF086;
	s6 =	sadd.s32 @!p0 s3, s7;
	s7 =	simm.s32 @!p0 $0x108  }
0x21: {  	s3 =	sadd.s32 s3, s9;
	s6 =	sadd.s32 @!p0 $0x88, s6;
	s7 =	simm.s32 @p2 $0x1082  }
0x22: {  	[simem:s7], [sflag:s8] =	dma.local @!p0 [hbm:s6], $0xF7A  }
0x23: {  	s9 =	sor.u32 $0xD0000000, s2;
	s6 =	simm.s32 $0x108;
	_ =	swait.ge @!p0 [sflag:s8], $0x0  }
0x24: {  	s3 =	sadd.s32 $0x88, s3;
	s6 =	simm.s32 @!p1 $0x1082;
	[sflag:s4] =	ssyncset.s32 $0xFFFFF086  }
0x25: {  	[simem:s6], [sflag:s4] =	dma.local [hbm:s3], $0xF7A  }
0x26: {  	[smem:$0x3F8B] =	sst s1;
	(tag) =	ssettag s2;
	_ =	strace s9  }
0x27: {  	s1 =	sld [smem:$0x3F9B]  }
0x28: {  	s2 =	sld [smem:$0x3F9C]  }
0x29: {  	s4 =	sld [smem:$0x3F9E]  }
0x2a: {  	p0 =	seq.s32 s5, $0x0;
	s5 =	sld [smem:$0x3F9F]  }
0x2b: {  	s6 =	sld [smem:$0x3FA0]  }
0x2c: {  	s7 =	sld [smem:$0x3FA1]  }
0x2d: {  	s3 =	simm.s32 $0x108;
	s8 =	sld [smem:$0x3FA2]  }
0x2e: {  	s3 =	simm.s32 @!p0 $0x1082;
	s9 =	sld [smem:$0x3FA3]  }
0x2f: {  	lr =	sadd.s32 s0, s3;
	s0 =	sld [smem:$0x3F9A]  }
0x30: {  	s3 =	sld [smem:$0x3F9D]  }
0x31: {  	[smem:$0x3FA6] =	sst s10  }
0x32: {  	s10 =	sld [smem:$0x3FA4];
	_ =	sdelay $0x3  }
0x33: {  	p0 =	seq.s32 s10, $0x1;
	s10 =	sld [smem:$0x3FA6];
	_ =	sdelay $0x3  }
0x34: {  	[smem:$0x3FA6] =	sst s10  }
0x35: {  	s10 =	sld [smem:$0x3FA5];
	_ =	sdelay $0x3  }
0x36: {  	p1 =	seq.s32 s10, $0x1;
	s10 =	sld [smem:$0x3FA6];
	_ =	sdelay $0x3  }
0x37: {  	[smem:$0x3FA6] =	sst s10  }
0x38: {  	s10 =	sld [smem:$0x3FA7]  }
0x39: {  	_ = 	snop;
	(pc) =	sbr.ind lr, $3  }
0x3a: {  	_ = 	snop  }
0x3b: {  	_ = 	snop  }
0x3c: {  	p2 =	seq.s32 s10, $0x1;
	s10 =	sld [smem:$0x3FA6]  }
0x3d: {  	_ =	shalt  }
0x3e: {  	_ =	shalt  }
0x3f: {  	_ =	shalt  }
0x40: {  	_ =	shalt  }
0x41: {  	_ =	shalt  }
0x42: {  	_ =	shalt  }
0x43: {  	_ =	shalt  }
0x44: {  	_ =	shalt  }
0x45: {  	_ =	shalt  }
0x46: {  	_ =	shalt  }
0x47: {  	_ =	shalt  }
0x48: {  	_ =	shalt  }
0x49: {  	_ =	shalt  }
0x4a: {  	_ =	shalt  }
0x4b: {  	_ =	shalt  }
0x4c: {  	_ =	shalt  }
0x4d: {  	_ =	shalt  }
0x4e: {  	_ =	shalt  }
0x4f: {  	_ =	shalt  }
0x50: {  	_ =	shalt  }
0x51: {  	_ =	shalt  }
0x52: {  	_ =	shalt  }
0x53: {  	_ =	shalt  }
0x54: {  	_ =	shalt  }
0x55: {  	_ =	shalt  }
0x56: {  	_ =	shalt  }
0x57: {  	_ =	shalt  }
0x58: {  	_ =	shalt  }
0x59: {  	_ =	shalt  }
0x5a: {  	_ =	shalt  }
0x5b: {  	_ =	shalt  }
0x5c: {  	_ =	shalt  }
0x5d: {  	_ =	shalt  }
0x5e: {  	_ =	shalt  }
0x5f: {  	_ =	shalt  }
0x60: {  	_ =	shalt  }
0x61: {  	_ =	shalt  }
0x62: {  	_ =	shalt  }
0x63: {  	_ =	shalt  }
0x64: {  	_ =	shalt  }
0x65: {  	_ =	shalt  }
0x66: {  	_ =	shalt  }
0x67: {  	_ =	shalt  }
0x68: {  	_ =	shalt  }
0x69: {  	_ =	shalt  }
0x6a: {  	_ =	shalt  }
0x6b: {  	_ =	shalt  }
0x6c: {  	_ =	shalt  }
0x6d: {  	_ =	shalt  }
0x6e: {  	_ =	shalt  }
0x6f: {  	_ =	shalt  }
0x70: {  	_ =	shalt  }
0x71: {  	_ =	shalt  }
0x72: {  	_ =	shalt  }
0x73: {  	_ =	shalt  }
0x74: {  	_ =	shalt  }
0x75: {  	_ =	shalt  }
0x76: {  	_ =	shalt  }
0x77: {  	_ =	shalt  }
0x78: {  	_ =	shalt  }
0x79: {  	_ =	shalt  }
0x7a: {  	_ =	shalt  }
0x7b: {  	_ =	shalt  }
0x7c: {  	_ =	shalt  }
0x7d: {  	_ =	shalt  }
0x7e: {  	_ =	shalt  }
0x7f: {  	_ =	shalt  }
0x80: {  	_ =	shalt  }
0x81: {  	_ =	shalt  }
0x82: {  	_ =	shalt  }
0x83: {  	_ =	shalt  }
0x84: {  	_ =	shalt  }
0x85: {  	_ =	shalt  }
0x86: {  	_ =	shalt  }
0x87: {  	_ =	shalt  }
.Lfunc_end0:
.L_simem_size_0:
called_computation.3_lowered:
.L_overlay_start_0:
0x88: {  	s2 =	sld [smem:$0x3FD9]  }
0x89: {  	s3 =	sld [smem:$0x3FFE];
	_ =	sdelay $0x1  }
0x8a: {  	s1 =	srdreg.scid  }
0x8b: {  	s0 =	sand.u32 $0x1, s1  }
0x8c: {  	s14 =	sshll.u32 s0, $0xA;
	s2 =	sadd.s32 s3, s2  }
0x8d: {  	s2 =	sadd.s32 s2, s14  }
0x8e: {  	[smem:$0x3FB2] =	sst s2  }
0x8f: {  	_ = 	snop  }
0x90: {  	s2 =	sld [smem:$0x3FD0];
	_ =	sdelay $0x2  }
0x91: {  	s15 =	simm.s32 $0xC;
	s4 =	simm.s32 $0x10  }
0x92: {  	[smem:s4], [sflag:s15] =	dma.local [hbm:s2], $0x1  }
0x93: {  	_ =	swait.eq [sflag:s15], $0x1  }
0x94: {  	s16 =	sld [smem:$0x10];
	[sflag:s15] =	ssyncset.done $0x0  }
0x95: {  	s17 =	sld [smem:$0x14];
	[sflag:s15] =	ssyncadd.s32 $0xFFFFFFFF  }
0x96: {  	s18 =	sld [smem:$0x15];
	(tm) =	ssettm $0x1  }
0x97: {  	s5 =	sld [smem:$0x3FFB];
	_ =	sdelay $0x3  }
0x98: {  	_ =	strace s5  }
0x99: {  	s5 =	sld [smem:$0x3FFC];
	_ =	sdelay $0x3  }
0x9a: {  	_ =	strace s5  }
0x9b: {  	s5 =	sld [smem:$0x3FFD];
	_ =	sdelay $0x3  }
0x9c: {  	_ =	strace s5  }
0x9d: {  	_ =	strace $0x8FFFFFFF  }
0x9e: {  	s19 =	sld [smem:$0x3FDB];
	_ =	sdelay $0x1  }
0x9f: {  	s6 =	simm.s32 $_scs_section_size  }
0xa0: {  	s7 =	simm.s32 $_size__tile_overlayer_lowered;
	s8 =	simm.s32 $_tile_overlayer_lowered  }
0xa1: {  	s22 =	simm.s32 $0x1BFF;
	s21 =	sshll.u32 s8, $0x1;
	s5 =	sadd.s32 s6, s19  }
0xa2: {  	s9 =	simm.s32 $0x0;
	s20 =	sshll.u32 s7, $0x1;
	s7 =	sadd.s32 s21, s5  }
0xa3: {  	[timem:s9], [sflag:s22] =	dma.local [hbm:s7], s20  }
0xa4: {  	_ =	swait.ge [sflag:s22], s20  }
0xa5: {  	s6 =	ssub.s32 $0x0, s20;
	[sflag:s22] =	ssyncset.done $0x0  }
0xa6: {  	[sflag:s22] =	ssyncadd.s32 s6;
	_ =	sdelay $0x1  }
0xa7: {  	s23 =	simm.s32 $0x1B8B  }
0xa8: {  	_ =	swait.ge [sflag:s23], $0x1  }
0xa9: {  	[sflag:s23] =	ssyncset.done $0x0  }
0xaa: {  	s25 =	simm.s32 $0x1B8E;
	s24 =	sld [smem:$0x3FFE];
	[sflag:s23] =	ssyncadd.s32 $0xFFFFFFFF  }
0xab: {  	s26 =	simm.s32 $execute0_lowered;
	[smem:$0x3FD2] =	sst s25  }
0xac: {  	s7 =	sshll.u32 s26, $0x1;
	_ =	strace $0x8000004F;
	[dreg:$0x1] =	wrdreg $0xFFFFFFFF  }
0xad: {  	s28 =	simm.s32 $_size_execute0_lowered;
	s5 =	sadd.s32 s5, s7;
	[dreg:$0x0] =	wrdreg $0x0  }
0xae: {  	s7 =	sshll.u32 s28, $0x1;
	[dreg:$0x2] =	wrdreg s5  }
0xaf: {  	[dreg:$0x3] =	wrdreg s7  }
0xb0: {  	[dreg:$0x4] =	wrdreg $0xC0  }
0xb1: {  	_ =	task [dreg:s9], $0x5FFFF  }
0xb2: {  	[dreg:$0x1] =	wrdreg $0xFFFFFFFF  }
0xb3: {  	[dreg:$0x0] =	wrdreg $0x60  }
0xb4: {  	[dreg:$0x2] =	wrdreg s16  }
0xb5: {  	[dreg:$0x3] =	wrdreg s18  }
0xb6: {  	[dreg:$0x4] =	wrdreg s17  }
0xb7: {  	[dreg:$0x5] =	wrdreg s24  }
0xb8: {  	[dreg:$0x6] =	wrdreg $0x0  }
0xb9: {  	[dreg:$0x7] =	wrdreg $0x9  }
0xba: {  	_ =	task.clear_ibuf [dreg:s9], $0x8FFFF;
	_ =	strace $0x9000004F  }
0xbb: {  	s29 =	simm.s32 $0x9;
	_ =	strace $0x80000051  }
0xbc: {  	_ =	swait.ge [sflag:s29], $0x1  }
0xbd: {  	[sflag:s29] =	ssyncadd.s32 $0xFFFFFFFF  }
0xbe: {  	_ =	strace $0x90000051  }
0xbf: {  	_ =	sfence  }
0xc0: {  	s30 =	sld [smem:$0x0];
	_ =	sdelay $0x2  }
0xc1: {  	s31 =	sshll.u32 s1, $0xD;
	s1 =	sshrl.u32 s1, $0x2  }
0xc2: {  	s3 =	sand.u32 $0x4000, s31;
	s1 =	sadd.s32 s1, s30  }
0xc3: {  	s0 =	sor.u32 s3, s0;
	s1 =	sshll.u32 s1, $0x11  }
0xc4: {  	s0 =	sor.u32 s1, s0  }
0xc5: {  	s0 =	sadd.s32 $0x8F2B, s0  }
0xc6: {  	[sflag:s0] =	ssyncadd.remote.s32 $0x1  }
0xc7: {  	_ =	sfence.sel $0xFFFF  }
0xc8: {  	[dreg:$0x0] =	wrdreg $0xFFFFFFFF;
	(pc) =	sbr.abs _section_cstart, $3  }
0xc9: {  	[dreg:$0x1] =	wrdreg $0xFFFFFFFF  }
0xca: {  	_ =	task.clear_ibuf [dreg:s9], $0x2FFFF;
	_ =	strace $0x9FFFFFFF  }
0xcb: {  	(tm) =	ssettm $0x7FFFFFFF  }
tec
execute0_lowered:
.L_overlay_start_1:
0x0: {  	(tag) =	ssettag $0x1  }
0x1: {  	s0 =	rddreg [dreg:$0x0]  }
0x2: {  	s1 =	rddreg [dreg:$0x1];
	s18 =	stileid.u32  }
0x3: {  	s2 =	rddreg [dreg:$0x3];
	s21 =	smul.u32 $0x50000, s18  }
0x4: {  	s4 =	rddreg [dreg:$0x4];
	s5 =	simm.s32 $0x0;
	s12 =	smul.u32 $0x14000, s18  }
0x5: {  	s3 =	srdreg.scid;
	s28 =	simm.s32 $0x3;
	s16 =	smul.u32 $0x138800, s18  }
0x6: {  	s3 =	sand.u32 $0x1, s3;
	s6 =	sshll.u32 s18, $0x1;
	s18 =	smul.u32 $0x27100, s18  }
0x7: {  	s29 =	simm.s32 $0x18400;
	s30 =	simm.s32 $0x1;
	s11 =	smul.u32 $0x140000, s3  }
0x8: {  	s31 =	simm.s32 $0x80;
	s8 =	sor.u32 s3, s6;
	s17 =	smul.u32 $0x9C400, s3  }
0x9: {  	[smem:$0x7FF] =	sst s5;
	s2 =	sadd.s32 $0x4800, s2;
	s10 =	smul.u32 $0x9C400, s8  }
0xa: {  	s7 =	ssub.s32 $0x2, s3;
	_ =	strace $0x80000050;
	s22 =	smul.u32 $0x13880, s8  }
0xb: {  	s9 =	sshrl.u32 s7, $0x1;
	s6 =	sshrl.u32 s21, $0x2;
	s8 =	smul.u32 $0x1400, s8  }
0xc: {  	s21 =	smul.u32 $0x13880, s3;
	s7 =	ssub.s32 s7, s9;
	s6 =	sadd.s32 s6, s4  }
0xd: {  	s24 =	sadd.s32 s11, s12;
	s20 =	sadd.s32 s17, s16;
	s9 =	sadd.s32 s0, s22  }
0xe: {  	s10 =	sshrl.u32 s10, $0x3;
	s7 =	smax.u32 s7, $0x1;
	[dreg:$0x6] =	wrdreg s9  }
0xf: {  	s25 =	sadd.s32 $0x4000, s6;
	s22 =	sadd.s32 $0x4000, s20;
	[dreg:$0x8] =	wrdreg s7  }
0x10: {  	s10 =	sadd.s32 s0, s10;
	s9 =	sadd.s32 $0x4000, s12;
	[dreg:$0x9] =	wrdreg s25  }
0x11: {  	s7 =	sshrl.u32 s24, $0x3;
	s24 =	sadd.s32 s18, s0;
	s25 =	sadd.s32 $0xC000, s6  }
0x12: {  	s3 =	sshrl.u32 s22, $0x3;
	s23 =	sadd.s32 $0x13800, s10;
	[dreg:$0x10] =	wrdreg s25  }
0x13: {  	s26 =	sadd.s32 s11, s9;
	s7 =	sadd.s32 s2, s7;
	[dreg:$0x7] =	wrdreg s23  }
0x14: {  	s10 =	sadd.s32 $0x8000, s12;
	[dreg:$0xa] =	wrdreg s7;
	s13 =	sshrl.u32 s26, $0x3  }
0x15: {  	s14 =	sadd.s32 s11, s10;
	s23 =	sadd.s32 $0x8000, s6;
	s26 =	sadd.s32 $0x10000, s6  }
0x16: {  	s22 =	sadd.s32 s10, s4;
	s7 =	sadd.s32 s2, s13;
	[dreg:$0xf] =	wrdreg s23  }
0x17: {  	s13 =	sadd.s32 $0xC000, s12;
	s12 =	sadd.s32 $0x10000, s12;
	[dreg:$0x11] =	wrdreg s26  }
0x18: {  	s26 =	simm.s32 $0x14400;
	[dreg:$0xb] =	wrdreg s7;
	s7 =	sshrl.u32 s14, $0x3  }
0x19: {  	s14 =	sadd.s32 s11, s13;
	s19 =	sadd.s32 s11, s12;
	s7 =	sadd.s32 s2, s7  }
0x1a: {  	s23 =	sadd.s32 s13, s4;
	s15 =	sshrl.u32 s14, $0x3;
	[dreg:$0xc] =	wrdreg s7  }
0x1b: {  	s15 =	sadd.s32 s2, s15;
	s7 =	sshrl.u32 s19, $0x3;
	s19 =	sadd.s32 s3, s0  }
0x1c: {  	s0 =	simm.s32 $0x2;
	[dreg:$0xd] =	wrdreg s15;
	s2 =	sadd.s32 s2, s7  }
0x1d: {  	s3 =	simm.s32 $0x0;
	[dreg:$0xe] =	wrdreg s2;
	s2 =	sadd.s32 s21, s24  }
0x1e: {  	s21 =	sadd.s32 s9, s4;
	s24 =	sadd.s32 s12, s4;
	s25 =	sadd.s32 $0x1000, s2  }
.LBB2_1:
0x1f: {  	s2 =	rddreg [dreg:$0x2]  }
0x20: {  	[tilespmem:s26], [sflag:$0x3] =	stream.linear.gather [hbm4b:s2+s5], $0x4000, $0x38;
	[tilespmem:$0x1C400] =	vst v63  }
0x21: {  	_ =	swait.ge [sflag:s28], $0x4000  }
0x22: {  	[sflag:s28] =	ssyncset.done $0x0  }
0x23: {  	[sflag:s28] =	ssyncadd.s32 $0xFFFFC000  }
0x24: {  	[spmem:s6] =	stream.linear.scatter [tilespmem:s26], [sflag:$0x3], $0x4000, $0x38;
	[tilespmem:$0x1C400] =	vst v63  }
0x25: {  	_ =	swait.ge [sflag:s28], $0x4000  }
0x26: {  	[sflag:s28] =	ssyncset.done $0x0  }
0x27: {  	s14 =	rddreg [dreg:$0x9];
	[sflag:s28] =	ssyncadd.s32 $0xFFFFC000  }
0x28: {  	[spmem:s14] =	stream.linear.scatter [tilespmem:s26], [sflag:$0x3], $0x4000, $0x38;
	[tilespmem:$0x1C400] =	vst v63  }
0x29: {  	_ =	swait.ge [sflag:s28], $0x4000  }
0x2a: {  	[sflag:s28] =	ssyncset.done $0x0  }
0x2b: {  	s15 =	rddreg [dreg:$0xf];
	[sflag:s28] =	ssyncadd.s32 $0xFFFFC000  }
0x2c: {  	[spmem:s15] =	stream.linear.scatter [tilespmem:s26], [sflag:$0x3], $0x4000, $0x38;
	[tilespmem:$0x1C400] =	vst v63  }
0x2d: {  	_ =	swait.ge [sflag:s28], $0x4000  }
0x2e: {  	[sflag:s28] =	ssyncset.done $0x0  }
0x2f: {  	s16 =	rddreg [dreg:$0x10];
	[sflag:s28] =	ssyncadd.s32 $0xFFFFC000  }
0x30: {  	[spmem:s16] =	stream.linear.scatter [tilespmem:s26], [sflag:$0x3], $0x4000, $0x38;
	[tilespmem:$0x1C400] =	vst v63  }
0x31: {  	_ =	swait.ge [sflag:s28], $0x4000  }
0x32: {  	[sflag:s28] =	ssyncset.done $0x0  }
0x33: {  	s17 =	rddreg [dreg:$0x11];
	[sflag:s28] =	ssyncadd.s32 $0xFFFFC000  }
0x34: {  	[spmem:s17] =	stream.linear.scatter [tilespmem:s26], [sflag:$0x3], $0x4000, $0x38;
	[tilespmem:$0x1C400] =	vst v63  }
0x35: {  	_ =	swait.ge [sflag:s28], $0x4000  }
0x36: {  	s20 =	sand.u32 $0x6, s5;
	[sflag:s28] =	ssyncset.done $0x0  }
0x37: {  	p0 =	sne.s32 s20, $0x0;
	[sflag:s28] =	ssyncadd.s32 $0xFFFFC000  }
0x38: {  	s7 =	sand.u32 @!p0 $0x1C00, s5;
	[bflag:$0x0] =	sbarrier.arrive $0xFFFF  }
0x39: {  	s7 =	sadd.s32 @!p0 s8, s7;
	s18 =	rddreg [dreg:$0x6]  }
0x3a: {  	[tilespmem:s26], [sflag:$0x1] =	stream.linear.gather [hbm4b:s18+s5], $0x4000, $0x38;
	[tilespmem:$0x1C400] =	vst v63  }
0x3b: {  	s9 =	simm.s32 @!p0 $0x0;
	s7 =	sshrl.u32 @!p0 s7, $0x3  }
0x3c: {  	[tilespmem:s29], [sflag:$0x2] =	stream.linear.gather [hbm4b:s19+s5], $0x4000, $0x38;
	[tilespmem:$0x1C400] =	vst v63  }
0x3d: {  	s10 =	simm.s32 @!p0 $0x14000;
	s11 =	simm.s32 @!p0 $0x3;
	s7 =	sadd.s32 @!p0 s1, s7  }
0x3e: {  	[tilespmem:s10], [sflag:$0x3] =	stream.linear.gather @!p0 [hbm4b:s7+s9], $0x400, $0x38;
	[tilespmem:$0x1C400] =	vst v63  }
0x3f: {  	_ =	swait.ge @!p0 [sflag:s11], $0x400  }
0x40: {  	[sflag:s11] =	ssyncset.done @!p0 $0x0  }
0x41: {  	[sflag:s11] =	ssyncadd.s32 @!p0 $0xFFFFFC00  }
0x42: {  	s12 =	simm.s32 $0x200;
	_ =	swait.ge [sflag:s30], $0x4000  }
0x43: {  	s13 =	simm.s32 $0x2;
	s2 =	sshll.u32 s20, $0x7;
	[sflag:s30] =	ssyncset.done $0x0  }
0x44: {  	s2 =	sor.u32 $0x14000, s2;
	s14 =	sand.u32 $0x6, s13;
	[sflag:s30] =	ssyncadd.s32 $0xFFFFC000  }
0x45: {  	[spmem:s4] =	stream.indirect.scatter.add.f32 [tilespmem:s26], [sflag:$0x3], $0x80, s2, s31, $0xb8;
	[tilespmem:$0x1C400] =	vst v63  }
0x46: {  	s13 =	sand.u32 $0xE00, s12;
	s12 =	sshll.u32 s14, $0x7;
	_ =	swait.ge [sflag:s28], $0x4000  }
0x47: {  	s10 =	simm.s32 $0x4;
	s9 =	sadd.s32 $0x1000, s19;
	[sflag:s28] =	ssyncset.done $0x0  }
0x48: {  	s7 =	sadd.s32 $0x1000, s25;
	s11 =	simm.s32 $0x100;
	[sflag:s28] =	ssyncadd.s32 $0xFFFFC000  }
0x49: {  	[tilespmem:s26], [sflag:$0x1] =	stream.linear.gather [hbm4b:s25+s5], $0x4000, $0x38;
	[tilespmem:$0x1C400] =	vst v63  }
0x4a: {  	p0 =	sne.s32 s14, $0x0;
	s2 =	simm.s32 $0x600;
	_ =	swait.ge [sflag:s0], $0x4000  }
.LBB2_2:
0x4b: {  	s14 =	sand.u32 @!p0 $0x1C00, s11;
	[sflag:s0] =	ssyncset.done $0x0;
	s15 =	smov.u32 s10  }
0x4c: {  	s10 =	sadd.s32 $0x2, s10;
	s16 =	smov.u32 s2;
	s17 =	smov.u32 s7  }
0x4d: {  	s13 =	sshrl.u32 s13, $0x2;
	s14 =	sadd.s32 @!p0 s8, s14;
	[sflag:s0] =	ssyncadd.s32 $0xFFFFC000  }
0x4e: {  	p1 =	sne.s32 s10, $0x26;
	s13 =	sor.u32 $0x14000, s13;
	s14 =	sshrl.u32 @!p0 s14, $0x3  }
0x4f: {  	[spmem:s4] =	stream.indirect.scatter.add.f32 [tilespmem:s29], [sflag:$0x3], $0x80, s13, s31, $0xb8;
	[tilespmem:$0x1C400] =	vst v63  }
0x50: {  	s13 =	sadd.s32 @!p0 s1, s14;
	_ =	swait.ge [sflag:s28], $0x4000  }
0x51: {  	[sflag:s28] =	ssyncset.done $0x0  }
0x52: {  	s18 =	simm.s32 @!p0 $0x14000;
	s14 =	simm.s32 @!p0 $0x0;
	[sflag:s28] =	ssyncadd.s32 $0xFFFFC000  }
0x53: {  	[tilespmem:s29], [sflag:$0x2] =	stream.linear.gather [hbm4b:s9+s5], $0x4000, $0x38;
	[tilespmem:$0x1C400] =	vst v63  }
0x54: {  	s20 =	simm.s32 @!p0 $0x3  }
0x55: {  	[tilespmem:s18], [sflag:$0x3] =	stream.linear.gather @!p0 [hbm4b:s13+s14], $0x400, $0x38;
	[tilespmem:$0x1C400] =	vst v63  }
0x56: {  	_ =	swait.ge @!p0 [sflag:s20], $0x400  }
0x57: {  	[sflag:s20] =	ssyncset.done @!p0 $0x0  }
0x58: {  	[sflag:s20] =	ssyncadd.s32 @!p0 $0xFFFFFC00  }
0x59: {  	s12 =	sor.u32 $0x14000, s12;
	_ =	swait.ge [sflag:s30], $0x4000  }
0x5a: {  	[sflag:s30] =	ssyncset.done $0x0  }
0x5b: {  	s2 =	sadd.s32 $0x400, s2;
	[sflag:s30] =	ssyncadd.s32 $0xFFFFC000  }
0x5c: {  	[spmem:s4] =	stream.indirect.scatter.add.f32 [tilespmem:s26], [sflag:$0x3], $0x80, s12, s31, $0xb8;
	[tilespmem:$0x1C400] =	vst v63  }
.Ltmp0:
0x5d: {  	s9 =	sadd.s32 $0x1000, s9;
	_ =	swait.ge [sflag:s28], $0x4000;
	(pc) =	sbr.rel @p1 .LBB2_2-.Ltmp0, $4  }
0x5e: {  	s7 =	sadd.s32 $0x1000, s7;
	s11 =	sadd.s32 $0x100, s11;
	[sflag:s28] =	ssyncset.done $0x0  }
0x5f: {  	s13 =	sand.u32 $0xE00, s16;
	s12 =	sand.u32 $0x6, s15;
	[sflag:s28] =	ssyncadd.s32 $0xFFFFC000  }
0x60: {  	[tilespmem:s26], [sflag:$0x1] =	stream.linear.gather [hbm4b:s17+s5], $0x4000, $0x38;
	[tilespmem:$0x1C400] =	vst v63  }
0x61: {  	p0 =	sne.s32 s12, $0x0;
	s12 =	sshll.u32 s12, $0x7;
	_ =	swait.ge [sflag:s0], $0x4000  }
0x62: {  	[sflag:s0] =	ssyncset.done $0x0;
	s10 =	sshrl.u32 s13, $0x2  }
0x63: {  	[sflag:s0] =	ssyncadd.s32 $0xFFFFC000;
	s10 =	sor.u32 $0x14000, s10  }
0x64: {  	[spmem:s4] =	stream.indirect.scatter.add.f32 [tilespmem:s29], [sflag:$0x3], $0x80, s10, s31, $0xb8;
	[tilespmem:$0x1C400] =	vst v63  }
0x65: {  	s10 =	sand.u32 @!p0 $0x1C00, s11;
	_ =	swait.ge [sflag:s28], $0x4000  }
0x66: {  	s10 =	sadd.s32 @!p0 s8, s10;
	[sflag:s28] =	ssyncset.done $0x0  }
0x67: {  	s10 =	sshrl.u32 @!p0 s10, $0x3;
	[sflag:s28] =	ssyncadd.s32 $0xFFFFC000  }
0x68: {  	[tilespmem:s29], [sflag:$0x2] =	stream.linear.gather [hbm4b:s9+s5], $0x4000, $0x38;
	[tilespmem:$0x1C400] =	vst v63  }
0x69: {  	s11 =	simm.s32 @!p0 $0x14000;
	s9 =	sadd.s32 @!p0 s1, s10;
	s10 =	simm.s32 @!p0 $0x0  }
0x6a: {  	[tilespmem:s11], [sflag:$0x3] =	stream.linear.gather @!p0 [hbm4b:s9+s10], $0x400, $0x38;
	[tilespmem:$0x1C400] =	vst v63  }
0x6b: {  	s9 =	simm.s32 @!p0 $0x3  }
0x6c: {  	_ =	swait.ge @!p0 [sflag:s9], $0x400  }
0x6d: {  	[sflag:s9] =	ssyncset.done @!p0 $0x0  }
0x6e: {  	[sflag:s9] =	ssyncadd.s32 @!p0 $0xFFFFFC00  }
0x6f: {  	_ =	swait.ge [sflag:s30], $0x4000  }
0x70: {  	[sflag:s30] =	ssyncset.done $0x0  }
0x71: {  	s10 =	sor.u32 $0x14000, s12;
	[sflag:s30] =	ssyncadd.s32 $0xFFFFC000  }
0x72: {  	[spmem:s4] =	stream.indirect.scatter.add.f32 [tilespmem:s26], [sflag:$0x3], $0x80, s10, s31, $0xb8;
	[tilespmem:$0x1C400] =	vst v63  }
0x73: {  	_ =	swait.ge [sflag:s28], $0x4000  }
0x74: {  	[sflag:s28] =	ssyncset.done $0x0  }
0x75: {  	[sflag:s28] =	ssyncadd.s32 $0xFFFFC000  }
0x76: {  	[tilespmem:s26], [sflag:$0x1] =	stream.linear.gather [hbm4b:s7+s5], $0x4000, $0x38;
	[tilespmem:$0x1C400] =	vst v63  }
0x77: {  	s2 =	sand.u32 $0xE00, s2;
	_ =	swait.ge [sflag:s0], $0x4000  }
0x78: {  	s2 =	sshrl.u32 s2, $0x2;
	[sflag:s0] =	ssyncset.done $0x0  }
0x79: {  	s2 =	sor.u32 $0x14000, s2;
	[sflag:s0] =	ssyncadd.s32 $0xFFFFC000  }
0x7a: {  	[spmem:s4] =	stream.indirect.scatter.add.f32 [tilespmem:s29], [sflag:$0x3], $0x80, s2, s31, $0xb8;
	[tilespmem:$0x1C400] =	vst v63  }
0x7b: {  	_ =	swait.ge [sflag:s28], $0x4000  }
0x7c: {  	[sflag:s28] =	ssyncset.done $0x0  }
0x7d: {  	s11 =	rddreg [dreg:$0x7];
	[sflag:s28] =	ssyncadd.s32 $0xFFFFC000  }
0x7e: {  	[tilespmem:s29], [sflag:$0x2] =	stream.linear.gather [hbm4b:s11+s5], $0x400, $0x38;
	[tilespmem:$0x1C400] =	vst v63  }
0x7f: {  	_ =	swait.ge [sflag:s30], $0x4000  }
0x80: {  	[sflag:s30] =	ssyncset.done $0x0  }
0x81: {  	s12 =	simm.s32 $0x14300;
	[sflag:s30] =	ssyncadd.s32 $0xFFFFC000  }
0x82: {  	[spmem:s4] =	stream.indirect.scatter.add.f32 [tilespmem:s26], [sflag:$0x3], $0x80, s12, s31, $0xb8;
	[tilespmem:$0x1C400] =	vst v63  }
0x83: {  	_ =	swait.ge [sflag:s28], $0x4000  }
0x84: {  	[sflag:s28] =	ssyncset.done $0x0  }
0x85: {  	[sflag:s28] =	ssyncadd.s32 $0xFFFFC000  }
0x86: {  	_ =	swait.ge [sflag:s0], $0x400  }
0x87: {  	[sflag:s0] =	ssyncset.done $0x0  }
0x88: {  	s13 =	simm.s32 $0x14380;
	[sflag:s0] =	ssyncadd.s32 $0xFFFFFC00  }
0x89: {  	[spmem:s4] =	stream.indirect.scatter.add.f32 [tilespmem:s29], [sflag:$0x3], $0x80, s13, s31, $0xb8;
	[tilespmem:$0x1C400] =	vst v63  }
0x8a: {  	_ =	swait.ge [sflag:s28], $0x4000  }
0x8b: {  	[sflag:s28] =	ssyncset.done $0x0  }
0x8c: {  	[sflag:s28] =	ssyncadd.s32 $0xFFFFC000  }
0x8d: {  	[bflag:$0x0] =	sbarrier.arrive $0xFFFF  }
0x8e: {  	[tilespmem:s26], [sflag:$0x3] =	stream.linear.gather [spmem:s6], $0x4000, $0x38;
	[tilespmem:$0x1C400] =	vst v63  }
0x8f: {  	_ =	swait.ge [sflag:s28], $0x4000  }
0x90: {  	[sflag:s28] =	ssyncset.done $0x0  }
0x91: {  	s14 =	rddreg [dreg:$0xa];
	[sflag:s28] =	ssyncadd.s32 $0xFFFFC000  }
0x92: {  	[hbm4b:s14+s5] =	stream.linear.scatter [tilespmem:s26], [sflag:$0x3], $0x4000, $0x38;
	[tilespmem:$0x1C400] =	vst v63  }
0x93: {  	_ =	swait.ge [sflag:s28], $0x4000  }
0x94: {  	[sflag:s28] =	ssyncset.done $0x0  }
0x95: {  	[sflag:s28] =	ssyncadd.s32 $0xFFFFC000  }
0x96: {  	[tilespmem:s26], [sflag:$0x3] =	stream.linear.gather [spmem:s21], $0x4000, $0x38;
	[tilespmem:$0x1C400] =	vst v63  }
0x97: {  	_ =	swait.ge [sflag:s28], $0x4000  }
0x98: {  	[sflag:s28] =	ssyncset.done $0x0  }
0x99: {  	s15 =	rddreg [dreg:$0xb];
	[sflag:s28] =	ssyncadd.s32 $0xFFFFC000  }
0x9a: {  	[hbm4b:s15+s5] =	stream.linear.scatter [tilespmem:s26], [sflag:$0x3], $0x4000, $0x38;
	[tilespmem:$0x1C400] =	vst v63  }
0x9b: {  	_ =	swait.ge [sflag:s28], $0x4000  }
0x9c: {  	[sflag:s28] =	ssyncset.done $0x0  }
0x9d: {  	[sflag:s28] =	ssyncadd.s32 $0xFFFFC000  }
0x9e: {  	[tilespmem:s26], [sflag:$0x3] =	stream.linear.gather [spmem:s22], $0x4000, $0x38;
	[tilespmem:$0x1C400] =	vst v63  }
0x9f: {  	_ =	swait.ge [sflag:s28], $0x4000  }
0xa0: {  	[sflag:s28] =	ssyncset.done $0x0  }
0xa1: {  	s16 =	rddreg [dreg:$0xc];
	[sflag:s28] =	ssyncadd.s32 $0xFFFFC000  }
0xa2: {  	[hbm4b:s16+s5] =	stream.linear.scatter [tilespmem:s26], [sflag:$0x3], $0x4000, $0x38;
	[tilespmem:$0x1C400] =	vst v63  }
0xa3: {  	_ =	swait.ge [sflag:s28], $0x4000  }
0xa4: {  	[sflag:s28] =	ssyncset.done $0x0  }
0xa5: {  	[sflag:s28] =	ssyncadd.s32 $0xFFFFC000  }
0xa6: {  	[tilespmem:s26], [sflag:$0x3] =	stream.linear.gather [spmem:s23], $0x4000, $0x38;
	[tilespmem:$0x1C400] =	vst v63  }
0xa7: {  	_ =	swait.ge [sflag:s28], $0x4000  }
0xa8: {  	[sflag:s28] =	ssyncset.done $0x0  }
0xa9: {  	s17 =	rddreg [dreg:$0xd];
	[sflag:s28] =	ssyncadd.s32 $0xFFFFC000  }
0xaa: {  	[hbm4b:s17+s5] =	stream.linear.scatter [tilespmem:s26], [sflag:$0x3], $0x4000, $0x38;
	[tilespmem:$0x1C400] =	vst v63  }
0xab: {  	_ =	swait.ge [sflag:s28], $0x4000  }
0xac: {  	[sflag:s28] =	ssyncset.done $0x0  }
0xad: {  	[sflag:s28] =	ssyncadd.s32 $0xFFFFC000  }
0xae: {  	[tilespmem:s26], [sflag:$0x3] =	stream.linear.gather [spmem:s24], $0x4000, $0x38;
	[tilespmem:$0x1C400] =	vst v63  }
0xaf: {  	_ =	swait.ge [sflag:s28], $0x4000  }
0xb0: {  	[sflag:s28] =	ssyncset.done $0x0  }
0xb1: {  	s18 =	rddreg [dreg:$0xe];
	[sflag:s28] =	ssyncadd.s32 $0xFFFFC000  }
0xb2: {  	[hbm4b:s18+s5] =	stream.linear.scatter [tilespmem:s26], [sflag:$0x3], $0x4000, $0x38;
	[tilespmem:$0x1C400] =	vst v63  }
0xb3: {  	_ =	swait.ge [sflag:s28], $0x4000  }
0xb4: {  	s3 =	sadd.s32 $0x1, s3;
	s20 =	rddreg [dreg:$0x8]  }
0xb5: {  	p0 =	sne.s32 s3, s20  }
.Ltmp1:
0xb6: {  	_ = 	snop;
	(pc) =	sbr.rel @p0 .LBB2_1-.Ltmp1, $3  }
0xb7: {  	_ =	sdelay $0x1  }
0xb8: {  	[sflag:s28] =	ssyncset.done $0x0  }
0xb9: {  	[sflag:s28] =	ssyncadd.s32 $0xFFFFC000  }
0xba: {  	_ =	sfence.sel $0x180000  }
0xbb: {  	[bflag:$0x0] =	sbarrier.arrive $0xFFFF  }
0xbc: {  	_ =	strace $0x90000050  }
0xbd: {  	s0 =	stileid.u32;
	[bflag:$0x2] =	sbarrier.arrive $0xFFFF  }
0xbe: {  	p0 =	sne.s32 s0, $0x0;
	s0 =	rddreg [dreg:$0x5]  }
0xbf: {  	s0 =	sadd.s32 @!p0 $0x100000, s0  }
0xc0: {  	[sflag:s0] =	ssyncadd.tile.s32 @!p0 $0x1;
	_ =	shalt  }
.Lfunc_end2:
_tile_overlayer_lowered:
.L_overlay_start_2:
0xc1: {  	(tag) =	ssettag $0x2  }
0xc2: {  	s0 =	rddreg [dreg:$0x0];
	s2 =	stileid.u32  }
0xc3: {  	s1 =	rddreg [dreg:$0x1];
	p0 =	sne.s32 s2, $0x0  }
0xc4: {  	s3 =	rddreg [dreg:$0x2];
	[bflag:$0x3] =	sbarrier.arrive $0xFFFF;
	s2 =	simm.s32 @!p0 $0x1C03  }
0xc5: {  	[timem:s3], [sflag:s2] =	dma.local @!p0 [hbm:s0], s1  }
0xc6: {  	s0 =	simm.s32 @!p0 $0x3  }
0xc7: {  	_ =	swait.ge @!p0 [sflag:s0], s1  }
0xc8: {  	s1 =	ssub.s32 @!p0 $0x0, s1;
	[sflag:s0] =	ssyncset.done @!p0 $0x0  }
0xc9: {  	[sflag:s0] =	ssyncadd.s32 @!p0 s1  }
0xca: {  	[bflag:$0x3] =	sbarrier.arrive $0xFFFF  }
0xcb: {  	_ =	shalt  }

</sc_bundles>
